<compile_context>
chip_gen: v7x
topology: tpu7x:2x2x1
jax: 0.10.2.dev20260603
libtpu: 0.0.44.dev20260713+nightly
codegen_flags: <defaults>
</compile_context>

<pallas_src>
import functools

import jax
import jax.numpy as jnp
from jax import lax
from jax.experimental import pallas as pl
from jax.experimental.pallas import tpu as pltpu
from jax.experimental.pallas import tpu_sc as plsc

D_MODEL = 2048
OFFSET = 2
B, S = 4, 2048

NUM_CORES = 2
NUM_SUBCORES = 16
NW = NUM_CORES * NUM_SUBCORES
S_PER_W = S // NW
CHUNK = 8
NSG = S_PER_W // CHUNK
NSTEP = NSG * B
NBUF = 5
LEAD = 3
NPOS = 2
LANES = 16
COLS = D_MODEL // LANES

_mesh = plsc.VectorSubcoreMesh(core_axis_name="c", subcore_axis_name="s")


@functools.partial(
    pl.kernel,
    out_type=jax.ShapeDtypeStruct((B * S, D_MODEL), jnp.float32),
    mesh=_mesh,
    scratch_types=[
        pltpu.VMEM((B * S_PER_W,), jnp.int32),
        pltpu.VMEM((S_PER_W,), jnp.int32),
        [pltpu.VMEM((CHUNK, D_MODEL), jnp.float32) for _ in range(NBUF)],
        [pltpu.VMEM((CHUNK, D_MODEL), jnp.float32) for _ in range(NPOS)],
        [pltpu.SemaphoreType.DMA for _ in range(NBUF)],
        [pltpu.SemaphoreType.DMA for _ in range(NBUF)],
        [pltpu.SemaphoreType.DMA for _ in range(NPOS)],
    ],
)
def _embed_sc(ids_hbm, tok_hbm, pos_hbm, out_hbm,
              idx_v, pidx_v, bufs, posbs, gsems, osems, psems):
    wid = lax.axis_index("s") * NUM_CORES + lax.axis_index("c")
    s0 = wid * S_PER_W

    icps = [
        pltpu.async_copy(
            ids_hbm.at[pl.ds(b * S + s0, S_PER_W)],
            idx_v.at[pl.ds(b * S_PER_W, S_PER_W)],
            osems[b],
        )
        for b in range(B)
    ]
    lane = lax.iota(jnp.int32, LANES)
    for g in range(S_PER_W // LANES):
        pidx_v[pl.ds(g * LANES, LANES)] = lane + (s0 + OFFSET + g * LANES)
    for cp in icps:
        cp.wait()

    def gather(t, nb):
        sg, b = divmod(t, B)
        idx = idx_v.at[pl.ds(b * S_PER_W + sg * CHUNK, CHUNK)]
        return pltpu.async_copy(tok_hbm.at[idx], bufs[nb], gsems[nb])

    def gather_pos(sg):
        idx = pidx_v.at[pl.ds(sg * CHUNK, CHUNK)]
        return pltpu.async_copy(pos_hbm.at[idx], posbs[sg % NPOS], psems[sg % NPOS])

    def add_pos(nb, sg):
        buf = bufs[nb]
        posb = posbs[sg % NPOS]

        @plsc.parallel_loop(0, CHUNK * COLS, unroll=8)
        def _(i):
            r = lax.shift_right_logical(i, 7)
            cs = pl.ds((i & (COLS - 1)) * LANES, LANES)
            plsc.addupdate(buf.at[r, cs], posb[r, cs])

    pcp = [gather_pos(sg) for sg in range(NPOS)]
    gcp = [None] * NBUF
    for u in range(LEAD + 1):
        gcp[u] = gather(u, u)
    ocp = [None] * NBUF
    for t in range(NSTEP):
        sg, b = divmod(t, B)
        nb = t % NBUF
        gcp[nb].wait()
        if b == 0:
            pcp[sg % NPOS].wait()
        add_pos(nb, sg)
        out_row = b * S + s0 + sg * CHUNK
        ocp[nb] = pltpu.async_copy(bufs[nb], out_hbm.at[pl.ds(out_row, CHUNK)], osems[nb])
        if b == B - 1 and sg + NPOS < NSG:
            pcp[sg % NPOS] = gather_pos(sg + NPOS)
        u = t + LEAD + 1
        if u < NSTEP:
            ub = u % NBUF
            if ocp[ub] is not None:
                ocp[ub].wait()
            gcp[ub] = gather(u, ub)
    for cp in ocp:
        if cp is not None:
            cp.wait()


def kernel(input_ids, embed_tokens, embed_positions):
    ids = input_ids.reshape(-1).astype(jnp.int32)
    out = _embed_sc(ids, embed_tokens, embed_positions)
    return out.reshape(B, S, D_MODEL)

# --- scband reference (transcript-rebuilt; emitter-appended) ---
"""Pipeline reference for scband-gptembeddings-10342281248949 (READ-ONLY COPY).

The authoritative reference and input builder live on the scoring server;
editing this copy changes nothing except your own understanding.
"""

import jax, jax.numpy as jnp
import numpy as np

VOCAB = 50272
D_MODEL = 2048
MAX_POS = 2048
OFFSET = 2
B, S = 4, 2048


def setup_inputs(seed: int = 0) -> dict:
    key = jax.random.key(seed)
    k1, k2, k3 = jax.random.split(key, 3)
    input_ids = jax.random.randint(k1, (B, S), 0, VOCAB, dtype=jnp.int64)
    embed_tokens = jax.random.normal(k2, (VOCAB, D_MODEL), dtype=jnp.float32) * 0.02
    embed_positions = jax.random.normal(k3, (MAX_POS + OFFSET, D_MODEL), dtype=jnp.float32) * 0.02
    return {"input_ids": input_ids, "embed_tokens": embed_tokens, "embed_positions": embed_positions}


def reference(input_ids, embed_tokens, embed_positions):
    # input_ids.view(-1, input_shape[-1])
    ids = input_ids.reshape(-1, input_ids.shape[-1])
    # token embedding gather
    inputs_embeds = jnp.take(embed_tokens, ids, axis=0)
    # attention_mask = ones(bool), past_length = 0
    attention_mask = jnp.ones(inputs_embeds.shape[:2], dtype=jnp.int32)
    # OPTLearnedPositionalEmbedding: positions = cumsum(mask)*mask - 1, then + offset
    positions = jnp.cumsum(attention_mask, axis=1) * attention_mask - 1
    positions = positions + OFFSET
    position_embeds = jnp.take(embed_positions, positions, axis=0)
    # word_embed_proj_dim == hidden_size -> project_in is None
    hidden_states = inputs_embeds + position_embeds
    return hidden_states

if __name__ == "__main__":
    import jax
    _d = setup_inputs()
    print(jax.jit(kernel)(*tuple(_d.values())))

</pallas_src>

<mosaic_0001>
#map = affine_map<(d0, d1) -> (0)>
#map1 = affine_map<(d0, d1) -> (0, 0)>
module attributes {stable_mosaic.version = 14 : i64} {
  func.func @_embed_sc(%arg0: i32, %arg1: i32, %arg2: memref<8192xi32, #tpu.memory_space<hbm>>, %arg3: memref<50272x2048xf32, #tpu.memory_space<hbm>>, %arg4: memref<2050x2048xf32, #tpu.memory_space<hbm>>, %arg5: memref<8192x2048xf32, #tpu.memory_space<hbm>>, %arg6: memref<256xi32, #tpu.memory_space<vmem>>, %arg7: memref<64xi32, #tpu.memory_space<vmem>>, %arg8: memref<8x2048xf32, #tpu.memory_space<vmem>>, %arg9: memref<8x2048xf32, #tpu.memory_space<vmem>>, %arg10: memref<8x2048xf32, #tpu.memory_space<vmem>>, %arg11: memref<8x2048xf32, #tpu.memory_space<vmem>>, %arg12: memref<8x2048xf32, #tpu.memory_space<vmem>>, %arg13: memref<8x2048xf32, #tpu.memory_space<vmem>>, %arg14: memref<8x2048xf32, #tpu.memory_space<vmem>>, %arg15: memref<!tpu.dma_semaphore, #tpu.memory_space<semaphore_mem>>, %arg16: memref<!tpu.dma_semaphore, #tpu.memory_space<semaphore_mem>>, %arg17: memref<!tpu.dma_semaphore, #tpu.memory_space<semaphore_mem>>, %arg18: memref<!tpu.dma_semaphore, #tpu.memory_space<semaphore_mem>>, %arg19: memref<!tpu.dma_semaphore, #tpu.memory_space<semaphore_mem>>, %arg20: memref<!tpu.dma_semaphore, #tpu.memory_space<semaphore_mem>>, %arg21: memref<!tpu.dma_semaphore, #tpu.memory_space<semaphore_mem>>, %arg22: memref<!tpu.dma_semaphore, #tpu.memory_space<semaphore_mem>>, %arg23: memref<!tpu.dma_semaphore, #tpu.memory_space<semaphore_mem>>, %arg24: memref<!tpu.dma_semaphore, #tpu.memory_space<semaphore_mem>>, %arg25: memref<!tpu.dma_semaphore, #tpu.memory_space<semaphore_mem>>, %arg26: memref<!tpu.dma_semaphore, #tpu.memory_space<semaphore_mem>>) attributes {dimension_semantics = [#tpu.dimension_semantics<core_parallel>, #tpu.dimension_semantics<subcore_parallel>], iteration_bounds = array<i64: 2, 16>, scalar_prefetch = 0 : i64, scratch_operands = 21 : i64, tpu.core_type = #tpu.core_type<sc_vector_subcore>, window_params = [{transform_indices = #map}, {transform_indices = #map1}, {transform_indices = #map1}, {transform_indices = #map1}]} {
    %mul3A = arith.constant 2 : i32
    %mul3A_0 = arith.muli %arg1, %mul3A : i32
    %add3A = arith.addi %mul3A_0, %arg0 : i32
    %mul3A_1 = arith.constant 64 : i32
    %mul3A_2 = arith.muli %add3A, %mul3A_1 : i32
    %add3A_3 = arith.constant 0 : i32
    %add3A_4 = arith.addi %add3A_3, %mul3A_2 : i32
    %dma_start3A = arith.constant 0 : i32
    %dma_start3A_5 = tpu.memref_slice %arg6[%dma_start3A] : memref<256xi32, #tpu.memory_space<vmem>> -> memref<64xi32, #tpu.memory_space<vmem>>
    %dma_start3A_6 = tpu.memref_slice %arg2[%add3A_4] : memref<8192xi32, #tpu.memory_space<hbm>> -> memref<64xi32, #tpu.memory_space<hbm>>
    %dma_start3A_7 = arith.constant 0 : i32
    %dma_start3A_8 = tpu.memref_slice %arg6[%dma_start3A_7] : memref<256xi32, #tpu.memory_space<vmem>> -> memref<64xi32, #tpu.memory_space<vmem>>
    %dma_start3A_9 = tpu.memref_slice %arg2[%add3A_4] : memref<8192xi32, #tpu.memory_space<hbm>> -> memref<64xi32, #tpu.memory_space<hbm>>
    tpu.enqueue_dma source(%dma_start3A_9 : memref<64xi32, #tpu.memory_space<hbm>>) target(%dma_start3A_8 : memref<64xi32, #tpu.memory_space<vmem>>) target_semaphore(%arg20 : memref<!tpu.dma_semaphore, #tpu.memory_space<semaphore_mem>>)
    %add3A_10 = arith.constant 2048 : i32
    %add3A_11 = arith.addi %add3A_10, %mul3A_2 : i32
    %dma_start3A_12 = arith.constant 64 : i32
    %dma_start3A_13 = tpu.memref_slice %arg6[%dma_start3A_12] : memref<256xi32, #tpu.memory_space<vmem>> -> memref<64xi32, #tpu.memory_space<vmem>>
    %dma_start3A_14 = tpu.memref_slice %arg2[%add3A_11] : memref<8192xi32, #tpu.memory_space<hbm>> -> memref<64xi32, #tpu.memory_space<hbm>>
    %dma_start3A_15 = arith.constant 64 : i32
    %dma_start3A_16 = tpu.memref_slice %arg6[%dma_start3A_15] : memref<256xi32, #tpu.memory_space<vmem>> -> memref<64xi32, #tpu.memory_space<vmem>>
    %dma_start3A_17 = tpu.memref_slice %arg2[%add3A_11] : memref<8192xi32, #tpu.memory_space<hbm>> -> memref<64xi32, #tpu.memory_space<hbm>>
    tpu.enqueue_dma source(%dma_start3A_17 : memref<64xi32, #tpu.memory_space<hbm>>) target(%dma_start3A_16 : memref<64xi32, #tpu.memory_space<vmem>>) target_semaphore(%arg21 : memref<!tpu.dma_semaphore, #tpu.memory_space<semaphore_mem>>)
    %add3A_18 = arith.constant 4096 : i32
    %add3A_19 = arith.addi %add3A_18, %mul3A_2 : i32
    %dma_start3A_20 = arith.constant 128 : i32
    %dma_start3A_21 = tpu.memref_slice %arg6[%dma_start3A_20] : memref<256xi32, #tpu.memory_space<vmem>> -> memref<64xi32, #tpu.memory_space<vmem>>
    %dma_start3A_22 = tpu.memref_slice %arg2[%add3A_19] : memref<8192xi32, #tpu.memory_space<hbm>> -> memref<64xi32, #tpu.memory_space<hbm>>
    %dma_start3A_23 = arith.constant 128 : i32
    %dma_start3A_24 = tpu.memref_slice %arg6[%dma_start3A_23] : memref<256xi32, #tpu.memory_space<vmem>> -> memref<64xi32, #tpu.memory_space<vmem>>
    %dma_start3A_25 = tpu.memref_slice %arg2[%add3A_19] : memref<8192xi32, #tpu.memory_space<hbm>> -> memref<64xi32, #tpu.memory_space<hbm>>
    tpu.enqueue_dma source(%dma_start3A_25 : memref<64xi32, #tpu.memory_space<hbm>>) target(%dma_start3A_24 : memref<64xi32, #tpu.memory_space<vmem>>) target_semaphore(%arg22 : memref<!tpu.dma_semaphore, #tpu.memory_space<semaphore_mem>>)
    %add3A_26 = arith.constant 6144 : i32
    %add3A_27 = arith.addi %add3A_26, %mul3A_2 : i32
    %dma_start3A_28 = arith.constant 192 : i32
    %dma_start3A_29 = tpu.memref_slice %arg6[%dma_start3A_28] : memref<256xi32, #tpu.memory_space<vmem>> -> memref<64xi32, #tpu.memory_space<vmem>>
    %dma_start3A_30 = tpu.memref_slice %arg2[%add3A_27] : memref<8192xi32, #tpu.memory_space<hbm>> -> memref<64xi32, #tpu.memory_space<hbm>>
    %dma_start3A_31 = arith.constant 192 : i32
    %dma_start3A_32 = tpu.memref_slice %arg6[%dma_start3A_31] : memref<256xi32, #tpu.memory_space<vmem>> -> memref<64xi32, #tpu.memory_space<vmem>>
    %dma_start3A_33 = tpu.memref_slice %arg2[%add3A_27] : memref<8192xi32, #tpu.memory_space<hbm>> -> memref<64xi32, #tpu.memory_space<hbm>>
    tpu.enqueue_dma source(%dma_start3A_33 : memref<64xi32, #tpu.memory_space<hbm>>) target(%dma_start3A_32 : memref<64xi32, #tpu.memory_space<vmem>>) target_semaphore(%arg23 : memref<!tpu.dma_semaphore, #tpu.memory_space<semaphore_mem>>)
    %iota3A = tpu.iota {dimensions = array<i32: 0>} : vector<16xi32>
    %add3A_34 = arith.constant 2 : i32
    %add3A_35 = arith.addi %mul3A_2, %add3A_34 : i32
    %add3A_36 = arith.constant 0 : i32
    %add3A_37 = arith.addi %add3A_35, %add3A_36 : i32
    %add3A_38 = vector.broadcast %add3A_37 : i32 to vector<16xi32>
    %add3A_39 = arith.addi %iota3A, %add3A_38 : vector<16xi32>
    %swap3A = arith.constant 0 : index
    %swap3A_40 = tpu.vector_load %arg7[%swap3A] {strides = array<i32>} : memref<64xi32, #tpu.memory_space<vmem>>, vector<16xi32>,
    %swap3A_41 = vector.shape_cast %swap3A_40 : vector<16xi32> to vector<16xi32>
    %swap3A_42 = vector.shape_cast %add3A_39 : vector<16xi32> to vector<16xi32>
    tpu.vector_store %arg7[%swap3A], %swap3A_42 {strides = array<i32>} : memref<64xi32, #tpu.memory_space<vmem>>, vector<16xi32>,
    %add3A_43 = arith.constant 2 : i32
    %add3A_44 = arith.addi %mul3A_2, %add3A_43 : i32
    %add3A_45 = arith.constant 16 : i32
    %add3A_46 = arith.addi %add3A_44, %add3A_45 : i32
    %add3A_47 = vector.broadcast %add3A_46 : i32 to vector<16xi32>
    %add3A_48 = arith.addi %iota3A, %add3A_47 : vector<16xi32>
    %swap3A_49 = arith.constant 16 : index
    %swap3A_50 = tpu.vector_load %arg7[%swap3A_49] {strides = array<i32>} : memref<64xi32, #tpu.memory_space<vmem>>, vector<16xi32>,
    %swap3A_51 = vector.shape_cast %swap3A_50 : vector<16xi32> to vector<16xi32>
    %swap3A_52 = vector.shape_cast %add3A_48 : vector<16xi32> to vector<16xi32>
    tpu.vector_store %arg7[%swap3A_49], %swap3A_52 {strides = array<i32>} : memref<64xi32, #tpu.memory_space<vmem>>, vector<16xi32>,
    %add3A_53 = arith.constant 2 : i32
    %add3A_54 = arith.addi %mul3A_2, %add3A_53 : i32
    %add3A_55 = arith.constant 32 : i32
    %add3A_56 = arith.addi %add3A_54, %add3A_55 : i32
    %add3A_57 = vector.broadcast %add3A_56 : i32 to vector<16xi32>
    %add3A_58 = arith.addi %iota3A, %add3A_57 : vector<16xi32>
    %swap3A_59 = arith.constant 32 : index
    %swap3A_60 = tpu.vector_load %arg7[%swap3A_59] {strides = array<i32>} : memref<64xi32, #tpu.memory_space<vmem>>, vector<16xi32>,
    %swap3A_61 = vector.shape_cast %swap3A_60 : vector<16xi32> to vector<16xi32>
    %swap3A_62 = vector.shape_cast %add3A_58 : vector<16xi32> to vector<16xi32>
    tpu.vector_store %arg7[%swap3A_59], %swap3A_62 {strides = array<i32>} : memref<64xi32, #tpu.memory_space<vmem>>, vector<16xi32>,
    %add3A_63 = arith.constant 2 : i32
    %add3A_64 = arith.addi %mul3A_2, %add3A_63 : i32
    %add3A_65 = arith.constant 48 : i32
    %add3A_66 = arith.addi %add3A_64, %add3A_65 : i32
    %add3A_67 = vector.broadcast %add3A_66 : i32 to vector<16xi32>
    %add3A_68 = arith.addi %iota3A, %add3A_67 : vector<16xi32>
    %swap3A_69 = arith.constant 48 : index
    %swap3A_70 = tpu.vector_load %arg7[%swap3A_69] {strides = array<i32>} : memref<64xi32, #tpu.memory_space<vmem>>, vector<16xi32>,
    %swap3A_71 = vector.shape_cast %swap3A_70 : vector<16xi32> to vector<16xi32>
    %swap3A_72 = vector.shape_cast %add3A_68 : vector<16xi32> to vector<16xi32>
    tpu.vector_store %arg7[%swap3A_69], %swap3A_72 {strides = array<i32>} : memref<64xi32, #tpu.memory_space<vmem>>, vector<16xi32>,
    %dma_wait3A = arith.constant 0 : i32
    %dma_wait3A_73 = tpu.memref_slice %arg6[%dma_wait3A] : memref<256xi32, #tpu.memory_space<vmem>> -> memref<64xi32, #tpu.memory_space<vmem>>
    %dma_wait3A_74 = tpu.memref_slice %arg2[%add3A_4] : memref<8192xi32, #tpu.memory_space<hbm>> -> memref<64xi32, #tpu.memory_space<hbm>>
    %dma_wait3A_75 = arith.constant 0 : i32
    %dma_wait3A_76 = tpu.memref_slice %arg6[%dma_wait3A_75] : memref<256xi32, #tpu.memory_space<vmem>> -> memref<64xi32, #tpu.memory_space<vmem>>
    %dma_wait3A_77 = tpu.memref_slice %arg2[%add3A_4] : memref<8192xi32, #tpu.memory_space<hbm>> -> memref<64xi32, #tpu.memory_space<hbm>>
    tpu.wait_dma2 semaphore(%arg20 : memref<!tpu.dma_semaphore, #tpu.memory_space<semaphore_mem>>) src(%dma_wait3A_77 : memref<64xi32, #tpu.memory_space<hbm>>) dst(%dma_wait3A_76 : memref<64xi32, #tpu.memory_space<vmem>>)
    %dma_wait3A_78 = arith.constant 64 : i32
    %dma_wait3A_79 = tpu.memref_slice %arg6[%dma_wait3A_78] : memref<256xi32, #tpu.memory_space<vmem>> -> memref<64xi32, #tpu.memory_space<vmem>>
    %dma_wait3A_80 = tpu.memref_slice %arg2[%add3A_11] : memref<8192xi32, #tpu.memory_space<hbm>> -> memref<64xi32, #tpu.memory_space<hbm>>
    %dma_wait3A_81 = arith.constant 64 : i32
    %dma_wait3A_82 = tpu.memref_slice %arg6[%dma_wait3A_81] : memref<256xi32, #tpu.memory_space<vmem>> -> memref<64xi32, #tpu.memory_space<vmem>>
    %dma_wait3A_83 = tpu.memref_slice %arg2[%add3A_11] : memref<8192xi32, #tpu.memory_space<hbm>> -> memref<64xi32, #tpu.memory_space<hbm>>
    tpu.wait_dma2 semaphore(%arg21 : memref<!tpu.dma_semaphore, #tpu.memory_space<semaphore_mem>>) src(%dma_wait3A_83 : memref<64xi32, #tpu.memory_space<hbm>>) dst(%dma_wait3A_82 : memref<64xi32, #tpu.memory_space<vmem>>)
    %dma_wait3A_84 = arith.constant 128 : i32
    %dma_wait3A_85 = tpu.memref_slice %arg6[%dma_wait3A_84] : memref<256xi32, #tpu.memory_space<vmem>> -> memref<64xi32, #tpu.memory_space<vmem>>
    %dma_wait3A_86 = tpu.memref_slice %arg2[%add3A_19] : memref<8192xi32, #tpu.memory_space<hbm>> -> memref<64xi32, #tpu.memory_space<hbm>>
    %dma_wait3A_87 = arith.constant 128 : i32
    %dma_wait3A_88 = tpu.memref_slice %arg6[%dma_wait3A_87] : memref<256xi32, #tpu.memory_space<vmem>> -> memref<64xi32, #tpu.memory_space<vmem>>
    %dma_wait3A_89 = tpu.memref_slice %arg2[%add3A_19] : memref<8192xi32, #tpu.memory_space<hbm>> -> memref<64xi32, #tpu.memory_space<hbm>>
    tpu.wait_dma2 semaphore(%arg22 : memref<!tpu.dma_semaphore, #tpu.memory_space<semaphore_mem>>) src(%dma_wait3A_89 : memref<64xi32, #tpu.memory_space<hbm>>) dst(%dma_wait3A_88 : memref<64xi32, #tpu.memory_space<vmem>>)
    %dma_wait3A_90 = arith.constant 192 : i32
    %dma_wait3A_91 = tpu.memref_slice %arg6[%dma_wait3A_90] : memref<256xi32, #tpu.memory_space<vmem>> -> memref<64xi32, #tpu.memory_space<vmem>>
    %dma_wait3A_92 = tpu.memref_slice %arg2[%add3A_27] : memref<8192xi32, #tpu.memory_space<hbm>> -> memref<64xi32, #tpu.memory_space<hbm>>
    %dma_wait3A_93 = arith.constant 192 : i32
    %dma_wait3A_94 = tpu.memref_slice %arg6[%dma_wait3A_93] : memref<256xi32, #tpu.memory_space<vmem>> -> memref<64xi32, #tpu.memory_space<vmem>>
    %dma_wait3A_95 = tpu.memref_slice %arg2[%add3A_27] : memref<8192xi32, #tpu.memory_space<hbm>> -> memref<64xi32, #tpu.memory_space<hbm>>
    tpu.wait_dma2 semaphore(%arg23 : memref<!tpu.dma_semaphore, #tpu.memory_space<semaphore_mem>>) src(%dma_wait3A_95 : memref<64xi32, #tpu.memory_space<hbm>>) dst(%dma_wait3A_94 : memref<64xi32, #tpu.memory_space<vmem>>)
    %dma_start3A_96 = arith.constant 0 : i32
    %dma_start3A_97 = tpu.memref_slice %arg7[%dma_start3A_96] : memref<64xi32, #tpu.memory_space<vmem>> -> memref<8xi32, #tpu.memory_space<vmem>>
    %dma_start3A_98 = arith.constant 0 : i32
    %dma_start3A_99 = arith.constant 0 : i32
    %dma_start3A_100 = tpu.memref_slice %arg4[%dma_start3A_98, %dma_start3A_99] : memref<2050x2048xf32, #tpu.memory_space<hbm>> -> memref<2050x2048xf32, #tpu.memory_space<hbm>>
    tpu.enqueue_indirect_dma source(%dma_start3A_100 : memref<2050x2048xf32, #tpu.memory_space<hbm>>) target(%arg13 : memref<8x2048xf32, #tpu.memory_space<vmem>>) offsets(%dma_start3A_97 : memref<8xi32, #tpu.memory_space<vmem>>) semaphore(%arg25 : memref<!tpu.dma_semaphore, #tpu.memory_space<semaphore_mem>>)
    %dma_start3A_101 = arith.constant 8 : i32
    %dma_start3A_102 = tpu.memref_slice %arg7[%dma_start3A_101] : memref<64xi32, #tpu.memory_space<vmem>> -> memref<8xi32, #tpu.memory_space<vmem>>
    %dma_start3A_103 = arith.constant 0 : i32
    %dma_start3A_104 = arith.constant 0 : i32
    %dma_start3A_105 = tpu.memref_slice %arg4[%dma_start3A_103, %dma_start3A_104] : memref<2050x2048xf32, #tpu.memory_space<hbm>> -> memref<2050x2048xf32, #tpu.memory_space<hbm>>
    tpu.enqueue_indirect_dma source(%dma_start3A_105 : memref<2050x2048xf32, #tpu.memory_space<hbm>>) target(%arg14 : memref<8x2048xf32, #tpu.memory_space<vmem>>) offsets(%dma_start3A_102 : memref<8xi32, #tpu.memory_space<vmem>>) semaphore(%arg26 : memref<!tpu.dma_semaphore, #tpu.memory_space<semaphore_mem>>)
    %dma_start3A_106 = arith.constant 0 : i32
    %dma_start3A_107 = tpu.memref_slice %arg6[%dma_start3A_106] : memref<256xi32, #tpu.memory_space<vmem>> -> memref<8xi32, #tpu.memory_space<vmem>>
    %dma_start3A_108 = arith.constant 0 : i32
    %dma_start3A_109 = arith.constant 0 : i32
    %dma_start3A_110 = tpu.memref_slice %arg3[%dma_start3A_108, %dma_start3A_109] : memref<50272x2048xf32, #tpu.memory_space<hbm>> -> memref<50272x2048xf32, #tpu.memory_space<hbm>>
    tpu.enqueue_indirect_dma source(%dma_start3A_110 : memref<50272x2048xf32, #tpu.memory_space<hbm>>) target(%arg8 : memref<8x2048xf32, #tpu.memory_space<vmem>>) offsets(%dma_start3A_107 : memref<8xi32, #tpu.memory_space<vmem>>) semaphore(%arg15 : memref<!tpu.dma_semaphore, #tpu.memory_space<semaphore_mem>>)
    %dma_start3A_111 = arith.constant 64 : i32
    %dma_start3A_112 = tpu.memref_slice %arg6[%dma_start3A_111] : memref<256xi32, #tpu.memory_space<vmem>> -> memref<8xi32, #tpu.memory_space<vmem>>
    %dma_start3A_113 = arith.constant 0 : i32
    %dma_start3A_114 = arith.constant 0 : i32
    %dma_start3A_115 = tpu.memref_slice %arg3[%dma_start3A_113, %dma_start3A_114] : memref<50272x2048xf32, #tpu.memory_space<hbm>> -> memref<50272x2048xf32, #tpu.memory_space<hbm>>
    tpu.enqueue_indirect_dma source(%dma_start3A_115 : memref<50272x2048xf32, #tpu.memory_space<hbm>>) target(%arg9 : memref<8x2048xf32, #tpu.memory_space<vmem>>) offsets(%dma_start3A_112 : memref<8xi32, #tpu.memory_space<vmem>>) semaphore(%arg16 : memref<!tpu.dma_semaphore, #tpu.memory_space<semaphore_mem>>)
    %dma_start3A_116 = arith.constant 128 : i32
    %dma_start3A_117 = tpu.memref_slice %arg6[%dma_start3A_116] : memref<256xi32, #tpu.memory_space<vmem>> -> memref<8xi32, #tpu.memory_space<vmem>>
    %dma_start3A_118 = arith.constant 0 : i32
    %dma_start3A_119 = arith.constant 0 : i32
    %dma_start3A_120 = tpu.memref_slice %arg3[%dma_start3A_118, %dma_start3A_119] : memref<50272x2048xf32, #tpu.memory_space<hbm>> -> memref<50272x2048xf32, #tpu.memory_space<hbm>>
    tpu.enqueue_indirect_dma source(%dma_start3A_120 : memref<50272x2048xf32, #tpu.memory_space<hbm>>) target(%arg10 : memref<8x2048xf32, #tpu.memory_space<vmem>>) offsets(%dma_start3A_117 : memref<8xi32, #tpu.memory_space<vmem>>) semaphore(%arg17 : memref<!tpu.dma_semaphore, #tpu.memory_space<semaphore_mem>>)
    %dma_start3A_121 = arith.constant 192 : i32
    %dma_start3A_122 = tpu.memref_slice %arg6[%dma_start3A_121] : memref<256xi32, #tpu.memory_space<vmem>> -> memref<8xi32, #tpu.memory_space<vmem>>
    %dma_start3A_123 = arith.constant 0 : i32
    %dma_start3A_124 = arith.constant 0 : i32
    %dma_start3A_125 = tpu.memref_slice %arg3[%dma_start3A_123, %dma_start3A_124] : memref<50272x2048xf32, #tpu.memory_space<hbm>> -> memref<50272x2048xf32, #tpu.memory_space<hbm>>
    tpu.enqueue_indirect_dma source(%dma_start3A_125 : memref<50272x2048xf32, #tpu.memory_space<hbm>>) target(%arg11 : memref<8x2048xf32, #tpu.memory_space<vmem>>) offsets(%dma_start3A_122 : memref<8xi32, #tpu.memory_space<vmem>>) semaphore(%arg18 : memref<!tpu.dma_semaphore, #tpu.memory_space<semaphore_mem>>)
    %dma_wait3A_126 = arith.constant 0 : i32
    %dma_wait3A_127 = tpu.memref_slice %arg6[%dma_wait3A_126] : memref<256xi32, #tpu.memory_space<vmem>> -> memref<8xi32, #tpu.memory_space<vmem>>
    %dma_wait3A_128 = arith.constant 0 : i32
    %dma_wait3A_129 = arith.constant 0 : i32
    %dma_wait3A_130 = tpu.memref_slice %arg3[%dma_wait3A_128, %dma_wait3A_129] : memref<50272x2048xf32, #tpu.memory_space<hbm>> -> memref<50272x2048xf32, #tpu.memory_space<hbm>>
    tpu.wait_indirect_dma semaphore(%arg15 : memref<!tpu.dma_semaphore, #tpu.memory_space<semaphore_mem>>) src(%dma_wait3A_130 : memref<50272x2048xf32, #tpu.memory_space<hbm>>) dst(%arg8 : memref<8x2048xf32, #tpu.memory_space<vmem>>)
    %dma_wait3A_131 = arith.constant 0 : i32
    %dma_wait3A_132 = tpu.memref_slice %arg7[%dma_wait3A_131] : memref<64xi32, #tpu.memory_space<vmem>> -> memref<8xi32, #tpu.memory_space<vmem>>
    %dma_wait3A_133 = arith.constant 0 : i32
    %dma_wait3A_134 = arith.constant 0 : i32
    %dma_wait3A_135 = tpu.memref_slice %arg4[%dma_wait3A_133, %dma_wait3A_134] : memref<2050x2048xf32, #tpu.memory_space<hbm>> -> memref<2050x2048xf32, #tpu.memory_space<hbm>>
    tpu.wait_indirect_dma semaphore(%arg25 : memref<!tpu.dma_semaphore, #tpu.memory_space<semaphore_mem>>) src(%dma_wait3A_135 : memref<2050x2048xf32, #tpu.memory_space<hbm>>) dst(%arg13 : memref<8x2048xf32, #tpu.memory_space<vmem>>)
    %parallel_loop3A = arith.constant 0 : i32
    %parallel_loop3A_136 = arith.constant 1024 : i32
    %parallel_loop3A_137 = arith.constant 1 : i32
    scf.for %parallel_loop3A_975 = %parallel_loop3A to %parallel_loop3A_136 step %parallel_loop3A_137  : i32 {
      %parallel_loop3A_976 = arith.constant 7 : i32
      %parallel_loop3A_977 = arith.shrui %parallel_loop3A_975, %parallel_loop3A_976 : i32
      %parallel_loop3A_978 = arith.constant 127 : i32
      %parallel_loop3A_979 = arith.andi %parallel_loop3A_975, %parallel_loop3A_978 : i32
      %parallel_loop3A_980 = arith.constant 16 : i32
      %parallel_loop3A_981 = arith.muli %parallel_loop3A_979, %parallel_loop3A_980 : i32
      %parallel_loop3A_982 = arith.index_cast %parallel_loop3A_977 : i32 to index
      %parallel_loop3A_983 = arith.index_cast %parallel_loop3A_981 : i32 to index
      %parallel_loop3A_984 = tpu.vector_load %arg13[%parallel_loop3A_982, %parallel_loop3A_983] {strides = array<i32>} : memref<8x2048xf32, #tpu.memory_space<vmem>>, vector<1x16xf32>,
      %parallel_loop3A_985 = vector.shape_cast %parallel_loop3A_984 : vector<1x16xf32> to vector<16xf32>
      %parallel_loop3A_986 = arith.index_cast %parallel_loop3A_977 : i32 to index
      %parallel_loop3A_987 = arith.index_cast %parallel_loop3A_981 : i32 to index
      %parallel_loop3A_988 = tpu.vector_load %arg8[%parallel_loop3A_986, %parallel_loop3A_987] {strides = array<i32>} : memref<8x2048xf32, #tpu.memory_space<vmem>>, vector<1x16xf32>,
      %parallel_loop3A_989 = vector.shape_cast %parallel_loop3A_988 : vector<1x16xf32> to vector<16xf32>
      %parallel_loop3A_990 = vector.shape_cast %parallel_loop3A_985 : vector<16xf32> to vector<1x16xf32>
      tpu.vector_store %arg8[%parallel_loop3A_986, %parallel_loop3A_987], %parallel_loop3A_990 {add = true, strides = array<i32>} : memref<8x2048xf32, #tpu.memory_space<vmem>>, vector<1x16xf32>,
    } {sc.loop_unroll_factor = 8 : i64, sc.parallel_access}
    %add3A_138 = arith.constant 0 : i32
    %add3A_139 = arith.addi %add3A_138, %mul3A_2 : i32
    %add3A_140 = arith.constant 0 : i32
    %add3A_141 = arith.addi %add3A_139, %add3A_140 : i32
    %dma_start3A_142 = arith.constant 0 : i32
    %dma_start3A_143 = tpu.memref_slice %arg5[%add3A_141, %dma_start3A_142] : memref<8192x2048xf32, #tpu.memory_space<hbm>> -> memref<8x2048xf32, #tpu.memory_space<hbm>>
    %dma_start3A_144 = arith.constant 0 : i32
    %dma_start3A_145 = tpu.memref_slice %arg5[%add3A_141, %dma_start3A_144] : memref<8192x2048xf32, #tpu.memory_space<hbm>> -> memref<8x2048xf32, #tpu.memory_space<hbm>>
    tpu.enqueue_dma source(%arg8 : memref<8x2048xf32, #tpu.memory_space<vmem>>) target(%dma_start3A_145 : memref<8x2048xf32, #tpu.memory_space<hbm>>) target_semaphore(%arg20 : memref<!tpu.dma_semaphore, #tpu.memory_space<semaphore_mem>>)
    %dma_start3A_146 = arith.constant 8 : i32
    %dma_start3A_147 = tpu.memref_slice %arg6[%dma_start3A_146] : memref<256xi32, #tpu.memory_space<vmem>> -> memref<8xi32, #tpu.memory_space<vmem>>
    %dma_start3A_148 = arith.constant 0 : i32
    %dma_start3A_149 = arith.constant 0 : i32
    %dma_start3A_150 = tpu.memref_slice %arg3[%dma_start3A_148, %dma_start3A_149] : memref<50272x2048xf32, #tpu.memory_space<hbm>> -> memref<50272x2048xf32, #tpu.memory_space<hbm>>
    tpu.enqueue_indirect_dma source(%dma_start3A_150 : memref<50272x2048xf32, #tpu.memory_space<hbm>>) target(%arg12 : memref<8x2048xf32, #tpu.memory_space<vmem>>) offsets(%dma_start3A_147 : memref<8xi32, #tpu.memory_space<vmem>>) semaphore(%arg19 : memref<!tpu.dma_semaphore, #tpu.memory_space<semaphore_mem>>)
    %dma_wait3A_151 = arith.constant 64 : i32
    %dma_wait3A_152 = tpu.memref_slice %arg6[%dma_wait3A_151] : memref<256xi32, #tpu.memory_space<vmem>> -> memref<8xi32, #tpu.memory_space<vmem>>
    %dma_wait3A_153 = arith.constant 0 : i32
    %dma_wait3A_154 = arith.constant 0 : i32
    %dma_wait3A_155 = tpu.memref_slice %arg3[%dma_wait3A_153, %dma_wait3A_154] : memref<50272x2048xf32, #tpu.memory_space<hbm>> -> memref<50272x2048xf32, #tpu.memory_space<hbm>>
    tpu.wait_indirect_dma semaphore(%arg16 : memref<!tpu.dma_semaphore, #tpu.memory_space<semaphore_mem>>) src(%dma_wait3A_155 : memref<50272x2048xf32, #tpu.memory_space<hbm>>) dst(%arg9 : memref<8x2048xf32, #tpu.memory_space<vmem>>)
    %parallel_loop3A_156 = arith.constant 0 : i32
    %parallel_loop3A_157 = arith.constant 1024 : i32
    %parallel_loop3A_158 = arith.constant 1 : i32
    scf.for %parallel_loop3A_975 = %parallel_loop3A_156 to %parallel_loop3A_157 step %parallel_loop3A_158  : i32 {
      %parallel_loop3A_976 = arith.constant 7 : i32
      %parallel_loop3A_977 = arith.shrui %parallel_loop3A_975, %parallel_loop3A_976 : i32
      %parallel_loop3A_978 = arith.constant 127 : i32
      %parallel_loop3A_979 = arith.andi %parallel_loop3A_975, %parallel_loop3A_978 : i32
      %parallel_loop3A_980 = arith.constant 16 : i32
      %parallel_loop3A_981 = arith.muli %parallel_loop3A_979, %parallel_loop3A_980 : i32
      %parallel_loop3A_982 = arith.index_cast %parallel_loop3A_977 : i32 to index
      %parallel_loop3A_983 = arith.index_cast %parallel_loop3A_981 : i32 to index
      %parallel_loop3A_984 = tpu.vector_load %arg13[%parallel_loop3A_982, %parallel_loop3A_983] {strides = array<i32>} : memref<8x2048xf32, #tpu.memory_space<vmem>>, vector<1x16xf32>,
      %parallel_loop3A_985 = vector.shape_cast %parallel_loop3A_984 : vector<1x16xf32> to vector<16xf32>
      %parallel_loop3A_986 = arith.index_cast %parallel_loop3A_977 : i32 to index
      %parallel_loop3A_987 = arith.index_cast %parallel_loop3A_981 : i32 to index
      %parallel_loop3A_988 = tpu.vector_load %arg9[%parallel_loop3A_986, %parallel_loop3A_987] {strides = array<i32>} : memref<8x2048xf32, #tpu.memory_space<vmem>>, vector<1x16xf32>,
      %parallel_loop3A_989 = vector.shape_cast %parallel_loop3A_988 : vector<1x16xf32> to vector<16xf32>
      %parallel_loop3A_990 = vector.shape_cast %parallel_loop3A_985 : vector<16xf32> to vector<1x16xf32>
      tpu.vector_store %arg9[%parallel_loop3A_986, %parallel_loop3A_987], %parallel_loop3A_990 {add = true, strides = array<i32>} : memref<8x2048xf32, #tpu.memory_space<vmem>>, vector<1x16xf32>,
    } {sc.loop_unroll_factor = 8 : i64, sc.parallel_access}
    %add3A_159 = arith.constant 2048 : i32
    %add3A_160 = arith.addi %add3A_159, %mul3A_2 : i32
    %add3A_161 = arith.constant 0 : i32
    %add3A_162 = arith.addi %add3A_160, %add3A_161 : i32
    %dma_start3A_163 = arith.constant 0 : i32
    %dma_start3A_164 = tpu.memref_slice %arg5[%add3A_162, %dma_start3A_163] : memref<8192x2048xf32, #tpu.memory_space<hbm>> -> memref<8x2048xf32, #tpu.memory_space<hbm>>
    %dma_start3A_165 = arith.constant 0 : i32
    %dma_start3A_166 = tpu.memref_slice %arg5[%add3A_162, %dma_start3A_165] : memref<8192x2048xf32, #tpu.memory_space<hbm>> -> memref<8x2048xf32, #tpu.memory_space<hbm>>
    tpu.enqueue_dma source(%arg9 : memref<8x2048xf32, #tpu.memory_space<vmem>>) target(%dma_start3A_166 : memref<8x2048xf32, #tpu.memory_space<hbm>>) target_semaphore(%arg21 : memref<!tpu.dma_semaphore, #tpu.memory_space<semaphore_mem>>)
    %dma_wait3A_167 = arith.constant 0 : i32
    %dma_wait3A_168 = tpu.memref_slice %arg5[%add3A_141, %dma_wait3A_167] : memref<8192x2048xf32, #tpu.memory_space<hbm>> -> memref<8x2048xf32, #tpu.memory_space<hbm>>
    %dma_wait3A_169 = arith.constant 0 : i32
    %dma_wait3A_170 = tpu.memref_slice %arg5[%add3A_141, %dma_wait3A_169] : memref<8192x2048xf32, #tpu.memory_space<hbm>> -> memref<8x2048xf32, #tpu.memory_space<hbm>>
    tpu.wait_dma2 semaphore(%arg20 : memref<!tpu.dma_semaphore, #tpu.memory_space<semaphore_mem>>) src(%arg8 : memref<8x2048xf32, #tpu.memory_space<vmem>>) dst(%dma_wait3A_170 : memref<8x2048xf32, #tpu.memory_space<hbm>>)
    %dma_start3A_171 = arith.constant 72 : i32
    %dma_start3A_172 = tpu.memref_slice %arg6[%dma_start3A_171] : memref<256xi32, #tpu.memory_space<vmem>> -> memref<8xi32, #tpu.memory_space<vmem>>
    %dma_start3A_173 = arith.constant 0 : i32
    %dma_start3A_174 = arith.constant 0 : i32
    %dma_start3A_175 = tpu.memref_slice %arg3[%dma_start3A_173, %dma_start3A_174] : memref<50272x2048xf32, #tpu.memory_space<hbm>> -> memref<50272x2048xf32, #tpu.memory_space<hbm>>
    tpu.enqueue_indirect_dma source(%dma_start3A_175 : memref<50272x2048xf32, #tpu.memory_space<hbm>>) target(%arg8 : memref<8x2048xf32, #tpu.memory_space<vmem>>) offsets(%dma_start3A_172 : memref<8xi32, #tpu.memory_space<vmem>>) semaphore(%arg15 : memref<!tpu.dma_semaphore, #tpu.memory_space<semaphore_mem>>)
    %dma_wait3A_176 = arith.constant 128 : i32
    %dma_wait3A_177 = tpu.memref_slice %arg6[%dma_wait3A_176] : memref<256xi32, #tpu.memory_space<vmem>> -> memref<8xi32, #tpu.memory_space<vmem>>
    %dma_wait3A_178 = arith.constant 0 : i32
    %dma_wait3A_179 = arith.constant 0 : i32
    %dma_wait3A_180 = tpu.memref_slice %arg3[%dma_wait3A_178, %dma_wait3A_179] : memref<50272x2048xf32, #tpu.memory_space<hbm>> -> memref<50272x2048xf32, #tpu.memory_space<hbm>>
    tpu.wait_indirect_dma semaphore(%arg17 : memref<!tpu.dma_semaphore, #tpu.memory_space<semaphore_mem>>) src(%dma_wait3A_180 : memref<50272x2048xf32, #tpu.memory_space<hbm>>) dst(%arg10 : memref<8x2048xf32, #tpu.memory_space<vmem>>)
    %parallel_loop3A_181 = arith.constant 0 : i32
    %parallel_loop3A_182 = arith.constant 1024 : i32
    %parallel_loop3A_183 = arith.constant 1 : i32
    scf.for %parallel_loop3A_975 = %parallel_loop3A_181 to %parallel_loop3A_182 step %parallel_loop3A_183  : i32 {
      %parallel_loop3A_976 = arith.constant 7 : i32
      %parallel_loop3A_977 = arith.shrui %parallel_loop3A_975, %parallel_loop3A_976 : i32
      %parallel_loop3A_978 = arith.constant 127 : i32
      %parallel_loop3A_979 = arith.andi %parallel_loop3A_975, %parallel_loop3A_978 : i32
      %parallel_loop3A_980 = arith.constant 16 : i32
      %parallel_loop3A_981 = arith.muli %parallel_loop3A_979, %parallel_loop3A_980 : i32
      %parallel_loop3A_982 = arith.index_cast %parallel_loop3A_977 : i32 to index
      %parallel_loop3A_983 = arith.index_cast %parallel_loop3A_981 : i32 to index
      %parallel_loop3A_984 = tpu.vector_load %arg13[%parallel_loop3A_982, %parallel_loop3A_983] {strides = array<i32>} : memref<8x2048xf32, #tpu.memory_space<vmem>>, vector<1x16xf32>,
      %parallel_loop3A_985 = vector.shape_cast %parallel_loop3A_984 : vector<1x16xf32> to vector<16xf32>
      %parallel_loop3A_986 = arith.index_cast %parallel_loop3A_977 : i32 to index
      %parallel_loop3A_987 = arith.index_cast %parallel_loop3A_981 : i32 to index
      %parallel_loop3A_988 = tpu.vector_load %arg10[%parallel_loop3A_986, %parallel_loop3A_987] {strides = array<i32>} : memref<8x2048xf32, #tpu.memory_space<vmem>>, vector<1x16xf32>,
      %parallel_loop3A_989 = vector.shape_cast %parallel_loop3A_988 : vector<1x16xf32> to vector<16xf32>
      %parallel_loop3A_990 = vector.shape_cast %parallel_loop3A_985 : vector<16xf32> to vector<1x16xf32>
      tpu.vector_store %arg10[%parallel_loop3A_986, %parallel_loop3A_987], %parallel_loop3A_990 {add = true, strides = array<i32>} : memref<8x2048xf32, #tpu.memory_space<vmem>>, vector<1x16xf32>,
    } {sc.loop_unroll_factor = 8 : i64, sc.parallel_access}
    %add3A_184 = arith.constant 4096 : i32
    %add3A_185 = arith.addi %add3A_184, %mul3A_2 : i32
    %add3A_186 = arith.constant 0 : i32
    %add3A_187 = arith.addi %add3A_185, %add3A_186 : i32
    %dma_start3A_188 = arith.constant 0 : i32
    %dma_start3A_189 = tpu.memref_slice %arg5[%add3A_187, %dma_start3A_188] : memref<8192x2048xf32, #tpu.memory_space<hbm>> -> memref<8x2048xf32, #tpu.memory_space<hbm>>
    %dma_start3A_190 = arith.constant 0 : i32
    %dma_start3A_191 = tpu.memref_slice %arg5[%add3A_187, %dma_start3A_190] : memref<8192x2048xf32, #tpu.memory_space<hbm>> -> memref<8x2048xf32, #tpu.memory_space<hbm>>
    tpu.enqueue_dma source(%arg10 : memref<8x2048xf32, #tpu.memory_space<vmem>>) target(%dma_start3A_191 : memref<8x2048xf32, #tpu.memory_space<hbm>>) target_semaphore(%arg22 : memref<!tpu.dma_semaphore, #tpu.memory_space<semaphore_mem>>)
    %dma_wait3A_192 = arith.constant 0 : i32
    %dma_wait3A_193 = tpu.memref_slice %arg5[%add3A_162, %dma_wait3A_192] : memref<8192x2048xf32, #tpu.memory_space<hbm>> -> memref<8x2048xf32, #tpu.memory_space<hbm>>
    %dma_wait3A_194 = arith.constant 0 : i32
    %dma_wait3A_195 = tpu.memref_slice %arg5[%add3A_162, %dma_wait3A_194] : memref<8192x2048xf32, #tpu.memory_space<hbm>> -> memref<8x2048xf32, #tpu.memory_space<hbm>>
    tpu.wait_dma2 semaphore(%arg21 : memref<!tpu.dma_semaphore, #tpu.memory_space<semaphore_mem>>) src(%arg9 : memref<8x2048xf32, #tpu.memory_space<vmem>>) dst(%dma_wait3A_195 : memref<8x2048xf32, #tpu.memory_space<hbm>>)
    %dma_start3A_196 = arith.constant 136 : i32
    %dma_start3A_197 = tpu.memref_slice %arg6[%dma_start3A_196] : memref<256xi32, #tpu.memory_space<vmem>> -> memref<8xi32, #tpu.memory_space<vmem>>
    %dma_start3A_198 = arith.constant 0 : i32
    %dma_start3A_199 = arith.constant 0 : i32
    %dma_start3A_200 = tpu.memref_slice %arg3[%dma_start3A_198, %dma_start3A_199] : memref<50272x2048xf32, #tpu.memory_space<hbm>> -> memref<50272x2048xf32, #tpu.memory_space<hbm>>
    tpu.enqueue_indirect_dma source(%dma_start3A_200 : memref<50272x2048xf32, #tpu.memory_space<hbm>>) target(%arg9 : memref<8x2048xf32, #tpu.memory_space<vmem>>) offsets(%dma_start3A_197 : memref<8xi32, #tpu.memory_space<vmem>>) semaphore(%arg16 : memref<!tpu.dma_semaphore, #tpu.memory_space<semaphore_mem>>)
    %dma_wait3A_201 = arith.constant 192 : i32
    %dma_wait3A_202 = tpu.memref_slice %arg6[%dma_wait3A_201] : memref<256xi32, #tpu.memory_space<vmem>> -> memref<8xi32, #tpu.memory_space<vmem>>
    %dma_wait3A_203 = arith.constant 0 : i32
    %dma_wait3A_204 = arith.constant 0 : i32
    %dma_wait3A_205 = tpu.memref_slice %arg3[%dma_wait3A_203, %dma_wait3A_204] : memref<50272x2048xf32, #tpu.memory_space<hbm>> -> memref<50272x2048xf32, #tpu.memory_space<hbm>>
    tpu.wait_indirect_dma semaphore(%arg18 : memref<!tpu.dma_semaphore, #tpu.memory_space<semaphore_mem>>) src(%dma_wait3A_205 : memref<50272x2048xf32, #tpu.memory_space<hbm>>) dst(%arg11 : memref<8x2048xf32, #tpu.memory_space<vmem>>)
    %parallel_loop3A_206 = arith.constant 0 : i32
    %parallel_loop3A_207 = arith.constant 1024 : i32
    %parallel_loop3A_208 = arith.constant 1 : i32
    scf.for %parallel_loop3A_975 = %parallel_loop3A_206 to %parallel_loop3A_207 step %parallel_loop3A_208  : i32 {
      %parallel_loop3A_976 = arith.constant 7 : i32
      %parallel_loop3A_977 = arith.shrui %parallel_loop3A_975, %parallel_loop3A_976 : i32
      %parallel_loop3A_978 = arith.constant 127 : i32
      %parallel_loop3A_979 = arith.andi %parallel_loop3A_975, %parallel_loop3A_978 : i32
      %parallel_loop3A_980 = arith.constant 16 : i32
      %parallel_loop3A_981 = arith.muli %parallel_loop3A_979, %parallel_loop3A_980 : i32
      %parallel_loop3A_982 = arith.index_cast %parallel_loop3A_977 : i32 to index
      %parallel_loop3A_983 = arith.index_cast %parallel_loop3A_981 : i32 to index
      %parallel_loop3A_984 = tpu.vector_load %arg13[%parallel_loop3A_982, %parallel_loop3A_983] {strides = array<i32>} : memref<8x2048xf32, #tpu.memory_space<vmem>>, vector<1x16xf32>,
      %parallel_loop3A_985 = vector.shape_cast %parallel_loop3A_984 : vector<1x16xf32> to vector<16xf32>
      %parallel_loop3A_986 = arith.index_cast %parallel_loop3A_977 : i32 to index
      %parallel_loop3A_987 = arith.index_cast %parallel_loop3A_981 : i32 to index
      %parallel_loop3A_988 = tpu.vector_load %arg11[%parallel_loop3A_986, %parallel_loop3A_987] {strides = array<i32>} : memref<8x2048xf32, #tpu.memory_space<vmem>>, vector<1x16xf32>,
      %parallel_loop3A_989 = vector.shape_cast %parallel_loop3A_988 : vector<1x16xf32> to vector<16xf32>
      %parallel_loop3A_990 = vector.shape_cast %parallel_loop3A_985 : vector<16xf32> to vector<1x16xf32>
      tpu.vector_store %arg11[%parallel_loop3A_986, %parallel_loop3A_987], %parallel_loop3A_990 {add = true, strides = array<i32>} : memref<8x2048xf32, #tpu.memory_space<vmem>>, vector<1x16xf32>,
    } {sc.loop_unroll_factor = 8 : i64, sc.parallel_access}
    %add3A_209 = arith.constant 6144 : i32
    %add3A_210 = arith.addi %add3A_209, %mul3A_2 : i32
    %add3A_211 = arith.constant 0 : i32
    %add3A_212 = arith.addi %add3A_210, %add3A_211 : i32
    %dma_start3A_213 = arith.constant 0 : i32
    %dma_start3A_214 = tpu.memref_slice %arg5[%add3A_212, %dma_start3A_213] : memref<8192x2048xf32, #tpu.memory_space<hbm>> -> memref<8x2048xf32, #tpu.memory_space<hbm>>
    %dma_start3A_215 = arith.constant 0 : i32
    %dma_start3A_216 = tpu.memref_slice %arg5[%add3A_212, %dma_start3A_215] : memref<8192x2048xf32, #tpu.memory_space<hbm>> -> memref<8x2048xf32, #tpu.memory_space<hbm>>
    tpu.enqueue_dma source(%arg11 : memref<8x2048xf32, #tpu.memory_space<vmem>>) target(%dma_start3A_216 : memref<8x2048xf32, #tpu.memory_space<hbm>>) target_semaphore(%arg23 : memref<!tpu.dma_semaphore, #tpu.memory_space<semaphore_mem>>)
    %dma_start3A_217 = arith.constant 16 : i32
    %dma_start3A_218 = tpu.memref_slice %arg7[%dma_start3A_217] : memref<64xi32, #tpu.memory_space<vmem>> -> memref<8xi32, #tpu.memory_space<vmem>>
    %dma_start3A_219 = arith.constant 0 : i32
    %dma_start3A_220 = arith.constant 0 : i32
    %dma_start3A_221 = tpu.memref_slice %arg4[%dma_start3A_219, %dma_start3A_220] : memref<2050x2048xf32, #tpu.memory_space<hbm>> -> memref<2050x2048xf32, #tpu.memory_space<hbm>>
    tpu.enqueue_indirect_dma source(%dma_start3A_221 : memref<2050x2048xf32, #tpu.memory_space<hbm>>) target(%arg13 : memref<8x2048xf32, #tpu.memory_space<vmem>>) offsets(%dma_start3A_218 : memref<8xi32, #tpu.memory_space<vmem>>) semaphore(%arg25 : memref<!tpu.dma_semaphore, #tpu.memory_space<semaphore_mem>>)
    %dma_wait3A_222 = arith.constant 0 : i32
    %dma_wait3A_223 = tpu.memref_slice %arg5[%add3A_187, %dma_wait3A_222] : memref<8192x2048xf32, #tpu.memory_space<hbm>> -> memref<8x2048xf32, #tpu.memory_space<hbm>>
    %dma_wait3A_224 = arith.constant 0 : i32
    %dma_wait3A_225 = tpu.memref_slice %arg5[%add3A_187, %dma_wait3A_224] : memref<8192x2048xf32, #tpu.memory_space<hbm>> -> memref<8x2048xf32, #tpu.memory_space<hbm>>
    tpu.wait_dma2 semaphore(%arg22 : memref<!tpu.dma_semaphore, #tpu.memory_space<semaphore_mem>>) src(%arg10 : memref<8x2048xf32, #tpu.memory_space<vmem>>) dst(%dma_wait3A_225 : memref<8x2048xf32, #tpu.memory_space<hbm>>)
    %dma_start3A_226 = arith.constant 200 : i32
    %dma_start3A_227 = tpu.memref_slice %arg6[%dma_start3A_226] : memref<256xi32, #tpu.memory_space<vmem>> -> memref<8xi32, #tpu.memory_space<vmem>>
    %dma_start3A_228 = arith.constant 0 : i32
    %dma_start3A_229 = arith.constant 0 : i32
    %dma_start3A_230 = tpu.memref_slice %arg3[%dma_start3A_228, %dma_start3A_229] : memref<50272x2048xf32, #tpu.memory_space<hbm>> -> memref<50272x2048xf32, #tpu.memory_space<hbm>>
    tpu.enqueue_indirect_dma source(%dma_start3A_230 : memref<50272x2048xf32, #tpu.memory_space<hbm>>) target(%arg10 : memref<8x2048xf32, #tpu.memory_space<vmem>>) offsets(%dma_start3A_227 : memref<8xi32, #tpu.memory_space<vmem>>) semaphore(%arg17 : memref<!tpu.dma_semaphore, #tpu.memory_space<semaphore_mem>>)
    %dma_wait3A_231 = arith.constant 8 : i32
    %dma_wait3A_232 = tpu.memref_slice %arg6[%dma_wait3A_231] : memref<256xi32, #tpu.memory_space<vmem>> -> memref<8xi32, #tpu.memory_space<vmem>>
    %dma_wait3A_233 = arith.constant 0 : i32
    %dma_wait3A_234 = arith.constant 0 : i32
    %dma_wait3A_235 = tpu.memref_slice %arg3[%dma_wait3A_233, %dma_wait3A_234] : memref<50272x2048xf32, #tpu.memory_space<hbm>> -> memref<50272x2048xf32, #tpu.memory_space<hbm>>
    tpu.wait_indirect_dma semaphore(%arg19 : memref<!tpu.dma_semaphore, #tpu.memory_space<semaphore_mem>>) src(%dma_wait3A_235 : memref<50272x2048xf32, #tpu.memory_space<hbm>>) dst(%arg12 : memref<8x2048xf32, #tpu.memory_space<vmem>>)
    %dma_wait3A_236 = arith.constant 8 : i32
    %dma_wait3A_237 = tpu.memref_slice %arg7[%dma_wait3A_236] : memref<64xi32, #tpu.memory_space<vmem>> -> memref<8xi32, #tpu.memory_space<vmem>>
    %dma_wait3A_238 = arith.constant 0 : i32
    %dma_wait3A_239 = arith.constant 0 : i32
    %dma_wait3A_240 = tpu.memref_slice %arg4[%dma_wait3A_238, %dma_wait3A_239] : memref<2050x2048xf32, #tpu.memory_space<hbm>> -> memref<2050x2048xf32, #tpu.memory_space<hbm>>
    tpu.wait_indirect_dma semaphore(%arg26 : memref<!tpu.dma_semaphore, #tpu.memory_space<semaphore_mem>>) src(%dma_wait3A_240 : memref<2050x2048xf32, #tpu.memory_space<hbm>>) dst(%arg14 : memref<8x2048xf32, #tpu.memory_space<vmem>>)
    %parallel_loop3A_241 = arith.constant 0 : i32
    %parallel_loop3A_242 = arith.constant 1024 : i32
    %parallel_loop3A_243 = arith.constant 1 : i32
    scf.for %parallel_loop3A_975 = %parallel_loop3A_241 to %parallel_loop3A_242 step %parallel_loop3A_243  : i32 {
      %parallel_loop3A_976 = arith.constant 7 : i32
      %parallel_loop3A_977 = arith.shrui %parallel_loop3A_975, %parallel_loop3A_976 : i32
      %parallel_loop3A_978 = arith.constant 127 : i32
      %parallel_loop3A_979 = arith.andi %parallel_loop3A_975, %parallel_loop3A_978 : i32
      %parallel_loop3A_980 = arith.constant 16 : i32
      %parallel_loop3A_981 = arith.muli %parallel_loop3A_979, %parallel_loop3A_980 : i32
      %parallel_loop3A_982 = arith.index_cast %parallel_loop3A_977 : i32 to index
      %parallel_loop3A_983 = arith.index_cast %parallel_loop3A_981 : i32 to index
      %parallel_loop3A_984 = tpu.vector_load %arg14[%parallel_loop3A_982, %parallel_loop3A_983] {strides = array<i32>} : memref<8x2048xf32, #tpu.memory_space<vmem>>, vector<1x16xf32>,
      %parallel_loop3A_985 = vector.shape_cast %parallel_loop3A_984 : vector<1x16xf32> to vector<16xf32>
      %parallel_loop3A_986 = arith.index_cast %parallel_loop3A_977 : i32 to index
      %parallel_loop3A_987 = arith.index_cast %parallel_loop3A_981 : i32 to index
      %parallel_loop3A_988 = tpu.vector_load %arg12[%parallel_loop3A_986, %parallel_loop3A_987] {strides = array<i32>} : memref<8x2048xf32, #tpu.memory_space<vmem>>, vector<1x16xf32>,
      %parallel_loop3A_989 = vector.shape_cast %parallel_loop3A_988 : vector<1x16xf32> to vector<16xf32>
      %parallel_loop3A_990 = vector.shape_cast %parallel_loop3A_985 : vector<16xf32> to vector<1x16xf32>
      tpu.vector_store %arg12[%parallel_loop3A_986, %parallel_loop3A_987], %parallel_loop3A_990 {add = true, strides = array<i32>} : memref<8x2048xf32, #tpu.memory_space<vmem>>, vector<1x16xf32>,
    } {sc.loop_unroll_factor = 8 : i64, sc.parallel_access}
    %add3A_244 = arith.constant 0 : i32
    %add3A_245 = arith.addi %add3A_244, %mul3A_2 : i32
    %add3A_246 = arith.constant 8 : i32
    %add3A_247 = arith.addi %add3A_245, %add3A_246 : i32
    %dma_start3A_248 = arith.constant 0 : i32
    %dma_start3A_249 = tpu.memref_slice %arg5[%add3A_247, %dma_start3A_248] : memref<8192x2048xf32, #tpu.memory_space<hbm>> -> memref<8x2048xf32, #tpu.memory_space<hbm>>
    %dma_start3A_250 = arith.constant 0 : i32
    %dma_start3A_251 = tpu.memref_slice %arg5[%add3A_247, %dma_start3A_250] : memref<8192x2048xf32, #tpu.memory_space<hbm>> -> memref<8x2048xf32, #tpu.memory_space<hbm>>
    tpu.enqueue_dma source(%arg12 : memref<8x2048xf32, #tpu.memory_space<vmem>>) target(%dma_start3A_251 : memref<8x2048xf32, #tpu.memory_space<hbm>>) target_semaphore(%arg24 : memref<!tpu.dma_semaphore, #tpu.memory_space<semaphore_mem>>)
    %dma_wait3A_252 = arith.constant 0 : i32
    %dma_wait3A_253 = tpu.memref_slice %arg5[%add3A_212, %dma_wait3A_252] : memref<8192x2048xf32, #tpu.memory_space<hbm>> -> memref<8x2048xf32, #tpu.memory_space<hbm>>
    %dma_wait3A_254 = arith.constant 0 : i32
    %dma_wait3A_255 = tpu.memref_slice %arg5[%add3A_212, %dma_wait3A_254] : memref<8192x2048xf32, #tpu.memory_space<hbm>> -> memref<8x2048xf32, #tpu.memory_space<hbm>>
    tpu.wait_dma2 semaphore(%arg23 : memref<!tpu.dma_semaphore, #tpu.memory_space<semaphore_mem>>) src(%arg11 : memref<8x2048xf32, #tpu.memory_space<vmem>>) dst(%dma_wait3A_255 : memref<8x2048xf32, #tpu.memory_space<hbm>>)
    %dma_start3A_256 = arith.constant 16 : i32
    %dma_start3A_257 = tpu.memref_slice %arg6[%dma_start3A_256] : memref<256xi32, #tpu.memory_space<vmem>> -> memref<8xi32, #tpu.memory_space<vmem>>
    %dma_start3A_258 = arith.constant 0 : i32
    %dma_start3A_259 = arith.constant 0 : i32
    %dma_start3A_260 = tpu.memref_slice %arg3[%dma_start3A_258, %dma_start3A_259] : memref<50272x2048xf32, #tpu.memory_space<hbm>> -> memref<50272x2048xf32, #tpu.memory_space<hbm>>
    tpu.enqueue_indirect_dma source(%dma_start3A_260 : memref<50272x2048xf32, #tpu.memory_space<hbm>>) target(%arg11 : memref<8x2048xf32, #tpu.memory_space<vmem>>) offsets(%dma_start3A_257 : memref<8xi32, #tpu.memory_space<vmem>>) semaphore(%arg18 : memref<!tpu.dma_semaphore, #tpu.memory_space<semaphore_mem>>)
    %dma_wait3A_261 = arith.constant 72 : i32
    %dma_wait3A_262 = tpu.memref_slice %arg6[%dma_wait3A_261] : memref<256xi32, #tpu.memory_space<vmem>> -> memref<8xi32, #tpu.memory_space<vmem>>
    %dma_wait3A_263 = arith.constant 0 : i32
    %dma_wait3A_264 = arith.constant 0 : i32
    %dma_wait3A_265 = tpu.memref_slice %arg3[%dma_wait3A_263, %dma_wait3A_264] : memref<50272x2048xf32, #tpu.memory_space<hbm>> -> memref<50272x2048xf32, #tpu.memory_space<hbm>>
    tpu.wait_indirect_dma semaphore(%arg15 : memref<!tpu.dma_semaphore, #tpu.memory_space<semaphore_mem>>) src(%dma_wait3A_265 : memref<50272x2048xf32, #tpu.memory_space<hbm>>) dst(%arg8 : memref<8x2048xf32, #tpu.memory_space<vmem>>)
    %parallel_loop3A_266 = arith.constant 0 : i32
    %parallel_loop3A_267 = arith.constant 1024 : i32
    %parallel_loop3A_268 = arith.constant 1 : i32
    scf.for %parallel_loop3A_975 = %parallel_loop3A_266 to %parallel_loop3A_267 step %parallel_loop3A_268  : i32 {
      %parallel_loop3A_976 = arith.constant 7 : i32
      %parallel_loop3A_977 = arith.shrui %parallel_loop3A_975, %parallel_loop3A_976 : i32
      %parallel_loop3A_978 = arith.constant 127 : i32
      %parallel_loop3A_979 = arith.andi %parallel_loop3A_975, %parallel_loop3A_978 : i32
      %parallel_loop3A_980 = arith.constant 16 : i32
      %parallel_loop3A_981 = arith.muli %parallel_loop3A_979, %parallel_loop3A_980 : i32
      %parallel_loop3A_982 = arith.index_cast %parallel_loop3A_977 : i32 to index
      %parallel_loop3A_983 = arith.index_cast %parallel_loop3A_981 : i32 to index
      %parallel_loop3A_984 = tpu.vector_load %arg14[%parallel_loop3A_982, %parallel_loop3A_983] {strides = array<i32>} : memref<8x2048xf32, #tpu.memory_space<vmem>>, vector<1x16xf32>,
      %parallel_loop3A_985 = vector.shape_cast %parallel_loop3A_984 : vector<1x16xf32> to vector<16xf32>
      %parallel_loop3A_986 = arith.index_cast %parallel_loop3A_977 : i32 to index
      %parallel_loop3A_987 = arith.index_cast %parallel_loop3A_981 : i32 to index
      %parallel_loop3A_988 = tpu.vector_load %arg8[%parallel_loop3A_986, %parallel_loop3A_987] {strides = array<i32>} : memref<8x2048xf32, #tpu.memory_space<vmem>>, vector<1x16xf32>,
      %parallel_loop3A_989 = vector.shape_cast %parallel_loop3A_988 : vector<1x16xf32> to vector<16xf32>
      %parallel_loop3A_990 = vector.shape_cast %parallel_loop3A_985 : vector<16xf32> to vector<1x16xf32>
      tpu.vector_store %arg8[%parallel_loop3A_986, %parallel_loop3A_987], %parallel_loop3A_990 {add = true, strides = array<i32>} : memref<8x2048xf32, #tpu.memory_space<vmem>>, vector<1x16xf32>,
    } {sc.loop_unroll_factor = 8 : i64, sc.parallel_access}
    %add3A_269 = arith.constant 2048 : i32
    %add3A_270 = arith.addi %add3A_269, %mul3A_2 : i32
    %add3A_271 = arith.constant 8 : i32
    %add3A_272 = arith.addi %add3A_270, %add3A_271 : i32
    %dma_start3A_273 = arith.constant 0 : i32
    %dma_start3A_274 = tpu.memref_slice %arg5[%add3A_272, %dma_start3A_273] : memref<8192x2048xf32, #tpu.memory_space<hbm>> -> memref<8x2048xf32, #tpu.memory_space<hbm>>
    %dma_start3A_275 = arith.constant 0 : i32
    %dma_start3A_276 = tpu.memref_slice %arg5[%add3A_272, %dma_start3A_275] : memref<8192x2048xf32, #tpu.memory_space<hbm>> -> memref<8x2048xf32, #tpu.memory_space<hbm>>
    tpu.enqueue_dma source(%arg8 : memref<8x2048xf32, #tpu.memory_space<vmem>>) target(%dma_start3A_276 : memref<8x2048xf32, #tpu.memory_space<hbm>>) target_semaphore(%arg20 : memref<!tpu.dma_semaphore, #tpu.memory_space<semaphore_mem>>)
    %dma_wait3A_277 = arith.constant 0 : i32
    %dma_wait3A_278 = tpu.memref_slice %arg5[%add3A_247, %dma_wait3A_277] : memref<8192x2048xf32, #tpu.memory_space<hbm>> -> memref<8x2048xf32, #tpu.memory_space<hbm>>
    %dma_wait3A_279 = arith.constant 0 : i32
    %dma_wait3A_280 = tpu.memref_slice %arg5[%add3A_247, %dma_wait3A_279] : memref<8192x2048xf32, #tpu.memory_space<hbm>> -> memref<8x2048xf32, #tpu.memory_space<hbm>>
    tpu.wait_dma2 semaphore(%arg24 : memref<!tpu.dma_semaphore, #tpu.memory_space<semaphore_mem>>) src(%arg12 : memref<8x2048xf32, #tpu.memory_space<vmem>>) dst(%dma_wait3A_280 : memref<8x2048xf32, #tpu.memory_space<hbm>>)
    %dma_start3A_281 = arith.constant 80 : i32
    %dma_start3A_282 = tpu.memref_slice %arg6[%dma_start3A_281] : memref<256xi32, #tpu.memory_space<vmem>> -> memref<8xi32, #tpu.memory_space<vmem>>
    %dma_start3A_283 = arith.constant 0 : i32
    %dma_start3A_284 = arith.constant 0 : i32
    %dma_start3A_285 = tpu.memref_slice %arg3[%dma_start3A_283, %dma_start3A_284] : memref<50272x2048xf32, #tpu.memory_space<hbm>> -> memref<50272x2048xf32, #tpu.memory_space<hbm>>
    tpu.enqueue_indirect_dma source(%dma_start3A_285 : memref<50272x2048xf32, #tpu.memory_space<hbm>>) target(%arg12 : memref<8x2048xf32, #tpu.memory_space<vmem>>) offsets(%dma_start3A_282 : memref<8xi32, #tpu.memory_space<vmem>>) semaphore(%arg19 : memref<!tpu.dma_semaphore, #tpu.memory_space<semaphore_mem>>)
    %dma_wait3A_286 = arith.constant 136 : i32
    %dma_wait3A_287 = tpu.memref_slice %arg6[%dma_wait3A_286] : memref<256xi32, #tpu.memory_space<vmem>> -> memref<8xi32, #tpu.memory_space<vmem>>
    %dma_wait3A_288 = arith.constant 0 : i32
    %dma_wait3A_289 = arith.constant 0 : i32
    %dma_wait3A_290 = tpu.memref_slice %arg3[%dma_wait3A_288, %dma_wait3A_289] : memref<50272x2048xf32, #tpu.memory_space<hbm>> -> memref<50272x2048xf32, #tpu.memory_space<hbm>>
    tpu.wait_indirect_dma semaphore(%arg16 : memref<!tpu.dma_semaphore, #tpu.memory_space<semaphore_mem>>) src(%dma_wait3A_290 : memref<50272x2048xf32, #tpu.memory_space<hbm>>) dst(%arg9 : memref<8x2048xf32, #tpu.memory_space<vmem>>)
    %parallel_loop3A_291 = arith.constant 0 : i32
    %parallel_loop3A_292 = arith.constant 1024 : i32
    %parallel_loop3A_293 = arith.constant 1 : i32
    scf.for %parallel_loop3A_975 = %parallel_loop3A_291 to %parallel_loop3A_292 step %parallel_loop3A_293  : i32 {
      %parallel_loop3A_976 = arith.constant 7 : i32
      %parallel_loop3A_977 = arith.shrui %parallel_loop3A_975, %parallel_loop3A_976 : i32
      %parallel_loop3A_978 = arith.constant 127 : i32
      %parallel_loop3A_979 = arith.andi %parallel_loop3A_975, %parallel_loop3A_978 : i32
      %parallel_loop3A_980 = arith.constant 16 : i32
      %parallel_loop3A_981 = arith.muli %parallel_loop3A_979, %parallel_loop3A_980 : i32
      %parallel_loop3A_982 = arith.index_cast %parallel_loop3A_977 : i32 to index
      %parallel_loop3A_983 = arith.index_cast %parallel_loop3A_981 : i32 to index
      %parallel_loop3A_984 = tpu.vector_load %arg14[%parallel_loop3A_982, %parallel_loop3A_983] {strides = array<i32>} : memref<8x2048xf32, #tpu.memory_space<vmem>>, vector<1x16xf32>,
      %parallel_loop3A_985 = vector.shape_cast %parallel_loop3A_984 : vector<1x16xf32> to vector<16xf32>
      %parallel_loop3A_986 = arith.index_cast %parallel_loop3A_977 : i32 to index
      %parallel_loop3A_987 = arith.index_cast %parallel_loop3A_981 : i32 to index
      %parallel_loop3A_988 = tpu.vector_load %arg9[%parallel_loop3A_986, %parallel_loop3A_987] {strides = array<i32>} : memref<8x2048xf32, #tpu.memory_space<vmem>>, vector<1x16xf32>,
      %parallel_loop3A_989 = vector.shape_cast %parallel_loop3A_988 : vector<1x16xf32> to vector<16xf32>
      %parallel_loop3A_990 = vector.shape_cast %parallel_loop3A_985 : vector<16xf32> to vector<1x16xf32>
      tpu.vector_store %arg9[%parallel_loop3A_986, %parallel_loop3A_987], %parallel_loop3A_990 {add = true, strides = array<i32>} : memref<8x2048xf32, #tpu.memory_space<vmem>>, vector<1x16xf32>,
    } {sc.loop_unroll_factor = 8 : i64, sc.parallel_access}
    %add3A_294 = arith.constant 4096 : i32
    %add3A_295 = arith.addi %add3A_294, %mul3A_2 : i32
    %add3A_296 = arith.constant 8 : i32
    %add3A_297 = arith.addi %add3A_295, %add3A_296 : i32
    %dma_start3A_298 = arith.constant 0 : i32
    %dma_start3A_299 = tpu.memref_slice %arg5[%add3A_297, %dma_start3A_298] : memref<8192x2048xf32, #tpu.memory_space<hbm>> -> memref<8x2048xf32, #tpu.memory_space<hbm>>
    %dma_start3A_300 = arith.constant 0 : i32
    %dma_start3A_301 = tpu.memref_slice %arg5[%add3A_297, %dma_start3A_300] : memref<8192x2048xf32, #tpu.memory_space<hbm>> -> memref<8x2048xf32, #tpu.memory_space<hbm>>
    tpu.enqueue_dma source(%arg9 : memref<8x2048xf32, #tpu.memory_space<vmem>>) target(%dma_start3A_301 : memref<8x2048xf32, #tpu.memory_space<hbm>>) target_semaphore(%arg21 : memref<!tpu.dma_semaphore, #tpu.memory_space<semaphore_mem>>)
    %dma_wait3A_302 = arith.constant 0 : i32
    %dma_wait3A_303 = tpu.memref_slice %arg5[%add3A_272, %dma_wait3A_302] : memref<8192x2048xf32, #tpu.memory_space<hbm>> -> memref<8x2048xf32, #tpu.memory_space<hbm>>
    %dma_wait3A_304 = arith.constant 0 : i32
    %dma_wait3A_305 = tpu.memref_slice %arg5[%add3A_272, %dma_wait3A_304] : memref<8192x2048xf32, #tpu.memory_space<hbm>> -> memref<8x2048xf32, #tpu.memory_space<hbm>>
    tpu.wait_dma2 semaphore(%arg20 : memref<!tpu.dma_semaphore, #tpu.memory_space<semaphore_mem>>) src(%arg8 : memref<8x2048xf32, #tpu.memory_space<vmem>>) dst(%dma_wait3A_305 : memref<8x2048xf32, #tpu.memory_space<hbm>>)
    %dma_start3A_306 = arith.constant 144 : i32
    %dma_start3A_307 = tpu.memref_slice %arg6[%dma_start3A_306] : memref<256xi32, #tpu.memory_space<vmem>> -> memref<8xi32, #tpu.memory_space<vmem>>
    %dma_start3A_308 = arith.constant 0 : i32
    %dma_start3A_309 = arith.constant 0 : i32
    %dma_start3A_310 = tpu.memref_slice %arg3[%dma_start3A_308, %dma_start3A_309] : memref<50272x2048xf32, #tpu.memory_space<hbm>> -> memref<50272x2048xf32, #tpu.memory_space<hbm>>
    tpu.enqueue_indirect_dma source(%dma_start3A_310 : memref<50272x2048xf32, #tpu.memory_space<hbm>>) target(%arg8 : memref<8x2048xf32, #tpu.memory_space<vmem>>) offsets(%dma_start3A_307 : memref<8xi32, #tpu.memory_space<vmem>>) semaphore(%arg15 : memref<!tpu.dma_semaphore, #tpu.memory_space<semaphore_mem>>)
    %dma_wait3A_311 = arith.constant 200 : i32
    %dma_wait3A_312 = tpu.memref_slice %arg6[%dma_wait3A_311] : memref<256xi32, #tpu.memory_space<vmem>> -> memref<8xi32, #tpu.memory_space<vmem>>
    %dma_wait3A_313 = arith.constant 0 : i32
    %dma_wait3A_314 = arith.constant 0 : i32
    %dma_wait3A_315 = tpu.memref_slice %arg3[%dma_wait3A_313, %dma_wait3A_314] : memref<50272x2048xf32, #tpu.memory_space<hbm>> -> memref<50272x2048xf32, #tpu.memory_space<hbm>>
    tpu.wait_indirect_dma semaphore(%arg17 : memref<!tpu.dma_semaphore, #tpu.memory_space<semaphore_mem>>) src(%dma_wait3A_315 : memref<50272x2048xf32, #tpu.memory_space<hbm>>) dst(%arg10 : memref<8x2048xf32, #tpu.memory_space<vmem>>)
    %parallel_loop3A_316 = arith.constant 0 : i32
    %parallel_loop3A_317 = arith.constant 1024 : i32
    %parallel_loop3A_318 = arith.constant 1 : i32
    scf.for %parallel_loop3A_975 = %parallel_loop3A_316 to %parallel_loop3A_317 step %parallel_loop3A_318  : i32 {
      %parallel_loop3A_976 = arith.constant 7 : i32
      %parallel_loop3A_977 = arith.shrui %parallel_loop3A_975, %parallel_loop3A_976 : i32
      %parallel_loop3A_978 = arith.constant 127 : i32
      %parallel_loop3A_979 = arith.andi %parallel_loop3A_975, %parallel_loop3A_978 : i32
      %parallel_loop3A_980 = arith.constant 16 : i32
      %parallel_loop3A_981 = arith.muli %parallel_loop3A_979, %parallel_loop3A_980 : i32
      %parallel_loop3A_982 = arith.index_cast %parallel_loop3A_977 : i32 to index
      %parallel_loop3A_983 = arith.index_cast %parallel_loop3A_981 : i32 to index
      %parallel_loop3A_984 = tpu.vector_load %arg14[%parallel_loop3A_982, %parallel_loop3A_983] {strides = array<i32>} : memref<8x2048xf32, #tpu.memory_space<vmem>>, vector<1x16xf32>,
      %parallel_loop3A_985 = vector.shape_cast %parallel_loop3A_984 : vector<1x16xf32> to vector<16xf32>
      %parallel_loop3A_986 = arith.index_cast %parallel_loop3A_977 : i32 to index
      %parallel_loop3A_987 = arith.index_cast %parallel_loop3A_981 : i32 to index
      %parallel_loop3A_988 = tpu.vector_load %arg10[%parallel_loop3A_986, %parallel_loop3A_987] {strides = array<i32>} : memref<8x2048xf32, #tpu.memory_space<vmem>>, vector<1x16xf32>,
      %parallel_loop3A_989 = vector.shape_cast %parallel_loop3A_988 : vector<1x16xf32> to vector<16xf32>
      %parallel_loop3A_990 = vector.shape_cast %parallel_loop3A_985 : vector<16xf32> to vector<1x16xf32>
      tpu.vector_store %arg10[%parallel_loop3A_986, %parallel_loop3A_987], %parallel_loop3A_990 {add = true, strides = array<i32>} : memref<8x2048xf32, #tpu.memory_space<vmem>>, vector<1x16xf32>,
    } {sc.loop_unroll_factor = 8 : i64, sc.parallel_access}
    %add3A_319 = arith.constant 6144 : i32
    %add3A_320 = arith.addi %add3A_319, %mul3A_2 : i32
    %add3A_321 = arith.constant 8 : i32
    %add3A_322 = arith.addi %add3A_320, %add3A_321 : i32
    %dma_start3A_323 = arith.constant 0 : i32
    %dma_start3A_324 = tpu.memref_slice %arg5[%add3A_322, %dma_start3A_323] : memref<8192x2048xf32, #tpu.memory_space<hbm>> -> memref<8x2048xf32, #tpu.memory_space<hbm>>
    %dma_start3A_325 = arith.constant 0 : i32
    %dma_start3A_326 = tpu.memref_slice %arg5[%add3A_322, %dma_start3A_325] : memref<8192x2048xf32, #tpu.memory_space<hbm>> -> memref<8x2048xf32, #tpu.memory_space<hbm>>
    tpu.enqueue_dma source(%arg10 : memref<8x2048xf32, #tpu.memory_space<vmem>>) target(%dma_start3A_326 : memref<8x2048xf32, #tpu.memory_space<hbm>>) target_semaphore(%arg22 : memref<!tpu.dma_semaphore, #tpu.memory_space<semaphore_mem>>)
    %dma_start3A_327 = arith.constant 24 : i32
    %dma_start3A_328 = tpu.memref_slice %arg7[%dma_start3A_327] : memref<64xi32, #tpu.memory_space<vmem>> -> memref<8xi32, #tpu.memory_space<vmem>>
    %dma_start3A_329 = arith.constant 0 : i32
    %dma_start3A_330 = arith.constant 0 : i32
    %dma_start3A_331 = tpu.memref_slice %arg4[%dma_start3A_329, %dma_start3A_330] : memref<2050x2048xf32, #tpu.memory_space<hbm>> -> memref<2050x2048xf32, #tpu.memory_space<hbm>>
    tpu.enqueue_indirect_dma source(%dma_start3A_331 : memref<2050x2048xf32, #tpu.memory_space<hbm>>) target(%arg14 : memref<8x2048xf32, #tpu.memory_space<vmem>>) offsets(%dma_start3A_328 : memref<8xi32, #tpu.memory_space<vmem>>) semaphore(%arg26 : memref<!tpu.dma_semaphore, #tpu.memory_space<semaphore_mem>>)
    %dma_wait3A_332 = arith.constant 0 : i32
    %dma_wait3A_333 = tpu.memref_slice %arg5[%add3A_297, %dma_wait3A_332] : memref<8192x2048xf32, #tpu.memory_space<hbm>> -> memref<8x2048xf32, #tpu.memory_space<hbm>>
    %dma_wait3A_334 = arith.constant 0 : i32
    %dma_wait3A_335 = tpu.memref_slice %arg5[%add3A_297, %dma_wait3A_334] : memref<8192x2048xf32, #tpu.memory_space<hbm>> -> memref<8x2048xf32, #tpu.memory_space<hbm>>
    tpu.wait_dma2 semaphore(%arg21 : memref<!tpu.dma_semaphore, #tpu.memory_space<semaphore_mem>>) src(%arg9 : memref<8x2048xf32, #tpu.memory_space<vmem>>) dst(%dma_wait3A_335 : memref<8x2048xf32, #tpu.memory_space<hbm>>)
    %dma_start3A_336 = arith.constant 208 : i32
    %dma_start3A_337 = tpu.memref_slice %arg6[%dma_start3A_336] : memref<256xi32, #tpu.memory_space<vmem>> -> memref<8xi32, #tpu.memory_space<vmem>>
    %dma_start3A_338 = arith.constant 0 : i32
    %dma_start3A_339 = arith.constant 0 : i32
    %dma_start3A_340 = tpu.memref_slice %arg3[%dma_start3A_338, %dma_start3A_339] : memref<50272x2048xf32, #tpu.memory_space<hbm>> -> memref<50272x2048xf32, #tpu.memory_space<hbm>>
    tpu.enqueue_indirect_dma source(%dma_start3A_340 : memref<50272x2048xf32, #tpu.memory_space<hbm>>) target(%arg9 : memref<8x2048xf32, #tpu.memory_space<vmem>>) offsets(%dma_start3A_337 : memref<8xi32, #tpu.memory_space<vmem>>) semaphore(%arg16 : memref<!tpu.dma_semaphore, #tpu.memory_space<semaphore_mem>>)
    %dma_wait3A_341 = arith.constant 16 : i32
    %dma_wait3A_342 = tpu.memref_slice %arg6[%dma_wait3A_341] : memref<256xi32, #tpu.memory_space<vmem>> -> memref<8xi32, #tpu.memory_space<vmem>>
    %dma_wait3A_343 = arith.constant 0 : i32
    %dma_wait3A_344 = arith.constant 0 : i32
    %dma_wait3A_345 = tpu.memref_slice %arg3[%dma_wait3A_343, %dma_wait3A_344] : memref<50272x2048xf32, #tpu.memory_space<hbm>> -> memref<50272x2048xf32, #tpu.memory_space<hbm>>
    tpu.wait_indirect_dma semaphore(%arg18 : memref<!tpu.dma_semaphore, #tpu.memory_space<semaphore_mem>>) src(%dma_wait3A_345 : memref<50272x2048xf32, #tpu.memory_space<hbm>>) dst(%arg11 : memref<8x2048xf32, #tpu.memory_space<vmem>>)
    %dma_wait3A_346 = arith.constant 16 : i32
    %dma_wait3A_347 = tpu.memref_slice %arg7[%dma_wait3A_346] : memref<64xi32, #tpu.memory_space<vmem>> -> memref<8xi32, #tpu.memory_space<vmem>>
    %dma_wait3A_348 = arith.constant 0 : i32
    %dma_wait3A_349 = arith.constant 0 : i32
    %dma_wait3A_350 = tpu.memref_slice %arg4[%dma_wait3A_348, %dma_wait3A_349] : memref<2050x2048xf32, #tpu.memory_space<hbm>> -> memref<2050x2048xf32, #tpu.memory_space<hbm>>
    tpu.wait_indirect_dma semaphore(%arg25 : memref<!tpu.dma_semaphore, #tpu.memory_space<semaphore_mem>>) src(%dma_wait3A_350 : memref<2050x2048xf32, #tpu.memory_space<hbm>>) dst(%arg13 : memref<8x2048xf32, #tpu.memory_space<vmem>>)
    %parallel_loop3A_351 = arith.constant 0 : i32
    %parallel_loop3A_352 = arith.constant 1024 : i32
    %parallel_loop3A_353 = arith.constant 1 : i32
    scf.for %parallel_loop3A_975 = %parallel_loop3A_351 to %parallel_loop3A_352 step %parallel_loop3A_353  : i32 {
      %parallel_loop3A_976 = arith.constant 7 : i32
      %parallel_loop3A_977 = arith.shrui %parallel_loop3A_975, %parallel_loop3A_976 : i32
      %parallel_loop3A_978 = arith.constant 127 : i32
      %parallel_loop3A_979 = arith.andi %parallel_loop3A_975, %parallel_loop3A_978 : i32
      %parallel_loop3A_980 = arith.constant 16 : i32
      %parallel_loop3A_981 = arith.muli %parallel_loop3A_979, %parallel_loop3A_980 : i32
      %parallel_loop3A_982 = arith.index_cast %parallel_loop3A_977 : i32 to index
      %parallel_loop3A_983 = arith.index_cast %parallel_loop3A_981 : i32 to index
      %parallel_loop3A_984 = tpu.vector_load %arg13[%parallel_loop3A_982, %parallel_loop3A_983] {strides = array<i32>} : memref<8x2048xf32, #tpu.memory_space<vmem>>, vector<1x16xf32>,
      %parallel_loop3A_985 = vector.shape_cast %parallel_loop3A_984 : vector<1x16xf32> to vector<16xf32>
      %parallel_loop3A_986 = arith.index_cast %parallel_loop3A_977 : i32 to index
      %parallel_loop3A_987 = arith.index_cast %parallel_loop3A_981 : i32 to index
      %parallel_loop3A_988 = tpu.vector_load %arg11[%parallel_loop3A_986, %parallel_loop3A_987] {strides = array<i32>} : memref<8x2048xf32, #tpu.memory_space<vmem>>, vector<1x16xf32>,
      %parallel_loop3A_989 = vector.shape_cast %parallel_loop3A_988 : vector<1x16xf32> to vector<16xf32>
      %parallel_loop3A_990 = vector.shape_cast %parallel_loop3A_985 : vector<16xf32> to vector<1x16xf32>
      tpu.vector_store %arg11[%parallel_loop3A_986, %parallel_loop3A_987], %parallel_loop3A_990 {add = true, strides = array<i32>} : memref<8x2048xf32, #tpu.memory_space<vmem>>, vector<1x16xf32>,
    } {sc.loop_unroll_factor = 8 : i64, sc.parallel_access}
    %add3A_354 = arith.constant 0 : i32
    %add3A_355 = arith.addi %add3A_354, %mul3A_2 : i32
    %add3A_356 = arith.constant 16 : i32
    %add3A_357 = arith.addi %add3A_355, %add3A_356 : i32
    %dma_start3A_358 = arith.constant 0 : i32
    %dma_start3A_359 = tpu.memref_slice %arg5[%add3A_357, %dma_start3A_358] : memref<8192x2048xf32, #tpu.memory_space<hbm>> -> memref<8x2048xf32, #tpu.memory_space<hbm>>
    %dma_start3A_360 = arith.constant 0 : i32
    %dma_start3A_361 = tpu.memref_slice %arg5[%add3A_357, %dma_start3A_360] : memref<8192x2048xf32, #tpu.memory_space<hbm>> -> memref<8x2048xf32, #tpu.memory_space<hbm>>
    tpu.enqueue_dma source(%arg11 : memref<8x2048xf32, #tpu.memory_space<vmem>>) target(%dma_start3A_361 : memref<8x2048xf32, #tpu.memory_space<hbm>>) target_semaphore(%arg23 : memref<!tpu.dma_semaphore, #tpu.memory_space<semaphore_mem>>)
    %dma_wait3A_362 = arith.constant 0 : i32
    %dma_wait3A_363 = tpu.memref_slice %arg5[%add3A_322, %dma_wait3A_362] : memref<8192x2048xf32, #tpu.memory_space<hbm>> -> memref<8x2048xf32, #tpu.memory_space<hbm>>
    %dma_wait3A_364 = arith.constant 0 : i32
    %dma_wait3A_365 = tpu.memref_slice %arg5[%add3A_322, %dma_wait3A_364] : memref<8192x2048xf32, #tpu.memory_space<hbm>> -> memref<8x2048xf32, #tpu.memory_space<hbm>>
    tpu.wait_dma2 semaphore(%arg22 : memref<!tpu.dma_semaphore, #tpu.memory_space<semaphore_mem>>) src(%arg10 : memref<8x2048xf32, #tpu.memory_space<vmem>>) dst(%dma_wait3A_365 : memref<8x2048xf32, #tpu.memory_space<hbm>>)
    %dma_start3A_366 = arith.constant 24 : i32
    %dma_start3A_367 = tpu.memref_slice %arg6[%dma_start3A_366] : memref<256xi32, #tpu.memory_space<vmem>> -> memref<8xi32, #tpu.memory_space<vmem>>
    %dma_start3A_368 = arith.constant 0 : i32
    %dma_start3A_369 = arith.constant 0 : i32
    %dma_start3A_370 = tpu.memref_slice %arg3[%dma_start3A_368, %dma_start3A_369] : memref<50272x2048xf32, #tpu.memory_space<hbm>> -> memref<50272x2048xf32, #tpu.memory_space<hbm>>
    tpu.enqueue_indirect_dma source(%dma_start3A_370 : memref<50272x2048xf32, #tpu.memory_space<hbm>>) target(%arg10 : memref<8x2048xf32, #tpu.memory_space<vmem>>) offsets(%dma_start3A_367 : memref<8xi32, #tpu.memory_space<vmem>>) semaphore(%arg17 : memref<!tpu.dma_semaphore, #tpu.memory_space<semaphore_mem>>)
    %dma_wait3A_371 = arith.constant 80 : i32
    %dma_wait3A_372 = tpu.memref_slice %arg6[%dma_wait3A_371] : memref<256xi32, #tpu.memory_space<vmem>> -> memref<8xi32, #tpu.memory_space<vmem>>
    %dma_wait3A_373 = arith.constant 0 : i32
    %dma_wait3A_374 = arith.constant 0 : i32
    %dma_wait3A_375 = tpu.memref_slice %arg3[%dma_wait3A_373, %dma_wait3A_374] : memref<50272x2048xf32, #tpu.memory_space<hbm>> -> memref<50272x2048xf32, #tpu.memory_space<hbm>>
    tpu.wait_indirect_dma semaphore(%arg19 : memref<!tpu.dma_semaphore, #tpu.memory_space<semaphore_mem>>) src(%dma_wait3A_375 : memref<50272x2048xf32, #tpu.memory_space<hbm>>) dst(%arg12 : memref<8x2048xf32, #tpu.memory_space<vmem>>)
    %parallel_loop3A_376 = arith.constant 0 : i32
    %parallel_loop3A_377 = arith.constant 1024 : i32
    %parallel_loop3A_378 = arith.constant 1 : i32
    scf.for %parallel_loop3A_975 = %parallel_loop3A_376 to %parallel_loop3A_377 step %parallel_loop3A_378  : i32 {
      %parallel_loop3A_976 = arith.constant 7 : i32
      %parallel_loop3A_977 = arith.shrui %parallel_loop3A_975, %parallel_loop3A_976 : i32
      %parallel_loop3A_978 = arith.constant 127 : i32
      %parallel_loop3A_979 = arith.andi %parallel_loop3A_975, %parallel_loop3A_978 : i32
      %parallel_loop3A_980 = arith.constant 16 : i32
      %parallel_loop3A_981 = arith.muli %parallel_loop3A_979, %parallel_loop3A_980 : i32
      %parallel_loop3A_982 = arith.index_cast %parallel_loop3A_977 : i32 to index
      %parallel_loop3A_983 = arith.index_cast %parallel_loop3A_981 : i32 to index
      %parallel_loop3A_984 = tpu.vector_load %arg13[%parallel_loop3A_982, %parallel_loop3A_983] {strides = array<i32>} : memref<8x2048xf32, #tpu.memory_space<vmem>>, vector<1x16xf32>,
      %parallel_loop3A_985 = vector.shape_cast %parallel_loop3A_984 : vector<1x16xf32> to vector<16xf32>
      %parallel_loop3A_986 = arith.index_cast %parallel_loop3A_977 : i32 to index
      %parallel_loop3A_987 = arith.index_cast %parallel_loop3A_981 : i32 to index
      %parallel_loop3A_988 = tpu.vector_load %arg12[%parallel_loop3A_986, %parallel_loop3A_987] {strides = array<i32>} : memref<8x2048xf32, #tpu.memory_space<vmem>>, vector<1x16xf32>,
      %parallel_loop3A_989 = vector.shape_cast %parallel_loop3A_988 : vector<1x16xf32> to vector<16xf32>
      %parallel_loop3A_990 = vector.shape_cast %parallel_loop3A_985 : vector<16xf32> to vector<1x16xf32>
      tpu.vector_store %arg12[%parallel_loop3A_986, %parallel_loop3A_987], %parallel_loop3A_990 {add = true, strides = array<i32>} : memref<8x2048xf32, #tpu.memory_space<vmem>>, vector<1x16xf32>,
    } {sc.loop_unroll_factor = 8 : i64, sc.parallel_access}
    %add3A_379 = arith.constant 2048 : i32
    %add3A_380 = arith.addi %add3A_379, %mul3A_2 : i32
    %add3A_381 = arith.constant 16 : i32
    %add3A_382 = arith.addi %add3A_380, %add3A_381 : i32
    %dma_start3A_383 = arith.constant 0 : i32
    %dma_start3A_384 = tpu.memref_slice %arg5[%add3A_382, %dma_start3A_383] : memref<8192x2048xf32, #tpu.memory_space<hbm>> -> memref<8x2048xf32, #tpu.memory_space<hbm>>
    %dma_start3A_385 = arith.constant 0 : i32
    %dma_start3A_386 = tpu.memref_slice %arg5[%add3A_382, %dma_start3A_385] : memref<8192x2048xf32, #tpu.memory_space<hbm>> -> memref<8x2048xf32, #tpu.memory_space<hbm>>
    tpu.enqueue_dma source(%arg12 : memref<8x2048xf32, #tpu.memory_space<vmem>>) target(%dma_start3A_386 : memref<8x2048xf32, #tpu.memory_space<hbm>>) target_semaphore(%arg24 : memref<!tpu.dma_semaphore, #tpu.memory_space<semaphore_mem>>)
    %dma_wait3A_387 = arith.constant 0 : i32
    %dma_wait3A_388 = tpu.memref_slice %arg5[%add3A_357, %dma_wait3A_387] : memref<8192x2048xf32, #tpu.memory_space<hbm>> -> memref<8x2048xf32, #tpu.memory_space<hbm>>
    %dma_wait3A_389 = arith.constant 0 : i32
    %dma_wait3A_390 = tpu.memref_slice %arg5[%add3A_357, %dma_wait3A_389] : memref<8192x2048xf32, #tpu.memory_space<hbm>> -> memref<8x2048xf32, #tpu.memory_space<hbm>>
    tpu.wait_dma2 semaphore(%arg23 : memref<!tpu.dma_semaphore, #tpu.memory_space<semaphore_mem>>) src(%arg11 : memref<8x2048xf32, #tpu.memory_space<vmem>>) dst(%dma_wait3A_390 : memref<8x2048xf32, #tpu.memory_space<hbm>>)
    %dma_start3A_391 = arith.constant 88 : i32
    %dma_start3A_392 = tpu.memref_slice %arg6[%dma_start3A_391] : memref<256xi32, #tpu.memory_space<vmem>> -> memref<8xi32, #tpu.memory_space<vmem>>
    %dma_start3A_393 = arith.constant 0 : i32
    %dma_start3A_394 = arith.constant 0 : i32
    %dma_start3A_395 = tpu.memref_slice %arg3[%dma_start3A_393, %dma_start3A_394] : memref<50272x2048xf32, #tpu.memory_space<hbm>> -> memref<50272x2048xf32, #tpu.memory_space<hbm>>
    tpu.enqueue_indirect_dma source(%dma_start3A_395 : memref<50272x2048xf32, #tpu.memory_space<hbm>>) target(%arg11 : memref<8x2048xf32, #tpu.memory_space<vmem>>) offsets(%dma_start3A_392 : memref<8xi32, #tpu.memory_space<vmem>>) semaphore(%arg18 : memref<!tpu.dma_semaphore, #tpu.memory_space<semaphore_mem>>)
    %dma_wait3A_396 = arith.constant 144 : i32
    %dma_wait3A_397 = tpu.memref_slice %arg6[%dma_wait3A_396] : memref<256xi32, #tpu.memory_space<vmem>> -> memref<8xi32, #tpu.memory_space<vmem>>
    %dma_wait3A_398 = arith.constant 0 : i32
    %dma_wait3A_399 = arith.constant 0 : i32
    %dma_wait3A_400 = tpu.memref_slice %arg3[%dma_wait3A_398, %dma_wait3A_399] : memref<50272x2048xf32, #tpu.memory_space<hbm>> -> memref<50272x2048xf32, #tpu.memory_space<hbm>>
    tpu.wait_indirect_dma semaphore(%arg15 : memref<!tpu.dma_semaphore, #tpu.memory_space<semaphore_mem>>) src(%dma_wait3A_400 : memref<50272x2048xf32, #tpu.memory_space<hbm>>) dst(%arg8 : memref<8x2048xf32, #tpu.memory_space<vmem>>)
    %parallel_loop3A_401 = arith.constant 0 : i32
    %parallel_loop3A_402 = arith.constant 1024 : i32
    %parallel_loop3A_403 = arith.constant 1 : i32
    scf.for %parallel_loop3A_975 = %parallel_loop3A_401 to %parallel_loop3A_402 step %parallel_loop3A_403  : i32 {
      %parallel_loop3A_976 = arith.constant 7 : i32
      %parallel_loop3A_977 = arith.shrui %parallel_loop3A_975, %parallel_loop3A_976 : i32
      %parallel_loop3A_978 = arith.constant 127 : i32
      %parallel_loop3A_979 = arith.andi %parallel_loop3A_975, %parallel_loop3A_978 : i32
      %parallel_loop3A_980 = arith.constant 16 : i32
      %parallel_loop3A_981 = arith.muli %parallel_loop3A_979, %parallel_loop3A_980 : i32
      %parallel_loop3A_982 = arith.index_cast %parallel_loop3A_977 : i32 to index
      %parallel_loop3A_983 = arith.index_cast %parallel_loop3A_981 : i32 to index
      %parallel_loop3A_984 = tpu.vector_load %arg13[%parallel_loop3A_982, %parallel_loop3A_983] {strides = array<i32>} : memref<8x2048xf32, #tpu.memory_space<vmem>>, vector<1x16xf32>,
      %parallel_loop3A_985 = vector.shape_cast %parallel_loop3A_984 : vector<1x16xf32> to vector<16xf32>
      %parallel_loop3A_986 = arith.index_cast %parallel_loop3A_977 : i32 to index
      %parallel_loop3A_987 = arith.index_cast %parallel_loop3A_981 : i32 to index
      %parallel_loop3A_988 = tpu.vector_load %arg8[%parallel_loop3A_986, %parallel_loop3A_987] {strides = array<i32>} : memref<8x2048xf32, #tpu.memory_space<vmem>>, vector<1x16xf32>,
      %parallel_loop3A_989 = vector.shape_cast %parallel_loop3A_988 : vector<1x16xf32> to vector<16xf32>
      %parallel_loop3A_990 = vector.shape_cast %parallel_loop3A_985 : vector<16xf32> to vector<1x16xf32>
      tpu.vector_store %arg8[%parallel_loop3A_986, %parallel_loop3A_987], %parallel_loop3A_990 {add = true, strides = array<i32>} : memref<8x2048xf32, #tpu.memory_space<vmem>>, vector<1x16xf32>,
    } {sc.loop_unroll_factor = 8 : i64, sc.parallel_access}
    %add3A_404 = arith.constant 4096 : i32
    %add3A_405 = arith.addi %add3A_404, %mul3A_2 : i32
    %add3A_406 = arith.constant 16 : i32
    %add3A_407 = arith.addi %add3A_405, %add3A_406 : i32
    %dma_start3A_408 = arith.constant 0 : i32
    %dma_start3A_409 = tpu.memref_slice %arg5[%add3A_407, %dma_start3A_408] : memref<8192x2048xf32, #tpu.memory_space<hbm>> -> memref<8x2048xf32, #tpu.memory_space<hbm>>
    %dma_start3A_410 = arith.constant 0 : i32
    %dma_start3A_411 = tpu.memref_slice %arg5[%add3A_407, %dma_start3A_410] : memref<8192x2048xf32, #tpu.memory_space<hbm>> -> memref<8x2048xf32, #tpu.memory_space<hbm>>
    tpu.enqueue_dma source(%arg8 : memref<8x2048xf32, #tpu.memory_space<vmem>>) target(%dma_start3A_411 : memref<8x2048xf32, #tpu.memory_space<hbm>>) target_semaphore(%arg20 : memref<!tpu.dma_semaphore, #tpu.memory_space<semaphore_mem>>)
    %dma_wait3A_412 = arith.constant 0 : i32
    %dma_wait3A_413 = tpu.memref_slice %arg5[%add3A_382, %dma_wait3A_412] : memref<8192x2048xf32, #tpu.memory_space<hbm>> -> memref<8x2048xf32, #tpu.memory_space<hbm>>
    %dma_wait3A_414 = arith.constant 0 : i32
    %dma_wait3A_415 = tpu.memref_slice %arg5[%add3A_382, %dma_wait3A_414] : memref<8192x2048xf32, #tpu.memory_space<hbm>> -> memref<8x2048xf32, #tpu.memory_space<hbm>>
    tpu.wait_dma2 semaphore(%arg24 : memref<!tpu.dma_semaphore, #tpu.memory_space<semaphore_mem>>) src(%arg12 : memref<8x2048xf32, #tpu.memory_space<vmem>>) dst(%dma_wait3A_415 : memref<8x2048xf32, #tpu.memory_space<hbm>>)
    %dma_start3A_416 = arith.constant 152 : i32
    %dma_start3A_417 = tpu.memref_slice %arg6[%dma_start3A_416] : memref<256xi32, #tpu.memory_space<vmem>> -> memref<8xi32, #tpu.memory_space<vmem>>
    %dma_start3A_418 = arith.constant 0 : i32
    %dma_start3A_419 = arith.constant 0 : i32
    %dma_start3A_420 = tpu.memref_slice %arg3[%dma_start3A_418, %dma_start3A_419] : memref<50272x2048xf32, #tpu.memory_space<hbm>> -> memref<50272x2048xf32, #tpu.memory_space<hbm>>
    tpu.enqueue_indirect_dma source(%dma_start3A_420 : memref<50272x2048xf32, #tpu.memory_space<hbm>>) target(%arg12 : memref<8x2048xf32, #tpu.memory_space<vmem>>) offsets(%dma_start3A_417 : memref<8xi32, #tpu.memory_space<vmem>>) semaphore(%arg19 : memref<!tpu.dma_semaphore, #tpu.memory_space<semaphore_mem>>)
    %dma_wait3A_421 = arith.constant 208 : i32
    %dma_wait3A_422 = tpu.memref_slice %arg6[%dma_wait3A_421] : memref<256xi32, #tpu.memory_space<vmem>> -> memref<8xi32, #tpu.memory_space<vmem>>
    %dma_wait3A_423 = arith.constant 0 : i32
    %dma_wait3A_424 = arith.constant 0 : i32
    %dma_wait3A_425 = tpu.memref_slice %arg3[%dma_wait3A_423, %dma_wait3A_424] : memref<50272x2048xf32, #tpu.memory_space<hbm>> -> memref<50272x2048xf32, #tpu.memory_space<hbm>>
    tpu.wait_indirect_dma semaphore(%arg16 : memref<!tpu.dma_semaphore, #tpu.memory_space<semaphore_mem>>) src(%dma_wait3A_425 : memref<50272x2048xf32, #tpu.memory_space<hbm>>) dst(%arg9 : memref<8x2048xf32, #tpu.memory_space<vmem>>)
    %parallel_loop3A_426 = arith.constant 0 : i32
    %parallel_loop3A_427 = arith.constant 1024 : i32
    %parallel_loop3A_428 = arith.constant 1 : i32
    scf.for %parallel_loop3A_975 = %parallel_loop3A_426 to %parallel_loop3A_427 step %parallel_loop3A_428  : i32 {
      %parallel_loop3A_976 = arith.constant 7 : i32
      %parallel_loop3A_977 = arith.shrui %parallel_loop3A_975, %parallel_loop3A_976 : i32
      %parallel_loop3A_978 = arith.constant 127 : i32
      %parallel_loop3A_979 = arith.andi %parallel_loop3A_975, %parallel_loop3A_978 : i32
      %parallel_loop3A_980 = arith.constant 16 : i32
      %parallel_loop3A_981 = arith.muli %parallel_loop3A_979, %parallel_loop3A_980 : i32
      %parallel_loop3A_982 = arith.index_cast %parallel_loop3A_977 : i32 to index
      %parallel_loop3A_983 = arith.index_cast %parallel_loop3A_981 : i32 to index
      %parallel_loop3A_984 = tpu.vector_load %arg13[%parallel_loop3A_982, %parallel_loop3A_983] {strides = array<i32>} : memref<8x2048xf32, #tpu.memory_space<vmem>>, vector<1x16xf32>,
      %parallel_loop3A_985 = vector.shape_cast %parallel_loop3A_984 : vector<1x16xf32> to vector<16xf32>
      %parallel_loop3A_986 = arith.index_cast %parallel_loop3A_977 : i32 to index
      %parallel_loop3A_987 = arith.index_cast %parallel_loop3A_981 : i32 to index
      %parallel_loop3A_988 = tpu.vector_load %arg9[%parallel_loop3A_986, %parallel_loop3A_987] {strides = array<i32>} : memref<8x2048xf32, #tpu.memory_space<vmem>>, vector<1x16xf32>,
      %parallel_loop3A_989 = vector.shape_cast %parallel_loop3A_988 : vector<1x16xf32> to vector<16xf32>
      %parallel_loop3A_990 = vector.shape_cast %parallel_loop3A_985 : vector<16xf32> to vector<1x16xf32>
      tpu.vector_store %arg9[%parallel_loop3A_986, %parallel_loop3A_987], %parallel_loop3A_990 {add = true, strides = array<i32>} : memref<8x2048xf32, #tpu.memory_space<vmem>>, vector<1x16xf32>,
    } {sc.loop_unroll_factor = 8 : i64, sc.parallel_access}
    %add3A_429 = arith.constant 6144 : i32
    %add3A_430 = arith.addi %add3A_429, %mul3A_2 : i32
    %add3A_431 = arith.constant 16 : i32
    %add3A_432 = arith.addi %add3A_430, %add3A_431 : i32
    %dma_start3A_433 = arith.constant 0 : i32
    %dma_start3A_434 = tpu.memref_slice %arg5[%add3A_432, %dma_start3A_433] : memref<8192x2048xf32, #tpu.memory_space<hbm>> -> memref<8x2048xf32, #tpu.memory_space<hbm>>
    %dma_start3A_435 = arith.constant 0 : i32
    %dma_start3A_436 = tpu.memref_slice %arg5[%add3A_432, %dma_start3A_435] : memref<8192x2048xf32, #tpu.memory_space<hbm>> -> memref<8x2048xf32, #tpu.memory_space<hbm>>
    tpu.enqueue_dma source(%arg9 : memref<8x2048xf32, #tpu.memory_space<vmem>>) target(%dma_start3A_436 : memref<8x2048xf32, #tpu.memory_space<hbm>>) target_semaphore(%arg21 : memref<!tpu.dma_semaphore, #tpu.memory_space<semaphore_mem>>)
    %dma_start3A_437 = arith.constant 32 : i32
    %dma_start3A_438 = tpu.memref_slice %arg7[%dma_start3A_437] : memref<64xi32, #tpu.memory_space<vmem>> -> memref<8xi32, #tpu.memory_space<vmem>>
    %dma_start3A_439 = arith.constant 0 : i32
    %dma_start3A_440 = arith.constant 0 : i32
    %dma_start3A_441 = tpu.memref_slice %arg4[%dma_start3A_439, %dma_start3A_440] : memref<2050x2048xf32, #tpu.memory_space<hbm>> -> memref<2050x2048xf32, #tpu.memory_space<hbm>>
    tpu.enqueue_indirect_dma source(%dma_start3A_441 : memref<2050x2048xf32, #tpu.memory_space<hbm>>) target(%arg13 : memref<8x2048xf32, #tpu.memory_space<vmem>>) offsets(%dma_start3A_438 : memref<8xi32, #tpu.memory_space<vmem>>) semaphore(%arg25 : memref<!tpu.dma_semaphore, #tpu.memory_space<semaphore_mem>>)
    %dma_wait3A_442 = arith.constant 0 : i32
    %dma_wait3A_443 = tpu.memref_slice %arg5[%add3A_407, %dma_wait3A_442] : memref<8192x2048xf32, #tpu.memory_space<hbm>> -> memref<8x2048xf32, #tpu.memory_space<hbm>>
    %dma_wait3A_444 = arith.constant 0 : i32
    %dma_wait3A_445 = tpu.memref_slice %arg5[%add3A_407, %dma_wait3A_444] : memref<8192x2048xf32, #tpu.memory_space<hbm>> -> memref<8x2048xf32, #tpu.memory_space<hbm>>
    tpu.wait_dma2 semaphore(%arg20 : memref<!tpu.dma_semaphore, #tpu.memory_space<semaphore_mem>>) src(%arg8 : memref<8x2048xf32, #tpu.memory_space<vmem>>) dst(%dma_wait3A_445 : memref<8x2048xf32, #tpu.memory_space<hbm>>)
    %dma_start3A_446 = arith.constant 216 : i32
    %dma_start3A_447 = tpu.memref_slice %arg6[%dma_start3A_446] : memref<256xi32, #tpu.memory_space<vmem>> -> memref<8xi32, #tpu.memory_space<vmem>>
    %dma_start3A_448 = arith.constant 0 : i32
    %dma_start3A_449 = arith.constant 0 : i32
    %dma_start3A_450 = tpu.memref_slice %arg3[%dma_start3A_448, %dma_start3A_449] : memref<50272x2048xf32, #tpu.memory_space<hbm>> -> memref<50272x2048xf32, #tpu.memory_space<hbm>>
    tpu.enqueue_indirect_dma source(%dma_start3A_450 : memref<50272x2048xf32, #tpu.memory_space<hbm>>) target(%arg8 : memref<8x2048xf32, #tpu.memory_space<vmem>>) offsets(%dma_start3A_447 : memref<8xi32, #tpu.memory_space<vmem>>) semaphore(%arg15 : memref<!tpu.dma_semaphore, #tpu.memory_space<semaphore_mem>>)
    %dma_wait3A_451 = arith.constant 24 : i32
    %dma_wait3A_452 = tpu.memref_slice %arg6[%dma_wait3A_451] : memref<256xi32, #tpu.memory_space<vmem>> -> memref<8xi32, #tpu.memory_space<vmem>>
    %dma_wait3A_453 = arith.constant 0 : i32
    %dma_wait3A_454 = arith.constant 0 : i32
    %dma_wait3A_455 = tpu.memref_slice %arg3[%dma_wait3A_453, %dma_wait3A_454] : memref<50272x2048xf32, #tpu.memory_space<hbm>> -> memref<50272x2048xf32, #tpu.memory_space<hbm>>
    tpu.wait_indirect_dma semaphore(%arg17 : memref<!tpu.dma_semaphore, #tpu.memory_space<semaphore_mem>>) src(%dma_wait3A_455 : memref<50272x2048xf32, #tpu.memory_space<hbm>>) dst(%arg10 : memref<8x2048xf32, #tpu.memory_space<vmem>>)
    %dma_wait3A_456 = arith.constant 24 : i32
    %dma_wait3A_457 = tpu.memref_slice %arg7[%dma_wait3A_456] : memref<64xi32, #tpu.memory_space<vmem>> -> memref<8xi32, #tpu.memory_space<vmem>>
    %dma_wait3A_458 = arith.constant 0 : i32
    %dma_wait3A_459 = arith.constant 0 : i32
    %dma_wait3A_460 = tpu.memref_slice %arg4[%dma_wait3A_458, %dma_wait3A_459] : memref<2050x2048xf32, #tpu.memory_space<hbm>> -> memref<2050x2048xf32, #tpu.memory_space<hbm>>
    tpu.wait_indirect_dma semaphore(%arg26 : memref<!tpu.dma_semaphore, #tpu.memory_space<semaphore_mem>>) src(%dma_wait3A_460 : memref<2050x2048xf32, #tpu.memory_space<hbm>>) dst(%arg14 : memref<8x2048xf32, #tpu.memory_space<vmem>>)
    %parallel_loop3A_461 = arith.constant 0 : i32
    %parallel_loop3A_462 = arith.constant 1024 : i32
    %parallel_loop3A_463 = arith.constant 1 : i32
    scf.for %parallel_loop3A_975 = %parallel_loop3A_461 to %parallel_loop3A_462 step %parallel_loop3A_463  : i32 {
      %parallel_loop3A_976 = arith.constant 7 : i32
      %parallel_loop3A_977 = arith.shrui %parallel_loop3A_975, %parallel_loop3A_976 : i32
      %parallel_loop3A_978 = arith.constant 127 : i32
      %parallel_loop3A_979 = arith.andi %parallel_loop3A_975, %parallel_loop3A_978 : i32
      %parallel_loop3A_980 = arith.constant 16 : i32
      %parallel_loop3A_981 = arith.muli %parallel_loop3A_979, %parallel_loop3A_980 : i32
      %parallel_loop3A_982 = arith.index_cast %parallel_loop3A_977 : i32 to index
      %parallel_loop3A_983 = arith.index_cast %parallel_loop3A_981 : i32 to index
      %parallel_loop3A_984 = tpu.vector_load %arg14[%parallel_loop3A_982, %parallel_loop3A_983] {strides = array<i32>} : memref<8x2048xf32, #tpu.memory_space<vmem>>, vector<1x16xf32>,
      %parallel_loop3A_985 = vector.shape_cast %parallel_loop3A_984 : vector<1x16xf32> to vector<16xf32>
      %parallel_loop3A_986 = arith.index_cast %parallel_loop3A_977 : i32 to index
      %parallel_loop3A_987 = arith.index_cast %parallel_loop3A_981 : i32 to index
      %parallel_loop3A_988 = tpu.vector_load %arg10[%parallel_loop3A_986, %parallel_loop3A_987] {strides = array<i32>} : memref<8x2048xf32, #tpu.memory_space<vmem>>, vector<1x16xf32>,
      %parallel_loop3A_989 = vector.shape_cast %parallel_loop3A_988 : vector<1x16xf32> to vector<16xf32>
      %parallel_loop3A_990 = vector.shape_cast %parallel_loop3A_985 : vector<16xf32> to vector<1x16xf32>
      tpu.vector_store %arg10[%parallel_loop3A_986, %parallel_loop3A_987], %parallel_loop3A_990 {add = true, strides = array<i32>} : memref<8x2048xf32, #tpu.memory_space<vmem>>, vector<1x16xf32>,
    } {sc.loop_unroll_factor = 8 : i64, sc.parallel_access}
    %add3A_464 = arith.constant 0 : i32
    %add3A_465 = arith.addi %add3A_464, %mul3A_2 : i32
    %add3A_466 = arith.constant 24 : i32
    %add3A_467 = arith.addi %add3A_465, %add3A_466 : i32
    %dma_start3A_468 = arith.constant 0 : i32
    %dma_start3A_469 = tpu.memref_slice %arg5[%add3A_467, %dma_start3A_468] : memref<8192x2048xf32, #tpu.memory_space<hbm>> -> memref<8x2048xf32, #tpu.memory_space<hbm>>
    %dma_start3A_470 = arith.constant 0 : i32
    %dma_start3A_471 = tpu.memref_slice %arg5[%add3A_467, %dma_start3A_470] : memref<8192x2048xf32, #tpu.memory_space<hbm>> -> memref<8x2048xf32, #tpu.memory_space<hbm>>
    tpu.enqueue_dma source(%arg10 : memref<8x2048xf32, #tpu.memory_space<vmem>>) target(%dma_start3A_471 : memref<8x2048xf32, #tpu.memory_space<hbm>>) target_semaphore(%arg22 : memref<!tpu.dma_semaphore, #tpu.memory_space<semaphore_mem>>)
    %dma_wait3A_472 = arith.constant 0 : i32
    %dma_wait3A_473 = tpu.memref_slice %arg5[%add3A_432, %dma_wait3A_472] : memref<8192x2048xf32, #tpu.memory_space<hbm>> -> memref<8x2048xf32, #tpu.memory_space<hbm>>
    %dma_wait3A_474 = arith.constant 0 : i32
    %dma_wait3A_475 = tpu.memref_slice %arg5[%add3A_432, %dma_wait3A_474] : memref<8192x2048xf32, #tpu.memory_space<hbm>> -> memref<8x2048xf32, #tpu.memory_space<hbm>>
    tpu.wait_dma2 semaphore(%arg21 : memref<!tpu.dma_semaphore, #tpu.memory_space<semaphore_mem>>) src(%arg9 : memref<8x2048xf32, #tpu.memory_space<vmem>>) dst(%dma_wait3A_475 : memref<8x2048xf32, #tpu.memory_space<hbm>>)
    %dma_start3A_476 = arith.constant 32 : i32
    %dma_start3A_477 = tpu.memref_slice %arg6[%dma_start3A_476] : memref<256xi32, #tpu.memory_space<vmem>> -> memref<8xi32, #tpu.memory_space<vmem>>
    %dma_start3A_478 = arith.constant 0 : i32
    %dma_start3A_479 = arith.constant 0 : i32
    %dma_start3A_480 = tpu.memref_slice %arg3[%dma_start3A_478, %dma_start3A_479] : memref<50272x2048xf32, #tpu.memory_space<hbm>> -> memref<50272x2048xf32, #tpu.memory_space<hbm>>
    tpu.enqueue_indirect_dma source(%dma_start3A_480 : memref<50272x2048xf32, #tpu.memory_space<hbm>>) target(%arg9 : memref<8x2048xf32, #tpu.memory_space<vmem>>) offsets(%dma_start3A_477 : memref<8xi32, #tpu.memory_space<vmem>>) semaphore(%arg16 : memref<!tpu.dma_semaphore, #tpu.memory_space<semaphore_mem>>)
    %dma_wait3A_481 = arith.constant 88 : i32
    %dma_wait3A_482 = tpu.memref_slice %arg6[%dma_wait3A_481] : memref<256xi32, #tpu.memory_space<vmem>> -> memref<8xi32, #tpu.memory_space<vmem>>
    %dma_wait3A_483 = arith.constant 0 : i32
    %dma_wait3A_484 = arith.constant 0 : i32
    %dma_wait3A_485 = tpu.memref_slice %arg3[%dma_wait3A_483, %dma_wait3A_484] : memref<50272x2048xf32, #tpu.memory_space<hbm>> -> memref<50272x2048xf32, #tpu.memory_space<hbm>>
    tpu.wait_indirect_dma semaphore(%arg18 : memref<!tpu.dma_semaphore, #tpu.memory_space<semaphore_mem>>) src(%dma_wait3A_485 : memref<50272x2048xf32, #tpu.memory_space<hbm>>) dst(%arg11 : memref<8x2048xf32, #tpu.memory_space<vmem>>)
    %parallel_loop3A_486 = arith.constant 0 : i32
    %parallel_loop3A_487 = arith.constant 1024 : i32
    %parallel_loop3A_488 = arith.constant 1 : i32
    scf.for %parallel_loop3A_975 = %parallel_loop3A_486 to %parallel_loop3A_487 step %parallel_loop3A_488  : i32 {
      %parallel_loop3A_976 = arith.constant 7 : i32
      %parallel_loop3A_977 = arith.shrui %parallel_loop3A_975, %parallel_loop3A_976 : i32
      %parallel_loop3A_978 = arith.constant 127 : i32
      %parallel_loop3A_979 = arith.andi %parallel_loop3A_975, %parallel_loop3A_978 : i32
      %parallel_loop3A_980 = arith.constant 16 : i32
      %parallel_loop3A_981 = arith.muli %parallel_loop3A_979, %parallel_loop3A_980 : i32
      %parallel_loop3A_982 = arith.index_cast %parallel_loop3A_977 : i32 to index
      %parallel_loop3A_983 = arith.index_cast %parallel_loop3A_981 : i32 to index
      %parallel_loop3A_984 = tpu.vector_load %arg14[%parallel_loop3A_982, %parallel_loop3A_983] {strides = array<i32>} : memref<8x2048xf32, #tpu.memory_space<vmem>>, vector<1x16xf32>,
      %parallel_loop3A_985 = vector.shape_cast %parallel_loop3A_984 : vector<1x16xf32> to vector<16xf32>
      %parallel_loop3A_986 = arith.index_cast %parallel_loop3A_977 : i32 to index
      %parallel_loop3A_987 = arith.index_cast %parallel_loop3A_981 : i32 to index
      %parallel_loop3A_988 = tpu.vector_load %arg11[%parallel_loop3A_986, %parallel_loop3A_987] {strides = array<i32>} : memref<8x2048xf32, #tpu.memory_space<vmem>>, vector<1x16xf32>,
      %parallel_loop3A_989 = vector.shape_cast %parallel_loop3A_988 : vector<1x16xf32> to vector<16xf32>
      %parallel_loop3A_990 = vector.shape_cast %parallel_loop3A_985 : vector<16xf32> to vector<1x16xf32>
      tpu.vector_store %arg11[%parallel_loop3A_986, %parallel_loop3A_987], %parallel_loop3A_990 {add = true, strides = array<i32>} : memref<8x2048xf32, #tpu.memory_space<vmem>>, vector<1x16xf32>,
    } {sc.loop_unroll_factor = 8 : i64, sc.parallel_access}
    %add3A_489 = arith.constant 2048 : i32
    %add3A_490 = arith.addi %add3A_489, %mul3A_2 : i32
    %add3A_491 = arith.constant 24 : i32
    %add3A_492 = arith.addi %add3A_490, %add3A_491 : i32
    %dma_start3A_493 = arith.constant 0 : i32
    %dma_start3A_494 = tpu.memref_slice %arg5[%add3A_492, %dma_start3A_493] : memref<8192x2048xf32, #tpu.memory_space<hbm>> -> memref<8x2048xf32, #tpu.memory_space<hbm>>
    %dma_start3A_495 = arith.constant 0 : i32
    %dma_start3A_496 = tpu.memref_slice %arg5[%add3A_492, %dma_start3A_495] : memref<8192x2048xf32, #tpu.memory_space<hbm>> -> memref<8x2048xf32, #tpu.memory_space<hbm>>
    tpu.enqueue_dma source(%arg11 : memref<8x2048xf32, #tpu.memory_space<vmem>>) target(%dma_start3A_496 : memref<8x2048xf32, #tpu.memory_space<hbm>>) target_semaphore(%arg23 : memref<!tpu.dma_semaphore, #tpu.memory_space<semaphore_mem>>)
    %dma_wait3A_497 = arith.constant 0 : i32
    %dma_wait3A_498 = tpu.memref_slice %arg5[%add3A_467, %dma_wait3A_497] : memref<8192x2048xf32, #tpu.memory_space<hbm>> -> memref<8x2048xf32, #tpu.memory_space<hbm>>
    %dma_wait3A_499 = arith.constant 0 : i32
    %dma_wait3A_500 = tpu.memref_slice %arg5[%add3A_467, %dma_wait3A_499] : memref<8192x2048xf32, #tpu.memory_space<hbm>> -> memref<8x2048xf32, #tpu.memory_space<hbm>>
    tpu.wait_dma2 semaphore(%arg22 : memref<!tpu.dma_semaphore, #tpu.memory_space<semaphore_mem>>) src(%arg10 : memref<8x2048xf32, #tpu.memory_space<vmem>>) dst(%dma_wait3A_500 : memref<8x2048xf32, #tpu.memory_space<hbm>>)
    %dma_start3A_501 = arith.constant 96 : i32
    %dma_start3A_502 = tpu.memref_slice %arg6[%dma_start3A_501] : memref<256xi32, #tpu.memory_space<vmem>> -> memref<8xi32, #tpu.memory_space<vmem>>
    %dma_start3A_503 = arith.constant 0 : i32
    %dma_start3A_504 = arith.constant 0 : i32
    %dma_start3A_505 = tpu.memref_slice %arg3[%dma_start3A_503, %dma_start3A_504] : memref<50272x2048xf32, #tpu.memory_space<hbm>> -> memref<50272x2048xf32, #tpu.memory_space<hbm>>
    tpu.enqueue_indirect_dma source(%dma_start3A_505 : memref<50272x2048xf32, #tpu.memory_space<hbm>>) target(%arg10 : memref<8x2048xf32, #tpu.memory_space<vmem>>) offsets(%dma_start3A_502 : memref<8xi32, #tpu.memory_space<vmem>>) semaphore(%arg17 : memref<!tpu.dma_semaphore, #tpu.memory_space<semaphore_mem>>)
    %dma_wait3A_506 = arith.constant 152 : i32
    %dma_wait3A_507 = tpu.memref_slice %arg6[%dma_wait3A_506] : memref<256xi32, #tpu.memory_space<vmem>> -> memref<8xi32, #tpu.memory_space<vmem>>
    %dma_wait3A_508 = arith.constant 0 : i32
    %dma_wait3A_509 = arith.constant 0 : i32
    %dma_wait3A_510 = tpu.memref_slice %arg3[%dma_wait3A_508, %dma_wait3A_509] : memref<50272x2048xf32, #tpu.memory_space<hbm>> -> memref<50272x2048xf32, #tpu.memory_space<hbm>>
    tpu.wait_indirect_dma semaphore(%arg19 : memref<!tpu.dma_semaphore, #tpu.memory_space<semaphore_mem>>) src(%dma_wait3A_510 : memref<50272x2048xf32, #tpu.memory_space<hbm>>) dst(%arg12 : memref<8x2048xf32, #tpu.memory_space<vmem>>)
    %parallel_loop3A_511 = arith.constant 0 : i32
    %parallel_loop3A_512 = arith.constant 1024 : i32
    %parallel_loop3A_513 = arith.constant 1 : i32
    scf.for %parallel_loop3A_975 = %parallel_loop3A_511 to %parallel_loop3A_512 step %parallel_loop3A_513  : i32 {
      %parallel_loop3A_976 = arith.constant 7 : i32
      %parallel_loop3A_977 = arith.shrui %parallel_loop3A_975, %parallel_loop3A_976 : i32
      %parallel_loop3A_978 = arith.constant 127 : i32
      %parallel_loop3A_979 = arith.andi %parallel_loop3A_975, %parallel_loop3A_978 : i32
      %parallel_loop3A_980 = arith.constant 16 : i32
      %parallel_loop3A_981 = arith.muli %parallel_loop3A_979, %parallel_loop3A_980 : i32
      %parallel_loop3A_982 = arith.index_cast %parallel_loop3A_977 : i32 to index
      %parallel_loop3A_983 = arith.index_cast %parallel_loop3A_981 : i32 to index
      %parallel_loop3A_984 = tpu.vector_load %arg14[%parallel_loop3A_982, %parallel_loop3A_983] {strides = array<i32>} : memref<8x2048xf32, #tpu.memory_space<vmem>>, vector<1x16xf32>,
      %parallel_loop3A_985 = vector.shape_cast %parallel_loop3A_984 : vector<1x16xf32> to vector<16xf32>
      %parallel_loop3A_986 = arith.index_cast %parallel_loop3A_977 : i32 to index
      %parallel_loop3A_987 = arith.index_cast %parallel_loop3A_981 : i32 to index
      %parallel_loop3A_988 = tpu.vector_load %arg12[%parallel_loop3A_986, %parallel_loop3A_987] {strides = array<i32>} : memref<8x2048xf32, #tpu.memory_space<vmem>>, vector<1x16xf32>,
      %parallel_loop3A_989 = vector.shape_cast %parallel_loop3A_988 : vector<1x16xf32> to vector<16xf32>
      %parallel_loop3A_990 = vector.shape_cast %parallel_loop3A_985 : vector<16xf32> to vector<1x16xf32>
      tpu.vector_store %arg12[%parallel_loop3A_986, %parallel_loop3A_987], %parallel_loop3A_990 {add = true, strides = array<i32>} : memref<8x2048xf32, #tpu.memory_space<vmem>>, vector<1x16xf32>,
    } {sc.loop_unroll_factor = 8 : i64, sc.parallel_access}
    %add3A_514 = arith.constant 4096 : i32
    %add3A_515 = arith.addi %add3A_514, %mul3A_2 : i32
    %add3A_516 = arith.constant 24 : i32
    %add3A_517 = arith.addi %add3A_515, %add3A_516 : i32
    %dma_start3A_518 = arith.constant 0 : i32
    %dma_start3A_519 = tpu.memref_slice %arg5[%add3A_517, %dma_start3A_518] : memref<8192x2048xf32, #tpu.memory_space<hbm>> -> memref<8x2048xf32, #tpu.memory_space<hbm>>
    %dma_start3A_520 = arith.constant 0 : i32
    %dma_start3A_521 = tpu.memref_slice %arg5[%add3A_517, %dma_start3A_520] : memref<8192x2048xf32, #tpu.memory_space<hbm>> -> memref<8x2048xf32, #tpu.memory_space<hbm>>
    tpu.enqueue_dma source(%arg12 : memref<8x2048xf32, #tpu.memory_space<vmem>>) target(%dma_start3A_521 : memref<8x2048xf32, #tpu.memory_space<hbm>>) target_semaphore(%arg24 : memref<!tpu.dma_semaphore, #tpu.memory_space<semaphore_mem>>)
    %dma_wait3A_522 = arith.constant 0 : i32
    %dma_wait3A_523 = tpu.memref_slice %arg5[%add3A_492, %dma_wait3A_522] : memref<8192x2048xf32, #tpu.memory_space<hbm>> -> memref<8x2048xf32, #tpu.memory_space<hbm>>
    %dma_wait3A_524 = arith.constant 0 : i32
    %dma_wait3A_525 = tpu.memref_slice %arg5[%add3A_492, %dma_wait3A_524] : memref<8192x2048xf32, #tpu.memory_space<hbm>> -> memref<8x2048xf32, #tpu.memory_space<hbm>>
    tpu.wait_dma2 semaphore(%arg23 : memref<!tpu.dma_semaphore, #tpu.memory_space<semaphore_mem>>) src(%arg11 : memref<8x2048xf32, #tpu.memory_space<vmem>>) dst(%dma_wait3A_525 : memref<8x2048xf32, #tpu.memory_space<hbm>>)
    %dma_start3A_526 = arith.constant 160 : i32
    %dma_start3A_527 = tpu.memref_slice %arg6[%dma_start3A_526] : memref<256xi32, #tpu.memory_space<vmem>> -> memref<8xi32, #tpu.memory_space<vmem>>
    %dma_start3A_528 = arith.constant 0 : i32
    %dma_start3A_529 = arith.constant 0 : i32
    %dma_start3A_530 = tpu.memref_slice %arg3[%dma_start3A_528, %dma_start3A_529] : memref<50272x2048xf32, #tpu.memory_space<hbm>> -> memref<50272x2048xf32, #tpu.memory_space<hbm>>
    tpu.enqueue_indirect_dma source(%dma_start3A_530 : memref<50272x2048xf32, #tpu.memory_space<hbm>>) target(%arg11 : memref<8x2048xf32, #tpu.memory_space<vmem>>) offsets(%dma_start3A_527 : memref<8xi32, #tpu.memory_space<vmem>>) semaphore(%arg18 : memref<!tpu.dma_semaphore, #tpu.memory_space<semaphore_mem>>)
    %dma_wait3A_531 = arith.constant 216 : i32
    %dma_wait3A_532 = tpu.memref_slice %arg6[%dma_wait3A_531] : memref<256xi32, #tpu.memory_space<vmem>> -> memref<8xi32, #tpu.memory_space<vmem>>
    %dma_wait3A_533 = arith.constant 0 : i32
    %dma_wait3A_534 = arith.constant 0 : i32
    %dma_wait3A_535 = tpu.memref_slice %arg3[%dma_wait3A_533, %dma_wait3A_534] : memref<50272x2048xf32, #tpu.memory_space<hbm>> -> memref<50272x2048xf32, #tpu.memory_space<hbm>>
    tpu.wait_indirect_dma semaphore(%arg15 : memref<!tpu.dma_semaphore, #tpu.memory_space<semaphore_mem>>) src(%dma_wait3A_535 : memref<50272x2048xf32, #tpu.memory_space<hbm>>) dst(%arg8 : memref<8x2048xf32, #tpu.memory_space<vmem>>)
    %parallel_loop3A_536 = arith.constant 0 : i32
    %parallel_loop3A_537 = arith.constant 1024 : i32
    %parallel_loop3A_538 = arith.constant 1 : i32
    scf.for %parallel_loop3A_975 = %parallel_loop3A_536 to %parallel_loop3A_537 step %parallel_loop3A_538  : i32 {
      %parallel_loop3A_976 = arith.constant 7 : i32
      %parallel_loop3A_977 = arith.shrui %parallel_loop3A_975, %parallel_loop3A_976 : i32
      %parallel_loop3A_978 = arith.constant 127 : i32
      %parallel_loop3A_979 = arith.andi %parallel_loop3A_975, %parallel_loop3A_978 : i32
      %parallel_loop3A_980 = arith.constant 16 : i32
      %parallel_loop3A_981 = arith.muli %parallel_loop3A_979, %parallel_loop3A_980 : i32
      %parallel_loop3A_982 = arith.index_cast %parallel_loop3A_977 : i32 to index
      %parallel_loop3A_983 = arith.index_cast %parallel_loop3A_981 : i32 to index
      %parallel_loop3A_984 = tpu.vector_load %arg14[%parallel_loop3A_982, %parallel_loop3A_983] {strides = array<i32>} : memref<8x2048xf32, #tpu.memory_space<vmem>>, vector<1x16xf32>,
      %parallel_loop3A_985 = vector.shape_cast %parallel_loop3A_984 : vector<1x16xf32> to vector<16xf32>
      %parallel_loop3A_986 = arith.index_cast %parallel_loop3A_977 : i32 to index
      %parallel_loop3A_987 = arith.index_cast %parallel_loop3A_981 : i32 to index
      %parallel_loop3A_988 = tpu.vector_load %arg8[%parallel_loop3A_986, %parallel_loop3A_987] {strides = array<i32>} : memref<8x2048xf32, #tpu.memory_space<vmem>>, vector<1x16xf32>,
      %parallel_loop3A_989 = vector.shape_cast %parallel_loop3A_988 : vector<1x16xf32> to vector<16xf32>
      %parallel_loop3A_990 = vector.shape_cast %parallel_loop3A_985 : vector<16xf32> to vector<1x16xf32>
      tpu.vector_store %arg8[%parallel_loop3A_986, %parallel_loop3A_987], %parallel_loop3A_990 {add = true, strides = array<i32>} : memref<8x2048xf32, #tpu.memory_space<vmem>>, vector<1x16xf32>,
    } {sc.loop_unroll_factor = 8 : i64, sc.parallel_access}
    %add3A_539 = arith.constant 6144 : i32
    %add3A_540 = arith.addi %add3A_539, %mul3A_2 : i32
    %add3A_541 = arith.constant 24 : i32
    %add3A_542 = arith.addi %add3A_540, %add3A_541 : i32
    %dma_start3A_543 = arith.constant 0 : i32
    %dma_start3A_544 = tpu.memref_slice %arg5[%add3A_542, %dma_start3A_543] : memref<8192x2048xf32, #tpu.memory_space<hbm>> -> memref<8x2048xf32, #tpu.memory_space<hbm>>
    %dma_start3A_545 = arith.constant 0 : i32
    %dma_start3A_546 = tpu.memref_slice %arg5[%add3A_542, %dma_start3A_545] : memref<8192x2048xf32, #tpu.memory_space<hbm>> -> memref<8x2048xf32, #tpu.memory_space<hbm>>
    tpu.enqueue_dma source(%arg8 : memref<8x2048xf32, #tpu.memory_space<vmem>>) target(%dma_start3A_546 : memref<8x2048xf32, #tpu.memory_space<hbm>>) target_semaphore(%arg20 : memref<!tpu.dma_semaphore, #tpu.memory_space<semaphore_mem>>)
    %dma_start3A_547 = arith.constant 40 : i32
    %dma_start3A_548 = tpu.memref_slice %arg7[%dma_start3A_547] : memref<64xi32, #tpu.memory_space<vmem>> -> memref<8xi32, #tpu.memory_space<vmem>>
    %dma_start3A_549 = arith.constant 0 : i32
    %dma_start3A_550 = arith.constant 0 : i32
    %dma_start3A_551 = tpu.memref_slice %arg4[%dma_start3A_549, %dma_start3A_550] : memref<2050x2048xf32, #tpu.memory_space<hbm>> -> memref<2050x2048xf32, #tpu.memory_space<hbm>>
    tpu.enqueue_indirect_dma source(%dma_start3A_551 : memref<2050x2048xf32, #tpu.memory_space<hbm>>) target(%arg14 : memref<8x2048xf32, #tpu.memory_space<vmem>>) offsets(%dma_start3A_548 : memref<8xi32, #tpu.memory_space<vmem>>) semaphore(%arg26 : memref<!tpu.dma_semaphore, #tpu.memory_space<semaphore_mem>>)
    %dma_wait3A_552 = arith.constant 0 : i32
    %dma_wait3A_553 = tpu.memref_slice %arg5[%add3A_517, %dma_wait3A_552] : memref<8192x2048xf32, #tpu.memory_space<hbm>> -> memref<8x2048xf32, #tpu.memory_space<hbm>>
    %dma_wait3A_554 = arith.constant 0 : i32
    %dma_wait3A_555 = tpu.memref_slice %arg5[%add3A_517, %dma_wait3A_554] : memref<8192x2048xf32, #tpu.memory_space<hbm>> -> memref<8x2048xf32, #tpu.memory_space<hbm>>
    tpu.wait_dma2 semaphore(%arg24 : memref<!tpu.dma_semaphore, #tpu.memory_space<semaphore_mem>>) src(%arg12 : memref<8x2048xf32, #tpu.memory_space<vmem>>) dst(%dma_wait3A_555 : memref<8x2048xf32, #tpu.memory_space<hbm>>)
    %dma_start3A_556 = arith.constant 224 : i32
    %dma_start3A_557 = tpu.memref_slice %arg6[%dma_start3A_556] : memref<256xi32, #tpu.memory_space<vmem>> -> memref<8xi32, #tpu.memory_space<vmem>>
    %dma_start3A_558 = arith.constant 0 : i32
    %dma_start3A_559 = arith.constant 0 : i32
    %dma_start3A_560 = tpu.memref_slice %arg3[%dma_start3A_558, %dma_start3A_559] : memref<50272x2048xf32, #tpu.memory_space<hbm>> -> memref<50272x2048xf32, #tpu.memory_space<hbm>>
    tpu.enqueue_indirect_dma source(%dma_start3A_560 : memref<50272x2048xf32, #tpu.memory_space<hbm>>) target(%arg12 : memref<8x2048xf32, #tpu.memory_space<vmem>>) offsets(%dma_start3A_557 : memref<8xi32, #tpu.memory_space<vmem>>) semaphore(%arg19 : memref<!tpu.dma_semaphore, #tpu.memory_space<semaphore_mem>>)
    %dma_wait3A_561 = arith.constant 32 : i32
    %dma_wait3A_562 = tpu.memref_slice %arg6[%dma_wait3A_561] : memref<256xi32, #tpu.memory_space<vmem>> -> memref<8xi32, #tpu.memory_space<vmem>>
    %dma_wait3A_563 = arith.constant 0 : i32
    %dma_wait3A_564 = arith.constant 0 : i32
    %dma_wait3A_565 = tpu.memref_slice %arg3[%dma_wait3A_563, %dma_wait3A_564] : memref<50272x2048xf32, #tpu.memory_space<hbm>> -> memref<50272x2048xf32, #tpu.memory_space<hbm>>
    tpu.wait_indirect_dma semaphore(%arg16 : memref<!tpu.dma_semaphore, #tpu.memory_space<semaphore_mem>>) src(%dma_wait3A_565 : memref<50272x2048xf32, #tpu.memory_space<hbm>>) dst(%arg9 : memref<8x2048xf32, #tpu.memory_space<vmem>>)
    %dma_wait3A_566 = arith.constant 32 : i32
    %dma_wait3A_567 = tpu.memref_slice %arg7[%dma_wait3A_566] : memref<64xi32, #tpu.memory_space<vmem>> -> memref<8xi32, #tpu.memory_space<vmem>>
    %dma_wait3A_568 = arith.constant 0 : i32
    %dma_wait3A_569 = arith.constant 0 : i32
    %dma_wait3A_570 = tpu.memref_slice %arg4[%dma_wait3A_568, %dma_wait3A_569] : memref<2050x2048xf32, #tpu.memory_space<hbm>> -> memref<2050x2048xf32, #tpu.memory_space<hbm>>
    tpu.wait_indirect_dma semaphore(%arg25 : memref<!tpu.dma_semaphore, #tpu.memory_space<semaphore_mem>>) src(%dma_wait3A_570 : memref<2050x2048xf32, #tpu.memory_space<hbm>>) dst(%arg13 : memref<8x2048xf32, #tpu.memory_space<vmem>>)
    %parallel_loop3A_571 = arith.constant 0 : i32
    %parallel_loop3A_572 = arith.constant 1024 : i32
    %parallel_loop3A_573 = arith.constant 1 : i32
    scf.for %parallel_loop3A_975 = %parallel_loop3A_571 to %parallel_loop3A_572 step %parallel_loop3A_573  : i32 {
      %parallel_loop3A_976 = arith.constant 7 : i32
      %parallel_loop3A_977 = arith.shrui %parallel_loop3A_975, %parallel_loop3A_976 : i32
      %parallel_loop3A_978 = arith.constant 127 : i32
      %parallel_loop3A_979 = arith.andi %parallel_loop3A_975, %parallel_loop3A_978 : i32
      %parallel_loop3A_980 = arith.constant 16 : i32
      %parallel_loop3A_981 = arith.muli %parallel_loop3A_979, %parallel_loop3A_980 : i32
      %parallel_loop3A_982 = arith.index_cast %parallel_loop3A_977 : i32 to index
      %parallel_loop3A_983 = arith.index_cast %parallel_loop3A_981 : i32 to index
      %parallel_loop3A_984 = tpu.vector_load %arg13[%parallel_loop3A_982, %parallel_loop3A_983] {strides = array<i32>} : memref<8x2048xf32, #tpu.memory_space<vmem>>, vector<1x16xf32>,
      %parallel_loop3A_985 = vector.shape_cast %parallel_loop3A_984 : vector<1x16xf32> to vector<16xf32>
      %parallel_loop3A_986 = arith.index_cast %parallel_loop3A_977 : i32 to index
      %parallel_loop3A_987 = arith.index_cast %parallel_loop3A_981 : i32 to index
      %parallel_loop3A_988 = tpu.vector_load %arg9[%parallel_loop3A_986, %parallel_loop3A_987] {strides = array<i32>} : memref<8x2048xf32, #tpu.memory_space<vmem>>, vector<1x16xf32>,
      %parallel_loop3A_989 = vector.shape_cast %parallel_loop3A_988 : vector<1x16xf32> to vector<16xf32>
      %parallel_loop3A_990 = vector.shape_cast %parallel_loop3A_985 : vector<16xf32> to vector<1x16xf32>
      tpu.vector_store %arg9[%parallel_loop3A_986, %parallel_loop3A_987], %parallel_loop3A_990 {add = true, strides = array<i32>} : memref<8x2048xf32, #tpu.memory_space<vmem>>, vector<1x16xf32>,
    } {sc.loop_unroll_factor = 8 : i64, sc.parallel_access}
    %add3A_574 = arith.constant 0 : i32
    %add3A_575 = arith.addi %add3A_574, %mul3A_2 : i32
    %add3A_576 = arith.constant 32 : i32
    %add3A_577 = arith.addi %add3A_575, %add3A_576 : i32
    %dma_start3A_578 = arith.constant 0 : i32
    %dma_start3A_579 = tpu.memref_slice %arg5[%add3A_577, %dma_start3A_578] : memref<8192x2048xf32, #tpu.memory_space<hbm>> -> memref<8x2048xf32, #tpu.memory_space<hbm>>
    %dma_start3A_580 = arith.constant 0 : i32
    %dma_start3A_581 = tpu.memref_slice %arg5[%add3A_577, %dma_start3A_580] : memref<8192x2048xf32, #tpu.memory_space<hbm>> -> memref<8x2048xf32, #tpu.memory_space<hbm>>
    tpu.enqueue_dma source(%arg9 : memref<8x2048xf32, #tpu.memory_space<vmem>>) target(%dma_start3A_581 : memref<8x2048xf32, #tpu.memory_space<hbm>>) target_semaphore(%arg21 : memref<!tpu.dma_semaphore, #tpu.memory_space<semaphore_mem>>)
    %dma_wait3A_582 = arith.constant 0 : i32
    %dma_wait3A_583 = tpu.memref_slice %arg5[%add3A_542, %dma_wait3A_582] : memref<8192x2048xf32, #tpu.memory_space<hbm>> -> memref<8x2048xf32, #tpu.memory_space<hbm>>
    %dma_wait3A_584 = arith.constant 0 : i32
    %dma_wait3A_585 = tpu.memref_slice %arg5[%add3A_542, %dma_wait3A_584] : memref<8192x2048xf32, #tpu.memory_space<hbm>> -> memref<8x2048xf32, #tpu.memory_space<hbm>>
    tpu.wait_dma2 semaphore(%arg20 : memref<!tpu.dma_semaphore, #tpu.memory_space<semaphore_mem>>) src(%arg8 : memref<8x2048xf32, #tpu.memory_space<vmem>>) dst(%dma_wait3A_585 : memref<8x2048xf32, #tpu.memory_space<hbm>>)
    %dma_start3A_586 = arith.constant 40 : i32
    %dma_start3A_587 = tpu.memref_slice %arg6[%dma_start3A_586] : memref<256xi32, #tpu.memory_space<vmem>> -> memref<8xi32, #tpu.memory_space<vmem>>
    %dma_start3A_588 = arith.constant 0 : i32
    %dma_start3A_589 = arith.constant 0 : i32
    %dma_start3A_590 = tpu.memref_slice %arg3[%dma_start3A_588, %dma_start3A_589] : memref<50272x2048xf32, #tpu.memory_space<hbm>> -> memref<50272x2048xf32, #tpu.memory_space<hbm>>
    tpu.enqueue_indirect_dma source(%dma_start3A_590 : memref<50272x2048xf32, #tpu.memory_space<hbm>>) target(%arg8 : memref<8x2048xf32, #tpu.memory_space<vmem>>) offsets(%dma_start3A_587 : memref<8xi32, #tpu.memory_space<vmem>>) semaphore(%arg15 : memref<!tpu.dma_semaphore, #tpu.memory_space<semaphore_mem>>)
    %dma_wait3A_591 = arith.constant 96 : i32
    %dma_wait3A_592 = tpu.memref_slice %arg6[%dma_wait3A_591] : memref<256xi32, #tpu.memory_space<vmem>> -> memref<8xi32, #tpu.memory_space<vmem>>
    %dma_wait3A_593 = arith.constant 0 : i32
    %dma_wait3A_594 = arith.constant 0 : i32
    %dma_wait3A_595 = tpu.memref_slice %arg3[%dma_wait3A_593, %dma_wait3A_594] : memref<50272x2048xf32, #tpu.memory_space<hbm>> -> memref<50272x2048xf32, #tpu.memory_space<hbm>>
    tpu.wait_indirect_dma semaphore(%arg17 : memref<!tpu.dma_semaphore, #tpu.memory_space<semaphore_mem>>) src(%dma_wait3A_595 : memref<50272x2048xf32, #tpu.memory_space<hbm>>) dst(%arg10 : memref<8x2048xf32, #tpu.memory_space<vmem>>)
    %parallel_loop3A_596 = arith.constant 0 : i32
    %parallel_loop3A_597 = arith.constant 1024 : i32
    %parallel_loop3A_598 = arith.constant 1 : i32
    scf.for %parallel_loop3A_975 = %parallel_loop3A_596 to %parallel_loop3A_597 step %parallel_loop3A_598  : i32 {
      %parallel_loop3A_976 = arith.constant 7 : i32
      %parallel_loop3A_977 = arith.shrui %parallel_loop3A_975, %parallel_loop3A_976 : i32
      %parallel_loop3A_978 = arith.constant 127 : i32
      %parallel_loop3A_979 = arith.andi %parallel_loop3A_975, %parallel_loop3A_978 : i32
      %parallel_loop3A_980 = arith.constant 16 : i32
      %parallel_loop3A_981 = arith.muli %parallel_loop3A_979, %parallel_loop3A_980 : i32
      %parallel_loop3A_982 = arith.index_cast %parallel_loop3A_977 : i32 to index
      %parallel_loop3A_983 = arith.index_cast %parallel_loop3A_981 : i32 to index
      %parallel_loop3A_984 = tpu.vector_load %arg13[%parallel_loop3A_982, %parallel_loop3A_983] {strides = array<i32>} : memref<8x2048xf32, #tpu.memory_space<vmem>>, vector<1x16xf32>,
      %parallel_loop3A_985 = vector.shape_cast %parallel_loop3A_984 : vector<1x16xf32> to vector<16xf32>
      %parallel_loop3A_986 = arith.index_cast %parallel_loop3A_977 : i32 to index
      %parallel_loop3A_987 = arith.index_cast %parallel_loop3A_981 : i32 to index
      %parallel_loop3A_988 = tpu.vector_load %arg10[%parallel_loop3A_986, %parallel_loop3A_987] {strides = array<i32>} : memref<8x2048xf32, #tpu.memory_space<vmem>>, vector<1x16xf32>,
      %parallel_loop3A_989 = vector.shape_cast %parallel_loop3A_988 : vector<1x16xf32> to vector<16xf32>
      %parallel_loop3A_990 = vector.shape_cast %parallel_loop3A_985 : vector<16xf32> to vector<1x16xf32>
      tpu.vector_store %arg10[%parallel_loop3A_986, %parallel_loop3A_987], %parallel_loop3A_990 {add = true, strides = array<i32>} : memref<8x2048xf32, #tpu.memory_space<vmem>>, vector<1x16xf32>,
    } {sc.loop_unroll_factor = 8 : i64, sc.parallel_access}
    %add3A_599 = arith.constant 2048 : i32
    %add3A_600 = arith.addi %add3A_599, %mul3A_2 : i32
    %add3A_601 = arith.constant 32 : i32
    %add3A_602 = arith.addi %add3A_600, %add3A_601 : i32
    %dma_start3A_603 = arith.constant 0 : i32
    %dma_start3A_604 = tpu.memref_slice %arg5[%add3A_602, %dma_start3A_603] : memref<8192x2048xf32, #tpu.memory_space<hbm>> -> memref<8x2048xf32, #tpu.memory_space<hbm>>
    %dma_start3A_605 = arith.constant 0 : i32
    %dma_start3A_606 = tpu.memref_slice %arg5[%add3A_602, %dma_start3A_605] : memref<8192x2048xf32, #tpu.memory_space<hbm>> -> memref<8x2048xf32, #tpu.memory_space<hbm>>
    tpu.enqueue_dma source(%arg10 : memref<8x2048xf32, #tpu.memory_space<vmem>>) target(%dma_start3A_606 : memref<8x2048xf32, #tpu.memory_space<hbm>>) target_semaphore(%arg22 : memref<!tpu.dma_semaphore, #tpu.memory_space<semaphore_mem>>)
    %dma_wait3A_607 = arith.constant 0 : i32
    %dma_wait3A_608 = tpu.memref_slice %arg5[%add3A_577, %dma_wait3A_607] : memref<8192x2048xf32, #tpu.memory_space<hbm>> -> memref<8x2048xf32, #tpu.memory_space<hbm>>
    %dma_wait3A_609 = arith.constant 0 : i32
    %dma_wait3A_610 = tpu.memref_slice %arg5[%add3A_577, %dma_wait3A_609] : memref<8192x2048xf32, #tpu.memory_space<hbm>> -> memref<8x2048xf32, #tpu.memory_space<hbm>>
    tpu.wait_dma2 semaphore(%arg21 : memref<!tpu.dma_semaphore, #tpu.memory_space<semaphore_mem>>) src(%arg9 : memref<8x2048xf32, #tpu.memory_space<vmem>>) dst(%dma_wait3A_610 : memref<8x2048xf32, #tpu.memory_space<hbm>>)
    %dma_start3A_611 = arith.constant 104 : i32
    %dma_start3A_612 = tpu.memref_slice %arg6[%dma_start3A_611] : memref<256xi32, #tpu.memory_space<vmem>> -> memref<8xi32, #tpu.memory_space<vmem>>
    %dma_start3A_613 = arith.constant 0 : i32
    %dma_start3A_614 = arith.constant 0 : i32
    %dma_start3A_615 = tpu.memref_slice %arg3[%dma_start3A_613, %dma_start3A_614] : memref<50272x2048xf32, #tpu.memory_space<hbm>> -> memref<50272x2048xf32, #tpu.memory_space<hbm>>
    tpu.enqueue_indirect_dma source(%dma_start3A_615 : memref<50272x2048xf32, #tpu.memory_space<hbm>>) target(%arg9 : memref<8x2048xf32, #tpu.memory_space<vmem>>) offsets(%dma_start3A_612 : memref<8xi32, #tpu.memory_space<vmem>>) semaphore(%arg16 : memref<!tpu.dma_semaphore, #tpu.memory_space<semaphore_mem>>)
    %dma_wait3A_616 = arith.constant 160 : i32
    %dma_wait3A_617 = tpu.memref_slice %arg6[%dma_wait3A_616] : memref<256xi32, #tpu.memory_space<vmem>> -> memref<8xi32, #tpu.memory_space<vmem>>
    %dma_wait3A_618 = arith.constant 0 : i32
    %dma_wait3A_619 = arith.constant 0 : i32
    %dma_wait3A_620 = tpu.memref_slice %arg3[%dma_wait3A_618, %dma_wait3A_619] : memref<50272x2048xf32, #tpu.memory_space<hbm>> -> memref<50272x2048xf32, #tpu.memory_space<hbm>>
    tpu.wait_indirect_dma semaphore(%arg18 : memref<!tpu.dma_semaphore, #tpu.memory_space<semaphore_mem>>) src(%dma_wait3A_620 : memref<50272x2048xf32, #tpu.memory_space<hbm>>) dst(%arg11 : memref<8x2048xf32, #tpu.memory_space<vmem>>)
    %parallel_loop3A_621 = arith.constant 0 : i32
    %parallel_loop3A_622 = arith.constant 1024 : i32
    %parallel_loop3A_623 = arith.constant 1 : i32
    scf.for %parallel_loop3A_975 = %parallel_loop3A_621 to %parallel_loop3A_622 step %parallel_loop3A_623  : i32 {
      %parallel_loop3A_976 = arith.constant 7 : i32
      %parallel_loop3A_977 = arith.shrui %parallel_loop3A_975, %parallel_loop3A_976 : i32
      %parallel_loop3A_978 = arith.constant 127 : i32
      %parallel_loop3A_979 = arith.andi %parallel_loop3A_975, %parallel_loop3A_978 : i32
      %parallel_loop3A_980 = arith.constant 16 : i32
      %parallel_loop3A_981 = arith.muli %parallel_loop3A_979, %parallel_loop3A_980 : i32
      %parallel_loop3A_982 = arith.index_cast %parallel_loop3A_977 : i32 to index
      %parallel_loop3A_983 = arith.index_cast %parallel_loop3A_981 : i32 to index
      %parallel_loop3A_984 = tpu.vector_load %arg13[%parallel_loop3A_982, %parallel_loop3A_983] {strides = array<i32>} : memref<8x2048xf32, #tpu.memory_space<vmem>>, vector<1x16xf32>,
      %parallel_loop3A_985 = vector.shape_cast %parallel_loop3A_984 : vector<1x16xf32> to vector<16xf32>
      %parallel_loop3A_986 = arith.index_cast %parallel_loop3A_977 : i32 to index
      %parallel_loop3A_987 = arith.index_cast %parallel_loop3A_981 : i32 to index
      %parallel_loop3A_988 = tpu.vector_load %arg11[%parallel_loop3A_986, %parallel_loop3A_987] {strides = array<i32>} : memref<8x2048xf32, #tpu.memory_space<vmem>>, vector<1x16xf32>,
      %parallel_loop3A_989 = vector.shape_cast %parallel_loop3A_988 : vector<1x16xf32> to vector<16xf32>
      %parallel_loop3A_990 = vector.shape_cast %parallel_loop3A_985 : vector<16xf32> to vector<1x16xf32>
      tpu.vector_store %arg11[%parallel_loop3A_986, %parallel_loop3A_987], %parallel_loop3A_990 {add = true, strides = array<i32>} : memref<8x2048xf32, #tpu.memory_space<vmem>>, vector<1x16xf32>,
    } {sc.loop_unroll_factor = 8 : i64, sc.parallel_access}
    %add3A_624 = arith.constant 4096 : i32
    %add3A_625 = arith.addi %add3A_624, %mul3A_2 : i32
    %add3A_626 = arith.constant 32 : i32
    %add3A_627 = arith.addi %add3A_625, %add3A_626 : i32
    %dma_start3A_628 = arith.constant 0 : i32
    %dma_start3A_629 = tpu.memref_slice %arg5[%add3A_627, %dma_start3A_628] : memref<8192x2048xf32, #tpu.memory_space<hbm>> -> memref<8x2048xf32, #tpu.memory_space<hbm>>
    %dma_start3A_630 = arith.constant 0 : i32
    %dma_start3A_631 = tpu.memref_slice %arg5[%add3A_627, %dma_start3A_630] : memref<8192x2048xf32, #tpu.memory_space<hbm>> -> memref<8x2048xf32, #tpu.memory_space<hbm>>
    tpu.enqueue_dma source(%arg11 : memref<8x2048xf32, #tpu.memory_space<vmem>>) target(%dma_start3A_631 : memref<8x2048xf32, #tpu.memory_space<hbm>>) target_semaphore(%arg23 : memref<!tpu.dma_semaphore, #tpu.memory_space<semaphore_mem>>)
    %dma_wait3A_632 = arith.constant 0 : i32
    %dma_wait3A_633 = tpu.memref_slice %arg5[%add3A_602, %dma_wait3A_632] : memref<8192x2048xf32, #tpu.memory_space<hbm>> -> memref<8x2048xf32, #tpu.memory_space<hbm>>
    %dma_wait3A_634 = arith.constant 0 : i32
    %dma_wait3A_635 = tpu.memref_slice %arg5[%add3A_602, %dma_wait3A_634] : memref<8192x2048xf32, #tpu.memory_space<hbm>> -> memref<8x2048xf32, #tpu.memory_space<hbm>>
    tpu.wait_dma2 semaphore(%arg22 : memref<!tpu.dma_semaphore, #tpu.memory_space<semaphore_mem>>) src(%arg10 : memref<8x2048xf32, #tpu.memory_space<vmem>>) dst(%dma_wait3A_635 : memref<8x2048xf32, #tpu.memory_space<hbm>>)
    %dma_start3A_636 = arith.constant 168 : i32
    %dma_start3A_637 = tpu.memref_slice %arg6[%dma_start3A_636] : memref<256xi32, #tpu.memory_space<vmem>> -> memref<8xi32, #tpu.memory_space<vmem>>
    %dma_start3A_638 = arith.constant 0 : i32
    %dma_start3A_639 = arith.constant 0 : i32
    %dma_start3A_640 = tpu.memref_slice %arg3[%dma_start3A_638, %dma_start3A_639] : memref<50272x2048xf32, #tpu.memory_space<hbm>> -> memref<50272x2048xf32, #tpu.memory_space<hbm>>
    tpu.enqueue_indirect_dma source(%dma_start3A_640 : memref<50272x2048xf32, #tpu.memory_space<hbm>>) target(%arg10 : memref<8x2048xf32, #tpu.memory_space<vmem>>) offsets(%dma_start3A_637 : memref<8xi32, #tpu.memory_space<vmem>>) semaphore(%arg17 : memref<!tpu.dma_semaphore, #tpu.memory_space<semaphore_mem>>)
    %dma_wait3A_641 = arith.constant 224 : i32
    %dma_wait3A_642 = tpu.memref_slice %arg6[%dma_wait3A_641] : memref<256xi32, #tpu.memory_space<vmem>> -> memref<8xi32, #tpu.memory_space<vmem>>
    %dma_wait3A_643 = arith.constant 0 : i32
    %dma_wait3A_644 = arith.constant 0 : i32
    %dma_wait3A_645 = tpu.memref_slice %arg3[%dma_wait3A_643, %dma_wait3A_644] : memref<50272x2048xf32, #tpu.memory_space<hbm>> -> memref<50272x2048xf32, #tpu.memory_space<hbm>>
    tpu.wait_indirect_dma semaphore(%arg19 : memref<!tpu.dma_semaphore, #tpu.memory_space<semaphore_mem>>) src(%dma_wait3A_645 : memref<50272x2048xf32, #tpu.memory_space<hbm>>) dst(%arg12 : memref<8x2048xf32, #tpu.memory_space<vmem>>)
    %parallel_loop3A_646 = arith.constant 0 : i32
    %parallel_loop3A_647 = arith.constant 1024 : i32
    %parallel_loop3A_648 = arith.constant 1 : i32
    scf.for %parallel_loop3A_975 = %parallel_loop3A_646 to %parallel_loop3A_647 step %parallel_loop3A_648  : i32 {
      %parallel_loop3A_976 = arith.constant 7 : i32
      %parallel_loop3A_977 = arith.shrui %parallel_loop3A_975, %parallel_loop3A_976 : i32
      %parallel_loop3A_978 = arith.constant 127 : i32
      %parallel_loop3A_979 = arith.andi %parallel_loop3A_975, %parallel_loop3A_978 : i32
      %parallel_loop3A_980 = arith.constant 16 : i32
      %parallel_loop3A_981 = arith.muli %parallel_loop3A_979, %parallel_loop3A_980 : i32
      %parallel_loop3A_982 = arith.index_cast %parallel_loop3A_977 : i32 to index
      %parallel_loop3A_983 = arith.index_cast %parallel_loop3A_981 : i32 to index
      %parallel_loop3A_984 = tpu.vector_load %arg13[%parallel_loop3A_982, %parallel_loop3A_983] {strides = array<i32>} : memref<8x2048xf32, #tpu.memory_space<vmem>>, vector<1x16xf32>,
      %parallel_loop3A_985 = vector.shape_cast %parallel_loop3A_984 : vector<1x16xf32> to vector<16xf32>
      %parallel_loop3A_986 = arith.index_cast %parallel_loop3A_977 : i32 to index
      %parallel_loop3A_987 = arith.index_cast %parallel_loop3A_981 : i32 to index
      %parallel_loop3A_988 = tpu.vector_load %arg12[%parallel_loop3A_986, %parallel_loop3A_987] {strides = array<i32>} : memref<8x2048xf32, #tpu.memory_space<vmem>>, vector<1x16xf32>,
      %parallel_loop3A_989 = vector.shape_cast %parallel_loop3A_988 : vector<1x16xf32> to vector<16xf32>
      %parallel_loop3A_990 = vector.shape_cast %parallel_loop3A_985 : vector<16xf32> to vector<1x16xf32>
      tpu.vector_store %arg12[%parallel_loop3A_986, %parallel_loop3A_987], %parallel_loop3A_990 {add = true, strides = array<i32>} : memref<8x2048xf32, #tpu.memory_space<vmem>>, vector<1x16xf32>,
    } {sc.loop_unroll_factor = 8 : i64, sc.parallel_access}
    %add3A_649 = arith.constant 6144 : i32
    %add3A_650 = arith.addi %add3A_649, %mul3A_2 : i32
    %add3A_651 = arith.constant 32 : i32
    %add3A_652 = arith.addi %add3A_650, %add3A_651 : i32
    %dma_start3A_653 = arith.constant 0 : i32
    %dma_start3A_654 = tpu.memref_slice %arg5[%add3A_652, %dma_start3A_653] : memref<8192x2048xf32, #tpu.memory_space<hbm>> -> memref<8x2048xf32, #tpu.memory_space<hbm>>
    %dma_start3A_655 = arith.constant 0 : i32
    %dma_start3A_656 = tpu.memref_slice %arg5[%add3A_652, %dma_start3A_655] : memref<8192x2048xf32, #tpu.memory_space<hbm>> -> memref<8x2048xf32, #tpu.memory_space<hbm>>
    tpu.enqueue_dma source(%arg12 : memref<8x2048xf32, #tpu.memory_space<vmem>>) target(%dma_start3A_656 : memref<8x2048xf32, #tpu.memory_space<hbm>>) target_semaphore(%arg24 : memref<!tpu.dma_semaphore, #tpu.memory_space<semaphore_mem>>)
    %dma_start3A_657 = arith.constant 48 : i32
    %dma_start3A_658 = tpu.memref_slice %arg7[%dma_start3A_657] : memref<64xi32, #tpu.memory_space<vmem>> -> memref<8xi32, #tpu.memory_space<vmem>>
    %dma_start3A_659 = arith.constant 0 : i32
    %dma_start3A_660 = arith.constant 0 : i32
    %dma_start3A_661 = tpu.memref_slice %arg4[%dma_start3A_659, %dma_start3A_660] : memref<2050x2048xf32, #tpu.memory_space<hbm>> -> memref<2050x2048xf32, #tpu.memory_space<hbm>>
    tpu.enqueue_indirect_dma source(%dma_start3A_661 : memref<2050x2048xf32, #tpu.memory_space<hbm>>) target(%arg13 : memref<8x2048xf32, #tpu.memory_space<vmem>>) offsets(%dma_start3A_658 : memref<8xi32, #tpu.memory_space<vmem>>) semaphore(%arg25 : memref<!tpu.dma_semaphore, #tpu.memory_space<semaphore_mem>>)
    %dma_wait3A_662 = arith.constant 0 : i32
    %dma_wait3A_663 = tpu.memref_slice %arg5[%add3A_627, %dma_wait3A_662] : memref<8192x2048xf32, #tpu.memory_space<hbm>> -> memref<8x2048xf32, #tpu.memory_space<hbm>>
    %dma_wait3A_664 = arith.constant 0 : i32
    %dma_wait3A_665 = tpu.memref_slice %arg5[%add3A_627, %dma_wait3A_664] : memref<8192x2048xf32, #tpu.memory_space<hbm>> -> memref<8x2048xf32, #tpu.memory_space<hbm>>
    tpu.wait_dma2 semaphore(%arg23 : memref<!tpu.dma_semaphore, #tpu.memory_space<semaphore_mem>>) src(%arg11 : memref<8x2048xf32, #tpu.memory_space<vmem>>) dst(%dma_wait3A_665 : memref<8x2048xf32, #tpu.memory_space<hbm>>)
    %dma_start3A_666 = arith.constant 232 : i32
    %dma_start3A_667 = tpu.memref_slice %arg6[%dma_start3A_666] : memref<256xi32, #tpu.memory_space<vmem>> -> memref<8xi32, #tpu.memory_space<vmem>>
    %dma_start3A_668 = arith.constant 0 : i32
    %dma_start3A_669 = arith.constant 0 : i32
    %dma_start3A_670 = tpu.memref_slice %arg3[%dma_start3A_668, %dma_start3A_669] : memref<50272x2048xf32, #tpu.memory_space<hbm>> -> memref<50272x2048xf32, #tpu.memory_space<hbm>>
    tpu.enqueue_indirect_dma source(%dma_start3A_670 : memref<50272x2048xf32, #tpu.memory_space<hbm>>) target(%arg11 : memref<8x2048xf32, #tpu.memory_space<vmem>>) offsets(%dma_start3A_667 : memref<8xi32, #tpu.memory_space<vmem>>) semaphore(%arg18 : memref<!tpu.dma_semaphore, #tpu.memory_space<semaphore_mem>>)
    %dma_wait3A_671 = arith.constant 40 : i32
    %dma_wait3A_672 = tpu.memref_slice %arg6[%dma_wait3A_671] : memref<256xi32, #tpu.memory_space<vmem>> -> memref<8xi32, #tpu.memory_space<vmem>>
    %dma_wait3A_673 = arith.constant 0 : i32
    %dma_wait3A_674 = arith.constant 0 : i32
    %dma_wait3A_675 = tpu.memref_slice %arg3[%dma_wait3A_673, %dma_wait3A_674] : memref<50272x2048xf32, #tpu.memory_space<hbm>> -> memref<50272x2048xf32, #tpu.memory_space<hbm>>
    tpu.wait_indirect_dma semaphore(%arg15 : memref<!tpu.dma_semaphore, #tpu.memory_space<semaphore_mem>>) src(%dma_wait3A_675 : memref<50272x2048xf32, #tpu.memory_space<hbm>>) dst(%arg8 : memref<8x2048xf32, #tpu.memory_space<vmem>>)
    %dma_wait3A_676 = arith.constant 40 : i32
    %dma_wait3A_677 = tpu.memref_slice %arg7[%dma_wait3A_676] : memref<64xi32, #tpu.memory_space<vmem>> -> memref<8xi32, #tpu.memory_space<vmem>>
    %dma_wait3A_678 = arith.constant 0 : i32
    %dma_wait3A_679 = arith.constant 0 : i32
    %dma_wait3A_680 = tpu.memref_slice %arg4[%dma_wait3A_678, %dma_wait3A_679] : memref<2050x2048xf32, #tpu.memory_space<hbm>> -> memref<2050x2048xf32, #tpu.memory_space<hbm>>
    tpu.wait_indirect_dma semaphore(%arg26 : memref<!tpu.dma_semaphore, #tpu.memory_space<semaphore_mem>>) src(%dma_wait3A_680 : memref<2050x2048xf32, #tpu.memory_space<hbm>>) dst(%arg14 : memref<8x2048xf32, #tpu.memory_space<vmem>>)
    %parallel_loop3A_681 = arith.constant 0 : i32
    %parallel_loop3A_682 = arith.constant 1024 : i32
    %parallel_loop3A_683 = arith.constant 1 : i32
    scf.for %parallel_loop3A_975 = %parallel_loop3A_681 to %parallel_loop3A_682 step %parallel_loop3A_683  : i32 {
      %parallel_loop3A_976 = arith.constant 7 : i32
      %parallel_loop3A_977 = arith.shrui %parallel_loop3A_975, %parallel_loop3A_976 : i32
      %parallel_loop3A_978 = arith.constant 127 : i32
      %parallel_loop3A_979 = arith.andi %parallel_loop3A_975, %parallel_loop3A_978 : i32
      %parallel_loop3A_980 = arith.constant 16 : i32
      %parallel_loop3A_981 = arith.muli %parallel_loop3A_979, %parallel_loop3A_980 : i32
      %parallel_loop3A_982 = arith.index_cast %parallel_loop3A_977 : i32 to index
      %parallel_loop3A_983 = arith.index_cast %parallel_loop3A_981 : i32 to index
      %parallel_loop3A_984 = tpu.vector_load %arg14[%parallel_loop3A_982, %parallel_loop3A_983] {strides = array<i32>} : memref<8x2048xf32, #tpu.memory_space<vmem>>, vector<1x16xf32>,
      %parallel_loop3A_985 = vector.shape_cast %parallel_loop3A_984 : vector<1x16xf32> to vector<16xf32>
      %parallel_loop3A_986 = arith.index_cast %parallel_loop3A_977 : i32 to index
      %parallel_loop3A_987 = arith.index_cast %parallel_loop3A_981 : i32 to index
      %parallel_loop3A_988 = tpu.vector_load %arg8[%parallel_loop3A_986, %parallel_loop3A_987] {strides = array<i32>} : memref<8x2048xf32, #tpu.memory_space<vmem>>, vector<1x16xf32>,
      %parallel_loop3A_989 = vector.shape_cast %parallel_loop3A_988 : vector<1x16xf32> to vector<16xf32>
      %parallel_loop3A_990 = vector.shape_cast %parallel_loop3A_985 : vector<16xf32> to vector<1x16xf32>
      tpu.vector_store %arg8[%parallel_loop3A_986, %parallel_loop3A_987], %parallel_loop3A_990 {add = true, strides = array<i32>} : memref<8x2048xf32, #tpu.memory_space<vmem>>, vector<1x16xf32>,
    } {sc.loop_unroll_factor = 8 : i64, sc.parallel_access}
    %add3A_684 = arith.constant 0 : i32
    %add3A_685 = arith.addi %add3A_684, %mul3A_2 : i32
    %add3A_686 = arith.constant 40 : i32
    %add3A_687 = arith.addi %add3A_685, %add3A_686 : i32
    %dma_start3A_688 = arith.constant 0 : i32
    %dma_start3A_689 = tpu.memref_slice %arg5[%add3A_687, %dma_start3A_688] : memref<8192x2048xf32, #tpu.memory_space<hbm>> -> memref<8x2048xf32, #tpu.memory_space<hbm>>
    %dma_start3A_690 = arith.constant 0 : i32
    %dma_start3A_691 = tpu.memref_slice %arg5[%add3A_687, %dma_start3A_690] : memref<8192x2048xf32, #tpu.memory_space<hbm>> -> memref<8x2048xf32, #tpu.memory_space<hbm>>
    tpu.enqueue_dma source(%arg8 : memref<8x2048xf32, #tpu.memory_space<vmem>>) target(%dma_start3A_691 : memref<8x2048xf32, #tpu.memory_space<hbm>>) target_semaphore(%arg20 : memref<!tpu.dma_semaphore, #tpu.memory_space<semaphore_mem>>)
    %dma_wait3A_692 = arith.constant 0 : i32
    %dma_wait3A_693 = tpu.memref_slice %arg5[%add3A_652, %dma_wait3A_692] : memref<8192x2048xf32, #tpu.memory_space<hbm>> -> memref<8x2048xf32, #tpu.memory_space<hbm>>
    %dma_wait3A_694 = arith.constant 0 : i32
    %dma_wait3A_695 = tpu.memref_slice %arg5[%add3A_652, %dma_wait3A_694] : memref<8192x2048xf32, #tpu.memory_space<hbm>> -> memref<8x2048xf32, #tpu.memory_space<hbm>>
    tpu.wait_dma2 semaphore(%arg24 : memref<!tpu.dma_semaphore, #tpu.memory_space<semaphore_mem>>) src(%arg12 : memref<8x2048xf32, #tpu.memory_space<vmem>>) dst(%dma_wait3A_695 : memref<8x2048xf32, #tpu.memory_space<hbm>>)
    %dma_start3A_696 = arith.constant 48 : i32
    %dma_start3A_697 = tpu.memref_slice %arg6[%dma_start3A_696] : memref<256xi32, #tpu.memory_space<vmem>> -> memref<8xi32, #tpu.memory_space<vmem>>
    %dma_start3A_698 = arith.constant 0 : i32
    %dma_start3A_699 = arith.constant 0 : i32
    %dma_start3A_700 = tpu.memref_slice %arg3[%dma_start3A_698, %dma_start3A_699] : memref<50272x2048xf32, #tpu.memory_space<hbm>> -> memref<50272x2048xf32, #tpu.memory_space<hbm>>
    tpu.enqueue_indirect_dma source(%dma_start3A_700 : memref<50272x2048xf32, #tpu.memory_space<hbm>>) target(%arg12 : memref<8x2048xf32, #tpu.memory_space<vmem>>) offsets(%dma_start3A_697 : memref<8xi32, #tpu.memory_space<vmem>>) semaphore(%arg19 : memref<!tpu.dma_semaphore, #tpu.memory_space<semaphore_mem>>)
    %dma_wait3A_701 = arith.constant 104 : i32
    %dma_wait3A_702 = tpu.memref_slice %arg6[%dma_wait3A_701] : memref<256xi32, #tpu.memory_space<vmem>> -> memref<8xi32, #tpu.memory_space<vmem>>
    %dma_wait3A_703 = arith.constant 0 : i32
    %dma_wait3A_704 = arith.constant 0 : i32
    %dma_wait3A_705 = tpu.memref_slice %arg3[%dma_wait3A_703, %dma_wait3A_704] : memref<50272x2048xf32, #tpu.memory_space<hbm>> -> memref<50272x2048xf32, #tpu.memory_space<hbm>>
    tpu.wait_indirect_dma semaphore(%arg16 : memref<!tpu.dma_semaphore, #tpu.memory_space<semaphore_mem>>) src(%dma_wait3A_705 : memref<50272x2048xf32, #tpu.memory_space<hbm>>) dst(%arg9 : memref<8x2048xf32, #tpu.memory_space<vmem>>)
    %parallel_loop3A_706 = arith.constant 0 : i32
    %parallel_loop3A_707 = arith.constant 1024 : i32
    %parallel_loop3A_708 = arith.constant 1 : i32
    scf.for %parallel_loop3A_975 = %parallel_loop3A_706 to %parallel_loop3A_707 step %parallel_loop3A_708  : i32 {
      %parallel_loop3A_976 = arith.constant 7 : i32
      %parallel_loop3A_977 = arith.shrui %parallel_loop3A_975, %parallel_loop3A_976 : i32
      %parallel_loop3A_978 = arith.constant 127 : i32
      %parallel_loop3A_979 = arith.andi %parallel_loop3A_975, %parallel_loop3A_978 : i32
      %parallel_loop3A_980 = arith.constant 16 : i32
      %parallel_loop3A_981 = arith.muli %parallel_loop3A_979, %parallel_loop3A_980 : i32
      %parallel_loop3A_982 = arith.index_cast %parallel_loop3A_977 : i32 to index
      %parallel_loop3A_983 = arith.index_cast %parallel_loop3A_981 : i32 to index
      %parallel_loop3A_984 = tpu.vector_load %arg14[%parallel_loop3A_982, %parallel_loop3A_983] {strides = array<i32>} : memref<8x2048xf32, #tpu.memory_space<vmem>>, vector<1x16xf32>,
      %parallel_loop3A_985 = vector.shape_cast %parallel_loop3A_984 : vector<1x16xf32> to vector<16xf32>
      %parallel_loop3A_986 = arith.index_cast %parallel_loop3A_977 : i32 to index
      %parallel_loop3A_987 = arith.index_cast %parallel_loop3A_981 : i32 to index
      %parallel_loop3A_988 = tpu.vector_load %arg9[%parallel_loop3A_986, %parallel_loop3A_987] {strides = array<i32>} : memref<8x2048xf32, #tpu.memory_space<vmem>>, vector<1x16xf32>,
      %parallel_loop3A_989 = vector.shape_cast %parallel_loop3A_988 : vector<1x16xf32> to vector<16xf32>
      %parallel_loop3A_990 = vector.shape_cast %parallel_loop3A_985 : vector<16xf32> to vector<1x16xf32>
      tpu.vector_store %arg9[%parallel_loop3A_986, %parallel_loop3A_987], %parallel_loop3A_990 {add = true, strides = array<i32>} : memref<8x2048xf32, #tpu.memory_space<vmem>>, vector<1x16xf32>,
    } {sc.loop_unroll_factor = 8 : i64, sc.parallel_access}
    %add3A_709 = arith.constant 2048 : i32
    %add3A_710 = arith.addi %add3A_709, %mul3A_2 : i32
    %add3A_711 = arith.constant 40 : i32
    %add3A_712 = arith.addi %add3A_710, %add3A_711 : i32
    %dma_start3A_713 = arith.constant 0 : i32
    %dma_start3A_714 = tpu.memref_slice %arg5[%add3A_712, %dma_start3A_713] : memref<8192x2048xf32, #tpu.memory_space<hbm>> -> memref<8x2048xf32, #tpu.memory_space<hbm>>
    %dma_start3A_715 = arith.constant 0 : i32
    %dma_start3A_716 = tpu.memref_slice %arg5[%add3A_712, %dma_start3A_715] : memref<8192x2048xf32, #tpu.memory_space<hbm>> -> memref<8x2048xf32, #tpu.memory_space<hbm>>
    tpu.enqueue_dma source(%arg9 : memref<8x2048xf32, #tpu.memory_space<vmem>>) target(%dma_start3A_716 : memref<8x2048xf32, #tpu.memory_space<hbm>>) target_semaphore(%arg21 : memref<!tpu.dma_semaphore, #tpu.memory_space<semaphore_mem>>)
    %dma_wait3A_717 = arith.constant 0 : i32
    %dma_wait3A_718 = tpu.memref_slice %arg5[%add3A_687, %dma_wait3A_717] : memref<8192x2048xf32, #tpu.memory_space<hbm>> -> memref<8x2048xf32, #tpu.memory_space<hbm>>
    %dma_wait3A_719 = arith.constant 0 : i32
    %dma_wait3A_720 = tpu.memref_slice %arg5[%add3A_687, %dma_wait3A_719] : memref<8192x2048xf32, #tpu.memory_space<hbm>> -> memref<8x2048xf32, #tpu.memory_space<hbm>>
    tpu.wait_dma2 semaphore(%arg20 : memref<!tpu.dma_semaphore, #tpu.memory_space<semaphore_mem>>) src(%arg8 : memref<8x2048xf32, #tpu.memory_space<vmem>>) dst(%dma_wait3A_720 : memref<8x2048xf32, #tpu.memory_space<hbm>>)
    %dma_start3A_721 = arith.constant 112 : i32
    %dma_start3A_722 = tpu.memref_slice %arg6[%dma_start3A_721] : memref<256xi32, #tpu.memory_space<vmem>> -> memref<8xi32, #tpu.memory_space<vmem>>
    %dma_start3A_723 = arith.constant 0 : i32
    %dma_start3A_724 = arith.constant 0 : i32
    %dma_start3A_725 = tpu.memref_slice %arg3[%dma_start3A_723, %dma_start3A_724] : memref<50272x2048xf32, #tpu.memory_space<hbm>> -> memref<50272x2048xf32, #tpu.memory_space<hbm>>
    tpu.enqueue_indirect_dma source(%dma_start3A_725 : memref<50272x2048xf32, #tpu.memory_space<hbm>>) target(%arg8 : memref<8x2048xf32, #tpu.memory_space<vmem>>) offsets(%dma_start3A_722 : memref<8xi32, #tpu.memory_space<vmem>>) semaphore(%arg15 : memref<!tpu.dma_semaphore, #tpu.memory_space<semaphore_mem>>)
    %dma_wait3A_726 = arith.constant 168 : i32
    %dma_wait3A_727 = tpu.memref_slice %arg6[%dma_wait3A_726] : memref<256xi32, #tpu.memory_space<vmem>> -> memref<8xi32, #tpu.memory_space<vmem>>
    %dma_wait3A_728 = arith.constant 0 : i32
    %dma_wait3A_729 = arith.constant 0 : i32
    %dma_wait3A_730 = tpu.memref_slice %arg3[%dma_wait3A_728, %dma_wait3A_729] : memref<50272x2048xf32, #tpu.memory_space<hbm>> -> memref<50272x2048xf32, #tpu.memory_space<hbm>>
    tpu.wait_indirect_dma semaphore(%arg17 : memref<!tpu.dma_semaphore, #tpu.memory_space<semaphore_mem>>) src(%dma_wait3A_730 : memref<50272x2048xf32, #tpu.memory_space<hbm>>) dst(%arg10 : memref<8x2048xf32, #tpu.memory_space<vmem>>)
    %parallel_loop3A_731 = arith.constant 0 : i32
    %parallel_loop3A_732 = arith.constant 1024 : i32
    %parallel_loop3A_733 = arith.constant 1 : i32
    scf.for %parallel_loop3A_975 = %parallel_loop3A_731 to %parallel_loop3A_732 step %parallel_loop3A_733  : i32 {
      %parallel_loop3A_976 = arith.constant 7 : i32
      %parallel_loop3A_977 = arith.shrui %parallel_loop3A_975, %parallel_loop3A_976 : i32
      %parallel_loop3A_978 = arith.constant 127 : i32
      %parallel_loop3A_979 = arith.andi %parallel_loop3A_975, %parallel_loop3A_978 : i32
      %parallel_loop3A_980 = arith.constant 16 : i32
      %parallel_loop3A_981 = arith.muli %parallel_loop3A_979, %parallel_loop3A_980 : i32
      %parallel_loop3A_982 = arith.index_cast %parallel_loop3A_977 : i32 to index
      %parallel_loop3A_983 = arith.index_cast %parallel_loop3A_981 : i32 to index
      %parallel_loop3A_984 = tpu.vector_load %arg14[%parallel_loop3A_982, %parallel_loop3A_983] {strides = array<i32>} : memref<8x2048xf32, #tpu.memory_space<vmem>>, vector<1x16xf32>,
      %parallel_loop3A_985 = vector.shape_cast %parallel_loop3A_984 : vector<1x16xf32> to vector<16xf32>
      %parallel_loop3A_986 = arith.index_cast %parallel_loop3A_977 : i32 to index
      %parallel_loop3A_987 = arith.index_cast %parallel_loop3A_981 : i32 to index
      %parallel_loop3A_988 = tpu.vector_load %arg10[%parallel_loop3A_986, %parallel_loop3A_987] {strides = array<i32>} : memref<8x2048xf32, #tpu.memory_space<vmem>>, vector<1x16xf32>,
      %parallel_loop3A_989 = vector.shape_cast %parallel_loop3A_988 : vector<1x16xf32> to vector<16xf32>
      %parallel_loop3A_990 = vector.shape_cast %parallel_loop3A_985 : vector<16xf32> to vector<1x16xf32>
      tpu.vector_store %arg10[%parallel_loop3A_986, %parallel_loop3A_987], %parallel_loop3A_990 {add = true, strides = array<i32>} : memref<8x2048xf32, #tpu.memory_space<vmem>>, vector<1x16xf32>,
    } {sc.loop_unroll_factor = 8 : i64, sc.parallel_access}
    %add3A_734 = arith.constant 4096 : i32
    %add3A_735 = arith.addi %add3A_734, %mul3A_2 : i32
    %add3A_736 = arith.constant 40 : i32
    %add3A_737 = arith.addi %add3A_735, %add3A_736 : i32
    %dma_start3A_738 = arith.constant 0 : i32
    %dma_start3A_739 = tpu.memref_slice %arg5[%add3A_737, %dma_start3A_738] : memref<8192x2048xf32, #tpu.memory_space<hbm>> -> memref<8x2048xf32, #tpu.memory_space<hbm>>
    %dma_start3A_740 = arith.constant 0 : i32
    %dma_start3A_741 = tpu.memref_slice %arg5[%add3A_737, %dma_start3A_740] : memref<8192x2048xf32, #tpu.memory_space<hbm>> -> memref<8x2048xf32, #tpu.memory_space<hbm>>
    tpu.enqueue_dma source(%arg10 : memref<8x2048xf32, #tpu.memory_space<vmem>>) target(%dma_start3A_741 : memref<8x2048xf32, #tpu.memory_space<hbm>>) target_semaphore(%arg22 : memref<!tpu.dma_semaphore, #tpu.memory_space<semaphore_mem>>)
    %dma_wait3A_742 = arith.constant 0 : i32
    %dma_wait3A_743 = tpu.memref_slice %arg5[%add3A_712, %dma_wait3A_742] : memref<8192x2048xf32, #tpu.memory_space<hbm>> -> memref<8x2048xf32, #tpu.memory_space<hbm>>
    %dma_wait3A_744 = arith.constant 0 : i32
    %dma_wait3A_745 = tpu.memref_slice %arg5[%add3A_712, %dma_wait3A_744] : memref<8192x2048xf32, #tpu.memory_space<hbm>> -> memref<8x2048xf32, #tpu.memory_space<hbm>>
    tpu.wait_dma2 semaphore(%arg21 : memref<!tpu.dma_semaphore, #tpu.memory_space<semaphore_mem>>) src(%arg9 : memref<8x2048xf32, #tpu.memory_space<vmem>>) dst(%dma_wait3A_745 : memref<8x2048xf32, #tpu.memory_space<hbm>>)
    %dma_start3A_746 = arith.constant 176 : i32
    %dma_start3A_747 = tpu.memref_slice %arg6[%dma_start3A_746] : memref<256xi32, #tpu.memory_space<vmem>> -> memref<8xi32, #tpu.memory_space<vmem>>
    %dma_start3A_748 = arith.constant 0 : i32
    %dma_start3A_749 = arith.constant 0 : i32
    %dma_start3A_750 = tpu.memref_slice %arg3[%dma_start3A_748, %dma_start3A_749] : memref<50272x2048xf32, #tpu.memory_space<hbm>> -> memref<50272x2048xf32, #tpu.memory_space<hbm>>
    tpu.enqueue_indirect_dma source(%dma_start3A_750 : memref<50272x2048xf32, #tpu.memory_space<hbm>>) target(%arg9 : memref<8x2048xf32, #tpu.memory_space<vmem>>) offsets(%dma_start3A_747 : memref<8xi32, #tpu.memory_space<vmem>>) semaphore(%arg16 : memref<!tpu.dma_semaphore, #tpu.memory_space<semaphore_mem>>)
    %dma_wait3A_751 = arith.constant 232 : i32
    %dma_wait3A_752 = tpu.memref_slice %arg6[%dma_wait3A_751] : memref<256xi32, #tpu.memory_space<vmem>> -> memref<8xi32, #tpu.memory_space<vmem>>
    %dma_wait3A_753 = arith.constant 0 : i32
    %dma_wait3A_754 = arith.constant 0 : i32
    %dma_wait3A_755 = tpu.memref_slice %arg3[%dma_wait3A_753, %dma_wait3A_754] : memref<50272x2048xf32, #tpu.memory_space<hbm>> -> memref<50272x2048xf32, #tpu.memory_space<hbm>>
    tpu.wait_indirect_dma semaphore(%arg18 : memref<!tpu.dma_semaphore, #tpu.memory_space<semaphore_mem>>) src(%dma_wait3A_755 : memref<50272x2048xf32, #tpu.memory_space<hbm>>) dst(%arg11 : memref<8x2048xf32, #tpu.memory_space<vmem>>)
    %parallel_loop3A_756 = arith.constant 0 : i32
    %parallel_loop3A_757 = arith.constant 1024 : i32
    %parallel_loop3A_758 = arith.constant 1 : i32
    scf.for %parallel_loop3A_975 = %parallel_loop3A_756 to %parallel_loop3A_757 step %parallel_loop3A_758  : i32 {
      %parallel_loop3A_976 = arith.constant 7 : i32
      %parallel_loop3A_977 = arith.shrui %parallel_loop3A_975, %parallel_loop3A_976 : i32
      %parallel_loop3A_978 = arith.constant 127 : i32
      %parallel_loop3A_979 = arith.andi %parallel_loop3A_975, %parallel_loop3A_978 : i32
      %parallel_loop3A_980 = arith.constant 16 : i32
      %parallel_loop3A_981 = arith.muli %parallel_loop3A_979, %parallel_loop3A_980 : i32
      %parallel_loop3A_982 = arith.index_cast %parallel_loop3A_977 : i32 to index
      %parallel_loop3A_983 = arith.index_cast %parallel_loop3A_981 : i32 to index
      %parallel_loop3A_984 = tpu.vector_load %arg14[%parallel_loop3A_982, %parallel_loop3A_983] {strides = array<i32>} : memref<8x2048xf32, #tpu.memory_space<vmem>>, vector<1x16xf32>,
      %parallel_loop3A_985 = vector.shape_cast %parallel_loop3A_984 : vector<1x16xf32> to vector<16xf32>
      %parallel_loop3A_986 = arith.index_cast %parallel_loop3A_977 : i32 to index
      %parallel_loop3A_987 = arith.index_cast %parallel_loop3A_981 : i32 to index
      %parallel_loop3A_988 = tpu.vector_load %arg11[%parallel_loop3A_986, %parallel_loop3A_987] {strides = array<i32>} : memref<8x2048xf32, #tpu.memory_space<vmem>>, vector<1x16xf32>,
      %parallel_loop3A_989 = vector.shape_cast %parallel_loop3A_988 : vector<1x16xf32> to vector<16xf32>
      %parallel_loop3A_990 = vector.shape_cast %parallel_loop3A_985 : vector<16xf32> to vector<1x16xf32>
      tpu.vector_store %arg11[%parallel_loop3A_986, %parallel_loop3A_987], %parallel_loop3A_990 {add = true, strides = array<i32>} : memref<8x2048xf32, #tpu.memory_space<vmem>>, vector<1x16xf32>,
    } {sc.loop_unroll_factor = 8 : i64, sc.parallel_access}
    %add3A_759 = arith.constant 6144 : i32
    %add3A_760 = arith.addi %add3A_759, %mul3A_2 : i32
    %add3A_761 = arith.constant 40 : i32
    %add3A_762 = arith.addi %add3A_760, %add3A_761 : i32
    %dma_start3A_763 = arith.constant 0 : i32
    %dma_start3A_764 = tpu.memref_slice %arg5[%add3A_762, %dma_start3A_763] : memref<8192x2048xf32, #tpu.memory_space<hbm>> -> memref<8x2048xf32, #tpu.memory_space<hbm>>
    %dma_start3A_765 = arith.constant 0 : i32
    %dma_start3A_766 = tpu.memref_slice %arg5[%add3A_762, %dma_start3A_765] : memref<8192x2048xf32, #tpu.memory_space<hbm>> -> memref<8x2048xf32, #tpu.memory_space<hbm>>
    tpu.enqueue_dma source(%arg11 : memref<8x2048xf32, #tpu.memory_space<vmem>>) target(%dma_start3A_766 : memref<8x2048xf32, #tpu.memory_space<hbm>>) target_semaphore(%arg23 : memref<!tpu.dma_semaphore, #tpu.memory_space<semaphore_mem>>)
    %dma_start3A_767 = arith.constant 56 : i32
    %dma_start3A_768 = tpu.memref_slice %arg7[%dma_start3A_767] : memref<64xi32, #tpu.memory_space<vmem>> -> memref<8xi32, #tpu.memory_space<vmem>>
    %dma_start3A_769 = arith.constant 0 : i32
    %dma_start3A_770 = arith.constant 0 : i32
    %dma_start3A_771 = tpu.memref_slice %arg4[%dma_start3A_769, %dma_start3A_770] : memref<2050x2048xf32, #tpu.memory_space<hbm>> -> memref<2050x2048xf32, #tpu.memory_space<hbm>>
    tpu.enqueue_indirect_dma source(%dma_start3A_771 : memref<2050x2048xf32, #tpu.memory_space<hbm>>) target(%arg14 : memref<8x2048xf32, #tpu.memory_space<vmem>>) offsets(%dma_start3A_768 : memref<8xi32, #tpu.memory_space<vmem>>) semaphore(%arg26 : memref<!tpu.dma_semaphore, #tpu.memory_space<semaphore_mem>>)
    %dma_wait3A_772 = arith.constant 0 : i32
    %dma_wait3A_773 = tpu.memref_slice %arg5[%add3A_737, %dma_wait3A_772] : memref<8192x2048xf32, #tpu.memory_space<hbm>> -> memref<8x2048xf32, #tpu.memory_space<hbm>>
    %dma_wait3A_774 = arith.constant 0 : i32
    %dma_wait3A_775 = tpu.memref_slice %arg5[%add3A_737, %dma_wait3A_774] : memref<8192x2048xf32, #tpu.memory_space<hbm>> -> memref<8x2048xf32, #tpu.memory_space<hbm>>
    tpu.wait_dma2 semaphore(%arg22 : memref<!tpu.dma_semaphore, #tpu.memory_space<semaphore_mem>>) src(%arg10 : memref<8x2048xf32, #tpu.memory_space<vmem>>) dst(%dma_wait3A_775 : memref<8x2048xf32, #tpu.memory_space<hbm>>)
    %dma_start3A_776 = arith.constant 240 : i32
    %dma_start3A_777 = tpu.memref_slice %arg6[%dma_start3A_776] : memref<256xi32, #tpu.memory_space<vmem>> -> memref<8xi32, #tpu.memory_space<vmem>>
    %dma_start3A_778 = arith.constant 0 : i32
    %dma_start3A_779 = arith.constant 0 : i32
    %dma_start3A_780 = tpu.memref_slice %arg3[%dma_start3A_778, %dma_start3A_779] : memref<50272x2048xf32, #tpu.memory_space<hbm>> -> memref<50272x2048xf32, #tpu.memory_space<hbm>>
    tpu.enqueue_indirect_dma source(%dma_start3A_780 : memref<50272x2048xf32, #tpu.memory_space<hbm>>) target(%arg10 : memref<8x2048xf32, #tpu.memory_space<vmem>>) offsets(%dma_start3A_777 : memref<8xi32, #tpu.memory_space<vmem>>) semaphore(%arg17 : memref<!tpu.dma_semaphore, #tpu.memory_space<semaphore_mem>>)
    %dma_wait3A_781 = arith.constant 48 : i32
    %dma_wait3A_782 = tpu.memref_slice %arg6[%dma_wait3A_781] : memref<256xi32, #tpu.memory_space<vmem>> -> memref<8xi32, #tpu.memory_space<vmem>>
    %dma_wait3A_783 = arith.constant 0 : i32
    %dma_wait3A_784 = arith.constant 0 : i32
    %dma_wait3A_785 = tpu.memref_slice %arg3[%dma_wait3A_783, %dma_wait3A_784] : memref<50272x2048xf32, #tpu.memory_space<hbm>> -> memref<50272x2048xf32, #tpu.memory_space<hbm>>
    tpu.wait_indirect_dma semaphore(%arg19 : memref<!tpu.dma_semaphore, #tpu.memory_space<semaphore_mem>>) src(%dma_wait3A_785 : memref<50272x2048xf32, #tpu.memory_space<hbm>>) dst(%arg12 : memref<8x2048xf32, #tpu.memory_space<vmem>>)
    %dma_wait3A_786 = arith.constant 48 : i32
    %dma_wait3A_787 = tpu.memref_slice %arg7[%dma_wait3A_786] : memref<64xi32, #tpu.memory_space<vmem>> -> memref<8xi32, #tpu.memory_space<vmem>>
    %dma_wait3A_788 = arith.constant 0 : i32
    %dma_wait3A_789 = arith.constant 0 : i32
    %dma_wait3A_790 = tpu.memref_slice %arg4[%dma_wait3A_788, %dma_wait3A_789] : memref<2050x2048xf32, #tpu.memory_space<hbm>> -> memref<2050x2048xf32, #tpu.memory_space<hbm>>
    tpu.wait_indirect_dma semaphore(%arg25 : memref<!tpu.dma_semaphore, #tpu.memory_space<semaphore_mem>>) src(%dma_wait3A_790 : memref<2050x2048xf32, #tpu.memory_space<hbm>>) dst(%arg13 : memref<8x2048xf32, #tpu.memory_space<vmem>>)
    %parallel_loop3A_791 = arith.constant 0 : i32
    %parallel_loop3A_792 = arith.constant 1024 : i32
    %parallel_loop3A_793 = arith.constant 1 : i32
    scf.for %parallel_loop3A_975 = %parallel_loop3A_791 to %parallel_loop3A_792 step %parallel_loop3A_793  : i32 {
      %parallel_loop3A_976 = arith.constant 7 : i32
      %parallel_loop3A_977 = arith.shrui %parallel_loop3A_975, %parallel_loop3A_976 : i32
      %parallel_loop3A_978 = arith.constant 127 : i32
      %parallel_loop3A_979 = arith.andi %parallel_loop3A_975, %parallel_loop3A_978 : i32
      %parallel_loop3A_980 = arith.constant 16 : i32
      %parallel_loop3A_981 = arith.muli %parallel_loop3A_979, %parallel_loop3A_980 : i32
      %parallel_loop3A_982 = arith.index_cast %parallel_loop3A_977 : i32 to index
      %parallel_loop3A_983 = arith.index_cast %parallel_loop3A_981 : i32 to index
      %parallel_loop3A_984 = tpu.vector_load %arg13[%parallel_loop3A_982, %parallel_loop3A_983] {strides = array<i32>} : memref<8x2048xf32, #tpu.memory_space<vmem>>, vector<1x16xf32>,
      %parallel_loop3A_985 = vector.shape_cast %parallel_loop3A_984 : vector<1x16xf32> to vector<16xf32>
      %parallel_loop3A_986 = arith.index_cast %parallel_loop3A_977 : i32 to index
      %parallel_loop3A_987 = arith.index_cast %parallel_loop3A_981 : i32 to index
      %parallel_loop3A_988 = tpu.vector_load %arg12[%parallel_loop3A_986, %parallel_loop3A_987] {strides = array<i32>} : memref<8x2048xf32, #tpu.memory_space<vmem>>, vector<1x16xf32>,
      %parallel_loop3A_989 = vector.shape_cast %parallel_loop3A_988 : vector<1x16xf32> to vector<16xf32>
      %parallel_loop3A_990 = vector.shape_cast %parallel_loop3A_985 : vector<16xf32> to vector<1x16xf32>
      tpu.vector_store %arg12[%parallel_loop3A_986, %parallel_loop3A_987], %parallel_loop3A_990 {add = true, strides = array<i32>} : memref<8x2048xf32, #tpu.memory_space<vmem>>, vector<1x16xf32>,
    } {sc.loop_unroll_factor = 8 : i64, sc.parallel_access}
    %add3A_794 = arith.constant 0 : i32
    %add3A_795 = arith.addi %add3A_794, %mul3A_2 : i32
    %add3A_796 = arith.constant 48 : i32
    %add3A_797 = arith.addi %add3A_795, %add3A_796 : i32
    %dma_start3A_798 = arith.constant 0 : i32
    %dma_start3A_799 = tpu.memref_slice %arg5[%add3A_797, %dma_start3A_798] : memref<8192x2048xf32, #tpu.memory_space<hbm>> -> memref<8x2048xf32, #tpu.memory_space<hbm>>
    %dma_start3A_800 = arith.constant 0 : i32
    %dma_start3A_801 = tpu.memref_slice %arg5[%add3A_797, %dma_start3A_800] : memref<8192x2048xf32, #tpu.memory_space<hbm>> -> memref<8x2048xf32, #tpu.memory_space<hbm>>
    tpu.enqueue_dma source(%arg12 : memref<8x2048xf32, #tpu.memory_space<vmem>>) target(%dma_start3A_801 : memref<8x2048xf32, #tpu.memory_space<hbm>>) target_semaphore(%arg24 : memref<!tpu.dma_semaphore, #tpu.memory_space<semaphore_mem>>)
    %dma_wait3A_802 = arith.constant 0 : i32
    %dma_wait3A_803 = tpu.memref_slice %arg5[%add3A_762, %dma_wait3A_802] : memref<8192x2048xf32, #tpu.memory_space<hbm>> -> memref<8x2048xf32, #tpu.memory_space<hbm>>
    %dma_wait3A_804 = arith.constant 0 : i32
    %dma_wait3A_805 = tpu.memref_slice %arg5[%add3A_762, %dma_wait3A_804] : memref<8192x2048xf32, #tpu.memory_space<hbm>> -> memref<8x2048xf32, #tpu.memory_space<hbm>>
    tpu.wait_dma2 semaphore(%arg23 : memref<!tpu.dma_semaphore, #tpu.memory_space<semaphore_mem>>) src(%arg11 : memref<8x2048xf32, #tpu.memory_space<vmem>>) dst(%dma_wait3A_805 : memref<8x2048xf32, #tpu.memory_space<hbm>>)
    %dma_start3A_806 = arith.constant 56 : i32
    %dma_start3A_807 = tpu.memref_slice %arg6[%dma_start3A_806] : memref<256xi32, #tpu.memory_space<vmem>> -> memref<8xi32, #tpu.memory_space<vmem>>
    %dma_start3A_808 = arith.constant 0 : i32
    %dma_start3A_809 = arith.constant 0 : i32
    %dma_start3A_810 = tpu.memref_slice %arg3[%dma_start3A_808, %dma_start3A_809] : memref<50272x2048xf32, #tpu.memory_space<hbm>> -> memref<50272x2048xf32, #tpu.memory_space<hbm>>
    tpu.enqueue_indirect_dma source(%dma_start3A_810 : memref<50272x2048xf32, #tpu.memory_space<hbm>>) target(%arg11 : memref<8x2048xf32, #tpu.memory_space<vmem>>) offsets(%dma_start3A_807 : memref<8xi32, #tpu.memory_space<vmem>>) semaphore(%arg18 : memref<!tpu.dma_semaphore, #tpu.memory_space<semaphore_mem>>)
    %dma_wait3A_811 = arith.constant 112 : i32
    %dma_wait3A_812 = tpu.memref_slice %arg6[%dma_wait3A_811] : memref<256xi32, #tpu.memory_space<vmem>> -> memref<8xi32, #tpu.memory_space<vmem>>
    %dma_wait3A_813 = arith.constant 0 : i32
    %dma_wait3A_814 = arith.constant 0 : i32
    %dma_wait3A_815 = tpu.memref_slice %arg3[%dma_wait3A_813, %dma_wait3A_814] : memref<50272x2048xf32, #tpu.memory_space<hbm>> -> memref<50272x2048xf32, #tpu.memory_space<hbm>>
    tpu.wait_indirect_dma semaphore(%arg15 : memref<!tpu.dma_semaphore, #tpu.memory_space<semaphore_mem>>) src(%dma_wait3A_815 : memref<50272x2048xf32, #tpu.memory_space<hbm>>) dst(%arg8 : memref<8x2048xf32, #tpu.memory_space<vmem>>)
    %parallel_loop3A_816 = arith.constant 0 : i32
    %parallel_loop3A_817 = arith.constant 1024 : i32
    %parallel_loop3A_818 = arith.constant 1 : i32
    scf.for %parallel_loop3A_975 = %parallel_loop3A_816 to %parallel_loop3A_817 step %parallel_loop3A_818  : i32 {
      %parallel_loop3A_976 = arith.constant 7 : i32
      %parallel_loop3A_977 = arith.shrui %parallel_loop3A_975, %parallel_loop3A_976 : i32
      %parallel_loop3A_978 = arith.constant 127 : i32
      %parallel_loop3A_979 = arith.andi %parallel_loop3A_975, %parallel_loop3A_978 : i32
      %parallel_loop3A_980 = arith.constant 16 : i32
      %parallel_loop3A_981 = arith.muli %parallel_loop3A_979, %parallel_loop3A_980 : i32
      %parallel_loop3A_982 = arith.index_cast %parallel_loop3A_977 : i32 to index
      %parallel_loop3A_983 = arith.index_cast %parallel_loop3A_981 : i32 to index
      %parallel_loop3A_984 = tpu.vector_load %arg13[%parallel_loop3A_982, %parallel_loop3A_983] {strides = array<i32>} : memref<8x2048xf32, #tpu.memory_space<vmem>>, vector<1x16xf32>,
      %parallel_loop3A_985 = vector.shape_cast %parallel_loop3A_984 : vector<1x16xf32> to vector<16xf32>
      %parallel_loop3A_986 = arith.index_cast %parallel_loop3A_977 : i32 to index
      %parallel_loop3A_987 = arith.index_cast %parallel_loop3A_981 : i32 to index
      %parallel_loop3A_988 = tpu.vector_load %arg8[%parallel_loop3A_986, %parallel_loop3A_987] {strides = array<i32>} : memref<8x2048xf32, #tpu.memory_space<vmem>>, vector<1x16xf32>,
      %parallel_loop3A_989 = vector.shape_cast %parallel_loop3A_988 : vector<1x16xf32> to vector<16xf32>
      %parallel_loop3A_990 = vector.shape_cast %parallel_loop3A_985 : vector<16xf32> to vector<1x16xf32>
      tpu.vector_store %arg8[%parallel_loop3A_986, %parallel_loop3A_987], %parallel_loop3A_990 {add = true, strides = array<i32>} : memref<8x2048xf32, #tpu.memory_space<vmem>>, vector<1x16xf32>,
    } {sc.loop_unroll_factor = 8 : i64, sc.parallel_access}
    %add3A_819 = arith.constant 2048 : i32
    %add3A_820 = arith.addi %add3A_819, %mul3A_2 : i32
    %add3A_821 = arith.constant 48 : i32
    %add3A_822 = arith.addi %add3A_820, %add3A_821 : i32
    %dma_start3A_823 = arith.constant 0 : i32
    %dma_start3A_824 = tpu.memref_slice %arg5[%add3A_822, %dma_start3A_823] : memref<8192x2048xf32, #tpu.memory_space<hbm>> -> memref<8x2048xf32, #tpu.memory_space<hbm>>
    %dma_start3A_825 = arith.constant 0 : i32
    %dma_start3A_826 = tpu.memref_slice %arg5[%add3A_822, %dma_start3A_825] : memref<8192x2048xf32, #tpu.memory_space<hbm>> -> memref<8x2048xf32, #tpu.memory_space<hbm>>
    tpu.enqueue_dma source(%arg8 : memref<8x2048xf32, #tpu.memory_space<vmem>>) target(%dma_start3A_826 : memref<8x2048xf32, #tpu.memory_space<hbm>>) target_semaphore(%arg20 : memref<!tpu.dma_semaphore, #tpu.memory_space<semaphore_mem>>)
    %dma_wait3A_827 = arith.constant 0 : i32
    %dma_wait3A_828 = tpu.memref_slice %arg5[%add3A_797, %dma_wait3A_827] : memref<8192x2048xf32, #tpu.memory_space<hbm>> -> memref<8x2048xf32, #tpu.memory_space<hbm>>
    %dma_wait3A_829 = arith.constant 0 : i32
    %dma_wait3A_830 = tpu.memref_slice %arg5[%add3A_797, %dma_wait3A_829] : memref<8192x2048xf32, #tpu.memory_space<hbm>> -> memref<8x2048xf32, #tpu.memory_space<hbm>>
    tpu.wait_dma2 semaphore(%arg24 : memref<!tpu.dma_semaphore, #tpu.memory_space<semaphore_mem>>) src(%arg12 : memref<8x2048xf32, #tpu.memory_space<vmem>>) dst(%dma_wait3A_830 : memref<8x2048xf32, #tpu.memory_space<hbm>>)
    %dma_start3A_831 = arith.constant 120 : i32
    %dma_start3A_832 = tpu.memref_slice %arg6[%dma_start3A_831] : memref<256xi32, #tpu.memory_space<vmem>> -> memref<8xi32, #tpu.memory_space<vmem>>
    %dma_start3A_833 = arith.constant 0 : i32
    %dma_start3A_834 = arith.constant 0 : i32
    %dma_start3A_835 = tpu.memref_slice %arg3[%dma_start3A_833, %dma_start3A_834] : memref<50272x2048xf32, #tpu.memory_space<hbm>> -> memref<50272x2048xf32, #tpu.memory_space<hbm>>
    tpu.enqueue_indirect_dma source(%dma_start3A_835 : memref<50272x2048xf32, #tpu.memory_space<hbm>>) target(%arg12 : memref<8x2048xf32, #tpu.memory_space<vmem>>) offsets(%dma_start3A_832 : memref<8xi32, #tpu.memory_space<vmem>>) semaphore(%arg19 : memref<!tpu.dma_semaphore, #tpu.memory_space<semaphore_mem>>)
    %dma_wait3A_836 = arith.constant 176 : i32
    %dma_wait3A_837 = tpu.memref_slice %arg6[%dma_wait3A_836] : memref<256xi32, #tpu.memory_space<vmem>> -> memref<8xi32, #tpu.memory_space<vmem>>
    %dma_wait3A_838 = arith.constant 0 : i32
    %dma_wait3A_839 = arith.constant 0 : i32
    %dma_wait3A_840 = tpu.memref_slice %arg3[%dma_wait3A_838, %dma_wait3A_839] : memref<50272x2048xf32, #tpu.memory_space<hbm>> -> memref<50272x2048xf32, #tpu.memory_space<hbm>>
    tpu.wait_indirect_dma semaphore(%arg16 : memref<!tpu.dma_semaphore, #tpu.memory_space<semaphore_mem>>) src(%dma_wait3A_840 : memref<50272x2048xf32, #tpu.memory_space<hbm>>) dst(%arg9 : memref<8x2048xf32, #tpu.memory_space<vmem>>)
    %parallel_loop3A_841 = arith.constant 0 : i32
    %parallel_loop3A_842 = arith.constant 1024 : i32
    %parallel_loop3A_843 = arith.constant 1 : i32
    scf.for %parallel_loop3A_975 = %parallel_loop3A_841 to %parallel_loop3A_842 step %parallel_loop3A_843  : i32 {
      %parallel_loop3A_976 = arith.constant 7 : i32
      %parallel_loop3A_977 = arith.shrui %parallel_loop3A_975, %parallel_loop3A_976 : i32
      %parallel_loop3A_978 = arith.constant 127 : i32
      %parallel_loop3A_979 = arith.andi %parallel_loop3A_975, %parallel_loop3A_978 : i32
      %parallel_loop3A_980 = arith.constant 16 : i32
      %parallel_loop3A_981 = arith.muli %parallel_loop3A_979, %parallel_loop3A_980 : i32
      %parallel_loop3A_982 = arith.index_cast %parallel_loop3A_977 : i32 to index
      %parallel_loop3A_983 = arith.index_cast %parallel_loop3A_981 : i32 to index
      %parallel_loop3A_984 = tpu.vector_load %arg13[%parallel_loop3A_982, %parallel_loop3A_983] {strides = array<i32>} : memref<8x2048xf32, #tpu.memory_space<vmem>>, vector<1x16xf32>,
      %parallel_loop3A_985 = vector.shape_cast %parallel_loop3A_984 : vector<1x16xf32> to vector<16xf32>
      %parallel_loop3A_986 = arith.index_cast %parallel_loop3A_977 : i32 to index
      %parallel_loop3A_987 = arith.index_cast %parallel_loop3A_981 : i32 to index
      %parallel_loop3A_988 = tpu.vector_load %arg9[%parallel_loop3A_986, %parallel_loop3A_987] {strides = array<i32>} : memref<8x2048xf32, #tpu.memory_space<vmem>>, vector<1x16xf32>,
      %parallel_loop3A_989 = vector.shape_cast %parallel_loop3A_988 : vector<1x16xf32> to vector<16xf32>
      %parallel_loop3A_990 = vector.shape_cast %parallel_loop3A_985 : vector<16xf32> to vector<1x16xf32>
      tpu.vector_store %arg9[%parallel_loop3A_986, %parallel_loop3A_987], %parallel_loop3A_990 {add = true, strides = array<i32>} : memref<8x2048xf32, #tpu.memory_space<vmem>>, vector<1x16xf32>,
    } {sc.loop_unroll_factor = 8 : i64, sc.parallel_access}
    %add3A_844 = arith.constant 4096 : i32
    %add3A_845 = arith.addi %add3A_844, %mul3A_2 : i32
    %add3A_846 = arith.constant 48 : i32
    %add3A_847 = arith.addi %add3A_845, %add3A_846 : i32
    %dma_start3A_848 = arith.constant 0 : i32
    %dma_start3A_849 = tpu.memref_slice %arg5[%add3A_847, %dma_start3A_848] : memref<8192x2048xf32, #tpu.memory_space<hbm>> -> memref<8x2048xf32, #tpu.memory_space<hbm>>
    %dma_start3A_850 = arith.constant 0 : i32
    %dma_start3A_851 = tpu.memref_slice %arg5[%add3A_847, %dma_start3A_850] : memref<8192x2048xf32, #tpu.memory_space<hbm>> -> memref<8x2048xf32, #tpu.memory_space<hbm>>
    tpu.enqueue_dma source(%arg9 : memref<8x2048xf32, #tpu.memory_space<vmem>>) target(%dma_start3A_851 : memref<8x2048xf32, #tpu.memory_space<hbm>>) target_semaphore(%arg21 : memref<!tpu.dma_semaphore, #tpu.memory_space<semaphore_mem>>)
    %dma_wait3A_852 = arith.constant 0 : i32
    %dma_wait3A_853 = tpu.memref_slice %arg5[%add3A_822, %dma_wait3A_852] : memref<8192x2048xf32, #tpu.memory_space<hbm>> -> memref<8x2048xf32, #tpu.memory_space<hbm>>
    %dma_wait3A_854 = arith.constant 0 : i32
    %dma_wait3A_855 = tpu.memref_slice %arg5[%add3A_822, %dma_wait3A_854] : memref<8192x2048xf32, #tpu.memory_space<hbm>> -> memref<8x2048xf32, #tpu.memory_space<hbm>>
    tpu.wait_dma2 semaphore(%arg20 : memref<!tpu.dma_semaphore, #tpu.memory_space<semaphore_mem>>) src(%arg8 : memref<8x2048xf32, #tpu.memory_space<vmem>>) dst(%dma_wait3A_855 : memref<8x2048xf32, #tpu.memory_space<hbm>>)
    %dma_start3A_856 = arith.constant 184 : i32
    %dma_start3A_857 = tpu.memref_slice %arg6[%dma_start3A_856] : memref<256xi32, #tpu.memory_space<vmem>> -> memref<8xi32, #tpu.memory_space<vmem>>
    %dma_start3A_858 = arith.constant 0 : i32
    %dma_start3A_859 = arith.constant 0 : i32
    %dma_start3A_860 = tpu.memref_slice %arg3[%dma_start3A_858, %dma_start3A_859] : memref<50272x2048xf32, #tpu.memory_space<hbm>> -> memref<50272x2048xf32, #tpu.memory_space<hbm>>
    tpu.enqueue_indirect_dma source(%dma_start3A_860 : memref<50272x2048xf32, #tpu.memory_space<hbm>>) target(%arg8 : memref<8x2048xf32, #tpu.memory_space<vmem>>) offsets(%dma_start3A_857 : memref<8xi32, #tpu.memory_space<vmem>>) semaphore(%arg15 : memref<!tpu.dma_semaphore, #tpu.memory_space<semaphore_mem>>)
    %dma_wait3A_861 = arith.constant 240 : i32
    %dma_wait3A_862 = tpu.memref_slice %arg6[%dma_wait3A_861] : memref<256xi32, #tpu.memory_space<vmem>> -> memref<8xi32, #tpu.memory_space<vmem>>
    %dma_wait3A_863 = arith.constant 0 : i32
    %dma_wait3A_864 = arith.constant 0 : i32
    %dma_wait3A_865 = tpu.memref_slice %arg3[%dma_wait3A_863, %dma_wait3A_864] : memref<50272x2048xf32, #tpu.memory_space<hbm>> -> memref<50272x2048xf32, #tpu.memory_space<hbm>>
    tpu.wait_indirect_dma semaphore(%arg17 : memref<!tpu.dma_semaphore, #tpu.memory_space<semaphore_mem>>) src(%dma_wait3A_865 : memref<50272x2048xf32, #tpu.memory_space<hbm>>) dst(%arg10 : memref<8x2048xf32, #tpu.memory_space<vmem>>)
    %parallel_loop3A_866 = arith.constant 0 : i32
    %parallel_loop3A_867 = arith.constant 1024 : i32
    %parallel_loop3A_868 = arith.constant 1 : i32
    scf.for %parallel_loop3A_975 = %parallel_loop3A_866 to %parallel_loop3A_867 step %parallel_loop3A_868  : i32 {
      %parallel_loop3A_976 = arith.constant 7 : i32
      %parallel_loop3A_977 = arith.shrui %parallel_loop3A_975, %parallel_loop3A_976 : i32
      %parallel_loop3A_978 = arith.constant 127 : i32
      %parallel_loop3A_979 = arith.andi %parallel_loop3A_975, %parallel_loop3A_978 : i32
      %parallel_loop3A_980 = arith.constant 16 : i32
      %parallel_loop3A_981 = arith.muli %parallel_loop3A_979, %parallel_loop3A_980 : i32
      %parallel_loop3A_982 = arith.index_cast %parallel_loop3A_977 : i32 to index
      %parallel_loop3A_983 = arith.index_cast %parallel_loop3A_981 : i32 to index
      %parallel_loop3A_984 = tpu.vector_load %arg13[%parallel_loop3A_982, %parallel_loop3A_983] {strides = array<i32>} : memref<8x2048xf32, #tpu.memory_space<vmem>>, vector<1x16xf32>,
      %parallel_loop3A_985 = vector.shape_cast %parallel_loop3A_984 : vector<1x16xf32> to vector<16xf32>
      %parallel_loop3A_986 = arith.index_cast %parallel_loop3A_977 : i32 to index
      %parallel_loop3A_987 = arith.index_cast %parallel_loop3A_981 : i32 to index
      %parallel_loop3A_988 = tpu.vector_load %arg10[%parallel_loop3A_986, %parallel_loop3A_987] {strides = array<i32>} : memref<8x2048xf32, #tpu.memory_space<vmem>>, vector<1x16xf32>,
      %parallel_loop3A_989 = vector.shape_cast %parallel_loop3A_988 : vector<1x16xf32> to vector<16xf32>
      %parallel_loop3A_990 = vector.shape_cast %parallel_loop3A_985 : vector<16xf32> to vector<1x16xf32>
      tpu.vector_store %arg10[%parallel_loop3A_986, %parallel_loop3A_987], %parallel_loop3A_990 {add = true, strides = array<i32>} : memref<8x2048xf32, #tpu.memory_space<vmem>>, vector<1x16xf32>,
    } {sc.loop_unroll_factor = 8 : i64, sc.parallel_access}
    %add3A_869 = arith.constant 6144 : i32
    %add3A_870 = arith.addi %add3A_869, %mul3A_2 : i32
    %add3A_871 = arith.constant 48 : i32
    %add3A_872 = arith.addi %add3A_870, %add3A_871 : i32
    %dma_start3A_873 = arith.constant 0 : i32
    %dma_start3A_874 = tpu.memref_slice %arg5[%add3A_872, %dma_start3A_873] : memref<8192x2048xf32, #tpu.memory_space<hbm>> -> memref<8x2048xf32, #tpu.memory_space<hbm>>
    %dma_start3A_875 = arith.constant 0 : i32
    %dma_start3A_876 = tpu.memref_slice %arg5[%add3A_872, %dma_start3A_875] : memref<8192x2048xf32, #tpu.memory_space<hbm>> -> memref<8x2048xf32, #tpu.memory_space<hbm>>
    tpu.enqueue_dma source(%arg10 : memref<8x2048xf32, #tpu.memory_space<vmem>>) target(%dma_start3A_876 : memref<8x2048xf32, #tpu.memory_space<hbm>>) target_semaphore(%arg22 : memref<!tpu.dma_semaphore, #tpu.memory_space<semaphore_mem>>)
    %dma_wait3A_877 = arith.constant 0 : i32
    %dma_wait3A_878 = tpu.memref_slice %arg5[%add3A_847, %dma_wait3A_877] : memref<8192x2048xf32, #tpu.memory_space<hbm>> -> memref<8x2048xf32, #tpu.memory_space<hbm>>
    %dma_wait3A_879 = arith.constant 0 : i32
    %dma_wait3A_880 = tpu.memref_slice %arg5[%add3A_847, %dma_wait3A_879] : memref<8192x2048xf32, #tpu.memory_space<hbm>> -> memref<8x2048xf32, #tpu.memory_space<hbm>>
    tpu.wait_dma2 semaphore(%arg21 : memref<!tpu.dma_semaphore, #tpu.memory_space<semaphore_mem>>) src(%arg9 : memref<8x2048xf32, #tpu.memory_space<vmem>>) dst(%dma_wait3A_880 : memref<8x2048xf32, #tpu.memory_space<hbm>>)
    %dma_start3A_881 = arith.constant 248 : i32
    %dma_start3A_882 = tpu.memref_slice %arg6[%dma_start3A_881] : memref<256xi32, #tpu.memory_space<vmem>> -> memref<8xi32, #tpu.memory_space<vmem>>
    %dma_start3A_883 = arith.constant 0 : i32
    %dma_start3A_884 = arith.constant 0 : i32
    %dma_start3A_885 = tpu.memref_slice %arg3[%dma_start3A_883, %dma_start3A_884] : memref<50272x2048xf32, #tpu.memory_space<hbm>> -> memref<50272x2048xf32, #tpu.memory_space<hbm>>
    tpu.enqueue_indirect_dma source(%dma_start3A_885 : memref<50272x2048xf32, #tpu.memory_space<hbm>>) target(%arg9 : memref<8x2048xf32, #tpu.memory_space<vmem>>) offsets(%dma_start3A_882 : memref<8xi32, #tpu.memory_space<vmem>>) semaphore(%arg16 : memref<!tpu.dma_semaphore, #tpu.memory_space<semaphore_mem>>)
    %dma_wait3A_886 = arith.constant 56 : i32
    %dma_wait3A_887 = tpu.memref_slice %arg6[%dma_wait3A_886] : memref<256xi32, #tpu.memory_space<vmem>> -> memref<8xi32, #tpu.memory_space<vmem>>
    %dma_wait3A_888 = arith.constant 0 : i32
    %dma_wait3A_889 = arith.constant 0 : i32
    %dma_wait3A_890 = tpu.memref_slice %arg3[%dma_wait3A_888, %dma_wait3A_889] : memref<50272x2048xf32, #tpu.memory_space<hbm>> -> memref<50272x2048xf32, #tpu.memory_space<hbm>>
    tpu.wait_indirect_dma semaphore(%arg18 : memref<!tpu.dma_semaphore, #tpu.memory_space<semaphore_mem>>) src(%dma_wait3A_890 : memref<50272x2048xf32, #tpu.memory_space<hbm>>) dst(%arg11 : memref<8x2048xf32, #tpu.memory_space<vmem>>)
    %dma_wait3A_891 = arith.constant 56 : i32
    %dma_wait3A_892 = tpu.memref_slice %arg7[%dma_wait3A_891] : memref<64xi32, #tpu.memory_space<vmem>> -> memref<8xi32, #tpu.memory_space<vmem>>
    %dma_wait3A_893 = arith.constant 0 : i32
    %dma_wait3A_894 = arith.constant 0 : i32
    %dma_wait3A_895 = tpu.memref_slice %arg4[%dma_wait3A_893, %dma_wait3A_894] : memref<2050x2048xf32, #tpu.memory_space<hbm>> -> memref<2050x2048xf32, #tpu.memory_space<hbm>>
    tpu.wait_indirect_dma semaphore(%arg26 : memref<!tpu.dma_semaphore, #tpu.memory_space<semaphore_mem>>) src(%dma_wait3A_895 : memref<2050x2048xf32, #tpu.memory_space<hbm>>) dst(%arg14 : memref<8x2048xf32, #tpu.memory_space<vmem>>)
    %parallel_loop3A_896 = arith.constant 0 : i32
    %parallel_loop3A_897 = arith.constant 1024 : i32
    %parallel_loop3A_898 = arith.constant 1 : i32
    scf.for %parallel_loop3A_975 = %parallel_loop3A_896 to %parallel_loop3A_897 step %parallel_loop3A_898  : i32 {
      %parallel_loop3A_976 = arith.constant 7 : i32
      %parallel_loop3A_977 = arith.shrui %parallel_loop3A_975, %parallel_loop3A_976 : i32
      %parallel_loop3A_978 = arith.constant 127 : i32
      %parallel_loop3A_979 = arith.andi %parallel_loop3A_975, %parallel_loop3A_978 : i32
      %parallel_loop3A_980 = arith.constant 16 : i32
      %parallel_loop3A_981 = arith.muli %parallel_loop3A_979, %parallel_loop3A_980 : i32
      %parallel_loop3A_982 = arith.index_cast %parallel_loop3A_977 : i32 to index
      %parallel_loop3A_983 = arith.index_cast %parallel_loop3A_981 : i32 to index
      %parallel_loop3A_984 = tpu.vector_load %arg14[%parallel_loop3A_982, %parallel_loop3A_983] {strides = array<i32>} : memref<8x2048xf32, #tpu.memory_space<vmem>>, vector<1x16xf32>,
      %parallel_loop3A_985 = vector.shape_cast %parallel_loop3A_984 : vector<1x16xf32> to vector<16xf32>
      %parallel_loop3A_986 = arith.index_cast %parallel_loop3A_977 : i32 to index
      %parallel_loop3A_987 = arith.index_cast %parallel_loop3A_981 : i32 to index
      %parallel_loop3A_988 = tpu.vector_load %arg11[%parallel_loop3A_986, %parallel_loop3A_987] {strides = array<i32>} : memref<8x2048xf32, #tpu.memory_space<vmem>>, vector<1x16xf32>,
      %parallel_loop3A_989 = vector.shape_cast %parallel_loop3A_988 : vector<1x16xf32> to vector<16xf32>
      %parallel_loop3A_990 = vector.shape_cast %parallel_loop3A_985 : vector<16xf32> to vector<1x16xf32>
      tpu.vector_store %arg11[%parallel_loop3A_986, %parallel_loop3A_987], %parallel_loop3A_990 {add = true, strides = array<i32>} : memref<8x2048xf32, #tpu.memory_space<vmem>>, vector<1x16xf32>,
    } {sc.loop_unroll_factor = 8 : i64, sc.parallel_access}
    %add3A_899 = arith.constant 0 : i32
    %add3A_900 = arith.addi %add3A_899, %mul3A_2 : i32
    %add3A_901 = arith.constant 56 : i32
    %add3A_902 = arith.addi %add3A_900, %add3A_901 : i32
    %dma_start3A_903 = arith.constant 0 : i32
    %dma_start3A_904 = tpu.memref_slice %arg5[%add3A_902, %dma_start3A_903] : memref<8192x2048xf32, #tpu.memory_space<hbm>> -> memref<8x2048xf32, #tpu.memory_space<hbm>>
    %dma_start3A_905 = arith.constant 0 : i32
    %dma_start3A_906 = tpu.memref_slice %arg5[%add3A_902, %dma_start3A_905] : memref<8192x2048xf32, #tpu.memory_space<hbm>> -> memref<8x2048xf32, #tpu.memory_space<hbm>>
    tpu.enqueue_dma source(%arg11 : memref<8x2048xf32, #tpu.memory_space<vmem>>) target(%dma_start3A_906 : memref<8x2048xf32, #tpu.memory_space<hbm>>) target_semaphore(%arg23 : memref<!tpu.dma_semaphore, #tpu.memory_space<semaphore_mem>>)
    %dma_wait3A_907 = arith.constant 120 : i32
    %dma_wait3A_908 = tpu.memref_slice %arg6[%dma_wait3A_907] : memref<256xi32, #tpu.memory_space<vmem>> -> memref<8xi32, #tpu.memory_space<vmem>>
    %dma_wait3A_909 = arith.constant 0 : i32
    %dma_wait3A_910 = arith.constant 0 : i32
    %dma_wait3A_911 = tpu.memref_slice %arg3[%dma_wait3A_909, %dma_wait3A_910] : memref<50272x2048xf32, #tpu.memory_space<hbm>> -> memref<50272x2048xf32, #tpu.memory_space<hbm>>
    tpu.wait_indirect_dma semaphore(%arg19 : memref<!tpu.dma_semaphore, #tpu.memory_space<semaphore_mem>>) src(%dma_wait3A_911 : memref<50272x2048xf32, #tpu.memory_space<hbm>>) dst(%arg12 : memref<8x2048xf32, #tpu.memory_space<vmem>>)
    %parallel_loop3A_912 = arith.constant 0 : i32
    %parallel_loop3A_913 = arith.constant 1024 : i32
    %parallel_loop3A_914 = arith.constant 1 : i32
    scf.for %parallel_loop3A_975 = %parallel_loop3A_912 to %parallel_loop3A_913 step %parallel_loop3A_914  : i32 {
      %parallel_loop3A_976 = arith.constant 7 : i32
      %parallel_loop3A_977 = arith.shrui %parallel_loop3A_975, %parallel_loop3A_976 : i32
      %parallel_loop3A_978 = arith.constant 127 : i32
      %parallel_loop3A_979 = arith.andi %parallel_loop3A_975, %parallel_loop3A_978 : i32
      %parallel_loop3A_980 = arith.constant 16 : i32
      %parallel_loop3A_981 = arith.muli %parallel_loop3A_979, %parallel_loop3A_980 : i32
      %parallel_loop3A_982 = arith.index_cast %parallel_loop3A_977 : i32 to index
      %parallel_loop3A_983 = arith.index_cast %parallel_loop3A_981 : i32 to index
      %parallel_loop3A_984 = tpu.vector_load %arg14[%parallel_loop3A_982, %parallel_loop3A_983] {strides = array<i32>} : memref<8x2048xf32, #tpu.memory_space<vmem>>, vector<1x16xf32>,
      %parallel_loop3A_985 = vector.shape_cast %parallel_loop3A_984 : vector<1x16xf32> to vector<16xf32>
      %parallel_loop3A_986 = arith.index_cast %parallel_loop3A_977 : i32 to index
      %parallel_loop3A_987 = arith.index_cast %parallel_loop3A_981 : i32 to index
      %parallel_loop3A_988 = tpu.vector_load %arg12[%parallel_loop3A_986, %parallel_loop3A_987] {strides = array<i32>} : memref<8x2048xf32, #tpu.memory_space<vmem>>, vector<1x16xf32>,
      %parallel_loop3A_989 = vector.shape_cast %parallel_loop3A_988 : vector<1x16xf32> to vector<16xf32>
      %parallel_loop3A_990 = vector.shape_cast %parallel_loop3A_985 : vector<16xf32> to vector<1x16xf32>
      tpu.vector_store %arg12[%parallel_loop3A_986, %parallel_loop3A_987], %parallel_loop3A_990 {add = true, strides = array<i32>} : memref<8x2048xf32, #tpu.memory_space<vmem>>, vector<1x16xf32>,
    } {sc.loop_unroll_factor = 8 : i64, sc.parallel_access}
    %add3A_915 = arith.constant 2048 : i32
    %add3A_916 = arith.addi %add3A_915, %mul3A_2 : i32
    %add3A_917 = arith.constant 56 : i32
    %add3A_918 = arith.addi %add3A_916, %add3A_917 : i32
    %dma_start3A_919 = arith.constant 0 : i32
    %dma_start3A_920 = tpu.memref_slice %arg5[%add3A_918, %dma_start3A_919] : memref<8192x2048xf32, #tpu.memory_space<hbm>> -> memref<8x2048xf32, #tpu.memory_space<hbm>>
    %dma_start3A_921 = arith.constant 0 : i32
    %dma_start3A_922 = tpu.memref_slice %arg5[%add3A_918, %dma_start3A_921] : memref<8192x2048xf32, #tpu.memory_space<hbm>> -> memref<8x2048xf32, #tpu.memory_space<hbm>>
    tpu.enqueue_dma source(%arg12 : memref<8x2048xf32, #tpu.memory_space<vmem>>) target(%dma_start3A_922 : memref<8x2048xf32, #tpu.memory_space<hbm>>) target_semaphore(%arg24 : memref<!tpu.dma_semaphore, #tpu.memory_space<semaphore_mem>>)
    %dma_wait3A_923 = arith.constant 184 : i32
    %dma_wait3A_924 = tpu.memref_slice %arg6[%dma_wait3A_923] : memref<256xi32, #tpu.memory_space<vmem>> -> memref<8xi32, #tpu.memory_space<vmem>>
    %dma_wait3A_925 = arith.constant 0 : i32
    %dma_wait3A_926 = arith.constant 0 : i32
    %dma_wait3A_927 = tpu.memref_slice %arg3[%dma_wait3A_925, %dma_wait3A_926] : memref<50272x2048xf32, #tpu.memory_space<hbm>> -> memref<50272x2048xf32, #tpu.memory_space<hbm>>
    tpu.wait_indirect_dma semaphore(%arg15 : memref<!tpu.dma_semaphore, #tpu.memory_space<semaphore_mem>>) src(%dma_wait3A_927 : memref<50272x2048xf32, #tpu.memory_space<hbm>>) dst(%arg8 : memref<8x2048xf32, #tpu.memory_space<vmem>>)
    %parallel_loop3A_928 = arith.constant 0 : i32
    %parallel_loop3A_929 = arith.constant 1024 : i32
    %parallel_loop3A_930 = arith.constant 1 : i32
    scf.for %parallel_loop3A_975 = %parallel_loop3A_928 to %parallel_loop3A_929 step %parallel_loop3A_930  : i32 {
      %parallel_loop3A_976 = arith.constant 7 : i32
      %parallel_loop3A_977 = arith.shrui %parallel_loop3A_975, %parallel_loop3A_976 : i32
      %parallel_loop3A_978 = arith.constant 127 : i32
      %parallel_loop3A_979 = arith.andi %parallel_loop3A_975, %parallel_loop3A_978 : i32
      %parallel_loop3A_980 = arith.constant 16 : i32
      %parallel_loop3A_981 = arith.muli %parallel_loop3A_979, %parallel_loop3A_980 : i32
      %parallel_loop3A_982 = arith.index_cast %parallel_loop3A_977 : i32 to index
      %parallel_loop3A_983 = arith.index_cast %parallel_loop3A_981 : i32 to index
      %parallel_loop3A_984 = tpu.vector_load %arg14[%parallel_loop3A_982, %parallel_loop3A_983] {strides = array<i32>} : memref<8x2048xf32, #tpu.memory_space<vmem>>, vector<1x16xf32>,
      %parallel_loop3A_985 = vector.shape_cast %parallel_loop3A_984 : vector<1x16xf32> to vector<16xf32>
      %parallel_loop3A_986 = arith.index_cast %parallel_loop3A_977 : i32 to index
      %parallel_loop3A_987 = arith.index_cast %parallel_loop3A_981 : i32 to index
      %parallel_loop3A_988 = tpu.vector_load %arg8[%parallel_loop3A_986, %parallel_loop3A_987] {strides = array<i32>} : memref<8x2048xf32, #tpu.memory_space<vmem>>, vector<1x16xf32>,
      %parallel_loop3A_989 = vector.shape_cast %parallel_loop3A_988 : vector<1x16xf32> to vector<16xf32>
      %parallel_loop3A_990 = vector.shape_cast %parallel_loop3A_985 : vector<16xf32> to vector<1x16xf32>
      tpu.vector_store %arg8[%parallel_loop3A_986, %parallel_loop3A_987], %parallel_loop3A_990 {add = true, strides = array<i32>} : memref<8x2048xf32, #tpu.memory_space<vmem>>, vector<1x16xf32>,
    } {sc.loop_unroll_factor = 8 : i64, sc.parallel_access}
    %add3A_931 = arith.constant 4096 : i32
    %add3A_932 = arith.addi %add3A_931, %mul3A_2 : i32
    %add3A_933 = arith.constant 56 : i32
    %add3A_934 = arith.addi %add3A_932, %add3A_933 : i32
    %dma_start3A_935 = arith.constant 0 : i32
    %dma_start3A_936 = tpu.memref_slice %arg5[%add3A_934, %dma_start3A_935] : memref<8192x2048xf32, #tpu.memory_space<hbm>> -> memref<8x2048xf32, #tpu.memory_space<hbm>>
    %dma_start3A_937 = arith.constant 0 : i32
    %dma_start3A_938 = tpu.memref_slice %arg5[%add3A_934, %dma_start3A_937] : memref<8192x2048xf32, #tpu.memory_space<hbm>> -> memref<8x2048xf32, #tpu.memory_space<hbm>>
    tpu.enqueue_dma source(%arg8 : memref<8x2048xf32, #tpu.memory_space<vmem>>) target(%dma_start3A_938 : memref<8x2048xf32, #tpu.memory_space<hbm>>) target_semaphore(%arg20 : memref<!tpu.dma_semaphore, #tpu.memory_space<semaphore_mem>>)
    %dma_wait3A_939 = arith.constant 248 : i32
    %dma_wait3A_940 = tpu.memref_slice %arg6[%dma_wait3A_939] : memref<256xi32, #tpu.memory_space<vmem>> -> memref<8xi32, #tpu.memory_space<vmem>>
    %dma_wait3A_941 = arith.constant 0 : i32
    %dma_wait3A_942 = arith.constant 0 : i32
    %dma_wait3A_943 = tpu.memref_slice %arg3[%dma_wait3A_941, %dma_wait3A_942] : memref<50272x2048xf32, #tpu.memory_space<hbm>> -> memref<50272x2048xf32, #tpu.memory_space<hbm>>
    tpu.wait_indirect_dma semaphore(%arg16 : memref<!tpu.dma_semaphore, #tpu.memory_space<semaphore_mem>>) src(%dma_wait3A_943 : memref<50272x2048xf32, #tpu.memory_space<hbm>>) dst(%arg9 : memref<8x2048xf32, #tpu.memory_space<vmem>>)
    %parallel_loop3A_944 = arith.constant 0 : i32
    %parallel_loop3A_945 = arith.constant 1024 : i32
    %parallel_loop3A_946 = arith.constant 1 : i32
    scf.for %parallel_loop3A_975 = %parallel_loop3A_944 to %parallel_loop3A_945 step %parallel_loop3A_946  : i32 {
      %parallel_loop3A_976 = arith.constant 7 : i32
      %parallel_loop3A_977 = arith.shrui %parallel_loop3A_975, %parallel_loop3A_976 : i32
      %parallel_loop3A_978 = arith.constant 127 : i32
      %parallel_loop3A_979 = arith.andi %parallel_loop3A_975, %parallel_loop3A_978 : i32
      %parallel_loop3A_980 = arith.constant 16 : i32
      %parallel_loop3A_981 = arith.muli %parallel_loop3A_979, %parallel_loop3A_980 : i32
      %parallel_loop3A_982 = arith.index_cast %parallel_loop3A_977 : i32 to index
      %parallel_loop3A_983 = arith.index_cast %parallel_loop3A_981 : i32 to index
      %parallel_loop3A_984 = tpu.vector_load %arg14[%parallel_loop3A_982, %parallel_loop3A_983] {strides = array<i32>} : memref<8x2048xf32, #tpu.memory_space<vmem>>, vector<1x16xf32>,
      %parallel_loop3A_985 = vector.shape_cast %parallel_loop3A_984 : vector<1x16xf32> to vector<16xf32>
      %parallel_loop3A_986 = arith.index_cast %parallel_loop3A_977 : i32 to index
      %parallel_loop3A_987 = arith.index_cast %parallel_loop3A_981 : i32 to index
      %parallel_loop3A_988 = tpu.vector_load %arg9[%parallel_loop3A_986, %parallel_loop3A_987] {strides = array<i32>} : memref<8x2048xf32, #tpu.memory_space<vmem>>, vector<1x16xf32>,
      %parallel_loop3A_989 = vector.shape_cast %parallel_loop3A_988 : vector<1x16xf32> to vector<16xf32>
      %parallel_loop3A_990 = vector.shape_cast %parallel_loop3A_985 : vector<16xf32> to vector<1x16xf32>
      tpu.vector_store %arg9[%parallel_loop3A_986, %parallel_loop3A_987], %parallel_loop3A_990 {add = true, strides = array<i32>} : memref<8x2048xf32, #tpu.memory_space<vmem>>, vector<1x16xf32>,
    } {sc.loop_unroll_factor = 8 : i64, sc.parallel_access}
    %add3A_947 = arith.constant 6144 : i32
    %add3A_948 = arith.addi %add3A_947, %mul3A_2 : i32
    %add3A_949 = arith.constant 56 : i32
    %add3A_950 = arith.addi %add3A_948, %add3A_949 : i32
    %dma_start3A_951 = arith.constant 0 : i32
    %dma_start3A_952 = tpu.memref_slice %arg5[%add3A_950, %dma_start3A_951] : memref<8192x2048xf32, #tpu.memory_space<hbm>> -> memref<8x2048xf32, #tpu.memory_space<hbm>>
    %dma_start3A_953 = arith.constant 0 : i32
    %dma_start3A_954 = tpu.memref_slice %arg5[%add3A_950, %dma_start3A_953] : memref<8192x2048xf32, #tpu.memory_space<hbm>> -> memref<8x2048xf32, #tpu.memory_space<hbm>>
    tpu.enqueue_dma source(%arg9 : memref<8x2048xf32, #tpu.memory_space<vmem>>) target(%dma_start3A_954 : memref<8x2048xf32, #tpu.memory_space<hbm>>) target_semaphore(%arg21 : memref<!tpu.dma_semaphore, #tpu.memory_space<semaphore_mem>>)
    %dma_wait3A_955 = arith.constant 0 : i32
    %dma_wait3A_956 = tpu.memref_slice %arg5[%add3A_934, %dma_wait3A_955] : memref<8192x2048xf32, #tpu.memory_space<hbm>> -> memref<8x2048xf32, #tpu.memory_space<hbm>>
    %dma_wait3A_957 = arith.constant 0 : i32
    %dma_wait3A_958 = tpu.memref_slice %arg5[%add3A_934, %dma_wait3A_957] : memref<8192x2048xf32, #tpu.memory_space<hbm>> -> memref<8x2048xf32, #tpu.memory_space<hbm>>
    tpu.wait_dma2 semaphore(%arg20 : memref<!tpu.dma_semaphore, #tpu.memory_space<semaphore_mem>>) src(%arg8 : memref<8x2048xf32, #tpu.memory_space<vmem>>) dst(%dma_wait3A_958 : memref<8x2048xf32, #tpu.memory_space<hbm>>)
    %dma_wait3A_959 = arith.constant 0 : i32
    %dma_wait3A_960 = tpu.memref_slice %arg5[%add3A_950, %dma_wait3A_959] : memref<8192x2048xf32, #tpu.memory_space<hbm>> -> memref<8x2048xf32, #tpu.memory_space<hbm>>
    %dma_wait3A_961 = arith.constant 0 : i32
    %dma_wait3A_962 = tpu.memref_slice %arg5[%add3A_950, %dma_wait3A_961] : memref<8192x2048xf32, #tpu.memory_space<hbm>> -> memref<8x2048xf32, #tpu.memory_space<hbm>>
    tpu.wait_dma2 semaphore(%arg21 : memref<!tpu.dma_semaphore, #tpu.memory_space<semaphore_mem>>) src(%arg9 : memref<8x2048xf32, #tpu.memory_space<vmem>>) dst(%dma_wait3A_962 : memref<8x2048xf32, #tpu.memory_space<hbm>>)
    %dma_wait3A_963 = arith.constant 0 : i32
    %dma_wait3A_964 = tpu.memref_slice %arg5[%add3A_872, %dma_wait3A_963] : memref<8192x2048xf32, #tpu.memory_space<hbm>> -> memref<8x2048xf32, #tpu.memory_space<hbm>>
    %dma_wait3A_965 = arith.constant 0 : i32
    %dma_wait3A_966 = tpu.memref_slice %arg5[%add3A_872, %dma_wait3A_965] : memref<8192x2048xf32, #tpu.memory_space<hbm>> -> memref<8x2048xf32, #tpu.memory_space<hbm>>
    tpu.wait_dma2 semaphore(%arg22 : memref<!tpu.dma_semaphore, #tpu.memory_space<semaphore_mem>>) src(%arg10 : memref<8x2048xf32, #tpu.memory_space<vmem>>) dst(%dma_wait3A_966 : memref<8x2048xf32, #tpu.memory_space<hbm>>)
    %dma_wait3A_967 = arith.constant 0 : i32
    %dma_wait3A_968 = tpu.memref_slice %arg5[%add3A_902, %dma_wait3A_967] : memref<8192x2048xf32, #tpu.memory_space<hbm>> -> memref<8x2048xf32, #tpu.memory_space<hbm>>
    %dma_wait3A_969 = arith.constant 0 : i32
    %dma_wait3A_970 = tpu.memref_slice %arg5[%add3A_902, %dma_wait3A_969] : memref<8192x2048xf32, #tpu.memory_space<hbm>> -> memref<8x2048xf32, #tpu.memory_space<hbm>>
    tpu.wait_dma2 semaphore(%arg23 : memref<!tpu.dma_semaphore, #tpu.memory_space<semaphore_mem>>) src(%arg11 : memref<8x2048xf32, #tpu.memory_space<vmem>>) dst(%dma_wait3A_970 : memref<8x2048xf32, #tpu.memory_space<hbm>>)
    %dma_wait3A_971 = arith.constant 0 : i32
    %dma_wait3A_972 = tpu.memref_slice %arg5[%add3A_918, %dma_wait3A_971] : memref<8192x2048xf32, #tpu.memory_space<hbm>> -> memref<8x2048xf32, #tpu.memory_space<hbm>>
    %dma_wait3A_973 = arith.constant 0 : i32
    %dma_wait3A_974 = tpu.memref_slice %arg5[%add3A_918, %dma_wait3A_973] : memref<8192x2048xf32, #tpu.memory_space<hbm>> -> memref<8x2048xf32, #tpu.memory_space<hbm>>
    tpu.wait_dma2 semaphore(%arg24 : memref<!tpu.dma_semaphore, #tpu.memory_space<semaphore_mem>>) src(%arg12 : memref<8x2048xf32, #tpu.memory_space<vmem>>) dst(%dma_wait3A_974 : memref<8x2048xf32, #tpu.memory_space<hbm>>)
    return
  }
}

</mosaic_0001>

<sc_bundles>
// kernel: kernel.3.cloned.1.call-start
scs
__scs_entry_jumppad:
0x0: {  	(pc) =	sbr.rel $0x88, $3  }
0x1: {  	(tag) =	ssettag $0x0;
	lr =	simm.s32 $0x1  }
0x2: {  	[smem:$0x3F9E] =	sst lr;
	_ =	strace $0xD0000000  }
0x3: {  	_ = 	snop  }
0x4: {  	_ = 	snop  }
0x5: {  	_ = 	snop  }
0x6: {  	_ = 	snop  }
0x7: {  	_ = 	snop  }
__scs_overlays_trampoline_lowered:
0x8: {  	[smem:$0x3FAD] =	sst s0  }
0x9: {  	[smem:$0x3FAE] =	sst s1  }
0xa: {  	[smem:$0x3FAF] =	sst s2  }
0xb: {  	[smem:$0x3FB0] =	sst s3  }
0xc: {  	[smem:$0x3FB1] =	sst s4  }
0xd: {  	[smem:$0x3FB2] =	sst s5  }
0xe: {  	[smem:$0x3FB3] =	sst s6  }
0xf: {  	[smem:$0x3FB4] =	sst s7  }
0x10: {  	[smem:$0x3FB5] =	sst s8  }
0x11: {  	[smem:$0x3FB6] =	sst s9;
	s0 =	simm.s32 @!p0 $0x0  }
0x12: {  	s1 =	sld [smem:$0x3F9C];
	s0 =	simm.s32 @p0 $0x1  }
0x13: {  	[smem:$0x3FB7] =	sst s0;
	s0 =	simm.s32 @!p1 $0x0  }
0x14: {  	s2 =	sld [smem:$0x3F9B];
	s0 =	simm.s32 @p1 $0x1  }
0x15: {  	[smem:$0x3FB8] =	sst s0;
	s0 =	simm.s32 @!p2 $0x0  }
0x16: {  	s3 =	sld [smem:$0x3FDB];
	s0 =	simm.s32 @p2 $0x1  }
0x17: {  	s4 =	simm.s32 $0x1BF5;
	[smem:$0x3FBA] =	sst s0  }
0x18: {  	s0 =	sld [smem:$0x3F9D];
	_ =	swait.ge [sflag:s4], $0x0  }
0x19: {  	s7 =	sld [smem:$0x3F9E]  }
0x1a: {  	s8 =	sadd.s32 $0xFFFFE003, lr  }
0x1b: {  	s9 =	sadd.s32 $0xFFFFFEF7, lr;
	s5 =	simm.s32 $0xFFFFFFFF;
	p2 =	slt.u32 s8, $0xFFFFF086  }
0x1c: {  	p1 =	slt.u32 s9, $0xF7A;
	s5 =	simm.s32 @!p2 $0x0  }
0x1d: {  	s5 =	simm.s32 @p1 $0x1;
	p0 =	seq.s32 s7, s2  }
0x1e: {  	s7 =	smul.u32 @!p0 $0xF7A, s2;
	p2 =	seq.s32 @!p0 s5, $0x0  }
0x1f: {  	s9 =	smul.u32 $0xF7A, s1;
	s8 =	simm.s32 @!p0 $0x1BF5;
	p2 =	por !p2, p0  }
0x20: {  	[sflag:s8] =	ssyncset.s32 @!p0 $0xFFFFF086;
	s6 =	sadd.s32 @!p0 s3, s7;
	s7 =	simm.s32 @!p0 $0x108  }
0x21: {  	s3 =	sadd.s32 s3, s9;
	s6 =	sadd.s32 @!p0 $0x88, s6;
	s7 =	simm.s32 @p2 $0x1082  }
0x22: {  	[simem:s7], [sflag:s8] =	dma.local @!p0 [hbm:s6], $0xF7A  }
0x23: {  	s9 =	sor.u32 $0xD0000000, s2;
	s6 =	simm.s32 $0x108;
	_ =	swait.ge @!p0 [sflag:s8], $0x0  }
0x24: {  	s3 =	sadd.s32 $0x88, s3;
	s6 =	simm.s32 @!p1 $0x1082;
	[sflag:s4] =	ssyncset.s32 $0xFFFFF086  }
0x25: {  	[simem:s6], [sflag:s4] =	dma.local [hbm:s3], $0xF7A  }
0x26: {  	[smem:$0x3F9E] =	sst s1;
	(tag) =	ssettag s2;
	_ =	strace s9  }
0x27: {  	s1 =	sld [smem:$0x3FAE]  }
0x28: {  	s2 =	sld [smem:$0x3FAF]  }
0x29: {  	s4 =	sld [smem:$0x3FB1]  }
0x2a: {  	p0 =	seq.s32 s5, $0x0;
	s5 =	sld [smem:$0x3FB2]  }
0x2b: {  	s6 =	sld [smem:$0x3FB3]  }
0x2c: {  	s7 =	sld [smem:$0x3FB4]  }
0x2d: {  	s3 =	simm.s32 $0x108;
	s8 =	sld [smem:$0x3FB5]  }
0x2e: {  	s3 =	simm.s32 @!p0 $0x1082;
	s9 =	sld [smem:$0x3FB6]  }
0x2f: {  	lr =	sadd.s32 s0, s3;
	s0 =	sld [smem:$0x3FAD]  }
0x30: {  	s3 =	sld [smem:$0x3FB0]  }
0x31: {  	[smem:$0x3FB9] =	sst s10  }
0x32: {  	s10 =	sld [smem:$0x3FB7];
	_ =	sdelay $0x3  }
0x33: {  	p0 =	seq.s32 s10, $0x1;
	s10 =	sld [smem:$0x3FB9];
	_ =	sdelay $0x3  }
0x34: {  	[smem:$0x3FB9] =	sst s10  }
0x35: {  	s10 =	sld [smem:$0x3FB8];
	_ =	sdelay $0x3  }
0x36: {  	p1 =	seq.s32 s10, $0x1;
	s10 =	sld [smem:$0x3FB9];
	_ =	sdelay $0x3  }
0x37: {  	[smem:$0x3FB9] =	sst s10  }
0x38: {  	s10 =	sld [smem:$0x3FBA]  }
0x39: {  	_ = 	snop;
	(pc) =	sbr.ind lr, $3  }
0x3a: {  	_ = 	snop  }
0x3b: {  	_ = 	snop  }
0x3c: {  	p2 =	seq.s32 s10, $0x1;
	s10 =	sld [smem:$0x3FB9]  }
0x3d: {  	_ =	shalt  }
0x3e: {  	_ =	shalt  }
0x3f: {  	_ =	shalt  }
0x40: {  	_ =	shalt  }
0x41: {  	_ =	shalt  }
0x42: {  	_ =	shalt  }
0x43: {  	_ =	shalt  }
0x44: {  	_ =	shalt  }
0x45: {  	_ =	shalt  }
0x46: {  	_ =	shalt  }
0x47: {  	_ =	shalt  }
0x48: {  	_ =	shalt  }
0x49: {  	_ =	shalt  }
0x4a: {  	_ =	shalt  }
0x4b: {  	_ =	shalt  }
0x4c: {  	_ =	shalt  }
0x4d: {  	_ =	shalt  }
0x4e: {  	_ =	shalt  }
0x4f: {  	_ =	shalt  }
0x50: {  	_ =	shalt  }
0x51: {  	_ =	shalt  }
0x52: {  	_ =	shalt  }
0x53: {  	_ =	shalt  }
0x54: {  	_ =	shalt  }
0x55: {  	_ =	shalt  }
0x56: {  	_ =	shalt  }
0x57: {  	_ =	shalt  }
0x58: {  	_ =	shalt  }
0x59: {  	_ =	shalt  }
0x5a: {  	_ =	shalt  }
0x5b: {  	_ =	shalt  }
0x5c: {  	_ =	shalt  }
0x5d: {  	_ =	shalt  }
0x5e: {  	_ =	shalt  }
0x5f: {  	_ =	shalt  }
0x60: {  	_ =	shalt  }
0x61: {  	_ =	shalt  }
0x62: {  	_ =	shalt  }
0x63: {  	_ =	shalt  }
0x64: {  	_ =	shalt  }
0x65: {  	_ =	shalt  }
0x66: {  	_ =	shalt  }
0x67: {  	_ =	shalt  }
0x68: {  	_ =	shalt  }
0x69: {  	_ =	shalt  }
0x6a: {  	_ =	shalt  }
0x6b: {  	_ =	shalt  }
0x6c: {  	_ =	shalt  }
0x6d: {  	_ =	shalt  }
0x6e: {  	_ =	shalt  }
0x6f: {  	_ =	shalt  }
0x70: {  	_ =	shalt  }
0x71: {  	_ =	shalt  }
0x72: {  	_ =	shalt  }
0x73: {  	_ =	shalt  }
0x74: {  	_ =	shalt  }
0x75: {  	_ =	shalt  }
0x76: {  	_ =	shalt  }
0x77: {  	_ =	shalt  }
0x78: {  	_ =	shalt  }
0x79: {  	_ =	shalt  }
0x7a: {  	_ =	shalt  }
0x7b: {  	_ =	shalt  }
0x7c: {  	_ =	shalt  }
0x7d: {  	_ =	shalt  }
0x7e: {  	_ =	shalt  }
0x7f: {  	_ =	shalt  }
0x80: {  	_ =	shalt  }
0x81: {  	_ =	shalt  }
0x82: {  	_ =	shalt  }
0x83: {  	_ =	shalt  }
0x84: {  	_ =	shalt  }
0x85: {  	_ =	shalt  }
0x86: {  	_ =	shalt  }
0x87: {  	_ =	shalt  }
.Lfunc_end0:
.L_simem_size_0:
called_computation_lowered:
.L_overlay_start_0:
0x88: {  	s2 =	sld [smem:$0x3FD9]  }
0x89: {  	s3 =	sld [smem:$0x3FFE];
	_ =	sdelay $0x1  }
0x8a: {  	s1 =	srdreg.scid  }
0x8b: {  	s0 =	sand.u32 $0x1, s1  }
0x8c: {  	s17 =	sshll.u32 s0, $0xA;
	s2 =	sadd.s32 s3, s2  }
0x8d: {  	s2 =	sadd.s32 s2, s17  }
0x8e: {  	[smem:$0x3FC5] =	sst s2  }
0x8f: {  	_ = 	snop  }
0x90: {  	s2 =	sld [smem:$0x3FC8]  }
0x91: {  	s18 =	sld [smem:$0x3FC7]  }
0x92: {  	s4 =	sld [smem:$0x3FD0];
	(tm) =	ssettm $0x1  }
0x93: {  	s5 =	sld [smem:$0x3FFB];
	_ =	sdelay $0x3  }
0x94: {  	_ =	strace s5  }
0x95: {  	s5 =	sld [smem:$0x3FFC];
	_ =	sdelay $0x3  }
0x96: {  	_ =	strace s5  }
0x97: {  	s5 =	sld [smem:$0x3FFD];
	_ =	sdelay $0x3  }
0x98: {  	_ =	strace s5  }
0x99: {  	_ =	strace $0x8FFFFFFF  }
0x9a: {  	s19 =	sld [smem:$0x3FDB];
	_ =	sdelay $0x1  }
0x9b: {  	s6 =	simm.s32 $_scs_section_size  }
0x9c: {  	s7 =	simm.s32 $_size__tile_overlayer_lowered;
	s8 =	simm.s32 $_tile_overlayer_lowered  }
0x9d: {  	s22 =	simm.s32 $0x1BFF;
	s21 =	sshll.u32 s8, $0x1;
	s5 =	sadd.s32 s6, s19  }
0x9e: {  	s9 =	simm.s32 $0x0;
	s20 =	sshll.u32 s7, $0x1;
	s7 =	sadd.s32 s21, s5  }
0x9f: {  	[timem:s9], [sflag:s22] =	dma.local [hbm:s7], s20  }
0xa0: {  	_ =	swait.ge [sflag:s22], s20  }
0xa1: {  	s6 =	ssub.s32 $0x0, s20;
	[sflag:s22] =	ssyncset.done $0x0  }
0xa2: {  	[sflag:s22] =	ssyncadd.s32 s6;
	_ =	sdelay $0x1  }
0xa3: {  	s23 =	simm.s32 $0x1B8B  }
0xa4: {  	_ =	swait.ge [sflag:s23], $0x1  }
0xa5: {  	[sflag:s23] =	ssyncset.done $0x0  }
0xa6: {  	s25 =	simm.s32 $0x1B8E;
	s24 =	sld [smem:$0x3FFE];
	[sflag:s23] =	ssyncadd.s32 $0xFFFFFFFF  }
0xa7: {  	s26 =	simm.s32 $execute0_lowered;
	[smem:$0x3FD2] =	sst s25  }
0xa8: {  	s7 =	sshll.u32 s26, $0x1;
	_ =	strace $0x80000046;
	[dreg:$0x1] =	wrdreg $0xFFFFFFFF  }
0xa9: {  	s28 =	simm.s32 $_size_execute0_lowered;
	s5 =	sadd.s32 s5, s7;
	[dreg:$0x0] =	wrdreg $0x0  }
0xaa: {  	s7 =	sshll.u32 s28, $0x1;
	[dreg:$0x2] =	wrdreg s5  }
0xab: {  	[dreg:$0x3] =	wrdreg s7  }
0xac: {  	[dreg:$0x4] =	wrdreg $0xC0  }
0xad: {  	_ =	task [dreg:s9], $0x5FFFF  }
0xae: {  	[dreg:$0x1] =	wrdreg $0xFFFFFFFF  }
0xaf: {  	[dreg:$0x0] =	wrdreg $0x60  }
0xb0: {  	[dreg:$0x2] =	wrdreg s24  }
0xb1: {  	[dreg:$0x3] =	wrdreg s2  }
0xb2: {  	[dreg:$0x4] =	wrdreg s18  }
0xb3: {  	[dreg:$0x5] =	wrdreg s4  }
0xb4: {  	[dreg:$0x6] =	wrdreg $0x9  }
0xb5: {  	_ =	task.clear_ibuf [dreg:s9], $0x7FFFF;
	_ =	strace $0x90000046  }
0xb6: {  	s29 =	simm.s32 $0x9;
	_ =	strace $0x80000048  }
0xb7: {  	_ =	swait.ge [sflag:s29], $0x1  }
0xb8: {  	[sflag:s29] =	ssyncadd.s32 $0xFFFFFFFF  }
0xb9: {  	_ =	strace $0x90000048  }
0xba: {  	_ =	sfence  }
0xbb: {  	s30 =	sld [smem:$0x0];
	_ =	sdelay $0x2  }
0xbc: {  	s31 =	sshll.u32 s1, $0xD;
	s1 =	sshrl.u32 s1, $0x2  }
0xbd: {  	s3 =	sand.u32 $0x4000, s31;
	s1 =	sadd.s32 s1, s30  }
0xbe: {  	s0 =	sor.u32 s3, s0;
	s1 =	sshll.u32 s1, $0x11  }
0xbf: {  	s0 =	sor.u32 s1, s0  }
0xc0: {  	s0 =	sadd.s32 $0x8F2B, s0  }
0xc1: {  	[sflag:s0] =	ssyncadd.remote.s32 $0x1  }
0xc2: {  	_ =	sfence.sel $0xFFFF  }
0xc3: {  	[dreg:$0x0] =	wrdreg $0xFFFFFFFF;
	(pc) =	sbr.abs _section_cstart, $3  }
0xc4: {  	[dreg:$0x1] =	wrdreg $0xFFFFFFFF  }
0xc5: {  	_ =	task.clear_ibuf [dreg:s9], $0x2FFFF;
	_ =	strace $0x9FFFFFFF  }
0xc6: {  	(tm) =	ssettm $0x7FFFFFFF  }
0xc7: {  	_ =	shalt  }
tec
execute0_lowered:
.L_overlay_start_1:
0x0: {  	(tag) =	ssettag $0x1  }
0x1: {  	s0 =	rddreg [dreg:$0x0]  }
0x2: {  	s1 =	rddreg [dreg:$0x1]  }
0x3: {  	s15 =	rddreg [dreg:$0x2]  }
0x4: {  	s3 =	rddreg [dreg:$0x3]  }
0x5: {  	s2 =	srdreg.scid;
	s4 =	simm.s32 $0x0;
	s5 =	stileid.u32  }
0x6: {  	s2 =	sand.u32 $0x1, s2;
	[smem:$0x7FF] =	sst s4;
	s5 =	sshll.u32 s5, $0x7  }
0x7: {  	s0 =	sadd.s32 $0x400, s0;
	s6 =	sshll.u32 s2, $0x6;
	s2 =	ssub.s32 $0x2, s2  }
0x8: {  	_ =	strace $0x80000047;
	s5 =	sor.u32 s6, s5;
	s11 =	sshrl.u32 s2, $0x1  }
0x9: {  	s7 =	sshrl.u32 s5, $0x3;
	s16 =	ssub.s32 s2, s11;
	s17 =	sor.u32 $0x800, s5  }
0xa: {  	s18 =	sor.u32 $0x1000, s5;
	s19 =	sor.u32 $0x1800, s5;
	s12 =	sadd.s32 s0, s7  }
0xb: {  	s21 =	sshll.u32 s5, $0x8;
	s30 =	smax.u32 s16, $0x1;
	[dreg:$0x5] =	wrdreg s12  }
0xc: {  	s13 =	sshrl.u32 s17, $0x3;
	s21 =	sadd.s32 s3, s21;
	[dreg:$0xd] =	wrdreg s30  }
0xd: {  	s23 =	sshll.u32 s18, $0x8;
	s2 =	sadd.s32 s0, s13;
	[dreg:$0x9] =	wrdreg s21  }
0xe: {  	s24 =	sshll.u32 s19, $0x8;
	s25 =	sadd.s32 s3, s23;
	[dreg:$0x6] =	wrdreg s2  }
0xf: {  	s26 =	sadd.s32 s3, s24;
	[dreg:$0xb] =	wrdreg s25  }
0x10: {  	s31 =	simm.s32 $0x6;
	s16 =	sadd.s32 $0x100800, s21;
	[dreg:$0xc] =	wrdreg s26  }
0x11: {  	s22 =	sshll.u32 s17, $0x8;
	s17 =	sadd.s32 $0x180800, s21;
	[dreg:$0x10] =	wrdreg s16  }
0x12: {  	s14 =	sshrl.u32 s18, $0x3;
	s18 =	sadd.s32 $0x1000, s21;
	[dreg:$0x11] =	wrdreg s17  }
0x13: {  	s20 =	sshrl.u32 s19, $0x3;
	s19 =	sadd.s32 $0x81000, s21;
	[dreg:$0x12] =	wrdreg s18  }
0x14: {  	s29 =	simm.s32 $0x1;
	s30 =	sadd.s32 $0x101000, s21;
	[dreg:$0x13] =	wrdreg s19  }
0x15: {  	s9 =	sadd.s32 $0x100, s15;
	s2 =	sadd.s32 s0, s14;
	[dreg:$0x14] =	wrdreg s30  }
0x16: {  	s10 =	sadd.s32 $0x200, s15;
	s0 =	sadd.s32 s0, s20;
	[dreg:$0x7] =	wrdreg s2  }
0x17: {  	s28 =	sadd.s32 $0x700, s1;
	s16 =	sadd.s32 $0x101800, s21;
	[dreg:$0x8] =	wrdreg s0  }
0x18: {  	s6 =	sor.u32 $0x2, s5;
	s17 =	sadd.s32 $0x81800, s21;
	[dreg:$0x17] =	wrdreg s16  }
0x19: {  	s8 =	sor.u32 $0x12, s5;
	s18 =	sadd.s32 $0x181800, s21;
	[dreg:$0x18] =	wrdreg s17  }
0x1a: {  	s11 =	sadd.s32 $0x300, s15;
	s19 =	sadd.s32 $0x2000, s21;
	[dreg:$0x19] =	wrdreg s18  }
0x1b: {  	v4 =	vlaneseq.u32;
	s7 =	sor.u32 $0x32, s5;
	s30 =	sadd.s32 $0x82000, s21;
	[dreg:$0x1a] =	wrdreg s19  }
0x1c: {  	v0 =	vadd.s32 s6, v4;
	s6 =	simm.s32 $0x2;
	s0 =	sadd.s32 s3, s22;
	[dreg:$0x1b] =	wrdreg s30  }
0x1d: {  	v1 =	vadd.s32 s8, v4;
	s8 =	simm.s32 $0x4;
	s3 =	sadd.s32 $0x80800, s21;
	[dreg:$0xa] =	wrdreg s0  }
0x1e: {  	s2 =	sor.u32 $0x22, s5;
	s5 =	sadd.s32 $0x800, s21;
	[dreg:$0xe] =	wrdreg s3  }
0x1f: {  	s12 =	sadd.s32 $0x400, s15;
	s16 =	sadd.s32 $0x2800, s21;
	[dreg:$0xf] =	wrdreg s5  }
0x20: {  	s13 =	sadd.s32 $0x500, s15;
	s17 =	sadd.s32 $0x82800, s21;
	[dreg:$0x1e] =	wrdreg s16  }
0x21: {  	s23 =	sadd.s32 $0x300, s1;
	s18 =	sadd.s32 $0x102800, s21;
	[dreg:$0x1f] =	wrdreg s17  }
0x22: {  	s24 =	sadd.s32 $0x400, s1;
	s19 =	sadd.s32 $0x182800, s21;
	[smem:$0x7F4] =	sst s18  }
0x23: {  	v3 =	vadd.s32 s7, v4;
	s7 =	simm.s32 $0x3;
	s30 =	sadd.s32 $0x3000, s21;
	[smem:$0x7F5] =	sst s19  }
0x24: {  	s14 =	sadd.s32 $0x600, s15;
	s3 =	sadd.s32 $0x181000, s21;
	[smem:$0x7F6] =	sst s30  }
0x25: {  	s15 =	sadd.s32 $0x700, s15;
	s5 =	sadd.s32 $0x1800, s21;
	[dreg:$0x15] =	wrdreg s3  }
0x26: {  	s20 =	sadd.s32 $0x100, s1;
	s16 =	sadd.s32 $0x183000, s21;
	[dreg:$0x16] =	wrdreg s5  }
0x27: {  	s25 =	sadd.s32 $0x500, s1;
	s17 =	sadd.s32 $0x83800, s21;
	[smem:$0x7F9] =	sst s16  }
0x28: {  	s26 =	sadd.s32 $0x600, s1;
	s18 =	sadd.s32 $0x3800, s21;
	[smem:$0x7FA] =	sst s17  }
0x29: {  	s22 =	sadd.s32 $0x200, s1;
	s19 =	sadd.s32 $0x103800, s21;
	[smem:$0x7FB] =	sst s18  }
0x2a: {  	s30 =	sadd.s32 $0x183800, s21;
	s0 =	simm.s32 $0x7;
	[smem:$0x7FC] =	sst s19  }
0x2b: {  	v2 =	vadd.s32 s2, v4;
	s2 =	simm.s32 $0x5;
	s3 =	sadd.s32 $0x102000, s21;
	[smem:$0x7FD] =	sst s30  }
0x2c: {  	s5 =	sadd.s32 $0x182000, s21;
	s18 =	simm.s32 $0x4180;
	[dreg:$0x1c] =	wrdreg s3  }
0x2d: {  	s19 =	simm.s32 $0xA;
	[dreg:$0x1d] =	wrdreg s5;
	s3 =	sadd.s32 $0x83000, s21  }
0x2e: {  	v5 =	vshrl.u32 v4, $0x3;
	s17 =	simm.s32 $0x0;
	s5 =	sadd.s32 $0x103000, s21;
	[smem:$0x7F7] =	sst s3  }
0x2f: {  	vm0 =	vmmov $0xffff;
	v5 =	vmul.u32 $0x8, v5;
	v4 =	vand.u32 $0x7, v4;
	[smem:$0x7F8] =	sst s5;
	s3 =	simm.s32 $0x8;
	s5 =	simm.s32 $0x9  }
.LBB2_1:
0x30: {  	[smem:$0x7F3] =	sst s17  }
0x31: {  	s16 =	rddreg [dreg:$0x5]  }
0x32: {  	[tilespmem:s4], [sflag:$0x6] =	stream.linear.gather [hbm4b:s16+s4], $0x40, $0x38;
	[tilespmem:$0x1C180] =	vst v63  }
0x33: {  	s21 =	rddreg [dreg:$0x6];
	s30 =	simm.s32 $0x40  }
0x34: {  	[tilespmem:s30], [sflag:$0x7] =	stream.linear.gather [hbm4b:s21+s4], $0x40, $0x38;
	[tilespmem:$0x1C180] =	vst v63  }
0x35: {  	s21 =	rddreg [dreg:$0x7];
	s30 =	simm.s32 $0x80  }
0x36: {  	[tilespmem:s30], [sflag:$0x8] =	stream.linear.gather [hbm4b:s21+s4], $0x40, $0x38;
	[tilespmem:$0x1C180] =	vst v63  }
0x37: {  	s17 =	rddreg [dreg:$0x8];
	s21 =	simm.s32 $0xC0  }
0x38: {  	[tilespmem:s21], [sflag:$0x9] =	stream.linear.gather [hbm4b:s17+s4], $0x40, $0x38;
	[tilespmem:$0x1C180] =	vst v63  }
0x39: {  	[tilespmem:$0x100] =	vst v0  }
0x3a: {  	[tilespmem:$0x110] =	vst v1  }
0x3b: {  	[tilespmem:$0x120] =	vst v2  }
0x3c: {  	[tilespmem:$0x130] =	vst v3  }
0x3d: {  	_ =	swait.ge [sflag:s31], $0x40  }
0x3e: {  	[sflag:s31] =	ssyncset.done $0x0  }
0x3f: {  	[sflag:s31] =	ssyncadd.s32 $0xFFFFFFC0  }
0x40: {  	_ =	swait.ge [sflag:s0], $0x40  }
0x41: {  	[sflag:s0] =	ssyncset.done $0x0  }
0x42: {  	[sflag:s0] =	ssyncadd.s32 $0xFFFFFFC0  }
0x43: {  	_ =	swait.ge [sflag:s3], $0x40  }
0x44: {  	[sflag:s3] =	ssyncset.done $0x0  }
0x45: {  	[sflag:s3] =	ssyncadd.s32 $0xFFFFFFC0  }
0x46: {  	_ =	swait.ge [sflag:s5], $0x40  }
0x47: {  	[sflag:s5] =	ssyncset.done $0x0  }
0x48: {  	[sflag:s5] =	ssyncadd.s32 $0xFFFFFFC0  }
0x49: {  	v6 =	vld.msk [tilespmem:$0x100], $0xff;
	_ =	sdelay $0x4  }
0x4a: {  	v7 =	vshll.u32 v6, $0x4  }
0x4b: {  	v6 =	vand.u32 $0x7, v6;
	v7 =	vand.u32 $0xFFFFFF80, v7  }
0x4c: {  	v6 =	vor.u32 v6, v7  }
0x4d: {  	v6 =	vperm.xlane v6, v4;
	_ =	sdelay $0x1  }
0x4e: {  	v6 =	vadd.s32 v5, v6;
	_ =	sdelay $0x3  }
0x4f: {  	s30 =	simm.s32 $0x14180;
	s16 =	rddreg [dreg:$0x2]  }
0x50: {  	[tilespmem:s30], [sflag:$0xB] =	stream.indirect_vreg.gather [hbm4b:s16+s4], $0x80, v6, vm0, $0xb8;
	[tilespmem:$0x1C180] =	vst v63  }
0x51: {  	s21 =	simm.s32 $0x14980  }
0x52: {  	[tilespmem:s21], [sflag:$0xB] =	stream.indirect_vreg.gather [hbm4b:s9+s4], $0x80, v6, vm0, $0xb8;
	[tilespmem:$0x1C180] =	vst v63  }
0x53: {  	s30 =	simm.s32 $0x15180  }
0x54: {  	[tilespmem:s30], [sflag:$0xB] =	stream.indirect_vreg.gather [hbm4b:s10+s4], $0x80, v6, vm0, $0xb8;
	[tilespmem:$0x1C180] =	vst v63  }
0x55: {  	s21 =	simm.s32 $0x15980  }
0x56: {  	[tilespmem:s21], [sflag:$0xB] =	stream.indirect_vreg.gather [hbm4b:s11+s4], $0x80, v6, vm0, $0xb8;
	[tilespmem:$0x1C180] =	vst v63  }
0x57: {  	s30 =	simm.s32 $0x16180  }
0x58: {  	[tilespmem:s30], [sflag:$0xB] =	stream.indirect_vreg.gather [hbm4b:s12+s4], $0x80, v6, vm0, $0xb8;
	[tilespmem:$0x1C180] =	vst v63  }
0x59: {  	s21 =	simm.s32 $0x16980  }
0x5a: {  	[tilespmem:s21], [sflag:$0xB] =	stream.indirect_vreg.gather [hbm4b:s13+s4], $0x80, v6, vm0, $0xb8;
	[tilespmem:$0x1C180] =	vst v63  }
0x5b: {  	s30 =	simm.s32 $0x17180  }
0x5c: {  	[tilespmem:s30], [sflag:$0xB] =	stream.indirect_vreg.gather [hbm4b:s14+s4], $0x80, v6, vm0, $0xb8;
	[tilespmem:$0x1C180] =	vst v63  }
0x5d: {  	s21 =	simm.s32 $0x17980  }
0x5e: {  	[tilespmem:s21], [sflag:$0xB] =	stream.indirect_vreg.gather [hbm4b:s15+s4], $0x80, v6, vm0, $0xb8;
	[tilespmem:$0x1C180] =	vst v63  }
0x5f: {  	v6 =	vld.msk [tilespmem:$0x108], $0xff;
	_ =	sdelay $0x4  }
0x60: {  	v7 =	vshll.u32 v6, $0x4  }
0x61: {  	v6 =	vand.u32 $0x7, v6;
	v7 =	vand.u32 $0xFFFFFF80, v7  }
0x62: {  	v6 =	vor.u32 v6, v7  }
0x63: {  	v6 =	vperm.xlane v6, v4;
	_ =	sdelay $0x1  }
0x64: {  	v6 =	vadd.s32 v5, v6;
	_ =	sdelay $0x3  }
0x65: {  	s30 =	simm.s32 $0x18180  }
0x66: {  	[tilespmem:s30], [sflag:$0xC] =	stream.indirect_vreg.gather [hbm4b:s16+s4], $0x80, v6, vm0, $0xb8;
	[tilespmem:$0x1C180] =	vst v63  }
0x67: {  	s21 =	simm.s32 $0x18980  }
0x68: {  	[tilespmem:s21], [sflag:$0xC] =	stream.indirect_vreg.gather [hbm4b:s9+s4], $0x80, v6, vm0, $0xb8;
	[tilespmem:$0x1C180] =	vst v63  }
0x69: {  	s30 =	simm.s32 $0x19180  }
0x6a: {  	[tilespmem:s30], [sflag:$0xC] =	stream.indirect_vreg.gather [hbm4b:s10+s4], $0x80, v6, vm0, $0xb8;
	[tilespmem:$0x1C180] =	vst v63  }
0x6b: {  	s17 =	simm.s32 $0x19980  }
0x6c: {  	[tilespmem:s17], [sflag:$0xC] =	stream.indirect_vreg.gather [hbm4b:s11+s4], $0x80, v6, vm0, $0xb8;
	[tilespmem:$0x1C180] =	vst v63  }
0x6d: {  	s21 =	simm.s32 $0x1A180  }
0x6e: {  	[tilespmem:s21], [sflag:$0xC] =	stream.indirect_vreg.gather [hbm4b:s12+s4], $0x80, v6, vm0, $0xb8;
	[tilespmem:$0x1C180] =	vst v63  }
0x6f: {  	s30 =	simm.s32 $0x1A980  }
0x70: {  	[tilespmem:s30], [sflag:$0xC] =	stream.indirect_vreg.gather [hbm4b:s13+s4], $0x80, v6, vm0, $0xb8;
	[tilespmem:$0x1C180] =	vst v63  }
0x71: {  	s17 =	simm.s32 $0x1B180  }
0x72: {  	[tilespmem:s17], [sflag:$0xC] =	stream.indirect_vreg.gather [hbm4b:s14+s4], $0x80, v6, vm0, $0xb8;
	[tilespmem:$0x1C180] =	vst v63  }
0x73: {  	s21 =	simm.s32 $0x1B980  }
0x74: {  	[tilespmem:s21], [sflag:$0xC] =	stream.indirect_vreg.gather [hbm4b:s15+s4], $0x80, v6, vm0, $0xb8;
	[tilespmem:$0x1C180] =	vst v63  }
0x75: {  	v6 =	vld.msk [tilespmem:$0x0], $0xff;
	_ =	sdelay $0x4  }
0x76: {  	v7 =	vshll.u32 v6, $0x4  }
0x77: {  	v6 =	vand.u32 $0x7, v6;
	v7 =	vand.u32 $0xFFFFFF80, v7  }
0x78: {  	v6 =	vor.u32 v6, v7  }
0x79: {  	v6 =	vperm.xlane v6, v4;
	_ =	sdelay $0x1  }
0x7a: {  	v6 =	vadd.s32 v5, v6;
	_ =	sdelay $0x3  }
0x7b: {  	s30 =	simm.s32 $0x180  }
0x7c: {  	[tilespmem:s30], [sflag:$0x1] =	stream.indirect_vreg.gather [hbm4b:s1+s4], $0x80, v6, vm0, $0xb8;
	[tilespmem:$0x1C180] =	vst v63  }
0x7d: {  	s17 =	simm.s32 $0x980  }
0x7e: {  	[tilespmem:s17], [sflag:$0x1] =	stream.indirect_vreg.gather [hbm4b:s20+s4], $0x80, v6, vm0, $0xb8;
	[tilespmem:$0x1C180] =	vst v63  }
0x7f: {  	s21 =	simm.s32 $0x1180  }
0x80: {  	[tilespmem:s21], [sflag:$0x1] =	stream.indirect_vreg.gather [hbm4b:s22+s4], $0x80, v6, vm0, $0xb8;
	[tilespmem:$0x1C180] =	vst v63  }
0x81: {  	s30 =	simm.s32 $0x1980  }
0x82: {  	[tilespmem:s30], [sflag:$0x1] =	stream.indirect_vreg.gather [hbm4b:s23+s4], $0x80, v6, vm0, $0xb8;
	[tilespmem:$0x1C180] =	vst v63  }
0x83: {  	s17 =	simm.s32 $0x2180  }
0x84: {  	[tilespmem:s17], [sflag:$0x1] =	stream.indirect_vreg.gather [hbm4b:s24+s4], $0x80, v6, vm0, $0xb8;
	[tilespmem:$0x1C180] =	vst v63  }
0x85: {  	s21 =	simm.s32 $0x2980  }
0x86: {  	[tilespmem:s21], [sflag:$0x1] =	stream.indirect_vreg.gather [hbm4b:s25+s4], $0x80, v6, vm0, $0xb8;
	[tilespmem:$0x1C180] =	vst v63  }
0x87: {  	s30 =	simm.s32 $0x3180  }
0x88: {  	[tilespmem:s30], [sflag:$0x1] =	stream.indirect_vreg.gather [hbm4b:s26+s4], $0x80, v6, vm0, $0xb8;
	[tilespmem:$0x1C180] =	vst v63  }
0x89: {  	s17 =	simm.s32 $0x3980  }
0x8a: {  	[tilespmem:s17], [sflag:$0x1] =	stream.indirect_vreg.gather [hbm4b:s28+s4], $0x80, v6, vm0, $0xb8;
	[tilespmem:$0x1C180] =	vst v63  }
0x8b: {  	v6 =	vld.msk [tilespmem:$0x40], $0xff;
	_ =	sdelay $0x4  }
0x8c: {  	v7 =	vshll.u32 v6, $0x4  }
0x8d: {  	v6 =	vand.u32 $0x7, v6;
	v7 =	vand.u32 $0xFFFFFF80, v7  }
0x8e: {  	v6 =	vor.u32 v6, v7  }
0x8f: {  	v6 =	vperm.xlane v6, v4;
	_ =	sdelay $0x1  }
0x90: {  	v6 =	vadd.s32 v5, v6;
	_ =	sdelay $0x4  }
0x91: {  	[tilespmem:s18], [sflag:$0x2] =	stream.indirect_vreg.gather [hbm4b:s1+s4], $0x80, v6, vm0, $0xb8;
	[tilespmem:$0x1C180] =	vst v63  }
0x92: {  	s18 =	simm.s32 $0x4980  }
0x93: {  	[tilespmem:s18], [sflag:$0x2] =	stream.indirect_vreg.gather [hbm4b:s20+s4], $0x80, v6, vm0, $0xb8;
	[tilespmem:$0x1C180] =	vst v63  }
0x94: {  	s21 =	simm.s32 $0x5180  }
0x95: {  	[tilespmem:s21], [sflag:$0x2] =	stream.indirect_vreg.gather [hbm4b:s22+s4], $0x80, v6, vm0, $0xb8;
	[tilespmem:$0x1C180] =	vst v63  }
0x96: {  	s30 =	simm.s32 $0x5980  }
0x97: {  	[tilespmem:s30], [sflag:$0x2] =	stream.indirect_vreg.gather [hbm4b:s23+s4], $0x80, v6, vm0, $0xb8;
	[tilespmem:$0x1C180] =	vst v63  }
0x98: {  	s17 =	simm.s32 $0x6180  }
0x99: {  	[tilespmem:s17], [sflag:$0x2] =	stream.indirect_vreg.gather [hbm4b:s24+s4], $0x80, v6, vm0, $0xb8;
	[tilespmem:$0x1C180] =	vst v63  }
0x9a: {  	s18 =	simm.s32 $0x6980  }
0x9b: {  	[tilespmem:s18], [sflag:$0x2] =	stream.indirect_vreg.gather [hbm4b:s25+s4], $0x80, v6, vm0, $0xb8;
	[tilespmem:$0x1C180] =	vst v63  }
0x9c: {  	s21 =	simm.s32 $0x7180  }
0x9d: {  	[tilespmem:s21], [sflag:$0x2] =	stream.indirect_vreg.gather [hbm4b:s26+s4], $0x80, v6, vm0, $0xb8;
	[tilespmem:$0x1C180] =	vst v63  }
0x9e: {  	s30 =	simm.s32 $0x7980  }
0x9f: {  	[tilespmem:s30], [sflag:$0x2] =	stream.indirect_vreg.gather [hbm4b:s28+s4], $0x80, v6, vm0, $0xb8;
	[tilespmem:$0x1C180] =	vst v63  }
0xa0: {  	v6 =	vld.msk [tilespmem:$0x80], $0xff;
	_ =	sdelay $0x4  }
0xa1: {  	v7 =	vshll.u32 v6, $0x4  }
0xa2: {  	v6 =	vand.u32 $0x7, v6;
	v7 =	vand.u32 $0xFFFFFF80, v7  }
0xa3: {  	v6 =	vor.u32 v6, v7  }
0xa4: {  	v6 =	vperm.xlane v6, v4;
	_ =	sdelay $0x1  }
0xa5: {  	v6 =	vadd.s32 v5, v6;
	_ =	sdelay $0x3  }
0xa6: {  	s17 =	simm.s32 $0x8180  }
0xa7: {  	[tilespmem:s17], [sflag:$0x3] =	stream.indirect_vreg.gather [hbm4b:s1+s4], $0x80, v6, vm0, $0xb8;
	[tilespmem:$0x1C180] =	vst v63  }
0xa8: {  	s18 =	simm.s32 $0x8980  }
0xa9: {  	[tilespmem:s18], [sflag:$0x3] =	stream.indirect_vreg.gather [hbm4b:s20+s4], $0x80, v6, vm0, $0xb8;
	[tilespmem:$0x1C180] =	vst v63  }
0xaa: {  	s21 =	simm.s32 $0x9180  }
0xab: {  	[tilespmem:s21], [sflag:$0x3] =	stream.indirect_vreg.gather [hbm4b:s22+s4], $0x80, v6, vm0, $0xb8;
	[tilespmem:$0x1C180] =	vst v63  }
0xac: {  	s30 =	simm.s32 $0x9980  }
0xad: {  	[tilespmem:s30], [sflag:$0x3] =	stream.indirect_vreg.gather [hbm4b:s23+s4], $0x80, v6, vm0, $0xb8;
	[tilespmem:$0x1C180] =	vst v63  }
0xae: {  	s17 =	simm.s32 $0xA180  }
0xaf: {  	[tilespmem:s17], [sflag:$0x3] =	stream.indirect_vreg.gather [hbm4b:s24+s4], $0x80, v6, vm0, $0xb8;
	[tilespmem:$0x1C180] =	vst v63  }
0xb0: {  	s18 =	simm.s32 $0xA980  }
0xb1: {  	[tilespmem:s18], [sflag:$0x3] =	stream.indirect_vreg.gather [hbm4b:s25+s4], $0x80, v6, vm0, $0xb8;
	[tilespmem:$0x1C180] =	vst v63  }
0xb2: {  	s21 =	simm.s32 $0xB180  }
0xb3: {  	[tilespmem:s21], [sflag:$0x3] =	stream.indirect_vreg.gather [hbm4b:s26+s4], $0x80, v6, vm0, $0xb8;
	[tilespmem:$0x1C180] =	vst v63  }
0xb4: {  	s30 =	simm.s32 $0xB980  }
0xb5: {  	[tilespmem:s30], [sflag:$0x3] =	stream.indirect_vreg.gather [hbm4b:s28+s4], $0x80, v6, vm0, $0xb8;
	[tilespmem:$0x1C180] =	vst v63  }
0xb6: {  	v6 =	vld.msk [tilespmem:$0xC0], $0xff;
	_ =	sdelay $0x4  }
0xb7: {  	v7 =	vshll.u32 v6, $0x4  }
0xb8: {  	v6 =	vand.u32 $0x7, v6;
	v7 =	vand.u32 $0xFFFFFF80, v7  }
0xb9: {  	v6 =	vor.u32 v6, v7  }
0xba: {  	v6 =	vperm.xlane v6, v4;
	_ =	sdelay $0x1  }
0xbb: {  	v6 =	vadd.s32 v5, v6;
	_ =	sdelay $0x3  }
0xbc: {  	s17 =	simm.s32 $0xC180  }
0xbd: {  	[tilespmem:s17], [sflag:$0x4] =	stream.indirect_vreg.gather [hbm4b:s1+s4], $0x80, v6, vm0, $0xb8;
	[tilespmem:$0x1C180] =	vst v63  }
0xbe: {  	s18 =	simm.s32 $0xC980  }
0xbf: {  	[tilespmem:s18], [sflag:$0x4] =	stream.indirect_vreg.gather [hbm4b:s20+s4], $0x80, v6, vm0, $0xb8;
	[tilespmem:$0x1C180] =	vst v63  }
0xc0: {  	s21 =	simm.s32 $0xD180  }
0xc1: {  	[tilespmem:s21], [sflag:$0x4] =	stream.indirect_vreg.gather [hbm4b:s22+s4], $0x80, v6, vm0, $0xb8;
	[tilespmem:$0x1C180] =	vst v63  }
0xc2: {  	s30 =	simm.s32 $0xD980  }
0xc3: {  	[tilespmem:s30], [sflag:$0x4] =	stream.indirect_vreg.gather [hbm4b:s23+s4], $0x80, v6, vm0, $0xb8;
	[tilespmem:$0x1C180] =	vst v63  }
0xc4: {  	s17 =	simm.s32 $0xE180  }
0xc5: {  	[tilespmem:s17], [sflag:$0x4] =	stream.indirect_vreg.gather [hbm4b:s24+s4], $0x80, v6, vm0, $0xb8;
	[tilespmem:$0x1C180] =	vst v63  }
0xc6: {  	s18 =	simm.s32 $0xE980  }
0xc7: {  	[tilespmem:s18], [sflag:$0x4] =	stream.indirect_vreg.gather [hbm4b:s25+s4], $0x80, v6, vm0, $0xb8;
	[tilespmem:$0x1C180] =	vst v63  }
0xc8: {  	s21 =	simm.s32 $0xF180  }
0xc9: {  	[tilespmem:s21], [sflag:$0x4] =	stream.indirect_vreg.gather [hbm4b:s26+s4], $0x80, v6, vm0, $0xb8;
	[tilespmem:$0x1C180] =	vst v63  }
0xca: {  	s30 =	simm.s32 $0xF980  }
0xcb: {  	[tilespmem:s30], [sflag:$0x4] =	stream.indirect_vreg.gather [hbm4b:s28+s4], $0x80, v6, vm0, $0xb8;
	[tilespmem:$0x1C180] =	vst v63  }
0xcc: {  	_ =	swait.ge [sflag:s29], $0x4000  }
0xcd: {  	[sflag:s29] =	ssyncset.done $0x0  }
0xce: {  	s17 =	simm.s32 $0xB;
	[sflag:s29] =	ssyncadd.s32 $0xFFFFC000  }
0xcf: {  	s16 =	simm.s32 $0x0;
	_ =	swait.ge [sflag:s17], $0x4000  }
0xd0: {  	s21 =	sand.u32 $0x3C00, s4;
	s30 =	sand.u32 $0x380, s16;
	[sflag:s17] =	ssyncset.done $0x0  }
0xd1: {  	[sflag:s17] =	ssyncadd.s32 $0xFFFFC000;
	s17 =	sor.u32 s30, s21  }
0xd2: {  	v6 =	vld [tilespmem:s17+$0x141F0]  }
0xd3: {  	v9 =	vld [tilespmem:s17+$0x14180]  }
0xd4: {  	v10 =	vld [tilespmem:s17+$0x14190]  }
0xd5: {  	v11 =	vld [tilespmem:s17+$0x141A0]  }
0xd6: {  	v12 =	vld [tilespmem:s17+$0x141B0]  }
0xd7: {  	v8 =	vld [tilespmem:s17+$0x141C0]  }
0xd8: {  	v7 =	vld [tilespmem:s17+$0x141E0]  }
0xd9: {  	[tilespmem:s17+$0x1F0] =	vst.add.f32.msk $0xffff, v6  }
0xda: {  	v6 =	vld [tilespmem:s17+$0x141D0]  }
0xdb: {  	[tilespmem:s17+$0x180] =	vst.add.f32.msk $0xffff, v9  }
0xdc: {  	[tilespmem:s17+$0x190] =	vst.add.f32.msk $0xffff, v10  }
0xdd: {  	[tilespmem:s17+$0x1A0] =	vst.add.f32.msk $0xffff, v11  }
0xde: {  	s21 =	simm.s32 $0x0;
	[tilespmem:s17+$0x1B0] =	vst.add.f32.msk $0xffff, v12  }
.LBB2_2:
0xdf: {  	s16 =	sadd.s32 $0x8, s16;
	[tilespmem:s17+$0x1C0] =	vst.add.f32.msk $0xffff, v8;
	s21 =	sadd.s32 $0x400, s21  }
0xe0: {  	s18 =	sand.u32 $0x380, s16;
	s30 =	sand.u32 $0x3C00, s21;
	p0 =	slt.u32 s16, $0x3F8;
	[tilespmem:s17+$0x1D0] =	vst.add.f32.msk $0xffff, v6  }
0xe1: {  	[tilespmem:s17+$0x1E0] =	vst.add.f32.msk $0xffff, v7;
	s17 =	sor.u32 s18, s30  }
0xe2: {  	v6 =	vld [tilespmem:s17+$0x141F0]  }
0xe3: {  	v9 =	vld [tilespmem:s17+$0x14180]  }
0xe4: {  	v10 =	vld [tilespmem:s17+$0x14190]  }
0xe5: {  	v11 =	vld [tilespmem:s17+$0x141A0]  }
0xe6: {  	v12 =	vld [tilespmem:s17+$0x141B0]  }
0xe7: {  	[tilespmem:s17+$0x1F0] =	vst.add.f32.msk $0xffff, v6  }
0xe8: {  	v8 =	vld [tilespmem:s17+$0x141C0]  }
0xe9: {  	v6 =	vld [tilespmem:s17+$0x141D0]  }
.Ltmp0:
0xea: {  	v7 =	vld [tilespmem:s17+$0x141E0];
	(pc) =	sbr.rel @p0 .LBB2_2-.Ltmp0, $4  }
0xeb: {  	[tilespmem:s17+$0x180] =	vst.add.f32.msk $0xffff, v9  }
0xec: {  	[tilespmem:s17+$0x190] =	vst.add.f32.msk $0xffff, v10  }
0xed: {  	[tilespmem:s17+$0x1A0] =	vst.add.f32.msk $0xffff, v11  }
0xee: {  	[tilespmem:s17+$0x1B0] =	vst.add.f32.msk $0xffff, v12  }
0xef: {  	[tilespmem:s17+$0x1C0] =	vst.add.f32.msk $0xffff, v8  }
0xf0: {  	[tilespmem:s17+$0x1D0] =	vst.add.f32.msk $0xffff, v6  }
0xf1: {  	[tilespmem:s17+$0x1E0] =	vst.add.f32.msk $0xffff, v7  }
0xf2: {  	s16 =	simm.s32 $0x0;
	s18 =	simm.s32 $0x180;
	s17 =	rddreg [dreg:$0x9]  }
0xf3: {  	[hbm4b:s17+s16] =	stream.linear.scatter [tilespmem:s18], [sflag:$0x6], $0x4000, $0x38;
	[tilespmem:$0x1C180] =	vst v63  }
0xf4: {  	v6 =	vld.msk [tilespmem:$0x8], $0xff;
	_ =	sdelay $0x4  }
0xf5: {  	v7 =	vshll.u32 v6, $0x4  }
0xf6: {  	v6 =	vand.u32 $0x7, v6;
	v7 =	vand.u32 $0xFFFFFF80, v7  }
0xf7: {  	v6 =	vor.u32 v6, v7  }
0xf8: {  	v6 =	vperm.xlane v6, v4;
	_ =	sdelay $0x1  }
0xf9: {  	v6 =	vadd.s32 v5, v6;
	_ =	sdelay $0x3  }
0xfa: {  	s18 =	simm.s32 $0x10180  }
0xfb: {  	[tilespmem:s18], [sflag:$0x5] =	stream.indirect_vreg.gather [hbm4b:s1+s16], $0x80, v6, vm0, $0xb8;
	[tilespmem:$0x1C180] =	vst v63  }
0xfc: {  	s21 =	simm.s32 $0x10980  }
0xfd: {  	[tilespmem:s21], [sflag:$0x5] =	stream.indirect_vreg.gather [hbm4b:s20+s16], $0x80, v6, vm0, $0xb8;
	[tilespmem:$0x1C180] =	vst v63  }
0xfe: {  	s30 =	simm.s32 $0x11180  }
0xff: {  	[tilespmem:s30], [sflag:$0x5] =	stream.indirect_vreg.gather [hbm4b:s22+s16], $0x80, v6, vm0, $0xb8;
	[tilespmem:$0x1C180] =	vst v63  }
0x100: {  	s18 =	simm.s32 $0x11980  }
0x101: {  	[tilespmem:s18], [sflag:$0x5] =	stream.indirect_vreg.gather [hbm4b:s23+s16], $0x80, v6, vm0, $0xb8;
	[tilespmem:$0x1C180] =	vst v63  }
0x102: {  	s21 =	simm.s32 $0x12180  }
0x103: {  	[tilespmem:s21], [sflag:$0x5] =	stream.indirect_vreg.gather [hbm4b:s24+s16], $0x80, v6, vm0, $0xb8;
	[tilespmem:$0x1C180] =	vst v63  }
0x104: {  	s30 =	simm.s32 $0x12980  }
0x105: {  	[tilespmem:s30], [sflag:$0x5] =	stream.indirect_vreg.gather [hbm4b:s25+s16], $0x80, v6, vm0, $0xb8;
	[tilespmem:$0x1C180] =	vst v63  }
0x106: {  	s18 =	simm.s32 $0x13180  }
0x107: {  	[tilespmem:s18], [sflag:$0x5] =	stream.indirect_vreg.gather [hbm4b:s26+s16], $0x80, v6, vm0, $0xb8;
	[tilespmem:$0x1C180] =	vst v63  }
0x108: {  	s21 =	simm.s32 $0x13980  }
0x109: {  	[tilespmem:s21], [sflag:$0x5] =	stream.indirect_vreg.gather [hbm4b:s28+s16], $0x80, v6, vm0, $0xb8;
	[tilespmem:$0x1C180] =	vst v63  }
0x10a: {  	s17 =	simm.s32 $0x0;
	_ =	swait.ge [sflag:s6], $0x4000  }
0x10b: {  	s30 =	sand.u32 $0x380, s17;
	s21 =	sand.u32 $0x3C00, s16;
	[sflag:s6] =	ssyncset.done $0x0  }
0x10c: {  	s21 =	sor.u32 s30, s21;
	[sflag:s6] =	ssyncadd.s32 $0xFFFFC000  }
0x10d: {  	v6 =	vld [tilespmem:s21+$0x141F0]  }
0x10e: {  	v9 =	vld [tilespmem:s21+$0x14180]  }
0x10f: {  	v10 =	vld [tilespmem:s21+$0x14190]  }
0x110: {  	v11 =	vld [tilespmem:s21+$0x141A0]  }
0x111: {  	v12 =	vld [tilespmem:s21+$0x141B0]  }
0x112: {  	v8 =	vld [tilespmem:s21+$0x141C0]  }
0x113: {  	v7 =	vld [tilespmem:s21+$0x141E0]  }
0x114: {  	[tilespmem:s21+$0x41F0] =	vst.add.f32.msk $0xffff, v6  }
0x115: {  	v6 =	vld [tilespmem:s21+$0x141D0]  }
0x116: {  	[tilespmem:s21+$0x4180] =	vst.add.f32.msk $0xffff, v9  }
0x117: {  	[tilespmem:s21+$0x4190] =	vst.add.f32.msk $0xffff, v10  }
0x118: {  	[tilespmem:s21+$0x41A0] =	vst.add.f32.msk $0xffff, v11  }
0x119: {  	[tilespmem:s21+$0x41B0] =	vst.add.f32.msk $0xffff, v12  }
.LBB2_4:
0x11a: {  	s17 =	sadd.s32 $0x8, s17;
	[tilespmem:s21+$0x41C0] =	vst.add.f32.msk $0xffff, v8;
	s16 =	sadd.s32 $0x400, s16  }
0x11b: {  	s18 =	sand.u32 $0x380, s17;
	s30 =	sand.u32 $0x3C00, s16;
	p0 =	slt.u32 s17, $0x3F8;
	[tilespmem:s21+$0x41D0] =	vst.add.f32.msk $0xffff, v6  }
0x11c: {  	[tilespmem:s21+$0x41E0] =	vst.add.f32.msk $0xffff, v7;
	s21 =	sor.u32 s18, s30  }
0x11d: {  	v6 =	vld [tilespmem:s21+$0x141F0]  }
0x11e: {  	v9 =	vld [tilespmem:s21+$0x14180]  }
0x11f: {  	v10 =	vld [tilespmem:s21+$0x14190]  }
0x120: {  	v11 =	vld [tilespmem:s21+$0x141A0]  }
0x121: {  	v12 =	vld [tilespmem:s21+$0x141B0]  }
0x122: {  	[tilespmem:s21+$0x41F0] =	vst.add.f32.msk $0xffff, v6  }
0x123: {  	v8 =	vld [tilespmem:s21+$0x141C0]  }
0x124: {  	v6 =	vld [tilespmem:s21+$0x141D0]  }
.Ltmp1:
0x125: {  	v7 =	vld [tilespmem:s21+$0x141E0];
	(pc) =	sbr.rel @p0 .LBB2_4-.Ltmp1, $4  }
0x126: {  	[tilespmem:s21+$0x4180] =	vst.add.f32.msk $0xffff, v9  }
0x127: {  	[tilespmem:s21+$0x4190] =	vst.add.f32.msk $0xffff, v10  }
0x128: {  	[tilespmem:s21+$0x41A0] =	vst.add.f32.msk $0xffff, v11  }
0x129: {  	[tilespmem:s21+$0x41B0] =	vst.add.f32.msk $0xffff, v12  }
0x12a: {  	[tilespmem:s21+$0x41C0] =	vst.add.f32.msk $0xffff, v8  }
0x12b: {  	[tilespmem:s21+$0x41D0] =	vst.add.f32.msk $0xffff, v6  }
0x12c: {  	[tilespmem:s21+$0x41E0] =	vst.add.f32.msk $0xffff, v7  }
0x12d: {  	s16 =	simm.s32 $0x0;
	s18 =	simm.s32 $0x4180;
	s17 =	rddreg [dreg:$0xa]  }
0x12e: {  	[hbm4b:s17+s16] =	stream.linear.scatter [tilespmem:s18], [sflag:$0x7], $0x4000, $0x38;
	[tilespmem:$0x1C180] =	vst v63  }
0x12f: {  	_ =	swait.ge [sflag:s31], $0x4000  }
0x130: {  	[sflag:s31] =	ssyncset.done $0x0  }
0x131: {  	[sflag:s31] =	ssyncadd.s32 $0xFFFFC000  }
0x132: {  	v6 =	vld.msk [tilespmem:$0x48], $0xff;
	_ =	sdelay $0x4  }
0x133: {  	v7 =	vshll.u32 v6, $0x4  }
0x134: {  	v6 =	vand.u32 $0x7, v6;
	v7 =	vand.u32 $0xFFFFFF80, v7  }
0x135: {  	v6 =	vor.u32 v6, v7  }
0x136: {  	v6 =	vperm.xlane v6, v4;
	_ =	sdelay $0x1  }
0x137: {  	v6 =	vadd.s32 v5, v6;
	_ =	sdelay $0x3  }
0x138: {  	s30 =	simm.s32 $0x180  }
0x139: {  	[tilespmem:s30], [sflag:$0x1] =	stream.indirect_vreg.gather [hbm4b:s1+s16], $0x80, v6, vm0, $0xb8;
	[tilespmem:$0x1C180] =	vst v63  }
0x13a: {  	s18 =	simm.s32 $0x980  }
0x13b: {  	[tilespmem:s18], [sflag:$0x1] =	stream.indirect_vreg.gather [hbm4b:s20+s16], $0x80, v6, vm0, $0xb8;
	[tilespmem:$0x1C180] =	vst v63  }
0x13c: {  	s21 =	simm.s32 $0x1180  }
0x13d: {  	[tilespmem:s21], [sflag:$0x1] =	stream.indirect_vreg.gather [hbm4b:s22+s16], $0x80, v6, vm0, $0xb8;
	[tilespmem:$0x1C180] =	vst v63  }
0x13e: {  	s30 =	simm.s32 $0x1980  }
0x13f: {  	[tilespmem:s30], [sflag:$0x1] =	stream.indirect_vreg.gather [hbm4b:s23+s16], $0x80, v6, vm0, $0xb8;
	[tilespmem:$0x1C180] =	vst v63  }
0x140: {  	s18 =	simm.s32 $0x2180  }
0x141: {  	[tilespmem:s18], [sflag:$0x1] =	stream.indirect_vreg.gather [hbm4b:s24+s16], $0x80, v6, vm0, $0xb8;
	[tilespmem:$0x1C180] =	vst v63  }
0x142: {  	s21 =	simm.s32 $0x2980  }
0x143: {  	[tilespmem:s21], [sflag:$0x1] =	stream.indirect_vreg.gather [hbm4b:s25+s16], $0x80, v6, vm0, $0xb8;
	[tilespmem:$0x1C180] =	vst v63  }
0x144: {  	s30 =	simm.s32 $0x3180  }
0x145: {  	[tilespmem:s30], [sflag:$0x1] =	stream.indirect_vreg.gather [hbm4b:s26+s16], $0x80, v6, vm0, $0xb8;
	[tilespmem:$0x1C180] =	vst v63  }
0x146: {  	s18 =	simm.s32 $0x3980  }
0x147: {  	[tilespmem:s18], [sflag:$0x1] =	stream.indirect_vreg.gather [hbm4b:s28+s16], $0x80, v6, vm0, $0xb8;
	[tilespmem:$0x1C180] =	vst v63  }
0x148: {  	s17 =	simm.s32 $0x0;
	_ =	swait.ge [sflag:s7], $0x4000  }
0x149: {  	s21 =	sand.u32 $0x380, s17;
	s30 =	sand.u32 $0x3C00, s16;
	[sflag:s7] =	ssyncset.done $0x0  }
0x14a: {  	s21 =	sor.u32 s21, s30;
	[sflag:s7] =	ssyncadd.s32 $0xFFFFC000  }
0x14b: {  	v6 =	vld [tilespmem:s21+$0x141F0]  }
0x14c: {  	v9 =	vld [tilespmem:s21+$0x14180]  }
0x14d: {  	v10 =	vld [tilespmem:s21+$0x14190]  }
0x14e: {  	v11 =	vld [tilespmem:s21+$0x141A0]  }
0x14f: {  	v12 =	vld [tilespmem:s21+$0x141B0]  }
0x150: {  	v8 =	vld [tilespmem:s21+$0x141C0]  }
0x151: {  	v7 =	vld [tilespmem:s21+$0x141E0]  }
0x152: {  	[tilespmem:s21+$0x81F0] =	vst.add.f32.msk $0xffff, v6  }
0x153: {  	v6 =	vld [tilespmem:s21+$0x141D0]  }
0x154: {  	[tilespmem:s21+$0x8180] =	vst.add.f32.msk $0xffff, v9  }
0x155: {  	[tilespmem:s21+$0x8190] =	vst.add.f32.msk $0xffff, v10  }
0x156: {  	[tilespmem:s21+$0x81A0] =	vst.add.f32.msk $0xffff, v11  }
0x157: {  	[tilespmem:s21+$0x81B0] =	vst.add.f32.msk $0xffff, v12  }
.LBB2_6:
0x158: {  	s17 =	sadd.s32 $0x8, s17;
	[tilespmem:s21+$0x81C0] =	vst.add.f32.msk $0xffff, v8;
	s16 =	sadd.s32 $0x400, s16  }
0x159: {  	s18 =	sand.u32 $0x380, s17;
	s30 =	sand.u32 $0x3C00, s16;
	p0 =	slt.u32 s17, $0x3F8;
	[tilespmem:s21+$0x81D0] =	vst.add.f32.msk $0xffff, v6  }
0x15a: {  	[tilespmem:s21+$0x81E0] =	vst.add.f32.msk $0xffff, v7;
	s21 =	sor.u32 s18, s30  }
0x15b: {  	v6 =	vld [tilespmem:s21+$0x141F0]  }
0x15c: {  	v9 =	vld [tilespmem:s21+$0x14180]  }
0x15d: {  	v10 =	vld [tilespmem:s21+$0x14190]  }
0x15e: {  	v11 =	vld [tilespmem:s21+$0x141A0]  }
0x15f: {  	v12 =	vld [tilespmem:s21+$0x141B0]  }
0x160: {  	[tilespmem:s21+$0x81F0] =	vst.add.f32.msk $0xffff, v6  }
0x161: {  	v8 =	vld [tilespmem:s21+$0x141C0]  }
0x162: {  	v6 =	vld [tilespmem:s21+$0x141D0]  }
.Ltmp2:
0x163: {  	v7 =	vld [tilespmem:s21+$0x141E0];
	(pc) =	sbr.rel @p0 .LBB2_6-.Ltmp2, $4  }
0x164: {  	[tilespmem:s21+$0x8180] =	vst.add.f32.msk $0xffff, v9  }
0x165: {  	[tilespmem:s21+$0x8190] =	vst.add.f32.msk $0xffff, v10  }
0x166: {  	[tilespmem:s21+$0x81A0] =	vst.add.f32.msk $0xffff, v11  }
0x167: {  	[tilespmem:s21+$0x81B0] =	vst.add.f32.msk $0xffff, v12  }
0x168: {  	[tilespmem:s21+$0x81C0] =	vst.add.f32.msk $0xffff, v8  }
0x169: {  	[tilespmem:s21+$0x81D0] =	vst.add.f32.msk $0xffff, v6  }
0x16a: {  	[tilespmem:s21+$0x81E0] =	vst.add.f32.msk $0xffff, v7  }
0x16b: {  	s16 =	simm.s32 $0x0;
	s18 =	simm.s32 $0x8180;
	s17 =	rddreg [dreg:$0xb]  }
0x16c: {  	[hbm4b:s17+s16] =	stream.linear.scatter [tilespmem:s18], [sflag:$0x8], $0x4000, $0x38;
	[tilespmem:$0x1C180] =	vst v63  }
0x16d: {  	_ =	swait.ge [sflag:s0], $0x4000  }
0x16e: {  	[sflag:s0] =	ssyncset.done $0x0  }
0x16f: {  	[sflag:s0] =	ssyncadd.s32 $0xFFFFC000  }
0x170: {  	v6 =	vld.msk [tilespmem:$0x88], $0xff;
	_ =	sdelay $0x4  }
0x171: {  	v7 =	vshll.u32 v6, $0x4  }
0x172: {  	v6 =	vand.u32 $0x7, v6;
	v7 =	vand.u32 $0xFFFFFF80, v7  }
0x173: {  	v6 =	vor.u32 v6, v7  }
0x174: {  	v6 =	vperm.xlane v6, v4;
	_ =	sdelay $0x1  }
0x175: {  	v6 =	vadd.s32 v5, v6;
	_ =	sdelay $0x3  }
0x176: {  	s30 =	simm.s32 $0x4180  }
0x177: {  	[tilespmem:s30], [sflag:$0x2] =	stream.indirect_vreg.gather [hbm4b:s1+s16], $0x80, v6, vm0, $0xb8;
	[tilespmem:$0x1C180] =	vst v63  }
0x178: {  	s18 =	simm.s32 $0x4980  }
0x179: {  	[tilespmem:s18], [sflag:$0x2] =	stream.indirect_vreg.gather [hbm4b:s20+s16], $0x80, v6, vm0, $0xb8;
	[tilespmem:$0x1C180] =	vst v63  }
0x17a: {  	s21 =	simm.s32 $0x5180  }
0x17b: {  	[tilespmem:s21], [sflag:$0x2] =	stream.indirect_vreg.gather [hbm4b:s22+s16], $0x80, v6, vm0, $0xb8;
	[tilespmem:$0x1C180] =	vst v63  }
0x17c: {  	s30 =	simm.s32 $0x5980  }
0x17d: {  	[tilespmem:s30], [sflag:$0x2] =	stream.indirect_vreg.gather [hbm4b:s23+s16], $0x80, v6, vm0, $0xb8;
	[tilespmem:$0x1C180] =	vst v63  }
0x17e: {  	s18 =	simm.s32 $0x6180  }
0x17f: {  	[tilespmem:s18], [sflag:$0x2] =	stream.indirect_vreg.gather [hbm4b:s24+s16], $0x80, v6, vm0, $0xb8;
	[tilespmem:$0x1C180] =	vst v63  }
0x180: {  	s21 =	simm.s32 $0x6980  }
0x181: {  	[tilespmem:s21], [sflag:$0x2] =	stream.indirect_vreg.gather [hbm4b:s25+s16], $0x80, v6, vm0, $0xb8;
	[tilespmem:$0x1C180] =	vst v63  }
0x182: {  	s30 =	simm.s32 $0x7180  }
0x183: {  	[tilespmem:s30], [sflag:$0x2] =	stream.indirect_vreg.gather [hbm4b:s26+s16], $0x80, v6, vm0, $0xb8;
	[tilespmem:$0x1C180] =	vst v63  }
0x184: {  	s18 =	simm.s32 $0x7980  }
0x185: {  	[tilespmem:s18], [sflag:$0x2] =	stream.indirect_vreg.gather [hbm4b:s28+s16], $0x80, v6, vm0, $0xb8;
	[tilespmem:$0x1C180] =	vst v63  }
0x186: {  	s17 =	simm.s32 $0x0;
	_ =	swait.ge [sflag:s8], $0x4000  }
0x187: {  	s21 =	sand.u32 $0x380, s17;
	s30 =	sand.u32 $0x3C00, s16;
	[sflag:s8] =	ssyncset.done $0x0  }
0x188: {  	s21 =	sor.u32 s21, s30;
	[sflag:s8] =	ssyncadd.s32 $0xFFFFC000  }
0x189: {  	v6 =	vld [tilespmem:s21+$0x141F0]  }
0x18a: {  	v9 =	vld [tilespmem:s21+$0x14180]  }
0x18b: {  	v10 =	vld [tilespmem:s21+$0x14190]  }
0x18c: {  	v11 =	vld [tilespmem:s21+$0x141A0]  }
0x18d: {  	v12 =	vld [tilespmem:s21+$0x141B0]  }
0x18e: {  	v8 =	vld [tilespmem:s21+$0x141C0]  }
0x18f: {  	v7 =	vld [tilespmem:s21+$0x141E0]  }
0x190: {  	[tilespmem:s21+$0xC1F0] =	vst.add.f32.msk $0xffff, v6  }
0x191: {  	v6 =	vld [tilespmem:s21+$0x141D0]  }
0x192: {  	[tilespmem:s21+$0xC180] =	vst.add.f32.msk $0xffff, v9  }
0x193: {  	[tilespmem:s21+$0xC190] =	vst.add.f32.msk $0xffff, v10  }
0x194: {  	[tilespmem:s21+$0xC1A0] =	vst.add.f32.msk $0xffff, v11  }
0x195: {  	[tilespmem:s21+$0xC1B0] =	vst.add.f32.msk $0xffff, v12  }
.LBB2_8:
0x196: {  	s17 =	sadd.s32 $0x8, s17;
	[tilespmem:s21+$0xC1C0] =	vst.add.f32.msk $0xffff, v8;
	s16 =	sadd.s32 $0x400, s16  }
0x197: {  	s18 =	sand.u32 $0x380, s17;
	s30 =	sand.u32 $0x3C00, s16;
	p0 =	slt.u32 s17, $0x3F8;
	[tilespmem:s21+$0xC1D0] =	vst.add.f32.msk $0xffff, v6  }
0x198: {  	[tilespmem:s21+$0xC1E0] =	vst.add.f32.msk $0xffff, v7;
	s21 =	sor.u32 s18, s30  }
0x199: {  	v6 =	vld [tilespmem:s21+$0x141F0]  }
0x19a: {  	v9 =	vld [tilespmem:s21+$0x14180]  }
0x19b: {  	v10 =	vld [tilespmem:s21+$0x14190]  }
0x19c: {  	v11 =	vld [tilespmem:s21+$0x141A0]  }
0x19d: {  	v12 =	vld [tilespmem:s21+$0x141B0]  }
0x19e: {  	[tilespmem:s21+$0xC1F0] =	vst.add.f32.msk $0xffff, v6  }
0x19f: {  	v8 =	vld [tilespmem:s21+$0x141C0]  }
0x1a0: {  	v6 =	vld [tilespmem:s21+$0x141D0]  }
.Ltmp3:
0x1a1: {  	v7 =	vld [tilespmem:s21+$0x141E0];
	(pc) =	sbr.rel @p0 .LBB2_8-.Ltmp3, $4  }
0x1a2: {  	[tilespmem:s21+$0xC180] =	vst.add.f32.msk $0xffff, v9  }
0x1a3: {  	[tilespmem:s21+$0xC190] =	vst.add.f32.msk $0xffff, v10  }
0x1a4: {  	[tilespmem:s21+$0xC1A0] =	vst.add.f32.msk $0xffff, v11  }
0x1a5: {  	[tilespmem:s21+$0xC1B0] =	vst.add.f32.msk $0xffff, v12  }
0x1a6: {  	[tilespmem:s21+$0xC1C0] =	vst.add.f32.msk $0xffff, v8  }
0x1a7: {  	[tilespmem:s21+$0xC1D0] =	vst.add.f32.msk $0xffff, v6  }
0x1a8: {  	[tilespmem:s21+$0xC1E0] =	vst.add.f32.msk $0xffff, v7  }
0x1a9: {  	s16 =	simm.s32 $0x0;
	s18 =	simm.s32 $0xC180;
	s17 =	rddreg [dreg:$0xc]  }
0x1aa: {  	[hbm4b:s17+s16] =	stream.linear.scatter [tilespmem:s18], [sflag:$0x9], $0x4000, $0x38;
	[tilespmem:$0x1C180] =	vst v63  }
0x1ab: {  	v6 =	vld.msk [tilespmem:$0x110], $0xff;
	_ =	sdelay $0x4  }
0x1ac: {  	v7 =	vshll.u32 v6, $0x4  }
0x1ad: {  	v6 =	vand.u32 $0x7, v6;
	v7 =	vand.u32 $0xFFFFFF80, v7  }
0x1ae: {  	v6 =	vor.u32 v6, v7  }
0x1af: {  	v6 =	vperm.xlane v6, v4;
	_ =	sdelay $0x1  }
0x1b0: {  	v6 =	vadd.s32 v5, v6;
	_ =	sdelay $0x3  }
0x1b1: {  	s21 =	rddreg [dreg:$0x2];
	s30 =	simm.s32 $0x14180  }
0x1b2: {  	[tilespmem:s30], [sflag:$0xB] =	stream.indirect_vreg.gather [hbm4b:s21+s16], $0x80, v6, vm0, $0xb8;
	[tilespmem:$0x1C180] =	vst v63  }
0x1b3: {  	s18 =	simm.s32 $0x14980  }
0x1b4: {  	[tilespmem:s18], [sflag:$0xB] =	stream.indirect_vreg.gather [hbm4b:s9+s16], $0x80, v6, vm0, $0xb8;
	[tilespmem:$0x1C180] =	vst v63  }
0x1b5: {  	s21 =	simm.s32 $0x15180  }
0x1b6: {  	[tilespmem:s21], [sflag:$0xB] =	stream.indirect_vreg.gather [hbm4b:s10+s16], $0x80, v6, vm0, $0xb8;
	[tilespmem:$0x1C180] =	vst v63  }
0x1b7: {  	s30 =	simm.s32 $0x15980  }
0x1b8: {  	[tilespmem:s30], [sflag:$0xB] =	stream.indirect_vreg.gather [hbm4b:s11+s16], $0x80, v6, vm0, $0xb8;
	[tilespmem:$0x1C180] =	vst v63  }
0x1b9: {  	s18 =	simm.s32 $0x16180  }
0x1ba: {  	[tilespmem:s18], [sflag:$0xB] =	stream.indirect_vreg.gather [hbm4b:s12+s16], $0x80, v6, vm0, $0xb8;
	[tilespmem:$0x1C180] =	vst v63  }
0x1bb: {  	s21 =	simm.s32 $0x16980  }
0x1bc: {  	[tilespmem:s21], [sflag:$0xB] =	stream.indirect_vreg.gather [hbm4b:s13+s16], $0x80, v6, vm0, $0xb8;
	[tilespmem:$0x1C180] =	vst v63  }
0x1bd: {  	s30 =	simm.s32 $0x17180  }
0x1be: {  	[tilespmem:s30], [sflag:$0xB] =	stream.indirect_vreg.gather [hbm4b:s14+s16], $0x80, v6, vm0, $0xb8;
	[tilespmem:$0x1C180] =	vst v63  }
0x1bf: {  	s18 =	simm.s32 $0x17980  }
0x1c0: {  	[tilespmem:s18], [sflag:$0xB] =	stream.indirect_vreg.gather [hbm4b:s15+s16], $0x80, v6, vm0, $0xb8;
	[tilespmem:$0x1C180] =	vst v63  }
0x1c1: {  	_ =	swait.ge [sflag:s3], $0x4000  }
0x1c2: {  	[sflag:s3] =	ssyncset.done $0x0  }
0x1c3: {  	[sflag:s3] =	ssyncadd.s32 $0xFFFFC000  }
0x1c4: {  	v6 =	vld.msk [tilespmem:$0xC8], $0xff;
	_ =	sdelay $0x4  }
0x1c5: {  	v7 =	vshll.u32 v6, $0x4  }
0x1c6: {  	v6 =	vand.u32 $0x7, v6;
	v7 =	vand.u32 $0xFFFFFF80, v7  }
0x1c7: {  	v6 =	vor.u32 v6, v7  }
0x1c8: {  	v6 =	vperm.xlane v6, v4;
	_ =	sdelay $0x1  }
0x1c9: {  	v6 =	vadd.s32 v5, v6;
	_ =	sdelay $0x3  }
0x1ca: {  	s21 =	simm.s32 $0x8180  }
0x1cb: {  	[tilespmem:s21], [sflag:$0x3] =	stream.indirect_vreg.gather [hbm4b:s1+s16], $0x80, v6, vm0, $0xb8;
	[tilespmem:$0x1C180] =	vst v63  }
0x1cc: {  	s30 =	simm.s32 $0x8980  }
0x1cd: {  	[tilespmem:s30], [sflag:$0x3] =	stream.indirect_vreg.gather [hbm4b:s20+s16], $0x80, v6, vm0, $0xb8;
	[tilespmem:$0x1C180] =	vst v63  }
0x1ce: {  	s18 =	simm.s32 $0x9180  }
0x1cf: {  	[tilespmem:s18], [sflag:$0x3] =	stream.indirect_vreg.gather [hbm4b:s22+s16], $0x80, v6, vm0, $0xb8;
	[tilespmem:$0x1C180] =	vst v63  }
0x1d0: {  	s21 =	simm.s32 $0x9980  }
0x1d1: {  	[tilespmem:s21], [sflag:$0x3] =	stream.indirect_vreg.gather [hbm4b:s23+s16], $0x80, v6, vm0, $0xb8;
	[tilespmem:$0x1C180] =	vst v63  }
0x1d2: {  	s30 =	simm.s32 $0xA180  }
0x1d3: {  	[tilespmem:s30], [sflag:$0x3] =	stream.indirect_vreg.gather [hbm4b:s24+s16], $0x80, v6, vm0, $0xb8;
	[tilespmem:$0x1C180] =	vst v63  }
0x1d4: {  	s18 =	simm.s32 $0xA980  }
0x1d5: {  	[tilespmem:s18], [sflag:$0x3] =	stream.indirect_vreg.gather [hbm4b:s25+s16], $0x80, v6, vm0, $0xb8;
	[tilespmem:$0x1C180] =	vst v63  }
0x1d6: {  	s21 =	simm.s32 $0xB180  }
0x1d7: {  	[tilespmem:s21], [sflag:$0x3] =	stream.indirect_vreg.gather [hbm4b:s26+s16], $0x80, v6, vm0, $0xb8;
	[tilespmem:$0x1C180] =	vst v63  }
0x1d8: {  	s30 =	simm.s32 $0xB980  }
0x1d9: {  	[tilespmem:s30], [sflag:$0x3] =	stream.indirect_vreg.gather [hbm4b:s28+s16], $0x80, v6, vm0, $0xb8;
	[tilespmem:$0x1C180] =	vst v63  }
0x1da: {  	_ =	swait.ge [sflag:s2], $0x4000  }
0x1db: {  	[sflag:s2] =	ssyncset.done $0x0  }
0x1dc: {  	s30 =	simm.s32 $0xC;
	[sflag:s2] =	ssyncadd.s32 $0xFFFFC000  }
0x1dd: {  	s17 =	simm.s32 $0x0;
	_ =	swait.ge [sflag:s30], $0x4000  }
0x1de: {  	s18 =	sand.u32 $0x380, s17;
	s21 =	sand.u32 $0x3C00, s16;
	[sflag:s30] =	ssyncset.done $0x0  }
0x1df: {  	s21 =	sor.u32 s18, s21;
	[sflag:s30] =	ssyncadd.s32 $0xFFFFC000  }
0x1e0: {  	v6 =	vld [tilespmem:s21+$0x181F0]  }
0x1e1: {  	v9 =	vld [tilespmem:s21+$0x18180]  }
0x1e2: {  	v10 =	vld [tilespmem:s21+$0x18190]  }
0x1e3: {  	v11 =	vld [tilespmem:s21+$0x181A0]  }
0x1e4: {  	v12 =	vld [tilespmem:s21+$0x181B0]  }
0x1e5: {  	v8 =	vld [tilespmem:s21+$0x181C0]  }
0x1e6: {  	v7 =	vld [tilespmem:s21+$0x181E0]  }
0x1e7: {  	[tilespmem:s21+$0x101F0] =	vst.add.f32.msk $0xffff, v6  }
0x1e8: {  	v6 =	vld [tilespmem:s21+$0x181D0]  }
0x1e9: {  	[tilespmem:s21+$0x10180] =	vst.add.f32.msk $0xffff, v9  }
0x1ea: {  	[tilespmem:s21+$0x10190] =	vst.add.f32.msk $0xffff, v10  }
0x1eb: {  	[tilespmem:s21+$0x101A0] =	vst.add.f32.msk $0xffff, v11  }
0x1ec: {  	[tilespmem:s21+$0x101B0] =	vst.add.f32.msk $0xffff, v12  }
.LBB2_10:
0x1ed: {  	s17 =	sadd.s32 $0x8, s17;
	[tilespmem:s21+$0x101C0] =	vst.add.f32.msk $0xffff, v8;
	s16 =	sadd.s32 $0x400, s16  }
0x1ee: {  	s18 =	sand.u32 $0x380, s17;
	s30 =	sand.u32 $0x3C00, s16;
	p0 =	slt.u32 s17, $0x3F8;
	[tilespmem:s21+$0x101D0] =	vst.add.f32.msk $0xffff, v6  }
0x1ef: {  	[tilespmem:s21+$0x101E0] =	vst.add.f32.msk $0xffff, v7;
	s21 =	sor.u32 s18, s30  }
0x1f0: {  	v6 =	vld [tilespmem:s21+$0x181F0]  }
0x1f1: {  	v9 =	vld [tilespmem:s21+$0x18180]  }
0x1f2: {  	v10 =	vld [tilespmem:s21+$0x18190]  }
0x1f3: {  	v11 =	vld [tilespmem:s21+$0x181A0]  }
0x1f4: {  	v12 =	vld [tilespmem:s21+$0x181B0]  }
0x1f5: {  	[tilespmem:s21+$0x101F0] =	vst.add.f32.msk $0xffff, v6  }
0x1f6: {  	v8 =	vld [tilespmem:s21+$0x181C0]  }
0x1f7: {  	v6 =	vld [tilespmem:s21+$0x181D0]  }
.Ltmp4:
0x1f8: {  	v7 =	vld [tilespmem:s21+$0x181E0];
	(pc) =	sbr.rel @p0 .LBB2_10-.Ltmp4, $4  }
0x1f9: {  	[tilespmem:s21+$0x10180] =	vst.add.f32.msk $0xffff, v9  }
0x1fa: {  	[tilespmem:s21+$0x10190] =	vst.add.f32.msk $0xffff, v10  }
0x1fb: {  	[tilespmem:s21+$0x101A0] =	vst.add.f32.msk $0xffff, v11  }
0x1fc: {  	[tilespmem:s21+$0x101B0] =	vst.add.f32.msk $0xffff, v12  }
0x1fd: {  	[tilespmem:s21+$0x101C0] =	vst.add.f32.msk $0xffff, v8  }
0x1fe: {  	[tilespmem:s21+$0x101D0] =	vst.add.f32.msk $0xffff, v6  }
0x1ff: {  	[tilespmem:s21+$0x101E0] =	vst.add.f32.msk $0xffff, v7  }
0x200: {  	s16 =	simm.s32 $0x0;
	s18 =	simm.s32 $0x10180;
	s17 =	rddreg [dreg:$0xf]  }
0x201: {  	[hbm4b:s17+s16] =	stream.linear.scatter [tilespmem:s18], [sflag:$0xA], $0x4000, $0x38;
	[tilespmem:$0x1C180] =	vst v63  }
0x202: {  	_ =	swait.ge [sflag:s5], $0x4000  }
0x203: {  	[sflag:s5] =	ssyncset.done $0x0  }
0x204: {  	[sflag:s5] =	ssyncadd.s32 $0xFFFFC000  }
0x205: {  	v6 =	vld.msk [tilespmem:$0x10], $0xff;
	_ =	sdelay $0x4  }
0x206: {  	v7 =	vshll.u32 v6, $0x4  }
0x207: {  	v6 =	vand.u32 $0x7, v6;
	v7 =	vand.u32 $0xFFFFFF80, v7  }
0x208: {  	v6 =	vor.u32 v6, v7  }
0x209: {  	v6 =	vperm.xlane v6, v4;
	_ =	sdelay $0x1  }
0x20a: {  	v6 =	vadd.s32 v5, v6;
	_ =	sdelay $0x3  }
0x20b: {  	s30 =	simm.s32 $0xC180  }
0x20c: {  	[tilespmem:s30], [sflag:$0x4] =	stream.indirect_vreg.gather [hbm4b:s1+s16], $0x80, v6, vm0, $0xb8;
	[tilespmem:$0x1C180] =	vst v63  }
0x20d: {  	s18 =	simm.s32 $0xC980  }
0x20e: {  	[tilespmem:s18], [sflag:$0x4] =	stream.indirect_vreg.gather [hbm4b:s20+s16], $0x80, v6, vm0, $0xb8;
	[tilespmem:$0x1C180] =	vst v63  }
0x20f: {  	s21 =	simm.s32 $0xD180  }
0x210: {  	[tilespmem:s21], [sflag:$0x4] =	stream.indirect_vreg.gather [hbm4b:s22+s16], $0x80, v6, vm0, $0xb8;
	[tilespmem:$0x1C180] =	vst v63  }
0x211: {  	s30 =	simm.s32 $0xD980  }
0x212: {  	[tilespmem:s30], [sflag:$0x4] =	stream.indirect_vreg.gather [hbm4b:s23+s16], $0x80, v6, vm0, $0xb8;
	[tilespmem:$0x1C180] =	vst v63  }
0x213: {  	s18 =	simm.s32 $0xE180  }
0x214: {  	[tilespmem:s18], [sflag:$0x4] =	stream.indirect_vreg.gather [hbm4b:s24+s16], $0x80, v6, vm0, $0xb8;
	[tilespmem:$0x1C180] =	vst v63  }
0x215: {  	s21 =	simm.s32 $0xE980  }
0x216: {  	[tilespmem:s21], [sflag:$0x4] =	stream.indirect_vreg.gather [hbm4b:s25+s16], $0x80, v6, vm0, $0xb8;
	[tilespmem:$0x1C180] =	vst v63  }
0x217: {  	s30 =	simm.s32 $0xF180  }
0x218: {  	[tilespmem:s30], [sflag:$0x4] =	stream.indirect_vreg.gather [hbm4b:s26+s16], $0x80, v6, vm0, $0xb8;
	[tilespmem:$0x1C180] =	vst v63  }
0x219: {  	s18 =	simm.s32 $0xF980  }
0x21a: {  	[tilespmem:s18], [sflag:$0x4] =	stream.indirect_vreg.gather [hbm4b:s28+s16], $0x80, v6, vm0, $0xb8;
	[tilespmem:$0x1C180] =	vst v63  }
0x21b: {  	s17 =	simm.s32 $0x0;
	_ =	swait.ge [sflag:s29], $0x4000  }
0x21c: {  	s21 =	sand.u32 $0x380, s17;
	s30 =	sand.u32 $0x3C00, s16;
	[sflag:s29] =	ssyncset.done $0x0  }
0x21d: {  	s21 =	sor.u32 s21, s30;
	[sflag:s29] =	ssyncadd.s32 $0xFFFFC000  }
0x21e: {  	v6 =	vld [tilespmem:s21+$0x181F0]  }
0x21f: {  	v9 =	vld [tilespmem:s21+$0x18180]  }
0x220: {  	v10 =	vld [tilespmem:s21+$0x18190]  }
0x221: {  	v11 =	vld [tilespmem:s21+$0x181A0]  }
0x222: {  	v12 =	vld [tilespmem:s21+$0x181B0]  }
0x223: {  	v8 =	vld [tilespmem:s21+$0x181C0]  }
0x224: {  	v7 =	vld [tilespmem:s21+$0x181E0]  }
0x225: {  	[tilespmem:s21+$0x1F0] =	vst.add.f32.msk $0xffff, v6  }
0x226: {  	v6 =	vld [tilespmem:s21+$0x181D0]  }
0x227: {  	[tilespmem:s21+$0x180] =	vst.add.f32.msk $0xffff, v9  }
0x228: {  	[tilespmem:s21+$0x190] =	vst.add.f32.msk $0xffff, v10  }
0x229: {  	[tilespmem:s21+$0x1A0] =	vst.add.f32.msk $0xffff, v11  }
0x22a: {  	[tilespmem:s21+$0x1B0] =	vst.add.f32.msk $0xffff, v12  }
.LBB2_12:
0x22b: {  	s17 =	sadd.s32 $0x8, s17;
	[tilespmem:s21+$0x1C0] =	vst.add.f32.msk $0xffff, v8;
	s16 =	sadd.s32 $0x400, s16  }
0x22c: {  	s18 =	sand.u32 $0x380, s17;
	s30 =	sand.u32 $0x3C00, s16;
	p0 =	slt.u32 s17, $0x3F8;
	[tilespmem:s21+$0x1D0] =	vst.add.f32.msk $0xffff, v6  }
0x22d: {  	[tilespmem:s21+$0x1E0] =	vst.add.f32.msk $0xffff, v7;
	s21 =	sor.u32 s18, s30  }
0x22e: {  	v6 =	vld [tilespmem:s21+$0x181F0]  }
0x22f: {  	v9 =	vld [tilespmem:s21+$0x18180]  }
0x230: {  	v10 =	vld [tilespmem:s21+$0x18190]  }
0x231: {  	v11 =	vld [tilespmem:s21+$0x181A0]  }
0x232: {  	v12 =	vld [tilespmem:s21+$0x181B0]  }
0x233: {  	[tilespmem:s21+$0x1F0] =	vst.add.f32.msk $0xffff, v6  }
0x234: {  	v8 =	vld [tilespmem:s21+$0x181C0]  }
0x235: {  	v6 =	vld [tilespmem:s21+$0x181D0]  }
.Ltmp5:
0x236: {  	v7 =	vld [tilespmem:s21+$0x181E0];
	(pc) =	sbr.rel @p0 .LBB2_12-.Ltmp5, $4  }
0x237: {  	[tilespmem:s21+$0x180] =	vst.add.f32.msk $0xffff, v9  }
0x238: {  	[tilespmem:s21+$0x190] =	vst.add.f32.msk $0xffff, v10  }
0x239: {  	[tilespmem:s21+$0x1A0] =	vst.add.f32.msk $0xffff, v11  }
0x23a: {  	[tilespmem:s21+$0x1B0] =	vst.add.f32.msk $0xffff, v12  }
0x23b: {  	[tilespmem:s21+$0x1C0] =	vst.add.f32.msk $0xffff, v8  }
0x23c: {  	[tilespmem:s21+$0x1D0] =	vst.add.f32.msk $0xffff, v6  }
0x23d: {  	[tilespmem:s21+$0x1E0] =	vst.add.f32.msk $0xffff, v7  }
0x23e: {  	s16 =	simm.s32 $0x0;
	s18 =	simm.s32 $0x180;
	s17 =	rddreg [dreg:$0xe]  }
0x23f: {  	[hbm4b:s17+s16] =	stream.linear.scatter [tilespmem:s18], [sflag:$0x6], $0x4000, $0x38;
	[tilespmem:$0x1C180] =	vst v63  }
0x240: {  	_ =	swait.ge [sflag:s19], $0x4000  }
0x241: {  	[sflag:s19] =	ssyncset.done $0x0  }
0x242: {  	[sflag:s19] =	ssyncadd.s32 $0xFFFFC000  }
0x243: {  	v6 =	vld.msk [tilespmem:$0x50], $0xff;
	_ =	sdelay $0x4  }
0x244: {  	v7 =	vshll.u32 v6, $0x4  }
0x245: {  	v6 =	vand.u32 $0x7, v6;
	v7 =	vand.u32 $0xFFFFFF80, v7  }
0x246: {  	v6 =	vor.u32 v6, v7  }
0x247: {  	v6 =	vperm.xlane v6, v4;
	_ =	sdelay $0x1  }
0x248: {  	v6 =	vadd.s32 v5, v6;
	_ =	sdelay $0x3  }
0x249: {  	s30 =	simm.s32 $0x10180  }
0x24a: {  	[tilespmem:s30], [sflag:$0x5] =	stream.indirect_vreg.gather [hbm4b:s1+s16], $0x80, v6, vm0, $0xb8;
	[tilespmem:$0x1C180] =	vst v63  }
0x24b: {  	s18 =	simm.s32 $0x10980  }
0x24c: {  	[tilespmem:s18], [sflag:$0x5] =	stream.indirect_vreg.gather [hbm4b:s20+s16], $0x80, v6, vm0, $0xb8;
	[tilespmem:$0x1C180] =	vst v63  }
0x24d: {  	s21 =	simm.s32 $0x11180  }
0x24e: {  	[tilespmem:s21], [sflag:$0x5] =	stream.indirect_vreg.gather [hbm4b:s22+s16], $0x80, v6, vm0, $0xb8;
	[tilespmem:$0x1C180] =	vst v63  }
0x24f: {  	s30 =	simm.s32 $0x11980  }
0x250: {  	[tilespmem:s30], [sflag:$0x5] =	stream.indirect_vreg.gather [hbm4b:s23+s16], $0x80, v6, vm0, $0xb8;
	[tilespmem:$0x1C180] =	vst v63  }
0x251: {  	s18 =	simm.s32 $0x12180  }
0x252: {  	[tilespmem:s18], [sflag:$0x5] =	stream.indirect_vreg.gather [hbm4b:s24+s16], $0x80, v6, vm0, $0xb8;
	[tilespmem:$0x1C180] =	vst v63  }
0x253: {  	s21 =	simm.s32 $0x12980  }
0x254: {  	[tilespmem:s21], [sflag:$0x5] =	stream.indirect_vreg.gather [hbm4b:s25+s16], $0x80, v6, vm0, $0xb8;
	[tilespmem:$0x1C180] =	vst v63  }
0x255: {  	s30 =	simm.s32 $0x13180  }
0x256: {  	[tilespmem:s30], [sflag:$0x5] =	stream.indirect_vreg.gather [hbm4b:s26+s16], $0x80, v6, vm0, $0xb8;
	[tilespmem:$0x1C180] =	vst v63  }
0x257: {  	s18 =	simm.s32 $0x13980  }
0x258: {  	[tilespmem:s18], [sflag:$0x5] =	stream.indirect_vreg.gather [hbm4b:s28+s16], $0x80, v6, vm0, $0xb8;
	[tilespmem:$0x1C180] =	vst v63  }
0x259: {  	s17 =	simm.s32 $0x0;
	_ =	swait.ge [sflag:s6], $0x4000  }
0x25a: {  	s21 =	sand.u32 $0x380, s17;
	s30 =	sand.u32 $0x3C00, s16;
	[sflag:s6] =	ssyncset.done $0x0  }
0x25b: {  	s21 =	sor.u32 s21, s30;
	[sflag:s6] =	ssyncadd.s32 $0xFFFFC000  }
0x25c: {  	v6 =	vld [tilespmem:s21+$0x181F0]  }
0x25d: {  	v9 =	vld [tilespmem:s21+$0x18180]  }
0x25e: {  	v10 =	vld [tilespmem:s21+$0x18190]  }
0x25f: {  	v11 =	vld [tilespmem:s21+$0x181A0]  }
0x260: {  	v12 =	vld [tilespmem:s21+$0x181B0]  }
0x261: {  	v8 =	vld [tilespmem:s21+$0x181C0]  }
0x262: {  	v7 =	vld [tilespmem:s21+$0x181E0]  }
0x263: {  	[tilespmem:s21+$0x41F0] =	vst.add.f32.msk $0xffff, v6  }
0x264: {  	v6 =	vld [tilespmem:s21+$0x181D0]  }
0x265: {  	[tilespmem:s21+$0x4180] =	vst.add.f32.msk $0xffff, v9  }
0x266: {  	[tilespmem:s21+$0x4190] =	vst.add.f32.msk $0xffff, v10  }
0x267: {  	[tilespmem:s21+$0x41A0] =	vst.add.f32.msk $0xffff, v11  }
0x268: {  	[tilespmem:s21+$0x41B0] =	vst.add.f32.msk $0xffff, v12  }
.LBB2_14:
0x269: {  	s17 =	sadd.s32 $0x8, s17;
	[tilespmem:s21+$0x41C0] =	vst.add.f32.msk $0xffff, v8;
	s16 =	sadd.s32 $0x400, s16  }
0x26a: {  	s18 =	sand.u32 $0x380, s17;
	s30 =	sand.u32 $0x3C00, s16;
	p0 =	slt.u32 s17, $0x3F8;
	[tilespmem:s21+$0x41D0] =	vst.add.f32.msk $0xffff, v6  }
0x26b: {  	[tilespmem:s21+$0x41E0] =	vst.add.f32.msk $0xffff, v7;
	s21 =	sor.u32 s18, s30  }
0x26c: {  	v6 =	vld [tilespmem:s21+$0x181F0]  }
0x26d: {  	v9 =	vld [tilespmem:s21+$0x18180]  }
0x26e: {  	v10 =	vld [tilespmem:s21+$0x18190]  }
0x26f: {  	v11 =	vld [tilespmem:s21+$0x181A0]  }
0x270: {  	v12 =	vld [tilespmem:s21+$0x181B0]  }
0x271: {  	[tilespmem:s21+$0x41F0] =	vst.add.f32.msk $0xffff, v6  }
0x272: {  	v8 =	vld [tilespmem:s21+$0x181C0]  }
0x273: {  	v6 =	vld [tilespmem:s21+$0x181D0]  }
.Ltmp6:
0x274: {  	v7 =	vld [tilespmem:s21+$0x181E0];
	(pc) =	sbr.rel @p0 .LBB2_14-.Ltmp6, $4  }
0x275: {  	[tilespmem:s21+$0x4180] =	vst.add.f32.msk $0xffff, v9  }
0x276: {  	[tilespmem:s21+$0x4190] =	vst.add.f32.msk $0xffff, v10  }
0x277: {  	[tilespmem:s21+$0x41A0] =	vst.add.f32.msk $0xffff, v11  }
0x278: {  	[tilespmem:s21+$0x41B0] =	vst.add.f32.msk $0xffff, v12  }
0x279: {  	[tilespmem:s21+$0x41C0] =	vst.add.f32.msk $0xffff, v8  }
0x27a: {  	[tilespmem:s21+$0x41D0] =	vst.add.f32.msk $0xffff, v6  }
0x27b: {  	[tilespmem:s21+$0x41E0] =	vst.add.f32.msk $0xffff, v7  }
0x27c: {  	s16 =	simm.s32 $0x0;
	s18 =	simm.s32 $0x4180;
	s17 =	rddreg [dreg:$0x10]  }
0x27d: {  	[hbm4b:s17+s16] =	stream.linear.scatter [tilespmem:s18], [sflag:$0x7], $0x4000, $0x38;
	[tilespmem:$0x1C180] =	vst v63  }
0x27e: {  	_ =	swait.ge [sflag:s31], $0x4000  }
0x27f: {  	[sflag:s31] =	ssyncset.done $0x0  }
0x280: {  	[sflag:s31] =	ssyncadd.s32 $0xFFFFC000  }
0x281: {  	v6 =	vld.msk [tilespmem:$0x90], $0xff;
	_ =	sdelay $0x4  }
0x282: {  	v7 =	vshll.u32 v6, $0x4  }
0x283: {  	v6 =	vand.u32 $0x7, v6;
	v7 =	vand.u32 $0xFFFFFF80, v7  }
0x284: {  	v6 =	vor.u32 v6, v7  }
0x285: {  	v6 =	vperm.xlane v6, v4;
	_ =	sdelay $0x1  }
0x286: {  	v6 =	vadd.s32 v5, v6;
	_ =	sdelay $0x3  }
0x287: {  	s30 =	simm.s32 $0x180  }
0x288: {  	[tilespmem:s30], [sflag:$0x1] =	stream.indirect_vreg.gather [hbm4b:s1+s16], $0x80, v6, vm0, $0xb8;
	[tilespmem:$0x1C180] =	vst v63  }
0x289: {  	s18 =	simm.s32 $0x980  }
0x28a: {  	[tilespmem:s18], [sflag:$0x1] =	stream.indirect_vreg.gather [hbm4b:s20+s16], $0x80, v6, vm0, $0xb8;
	[tilespmem:$0x1C180] =	vst v63  }
0x28b: {  	s21 =	simm.s32 $0x1180  }
0x28c: {  	[tilespmem:s21], [sflag:$0x1] =	stream.indirect_vreg.gather [hbm4b:s22+s16], $0x80, v6, vm0, $0xb8;
	[tilespmem:$0x1C180] =	vst v63  }
0x28d: {  	s30 =	simm.s32 $0x1980  }
0x28e: {  	[tilespmem:s30], [sflag:$0x1] =	stream.indirect_vreg.gather [hbm4b:s23+s16], $0x80, v6, vm0, $0xb8;
	[tilespmem:$0x1C180] =	vst v63  }
0x28f: {  	s18 =	simm.s32 $0x2180  }
0x290: {  	[tilespmem:s18], [sflag:$0x1] =	stream.indirect_vreg.gather [hbm4b:s24+s16], $0x80, v6, vm0, $0xb8;
	[tilespmem:$0x1C180] =	vst v63  }
0x291: {  	s21 =	simm.s32 $0x2980  }
0x292: {  	[tilespmem:s21], [sflag:$0x1] =	stream.indirect_vreg.gather [hbm4b:s25+s16], $0x80, v6, vm0, $0xb8;
	[tilespmem:$0x1C180] =	vst v63  }
0x293: {  	s30 =	simm.s32 $0x3180  }
0x294: {  	[tilespmem:s30], [sflag:$0x1] =	stream.indirect_vreg.gather [hbm4b:s26+s16], $0x80, v6, vm0, $0xb8;
	[tilespmem:$0x1C180] =	vst v63  }
0x295: {  	s18 =	simm.s32 $0x3980  }
0x296: {  	[tilespmem:s18], [sflag:$0x1] =	stream.indirect_vreg.gather [hbm4b:s28+s16], $0x80, v6, vm0, $0xb8;
	[tilespmem:$0x1C180] =	vst v63  }
0x297: {  	s17 =	simm.s32 $0x0;
	_ =	swait.ge [sflag:s7], $0x4000  }
0x298: {  	s21 =	sand.u32 $0x380, s17;
	s30 =	sand.u32 $0x3C00, s16;
	[sflag:s7] =	ssyncset.done $0x0  }
0x299: {  	s21 =	sor.u32 s21, s30;
	[sflag:s7] =	ssyncadd.s32 $0xFFFFC000  }
0x29a: {  	v6 =	vld [tilespmem:s21+$0x181F0]  }
0x29b: {  	v9 =	vld [tilespmem:s21+$0x18180]  }
0x29c: {  	v10 =	vld [tilespmem:s21+$0x18190]  }
0x29d: {  	v11 =	vld [tilespmem:s21+$0x181A0]  }
0x29e: {  	v12 =	vld [tilespmem:s21+$0x181B0]  }
0x29f: {  	v8 =	vld [tilespmem:s21+$0x181C0]  }
0x2a0: {  	v7 =	vld [tilespmem:s21+$0x181E0]  }
0x2a1: {  	[tilespmem:s21+$0x81F0] =	vst.add.f32.msk $0xffff, v6  }
0x2a2: {  	v6 =	vld [tilespmem:s21+$0x181D0]  }
0x2a3: {  	[tilespmem:s21+$0x8180] =	vst.add.f32.msk $0xffff, v9  }
0x2a4: {  	[tilespmem:s21+$0x8190] =	vst.add.f32.msk $0xffff, v10  }
0x2a5: {  	[tilespmem:s21+$0x81A0] =	vst.add.f32.msk $0xffff, v11  }
0x2a6: {  	[tilespmem:s21+$0x81B0] =	vst.add.f32.msk $0xffff, v12  }
.LBB2_16:
0x2a7: {  	s17 =	sadd.s32 $0x8, s17;
	[tilespmem:s21+$0x81C0] =	vst.add.f32.msk $0xffff, v8;
	s16 =	sadd.s32 $0x400, s16  }
0x2a8: {  	s18 =	sand.u32 $0x380, s17;
	s30 =	sand.u32 $0x3C00, s16;
	p0 =	slt.u32 s17, $0x3F8;
	[tilespmem:s21+$0x81D0] =	vst.add.f32.msk $0xffff, v6  }
0x2a9: {  	[tilespmem:s21+$0x81E0] =	vst.add.f32.msk $0xffff, v7;
	s21 =	sor.u32 s18, s30  }
0x2aa: {  	v6 =	vld [tilespmem:s21+$0x181F0]  }
0x2ab: {  	v9 =	vld [tilespmem:s21+$0x18180]  }
0x2ac: {  	v10 =	vld [tilespmem:s21+$0x18190]  }
0x2ad: {  	v11 =	vld [tilespmem:s21+$0x181A0]  }
0x2ae: {  	v12 =	vld [tilespmem:s21+$0x181B0]  }
0x2af: {  	[tilespmem:s21+$0x81F0] =	vst.add.f32.msk $0xffff, v6  }
0x2b0: {  	v8 =	vld [tilespmem:s21+$0x181C0]  }
0x2b1: {  	v6 =	vld [tilespmem:s21+$0x181D0]  }
.Ltmp7:
0x2b2: {  	v7 =	vld [tilespmem:s21+$0x181E0];
	(pc) =	sbr.rel @p0 .LBB2_16-.Ltmp7, $4  }
0x2b3: {  	[tilespmem:s21+$0x8180] =	vst.add.f32.msk $0xffff, v9  }
0x2b4: {  	[tilespmem:s21+$0x8190] =	vst.add.f32.msk $0xffff, v10  }
0x2b5: {  	[tilespmem:s21+$0x81A0] =	vst.add.f32.msk $0xffff, v11  }
0x2b6: {  	[tilespmem:s21+$0x81B0] =	vst.add.f32.msk $0xffff, v12  }
0x2b7: {  	[tilespmem:s21+$0x81C0] =	vst.add.f32.msk $0xffff, v8  }
0x2b8: {  	[tilespmem:s21+$0x81D0] =	vst.add.f32.msk $0xffff, v6  }
0x2b9: {  	[tilespmem:s21+$0x81E0] =	vst.add.f32.msk $0xffff, v7  }
0x2ba: {  	s16 =	simm.s32 $0x0;
	s18 =	simm.s32 $0x8180;
	s17 =	rddreg [dreg:$0x11]  }
0x2bb: {  	[hbm4b:s17+s16] =	stream.linear.scatter [tilespmem:s18], [sflag:$0x8], $0x4000, $0x38;
	[tilespmem:$0x1C180] =	vst v63  }
0x2bc: {  	v6 =	vld.msk [tilespmem:$0x118], $0xff;
	_ =	sdelay $0x4  }
0x2bd: {  	v7 =	vshll.u32 v6, $0x4  }
0x2be: {  	v6 =	vand.u32 $0x7, v6;
	v7 =	vand.u32 $0xFFFFFF80, v7  }
0x2bf: {  	v6 =	vor.u32 v6, v7  }
0x2c0: {  	v6 =	vperm.xlane v6, v4;
	_ =	sdelay $0x1  }
0x2c1: {  	v6 =	vadd.s32 v5, v6;
	_ =	sdelay $0x3  }
0x2c2: {  	s21 =	rddreg [dreg:$0x2];
	s30 =	simm.s32 $0x18180  }
0x2c3: {  	[tilespmem:s30], [sflag:$0xC] =	stream.indirect_vreg.gather [hbm4b:s21+s16], $0x80, v6, vm0, $0xb8;
	[tilespmem:$0x1C180] =	vst v63  }
0x2c4: {  	s18 =	simm.s32 $0x18980  }
0x2c5: {  	[tilespmem:s18], [sflag:$0xC] =	stream.indirect_vreg.gather [hbm4b:s9+s16], $0x80, v6, vm0, $0xb8;
	[tilespmem:$0x1C180] =	vst v63  }
0x2c6: {  	s21 =	simm.s32 $0x19180  }
0x2c7: {  	[tilespmem:s21], [sflag:$0xC] =	stream.indirect_vreg.gather [hbm4b:s10+s16], $0x80, v6, vm0, $0xb8;
	[tilespmem:$0x1C180] =	vst v63  }
0x2c8: {  	s30 =	simm.s32 $0x19980  }
0x2c9: {  	[tilespmem:s30], [sflag:$0xC] =	stream.indirect_vreg.gather [hbm4b:s11+s16], $0x80, v6, vm0, $0xb8;
	[tilespmem:$0x1C180] =	vst v63  }
0x2ca: {  	s18 =	simm.s32 $0x1A180  }
0x2cb: {  	[tilespmem:s18], [sflag:$0xC] =	stream.indirect_vreg.gather [hbm4b:s12+s16], $0x80, v6, vm0, $0xb8;
	[tilespmem:$0x1C180] =	vst v63  }
0x2cc: {  	s21 =	simm.s32 $0x1A980  }
0x2cd: {  	[tilespmem:s21], [sflag:$0xC] =	stream.indirect_vreg.gather [hbm4b:s13+s16], $0x80, v6, vm0, $0xb8;
	[tilespmem:$0x1C180] =	vst v63  }
0x2ce: {  	s30 =	simm.s32 $0x1B180  }
0x2cf: {  	[tilespmem:s30], [sflag:$0xC] =	stream.indirect_vreg.gather [hbm4b:s14+s16], $0x80, v6, vm0, $0xb8;
	[tilespmem:$0x1C180] =	vst v63  }
0x2d0: {  	s18 =	simm.s32 $0x1B980  }
0x2d1: {  	[tilespmem:s18], [sflag:$0xC] =	stream.indirect_vreg.gather [hbm4b:s15+s16], $0x80, v6, vm0, $0xb8;
	[tilespmem:$0x1C180] =	vst v63  }
0x2d2: {  	_ =	swait.ge [sflag:s0], $0x4000  }
0x2d3: {  	[sflag:s0] =	ssyncset.done $0x0  }
0x2d4: {  	[sflag:s0] =	ssyncadd.s32 $0xFFFFC000  }
0x2d5: {  	v6 =	vld.msk [tilespmem:$0xD0], $0xff;
	_ =	sdelay $0x4  }
0x2d6: {  	v7 =	vshll.u32 v6, $0x4  }
0x2d7: {  	v6 =	vand.u32 $0x7, v6;
	v7 =	vand.u32 $0xFFFFFF80, v7  }
0x2d8: {  	v6 =	vor.u32 v6, v7  }
0x2d9: {  	v6 =	vperm.xlane v6, v4;
	_ =	sdelay $0x1  }
0x2da: {  	v6 =	vadd.s32 v5, v6;
	_ =	sdelay $0x3  }
0x2db: {  	s21 =	simm.s32 $0x4180  }
0x2dc: {  	[tilespmem:s21], [sflag:$0x2] =	stream.indirect_vreg.gather [hbm4b:s1+s16], $0x80, v6, vm0, $0xb8;
	[tilespmem:$0x1C180] =	vst v63  }
0x2dd: {  	s30 =	simm.s32 $0x4980  }
0x2de: {  	[tilespmem:s30], [sflag:$0x2] =	stream.indirect_vreg.gather [hbm4b:s20+s16], $0x80, v6, vm0, $0xb8;
	[tilespmem:$0x1C180] =	vst v63  }
0x2df: {  	s18 =	simm.s32 $0x5180  }
0x2e0: {  	[tilespmem:s18], [sflag:$0x2] =	stream.indirect_vreg.gather [hbm4b:s22+s16], $0x80, v6, vm0, $0xb8;
	[tilespmem:$0x1C180] =	vst v63  }
0x2e1: {  	s21 =	simm.s32 $0x5980  }
0x2e2: {  	[tilespmem:s21], [sflag:$0x2] =	stream.indirect_vreg.gather [hbm4b:s23+s16], $0x80, v6, vm0, $0xb8;
	[tilespmem:$0x1C180] =	vst v63  }
0x2e3: {  	s30 =	simm.s32 $0x6180  }
0x2e4: {  	[tilespmem:s30], [sflag:$0x2] =	stream.indirect_vreg.gather [hbm4b:s24+s16], $0x80, v6, vm0, $0xb8;
	[tilespmem:$0x1C180] =	vst v63  }
0x2e5: {  	s18 =	simm.s32 $0x6980  }
0x2e6: {  	[tilespmem:s18], [sflag:$0x2] =	stream.indirect_vreg.gather [hbm4b:s25+s16], $0x80, v6, vm0, $0xb8;
	[tilespmem:$0x1C180] =	vst v63  }
0x2e7: {  	s21 =	simm.s32 $0x7180  }
0x2e8: {  	[tilespmem:s21], [sflag:$0x2] =	stream.indirect_vreg.gather [hbm4b:s26+s16], $0x80, v6, vm0, $0xb8;
	[tilespmem:$0x1C180] =	vst v63  }
0x2e9: {  	s30 =	simm.s32 $0x7980  }
0x2ea: {  	[tilespmem:s30], [sflag:$0x2] =	stream.indirect_vreg.gather [hbm4b:s28+s16], $0x80, v6, vm0, $0xb8;
	[tilespmem:$0x1C180] =	vst v63  }
0x2eb: {  	_ =	swait.ge [sflag:s8], $0x4000  }
0x2ec: {  	[sflag:s8] =	ssyncset.done $0x0  }
0x2ed: {  	s30 =	simm.s32 $0xB;
	[sflag:s8] =	ssyncadd.s32 $0xFFFFC000  }
0x2ee: {  	s17 =	simm.s32 $0x0;
	_ =	swait.ge [sflag:s30], $0x4000  }
0x2ef: {  	s18 =	sand.u32 $0x380, s17;
	s21 =	sand.u32 $0x3C00, s16;
	[sflag:s30] =	ssyncset.done $0x0  }
0x2f0: {  	s21 =	sor.u32 s18, s21;
	[sflag:s30] =	ssyncadd.s32 $0xFFFFC000  }
0x2f1: {  	v6 =	vld [tilespmem:s21+$0x141F0]  }
0x2f2: {  	v9 =	vld [tilespmem:s21+$0x14180]  }
0x2f3: {  	v10 =	vld [tilespmem:s21+$0x14190]  }
0x2f4: {  	v11 =	vld [tilespmem:s21+$0x141A0]  }
0x2f5: {  	v12 =	vld [tilespmem:s21+$0x141B0]  }
0x2f6: {  	v8 =	vld [tilespmem:s21+$0x141C0]  }
0x2f7: {  	v7 =	vld [tilespmem:s21+$0x141E0]  }
0x2f8: {  	[tilespmem:s21+$0xC1F0] =	vst.add.f32.msk $0xffff, v6  }
0x2f9: {  	v6 =	vld [tilespmem:s21+$0x141D0]  }
0x2fa: {  	[tilespmem:s21+$0xC180] =	vst.add.f32.msk $0xffff, v9  }
0x2fb: {  	[tilespmem:s21+$0xC190] =	vst.add.f32.msk $0xffff, v10  }
0x2fc: {  	[tilespmem:s21+$0xC1A0] =	vst.add.f32.msk $0xffff, v11  }
0x2fd: {  	[tilespmem:s21+$0xC1B0] =	vst.add.f32.msk $0xffff, v12  }
.LBB2_18:
0x2fe: {  	s17 =	sadd.s32 $0x8, s17;
	[tilespmem:s21+$0xC1C0] =	vst.add.f32.msk $0xffff, v8;
	s16 =	sadd.s32 $0x400, s16  }
0x2ff: {  	s18 =	sand.u32 $0x380, s17;
	s30 =	sand.u32 $0x3C00, s16;
	p0 =	slt.u32 s17, $0x3F8;
	[tilespmem:s21+$0xC1D0] =	vst.add.f32.msk $0xffff, v6  }
0x300: {  	[tilespmem:s21+$0xC1E0] =	vst.add.f32.msk $0xffff, v7;
	s21 =	sor.u32 s18, s30  }
0x301: {  	v6 =	vld [tilespmem:s21+$0x141F0]  }
0x302: {  	v9 =	vld [tilespmem:s21+$0x14180]  }
0x303: {  	v10 =	vld [tilespmem:s21+$0x14190]  }
0x304: {  	v11 =	vld [tilespmem:s21+$0x141A0]  }
0x305: {  	v12 =	vld [tilespmem:s21+$0x141B0]  }
0x306: {  	[tilespmem:s21+$0xC1F0] =	vst.add.f32.msk $0xffff, v6  }
0x307: {  	v8 =	vld [tilespmem:s21+$0x141C0]  }
0x308: {  	v6 =	vld [tilespmem:s21+$0x141D0]  }
.Ltmp8:
0x309: {  	v7 =	vld [tilespmem:s21+$0x141E0];
	(pc) =	sbr.rel @p0 .LBB2_18-.Ltmp8, $4  }
0x30a: {  	[tilespmem:s21+$0xC180] =	vst.add.f32.msk $0xffff, v9  }
0x30b: {  	[tilespmem:s21+$0xC190] =	vst.add.f32.msk $0xffff, v10  }
0x30c: {  	[tilespmem:s21+$0xC1A0] =	vst.add.f32.msk $0xffff, v11  }
0x30d: {  	[tilespmem:s21+$0xC1B0] =	vst.add.f32.msk $0xffff, v12  }
0x30e: {  	[tilespmem:s21+$0xC1C0] =	vst.add.f32.msk $0xffff, v8  }
0x30f: {  	[tilespmem:s21+$0xC1D0] =	vst.add.f32.msk $0xffff, v6  }
0x310: {  	[tilespmem:s21+$0xC1E0] =	vst.add.f32.msk $0xffff, v7  }
0x311: {  	s16 =	simm.s32 $0x0;
	s18 =	simm.s32 $0xC180;
	s17 =	rddreg [dreg:$0x12]  }
0x312: {  	[hbm4b:s17+s16] =	stream.linear.scatter [tilespmem:s18], [sflag:$0x9], $0x4000, $0x38;
	[tilespmem:$0x1C180] =	vst v63  }
0x313: {  	_ =	swait.ge [sflag:s3], $0x4000  }
0x314: {  	[sflag:s3] =	ssyncset.done $0x0  }
0x315: {  	[sflag:s3] =	ssyncadd.s32 $0xFFFFC000  }
0x316: {  	v6 =	vld.msk [tilespmem:$0x18], $0xff;
	_ =	sdelay $0x4  }
0x317: {  	v7 =	vshll.u32 v6, $0x4  }
0x318: {  	v6 =	vand.u32 $0x7, v6;
	v7 =	vand.u32 $0xFFFFFF80, v7  }
0x319: {  	v6 =	vor.u32 v6, v7  }
0x31a: {  	v6 =	vperm.xlane v6, v4;
	_ =	sdelay $0x1  }
0x31b: {  	v6 =	vadd.s32 v5, v6;
	_ =	sdelay $0x3  }
0x31c: {  	s30 =	simm.s32 $0x8180  }
0x31d: {  	[tilespmem:s30], [sflag:$0x3] =	stream.indirect_vreg.gather [hbm4b:s1+s16], $0x80, v6, vm0, $0xb8;
	[tilespmem:$0x1C180] =	vst v63  }
0x31e: {  	s18 =	simm.s32 $0x8980  }
0x31f: {  	[tilespmem:s18], [sflag:$0x3] =	stream.indirect_vreg.gather [hbm4b:s20+s16], $0x80, v6, vm0, $0xb8;
	[tilespmem:$0x1C180] =	vst v63  }
0x320: {  	s21 =	simm.s32 $0x9180  }
0x321: {  	[tilespmem:s21], [sflag:$0x3] =	stream.indirect_vreg.gather [hbm4b:s22+s16], $0x80, v6, vm0, $0xb8;
	[tilespmem:$0x1C180] =	vst v63  }
0x322: {  	s30 =	simm.s32 $0x9980  }
0x323: {  	[tilespmem:s30], [sflag:$0x3] =	stream.indirect_vreg.gather [hbm4b:s23+s16], $0x80, v6, vm0, $0xb8;
	[tilespmem:$0x1C180] =	vst v63  }
0x324: {  	s18 =	simm.s32 $0xA180  }
0x325: {  	[tilespmem:s18], [sflag:$0x3] =	stream.indirect_vreg.gather [hbm4b:s24+s16], $0x80, v6, vm0, $0xb8;
	[tilespmem:$0x1C180] =	vst v63  }
0x326: {  	s21 =	simm.s32 $0xA980  }
0x327: {  	[tilespmem:s21], [sflag:$0x3] =	stream.indirect_vreg.gather [hbm4b:s25+s16], $0x80, v6, vm0, $0xb8;
	[tilespmem:$0x1C180] =	vst v63  }
0x328: {  	s30 =	simm.s32 $0xB180  }
0x329: {  	[tilespmem:s30], [sflag:$0x3] =	stream.indirect_vreg.gather [hbm4b:s26+s16], $0x80, v6, vm0, $0xb8;
	[tilespmem:$0x1C180] =	vst v63  }
0x32a: {  	s18 =	simm.s32 $0xB980  }
0x32b: {  	[tilespmem:s18], [sflag:$0x3] =	stream.indirect_vreg.gather [hbm4b:s28+s16], $0x80, v6, vm0, $0xb8;
	[tilespmem:$0x1C180] =	vst v63  }
0x32c: {  	s17 =	simm.s32 $0x0;
	_ =	swait.ge [sflag:s2], $0x4000  }
0x32d: {  	s21 =	sand.u32 $0x380, s17;
	s30 =	sand.u32 $0x3C00, s16;
	[sflag:s2] =	ssyncset.done $0x0  }
0x32e: {  	s21 =	sor.u32 s21, s30;
	[sflag:s2] =	ssyncadd.s32 $0xFFFFC000  }
0x32f: {  	v6 =	vld [tilespmem:s21+$0x141F0]  }
0x330: {  	v9 =	vld [tilespmem:s21+$0x14180]  }
0x331: {  	v10 =	vld [tilespmem:s21+$0x14190]  }
0x332: {  	v11 =	vld [tilespmem:s21+$0x141A0]  }
0x333: {  	v12 =	vld [tilespmem:s21+$0x141B0]  }
0x334: {  	v8 =	vld [tilespmem:s21+$0x141C0]  }
0x335: {  	v7 =	vld [tilespmem:s21+$0x141E0]  }
0x336: {  	[tilespmem:s21+$0x101F0] =	vst.add.f32.msk $0xffff, v6  }
0x337: {  	v6 =	vld [tilespmem:s21+$0x141D0]  }
0x338: {  	[tilespmem:s21+$0x10180] =	vst.add.f32.msk $0xffff, v9  }
0x339: {  	[tilespmem:s21+$0x10190] =	vst.add.f32.msk $0xffff, v10  }
0x33a: {  	[tilespmem:s21+$0x101A0] =	vst.add.f32.msk $0xffff, v11  }
0x33b: {  	[tilespmem:s21+$0x101B0] =	vst.add.f32.msk $0xffff, v12  }
.LBB2_20:
0x33c: {  	s17 =	sadd.s32 $0x8, s17;
	[tilespmem:s21+$0x101C0] =	vst.add.f32.msk $0xffff, v8;
	s16 =	sadd.s32 $0x400, s16  }
0x33d: {  	s18 =	sand.u32 $0x380, s17;
	s30 =	sand.u32 $0x3C00, s16;
	p0 =	slt.u32 s17, $0x3F8;
	[tilespmem:s21+$0x101D0] =	vst.add.f32.msk $0xffff, v6  }
0x33e: {  	[tilespmem:s21+$0x101E0] =	vst.add.f32.msk $0xffff, v7;
	s21 =	sor.u32 s18, s30  }
0x33f: {  	v6 =	vld [tilespmem:s21+$0x141F0]  }
0x340: {  	v9 =	vld [tilespmem:s21+$0x14180]  }
0x341: {  	v10 =	vld [tilespmem:s21+$0x14190]  }
0x342: {  	v11 =	vld [tilespmem:s21+$0x141A0]  }
0x343: {  	v12 =	vld [tilespmem:s21+$0x141B0]  }
0x344: {  	[tilespmem:s21+$0x101F0] =	vst.add.f32.msk $0xffff, v6  }
0x345: {  	v8 =	vld [tilespmem:s21+$0x141C0]  }
0x346: {  	v6 =	vld [tilespmem:s21+$0x141D0]  }
.Ltmp9:
0x347: {  	v7 =	vld [tilespmem:s21+$0x141E0];
	(pc) =	sbr.rel @p0 .LBB2_20-.Ltmp9, $4  }
0x348: {  	[tilespmem:s21+$0x10180] =	vst.add.f32.msk $0xffff, v9  }
0x349: {  	[tilespmem:s21+$0x10190] =	vst.add.f32.msk $0xffff, v10  }
0x34a: {  	[tilespmem:s21+$0x101A0] =	vst.add.f32.msk $0xffff, v11  }
0x34b: {  	[tilespmem:s21+$0x101B0] =	vst.add.f32.msk $0xffff, v12  }
0x34c: {  	[tilespmem:s21+$0x101C0] =	vst.add.f32.msk $0xffff, v8  }
0x34d: {  	[tilespmem:s21+$0x101D0] =	vst.add.f32.msk $0xffff, v6  }
0x34e: {  	[tilespmem:s21+$0x101E0] =	vst.add.f32.msk $0xffff, v7  }
0x34f: {  	s16 =	simm.s32 $0x0;
	s18 =	simm.s32 $0x10180;
	s17 =	rddreg [dreg:$0x13]  }
0x350: {  	[hbm4b:s17+s16] =	stream.linear.scatter [tilespmem:s18], [sflag:$0xA], $0x4000, $0x38;
	[tilespmem:$0x1C180] =	vst v63  }
0x351: {  	_ =	swait.ge [sflag:s5], $0x4000  }
0x352: {  	[sflag:s5] =	ssyncset.done $0x0  }
0x353: {  	[sflag:s5] =	ssyncadd.s32 $0xFFFFC000  }
0x354: {  	v6 =	vld.msk [tilespmem:$0x58], $0xff;
	_ =	sdelay $0x4  }
0x355: {  	v7 =	vshll.u32 v6, $0x4  }
0x356: {  	v6 =	vand.u32 $0x7, v6;
	v7 =	vand.u32 $0xFFFFFF80, v7  }
0x357: {  	v6 =	vor.u32 v6, v7  }
0x358: {  	v6 =	vperm.xlane v6, v4;
	_ =	sdelay $0x1  }
0x359: {  	v6 =	vadd.s32 v5, v6;
	_ =	sdelay $0x3  }
0x35a: {  	s30 =	simm.s32 $0xC180  }
0x35b: {  	[tilespmem:s30], [sflag:$0x4] =	stream.indirect_vreg.gather [hbm4b:s1+s16], $0x80, v6, vm0, $0xb8;
	[tilespmem:$0x1C180] =	vst v63  }
0x35c: {  	s18 =	simm.s32 $0xC980  }
0x35d: {  	[tilespmem:s18], [sflag:$0x4] =	stream.indirect_vreg.gather [hbm4b:s20+s16], $0x80, v6, vm0, $0xb8;
	[tilespmem:$0x1C180] =	vst v63  }
0x35e: {  	s21 =	simm.s32 $0xD180  }
0x35f: {  	[tilespmem:s21], [sflag:$0x4] =	stream.indirect_vreg.gather [hbm4b:s22+s16], $0x80, v6, vm0, $0xb8;
	[tilespmem:$0x1C180] =	vst v63  }
0x360: {  	s30 =	simm.s32 $0xD980  }
0x361: {  	[tilespmem:s30], [sflag:$0x4] =	stream.indirect_vreg.gather [hbm4b:s23+s16], $0x80, v6, vm0, $0xb8;
	[tilespmem:$0x1C180] =	vst v63  }
0x362: {  	s18 =	simm.s32 $0xE180  }
0x363: {  	[tilespmem:s18], [sflag:$0x4] =	stream.indirect_vreg.gather [hbm4b:s24+s16], $0x80, v6, vm0, $0xb8;
	[tilespmem:$0x1C180] =	vst v63  }
0x364: {  	s21 =	simm.s32 $0xE980  }
0x365: {  	[tilespmem:s21], [sflag:$0x4] =	stream.indirect_vreg.gather [hbm4b:s25+s16], $0x80, v6, vm0, $0xb8;
	[tilespmem:$0x1C180] =	vst v63  }
0x366: {  	s30 =	simm.s32 $0xF180  }
0x367: {  	[tilespmem:s30], [sflag:$0x4] =	stream.indirect_vreg.gather [hbm4b:s26+s16], $0x80, v6, vm0, $0xb8;
	[tilespmem:$0x1C180] =	vst v63  }
0x368: {  	s18 =	simm.s32 $0xF980  }
0x369: {  	[tilespmem:s18], [sflag:$0x4] =	stream.indirect_vreg.gather [hbm4b:s28+s16], $0x80, v6, vm0, $0xb8;
	[tilespmem:$0x1C180] =	vst v63  }
0x36a: {  	s17 =	simm.s32 $0x0;
	_ =	swait.ge [sflag:s29], $0x4000  }
0x36b: {  	s21 =	sand.u32 $0x380, s17;
	s30 =	sand.u32 $0x3C00, s16;
	[sflag:s29] =	ssyncset.done $0x0  }
0x36c: {  	s21 =	sor.u32 s21, s30;
	[sflag:s29] =	ssyncadd.s32 $0xFFFFC000  }
0x36d: {  	v6 =	vld [tilespmem:s21+$0x141F0]  }
0x36e: {  	v9 =	vld [tilespmem:s21+$0x14180]  }
0x36f: {  	v10 =	vld [tilespmem:s21+$0x14190]  }
0x370: {  	v11 =	vld [tilespmem:s21+$0x141A0]  }
0x371: {  	v12 =	vld [tilespmem:s21+$0x141B0]  }
0x372: {  	v8 =	vld [tilespmem:s21+$0x141C0]  }
0x373: {  	v7 =	vld [tilespmem:s21+$0x141E0]  }
0x374: {  	[tilespmem:s21+$0x1F0] =	vst.add.f32.msk $0xffff, v6  }
0x375: {  	v6 =	vld [tilespmem:s21+$0x141D0]  }
0x376: {  	[tilespmem:s21+$0x180] =	vst.add.f32.msk $0xffff, v9  }
0x377: {  	[tilespmem:s21+$0x190] =	vst.add.f32.msk $0xffff, v10  }
0x378: {  	[tilespmem:s21+$0x1A0] =	vst.add.f32.msk $0xffff, v11  }
0x379: {  	[tilespmem:s21+$0x1B0] =	vst.add.f32.msk $0xffff, v12  }
.LBB2_22:
0x37a: {  	s17 =	sadd.s32 $0x8, s17;
	[tilespmem:s21+$0x1C0] =	vst.add.f32.msk $0xffff, v8;
	s16 =	sadd.s32 $0x400, s16  }
0x37b: {  	s18 =	sand.u32 $0x380, s17;
	s30 =	sand.u32 $0x3C00, s16;
	p0 =	slt.u32 s17, $0x3F8;
	[tilespmem:s21+$0x1D0] =	vst.add.f32.msk $0xffff, v6  }
0x37c: {  	[tilespmem:s21+$0x1E0] =	vst.add.f32.msk $0xffff, v7;
	s21 =	sor.u32 s18, s30  }
0x37d: {  	v6 =	vld [tilespmem:s21+$0x141F0]  }
0x37e: {  	v9 =	vld [tilespmem:s21+$0x14180]  }
0x37f: {  	v10 =	vld [tilespmem:s21+$0x14190]  }
0x380: {  	v11 =	vld [tilespmem:s21+$0x141A0]  }
0x381: {  	v12 =	vld [tilespmem:s21+$0x141B0]  }
0x382: {  	[tilespmem:s21+$0x1F0] =	vst.add.f32.msk $0xffff, v6  }
0x383: {  	v8 =	vld [tilespmem:s21+$0x141C0]  }
0x384: {  	v6 =	vld [tilespmem:s21+$0x141D0]  }
.Ltmp10:
0x385: {  	v7 =	vld [tilespmem:s21+$0x141E0];
	(pc) =	sbr.rel @p0 .LBB2_22-.Ltmp10, $4  }
0x386: {  	[tilespmem:s21+$0x180] =	vst.add.f32.msk $0xffff, v9  }
0x387: {  	[tilespmem:s21+$0x190] =	vst.add.f32.msk $0xffff, v10  }
0x388: {  	[tilespmem:s21+$0x1A0] =	vst.add.f32.msk $0xffff, v11  }
0x389: {  	[tilespmem:s21+$0x1B0] =	vst.add.f32.msk $0xffff, v12  }
0x38a: {  	[tilespmem:s21+$0x1C0] =	vst.add.f32.msk $0xffff, v8  }
0x38b: {  	[tilespmem:s21+$0x1D0] =	vst.add.f32.msk $0xffff, v6  }
0x38c: {  	[tilespmem:s21+$0x1E0] =	vst.add.f32.msk $0xffff, v7  }
0x38d: {  	s16 =	simm.s32 $0x0;
	s18 =	simm.s32 $0x180;
	s17 =	rddreg [dreg:$0x14]  }
0x38e: {  	[hbm4b:s17+s16] =	stream.linear.scatter [tilespmem:s18], [sflag:$0x6], $0x4000, $0x38;
	[tilespmem:$0x1C180] =	vst v63  }
0x38f: {  	_ =	swait.ge [sflag:s19], $0x4000  }
0x390: {  	[sflag:s19] =	ssyncset.done $0x0  }
0x391: {  	[sflag:s19] =	ssyncadd.s32 $0xFFFFC000  }
0x392: {  	v6 =	vld.msk [tilespmem:$0x98], $0xff;
	_ =	sdelay $0x4  }
0x393: {  	v7 =	vshll.u32 v6, $0x4  }
0x394: {  	v6 =	vand.u32 $0x7, v6;
	v7 =	vand.u32 $0xFFFFFF80, v7  }
0x395: {  	v6 =	vor.u32 v6, v7  }
0x396: {  	v6 =	vperm.xlane v6, v4;
	_ =	sdelay $0x1  }
0x397: {  	v6 =	vadd.s32 v5, v6;
	_ =	sdelay $0x3  }
0x398: {  	s30 =	simm.s32 $0x10180  }
0x399: {  	[tilespmem:s30], [sflag:$0x5] =	stream.indirect_vreg.gather [hbm4b:s1+s16], $0x80, v6, vm0, $0xb8;
	[tilespmem:$0x1C180] =	vst v63  }
0x39a: {  	s18 =	simm.s32 $0x10980  }
0x39b: {  	[tilespmem:s18], [sflag:$0x5] =	stream.indirect_vreg.gather [hbm4b:s20+s16], $0x80, v6, vm0, $0xb8;
	[tilespmem:$0x1C180] =	vst v63  }
0x39c: {  	s21 =	simm.s32 $0x11180  }
0x39d: {  	[tilespmem:s21], [sflag:$0x5] =	stream.indirect_vreg.gather [hbm4b:s22+s16], $0x80, v6, vm0, $0xb8;
	[tilespmem:$0x1C180] =	vst v63  }
0x39e: {  	s30 =	simm.s32 $0x11980  }
0x39f: {  	[tilespmem:s30], [sflag:$0x5] =	stream.indirect_vreg.gather [hbm4b:s23+s16], $0x80, v6, vm0, $0xb8;
	[tilespmem:$0x1C180] =	vst v63  }
0x3a0: {  	s18 =	simm.s32 $0x12180  }
0x3a1: {  	[tilespmem:s18], [sflag:$0x5] =	stream.indirect_vreg.gather [hbm4b:s24+s16], $0x80, v6, vm0, $0xb8;
	[tilespmem:$0x1C180] =	vst v63  }
0x3a2: {  	s21 =	simm.s32 $0x12980  }
0x3a3: {  	[tilespmem:s21], [sflag:$0x5] =	stream.indirect_vreg.gather [hbm4b:s25+s16], $0x80, v6, vm0, $0xb8;
	[tilespmem:$0x1C180] =	vst v63  }
0x3a4: {  	s30 =	simm.s32 $0x13180  }
0x3a5: {  	[tilespmem:s30], [sflag:$0x5] =	stream.indirect_vreg.gather [hbm4b:s26+s16], $0x80, v6, vm0, $0xb8;
	[tilespmem:$0x1C180] =	vst v63  }
0x3a6: {  	s18 =	simm.s32 $0x13980  }
0x3a7: {  	[tilespmem:s18], [sflag:$0x5] =	stream.indirect_vreg.gather [hbm4b:s28+s16], $0x80, v6, vm0, $0xb8;
	[tilespmem:$0x1C180] =	vst v63  }
0x3a8: {  	s17 =	simm.s32 $0x0;
	_ =	swait.ge [sflag:s6], $0x4000  }
0x3a9: {  	s21 =	sand.u32 $0x380, s17;
	s30 =	sand.u32 $0x3C00, s16;
	[sflag:s6] =	ssyncset.done $0x0  }
0x3aa: {  	s21 =	sor.u32 s21, s30;
	[sflag:s6] =	ssyncadd.s32 $0xFFFFC000  }
0x3ab: {  	v6 =	vld [tilespmem:s21+$0x141F0]  }
0x3ac: {  	v9 =	vld [tilespmem:s21+$0x14180]  }
0x3ad: {  	v10 =	vld [tilespmem:s21+$0x14190]  }
0x3ae: {  	v11 =	vld [tilespmem:s21+$0x141A0]  }
0x3af: {  	v12 =	vld [tilespmem:s21+$0x141B0]  }
0x3b0: {  	v8 =	vld [tilespmem:s21+$0x141C0]  }
0x3b1: {  	v7 =	vld [tilespmem:s21+$0x141E0]  }
0x3b2: {  	[tilespmem:s21+$0x41F0] =	vst.add.f32.msk $0xffff, v6  }
0x3b3: {  	v6 =	vld [tilespmem:s21+$0x141D0]  }
0x3b4: {  	[tilespmem:s21+$0x4180] =	vst.add.f32.msk $0xffff, v9  }
0x3b5: {  	[tilespmem:s21+$0x4190] =	vst.add.f32.msk $0xffff, v10  }
0x3b6: {  	[tilespmem:s21+$0x41A0] =	vst.add.f32.msk $0xffff, v11  }
0x3b7: {  	[tilespmem:s21+$0x41B0] =	vst.add.f32.msk $0xffff, v12  }
.LBB2_24:
0x3b8: {  	s17 =	sadd.s32 $0x8, s17;
	[tilespmem:s21+$0x41C0] =	vst.add.f32.msk $0xffff, v8;
	s16 =	sadd.s32 $0x400, s16  }
0x3b9: {  	s18 =	sand.u32 $0x380, s17;
	s30 =	sand.u32 $0x3C00, s16;
	p0 =	slt.u32 s17, $0x3F8;
	[tilespmem:s21+$0x41D0] =	vst.add.f32.msk $0xffff, v6  }
0x3ba: {  	[tilespmem:s21+$0x41E0] =	vst.add.f32.msk $0xffff, v7;
	s21 =	sor.u32 s18, s30  }
0x3bb: {  	v6 =	vld [tilespmem:s21+$0x141F0]  }
0x3bc: {  	v9 =	vld [tilespmem:s21+$0x14180]  }
0x3bd: {  	v10 =	vld [tilespmem:s21+$0x14190]  }
0x3be: {  	v11 =	vld [tilespmem:s21+$0x141A0]  }
0x3bf: {  	v12 =	vld [tilespmem:s21+$0x141B0]  }
0x3c0: {  	[tilespmem:s21+$0x41F0] =	vst.add.f32.msk $0xffff, v6  }
0x3c1: {  	v8 =	vld [tilespmem:s21+$0x141C0]  }
0x3c2: {  	v6 =	vld [tilespmem:s21+$0x141D0]  }
.Ltmp11:
0x3c3: {  	v7 =	vld [tilespmem:s21+$0x141E0];
	(pc) =	sbr.rel @p0 .LBB2_24-.Ltmp11, $4  }
0x3c4: {  	[tilespmem:s21+$0x4180] =	vst.add.f32.msk $0xffff, v9  }
0x3c5: {  	[tilespmem:s21+$0x4190] =	vst.add.f32.msk $0xffff, v10  }
0x3c6: {  	[tilespmem:s21+$0x41A0] =	vst.add.f32.msk $0xffff, v11  }
0x3c7: {  	[tilespmem:s21+$0x41B0] =	vst.add.f32.msk $0xffff, v12  }
0x3c8: {  	[tilespmem:s21+$0x41C0] =	vst.add.f32.msk $0xffff, v8  }
0x3c9: {  	[tilespmem:s21+$0x41D0] =	vst.add.f32.msk $0xffff, v6  }
0x3ca: {  	[tilespmem:s21+$0x41E0] =	vst.add.f32.msk $0xffff, v7  }
0x3cb: {  	s16 =	simm.s32 $0x0;
	s18 =	simm.s32 $0x4180;
	s17 =	rddreg [dreg:$0x15]  }
0x3cc: {  	[hbm4b:s17+s16] =	stream.linear.scatter [tilespmem:s18], [sflag:$0x7], $0x4000, $0x38;
	[tilespmem:$0x1C180] =	vst v63  }
0x3cd: {  	v6 =	vld.msk [tilespmem:$0x120], $0xff;
	_ =	sdelay $0x4  }
0x3ce: {  	v7 =	vshll.u32 v6, $0x4  }
0x3cf: {  	v6 =	vand.u32 $0x7, v6;
	v7 =	vand.u32 $0xFFFFFF80, v7  }
0x3d0: {  	v6 =	vor.u32 v6, v7  }
0x3d1: {  	v6 =	vperm.xlane v6, v4;
	_ =	sdelay $0x1  }
0x3d2: {  	v6 =	vadd.s32 v5, v6;
	_ =	sdelay $0x3  }
0x3d3: {  	s21 =	rddreg [dreg:$0x2];
	s30 =	simm.s32 $0x14180  }
0x3d4: {  	[tilespmem:s30], [sflag:$0xB] =	stream.indirect_vreg.gather [hbm4b:s21+s16], $0x80, v6, vm0, $0xb8;
	[tilespmem:$0x1C180] =	vst v63  }
0x3d5: {  	s18 =	simm.s32 $0x14980  }
0x3d6: {  	[tilespmem:s18], [sflag:$0xB] =	stream.indirect_vreg.gather [hbm4b:s9+s16], $0x80, v6, vm0, $0xb8;
	[tilespmem:$0x1C180] =	vst v63  }
0x3d7: {  	s21 =	simm.s32 $0x15180  }
0x3d8: {  	[tilespmem:s21], [sflag:$0xB] =	stream.indirect_vreg.gather [hbm4b:s10+s16], $0x80, v6, vm0, $0xb8;
	[tilespmem:$0x1C180] =	vst v63  }
0x3d9: {  	s30 =	simm.s32 $0x15980  }
0x3da: {  	[tilespmem:s30], [sflag:$0xB] =	stream.indirect_vreg.gather [hbm4b:s11+s16], $0x80, v6, vm0, $0xb8;
	[tilespmem:$0x1C180] =	vst v63  }
0x3db: {  	s18 =	simm.s32 $0x16180  }
0x3dc: {  	[tilespmem:s18], [sflag:$0xB] =	stream.indirect_vreg.gather [hbm4b:s12+s16], $0x80, v6, vm0, $0xb8;
	[tilespmem:$0x1C180] =	vst v63  }
0x3dd: {  	s21 =	simm.s32 $0x16980  }
0x3de: {  	[tilespmem:s21], [sflag:$0xB] =	stream.indirect_vreg.gather [hbm4b:s13+s16], $0x80, v6, vm0, $0xb8;
	[tilespmem:$0x1C180] =	vst v63  }
0x3df: {  	s30 =	simm.s32 $0x17180  }
0x3e0: {  	[tilespmem:s30], [sflag:$0xB] =	stream.indirect_vreg.gather [hbm4b:s14+s16], $0x80, v6, vm0, $0xb8;
	[tilespmem:$0x1C180] =	vst v63  }
0x3e1: {  	s18 =	simm.s32 $0x17980  }
0x3e2: {  	[tilespmem:s18], [sflag:$0xB] =	stream.indirect_vreg.gather [hbm4b:s15+s16], $0x80, v6, vm0, $0xb8;
	[tilespmem:$0x1C180] =	vst v63  }
0x3e3: {  	_ =	swait.ge [sflag:s31], $0x4000  }
0x3e4: {  	[sflag:s31] =	ssyncset.done $0x0  }
0x3e5: {  	[sflag:s31] =	ssyncadd.s32 $0xFFFFC000  }
0x3e6: {  	v6 =	vld.msk [tilespmem:$0xD8], $0xff;
	_ =	sdelay $0x4  }
0x3e7: {  	v7 =	vshll.u32 v6, $0x4  }
0x3e8: {  	v6 =	vand.u32 $0x7, v6;
	v7 =	vand.u32 $0xFFFFFF80, v7  }
0x3e9: {  	v6 =	vor.u32 v6, v7  }
0x3ea: {  	v6 =	vperm.xlane v6, v4;
	_ =	sdelay $0x1  }
0x3eb: {  	v6 =	vadd.s32 v5, v6;
	_ =	sdelay $0x3  }
0x3ec: {  	s21 =	simm.s32 $0x180  }
0x3ed: {  	[tilespmem:s21], [sflag:$0x1] =	stream.indirect_vreg.gather [hbm4b:s1+s16], $0x80, v6, vm0, $0xb8;
	[tilespmem:$0x1C180] =	vst v63  }
0x3ee: {  	s30 =	simm.s32 $0x980  }
0x3ef: {  	[tilespmem:s30], [sflag:$0x1] =	stream.indirect_vreg.gather [hbm4b:s20+s16], $0x80, v6, vm0, $0xb8;
	[tilespmem:$0x1C180] =	vst v63  }
0x3f0: {  	s18 =	simm.s32 $0x1180  }
0x3f1: {  	[tilespmem:s18], [sflag:$0x1] =	stream.indirect_vreg.gather [hbm4b:s22+s16], $0x80, v6, vm0, $0xb8;
	[tilespmem:$0x1C180] =	vst v63  }
0x3f2: {  	s21 =	simm.s32 $0x1980  }
0x3f3: {  	[tilespmem:s21], [sflag:$0x1] =	stream.indirect_vreg.gather [hbm4b:s23+s16], $0x80, v6, vm0, $0xb8;
	[tilespmem:$0x1C180] =	vst v63  }
0x3f4: {  	s30 =	simm.s32 $0x2180  }
0x3f5: {  	[tilespmem:s30], [sflag:$0x1] =	stream.indirect_vreg.gather [hbm4b:s24+s16], $0x80, v6, vm0, $0xb8;
	[tilespmem:$0x1C180] =	vst v63  }
0x3f6: {  	s18 =	simm.s32 $0x2980  }
0x3f7: {  	[tilespmem:s18], [sflag:$0x1] =	stream.indirect_vreg.gather [hbm4b:s25+s16], $0x80, v6, vm0, $0xb8;
	[tilespmem:$0x1C180] =	vst v63  }
0x3f8: {  	s21 =	simm.s32 $0x3180  }
0x3f9: {  	[tilespmem:s21], [sflag:$0x1] =	stream.indirect_vreg.gather [hbm4b:s26+s16], $0x80, v6, vm0, $0xb8;
	[tilespmem:$0x1C180] =	vst v63  }
0x3fa: {  	s30 =	simm.s32 $0x3980  }
0x3fb: {  	[tilespmem:s30], [sflag:$0x1] =	stream.indirect_vreg.gather [hbm4b:s28+s16], $0x80, v6, vm0, $0xb8;
	[tilespmem:$0x1C180] =	vst v63  }
0x3fc: {  	_ =	swait.ge [sflag:s7], $0x4000  }
0x3fd: {  	[sflag:s7] =	ssyncset.done $0x0  }
0x3fe: {  	s30 =	simm.s32 $0xC;
	[sflag:s7] =	ssyncadd.s32 $0xFFFFC000  }
0x3ff: {  	s17 =	simm.s32 $0x0;
	_ =	swait.ge [sflag:s30], $0x4000  }
0x400: {  	s18 =	sand.u32 $0x380, s17;
	s21 =	sand.u32 $0x3C00, s16;
	[sflag:s30] =	ssyncset.done $0x0  }
0x401: {  	s21 =	sor.u32 s18, s21;
	[sflag:s30] =	ssyncadd.s32 $0xFFFFC000  }
0x402: {  	v6 =	vld [tilespmem:s21+$0x181F0]  }
0x403: {  	v9 =	vld [tilespmem:s21+$0x18180]  }
0x404: {  	v10 =	vld [tilespmem:s21+$0x18190]  }
0x405: {  	v11 =	vld [tilespmem:s21+$0x181A0]  }
0x406: {  	v12 =	vld [tilespmem:s21+$0x181B0]  }
0x407: {  	v8 =	vld [tilespmem:s21+$0x181C0]  }
0x408: {  	v7 =	vld [tilespmem:s21+$0x181E0]  }
0x409: {  	[tilespmem:s21+$0x81F0] =	vst.add.f32.msk $0xffff, v6  }
0x40a: {  	v6 =	vld [tilespmem:s21+$0x181D0]  }
0x40b: {  	[tilespmem:s21+$0x8180] =	vst.add.f32.msk $0xffff, v9  }
0x40c: {  	[tilespmem:s21+$0x8190] =	vst.add.f32.msk $0xffff, v10  }
0x40d: {  	[tilespmem:s21+$0x81A0] =	vst.add.f32.msk $0xffff, v11  }
0x40e: {  	[tilespmem:s21+$0x81B0] =	vst.add.f32.msk $0xffff, v12  }
.LBB2_26:
0x40f: {  	s17 =	sadd.s32 $0x8, s17;
	[tilespmem:s21+$0x81C0] =	vst.add.f32.msk $0xffff, v8;
	s16 =	sadd.s32 $0x400, s16  }
0x410: {  	s18 =	sand.u32 $0x380, s17;
	s30 =	sand.u32 $0x3C00, s16;
	p0 =	slt.u32 s17, $0x3F8;
	[tilespmem:s21+$0x81D0] =	vst.add.f32.msk $0xffff, v6  }
0x411: {  	[tilespmem:s21+$0x81E0] =	vst.add.f32.msk $0xffff, v7;
	s21 =	sor.u32 s18, s30  }
0x412: {  	v6 =	vld [tilespmem:s21+$0x181F0]  }
0x413: {  	v9 =	vld [tilespmem:s21+$0x18180]  }
0x414: {  	v10 =	vld [tilespmem:s21+$0x18190]  }
0x415: {  	v11 =	vld [tilespmem:s21+$0x181A0]  }
0x416: {  	v12 =	vld [tilespmem:s21+$0x181B0]  }
0x417: {  	[tilespmem:s21+$0x81F0] =	vst.add.f32.msk $0xffff, v6  }
0x418: {  	v8 =	vld [tilespmem:s21+$0x181C0]  }
0x419: {  	v6 =	vld [tilespmem:s21+$0x181D0]  }
.Ltmp12:
0x41a: {  	v7 =	vld [tilespmem:s21+$0x181E0];
	(pc) =	sbr.rel @p0 .LBB2_26-.Ltmp12, $4  }
0x41b: {  	[tilespmem:s21+$0x8180] =	vst.add.f32.msk $0xffff, v9  }
0x41c: {  	[tilespmem:s21+$0x8190] =	vst.add.f32.msk $0xffff, v10  }
0x41d: {  	[tilespmem:s21+$0x81A0] =	vst.add.f32.msk $0xffff, v11  }
0x41e: {  	[tilespmem:s21+$0x81B0] =	vst.add.f32.msk $0xffff, v12  }
0x41f: {  	[tilespmem:s21+$0x81C0] =	vst.add.f32.msk $0xffff, v8  }
0x420: {  	[tilespmem:s21+$0x81D0] =	vst.add.f32.msk $0xffff, v6  }
0x421: {  	[tilespmem:s21+$0x81E0] =	vst.add.f32.msk $0xffff, v7  }
0x422: {  	s16 =	simm.s32 $0x0;
	s18 =	simm.s32 $0x8180;
	s17 =	rddreg [dreg:$0x16]  }
0x423: {  	[hbm4b:s17+s16] =	stream.linear.scatter [tilespmem:s18], [sflag:$0x8], $0x4000, $0x38;
	[tilespmem:$0x1C180] =	vst v63  }
0x424: {  	_ =	swait.ge [sflag:s0], $0x4000  }
0x425: {  	[sflag:s0] =	ssyncset.done $0x0  }
0x426: {  	[sflag:s0] =	ssyncadd.s32 $0xFFFFC000  }
0x427: {  	v6 =	vld.msk [tilespmem:$0x20], $0xff;
	_ =	sdelay $0x4  }
0x428: {  	v7 =	vshll.u32 v6, $0x4  }
0x429: {  	v6 =	vand.u32 $0x7, v6;
	v7 =	vand.u32 $0xFFFFFF80, v7  }
0x42a: {  	v6 =	vor.u32 v6, v7  }
0x42b: {  	v6 =	vperm.xlane v6, v4;
	_ =	sdelay $0x1  }
0x42c: {  	v6 =	vadd.s32 v5, v6;
	_ =	sdelay $0x3  }
0x42d: {  	s30 =	simm.s32 $0x4180  }
0x42e: {  	[tilespmem:s30], [sflag:$0x2] =	stream.indirect_vreg.gather [hbm4b:s1+s16], $0x80, v6, vm0, $0xb8;
	[tilespmem:$0x1C180] =	vst v63  }
0x42f: {  	s18 =	simm.s32 $0x4980  }
0x430: {  	[tilespmem:s18], [sflag:$0x2] =	stream.indirect_vreg.gather [hbm4b:s20+s16], $0x80, v6, vm0, $0xb8;
	[tilespmem:$0x1C180] =	vst v63  }
0x431: {  	s21 =	simm.s32 $0x5180  }
0x432: {  	[tilespmem:s21], [sflag:$0x2] =	stream.indirect_vreg.gather [hbm4b:s22+s16], $0x80, v6, vm0, $0xb8;
	[tilespmem:$0x1C180] =	vst v63  }
0x433: {  	s30 =	simm.s32 $0x5980  }
0x434: {  	[tilespmem:s30], [sflag:$0x2] =	stream.indirect_vreg.gather [hbm4b:s23+s16], $0x80, v6, vm0, $0xb8;
	[tilespmem:$0x1C180] =	vst v63  }
0x435: {  	s18 =	simm.s32 $0x6180  }
0x436: {  	[tilespmem:s18], [sflag:$0x2] =	stream.indirect_vreg.gather [hbm4b:s24+s16], $0x80, v6, vm0, $0xb8;
	[tilespmem:$0x1C180] =	vst v63  }
0x437: {  	s21 =	simm.s32 $0x6980  }
0x438: {  	[tilespmem:s21], [sflag:$0x2] =	stream.indirect_vreg.gather [hbm4b:s25+s16], $0x80, v6, vm0, $0xb8;
	[tilespmem:$0x1C180] =	vst v63  }
0x439: {  	s30 =	simm.s32 $0x7180  }
0x43a: {  	[tilespmem:s30], [sflag:$0x2] =	stream.indirect_vreg.gather [hbm4b:s26+s16], $0x80, v6, vm0, $0xb8;
	[tilespmem:$0x1C180] =	vst v63  }
0x43b: {  	s18 =	simm.s32 $0x7980  }
0x43c: {  	[tilespmem:s18], [sflag:$0x2] =	stream.indirect_vreg.gather [hbm4b:s28+s16], $0x80, v6, vm0, $0xb8;
	[tilespmem:$0x1C180] =	vst v63  }
0x43d: {  	s17 =	simm.s32 $0x0;
	_ =	swait.ge [sflag:s8], $0x4000  }
0x43e: {  	s21 =	sand.u32 $0x380, s17;
	s30 =	sand.u32 $0x3C00, s16;
	[sflag:s8] =	ssyncset.done $0x0  }
0x43f: {  	s21 =	sor.u32 s21, s30;
	[sflag:s8] =	ssyncadd.s32 $0xFFFFC000  }
0x440: {  	v6 =	vld [tilespmem:s21+$0x181F0]  }
0x441: {  	v9 =	vld [tilespmem:s21+$0x18180]  }
0x442: {  	v10 =	vld [tilespmem:s21+$0x18190]  }
0x443: {  	v11 =	vld [tilespmem:s21+$0x181A0]  }
0x444: {  	v12 =	vld [tilespmem:s21+$0x181B0]  }
0x445: {  	v8 =	vld [tilespmem:s21+$0x181C0]  }
0x446: {  	v7 =	vld [tilespmem:s21+$0x181E0]  }
0x447: {  	[tilespmem:s21+$0xC1F0] =	vst.add.f32.msk $0xffff, v6  }
0x448: {  	v6 =	vld [tilespmem:s21+$0x181D0]  }
0x449: {  	[tilespmem:s21+$0xC180] =	vst.add.f32.msk $0xffff, v9  }
0x44a: {  	[tilespmem:s21+$0xC190] =	vst.add.f32.msk $0xffff, v10  }
0x44b: {  	[tilespmem:s21+$0xC1A0] =	vst.add.f32.msk $0xffff, v11  }
0x44c: {  	[tilespmem:s21+$0xC1B0] =	vst.add.f32.msk $0xffff, v12  }
.LBB2_28:
0x44d: {  	s17 =	sadd.s32 $0x8, s17;
	[tilespmem:s21+$0xC1C0] =	vst.add.f32.msk $0xffff, v8;
	s16 =	sadd.s32 $0x400, s16  }
0x44e: {  	s18 =	sand.u32 $0x380, s17;
	s30 =	sand.u32 $0x3C00, s16;
	p0 =	slt.u32 s17, $0x3F8;
	[tilespmem:s21+$0xC1D0] =	vst.add.f32.msk $0xffff, v6  }
0x44f: {  	[tilespmem:s21+$0xC1E0] =	vst.add.f32.msk $0xffff, v7;
	s21 =	sor.u32 s18, s30  }
0x450: {  	v6 =	vld [tilespmem:s21+$0x181F0]  }
0x451: {  	v9 =	vld [tilespmem:s21+$0x18180]  }
0x452: {  	v10 =	vld [tilespmem:s21+$0x18190]  }
0x453: {  	v11 =	vld [tilespmem:s21+$0x181A0]  }
0x454: {  	v12 =	vld [tilespmem:s21+$0x181B0]  }
0x455: {  	[tilespmem:s21+$0xC1F0] =	vst.add.f32.msk $0xffff, v6  }
0x456: {  	v8 =	vld [tilespmem:s21+$0x181C0]  }
0x457: {  	v6 =	vld [tilespmem:s21+$0x181D0]  }
.Ltmp13:
0x458: {  	v7 =	vld [tilespmem:s21+$0x181E0];
	(pc) =	sbr.rel @p0 .LBB2_28-.Ltmp13, $4  }
0x459: {  	[tilespmem:s21+$0xC180] =	vst.add.f32.msk $0xffff, v9  }
0x45a: {  	[tilespmem:s21+$0xC190] =	vst.add.f32.msk $0xffff, v10  }
0x45b: {  	[tilespmem:s21+$0xC1A0] =	vst.add.f32.msk $0xffff, v11  }
0x45c: {  	[tilespmem:s21+$0xC1B0] =	vst.add.f32.msk $0xffff, v12  }
0x45d: {  	[tilespmem:s21+$0xC1C0] =	vst.add.f32.msk $0xffff, v8  }
0x45e: {  	[tilespmem:s21+$0xC1D0] =	vst.add.f32.msk $0xffff, v6  }
0x45f: {  	[tilespmem:s21+$0xC1E0] =	vst.add.f32.msk $0xffff, v7  }
0x460: {  	s16 =	simm.s32 $0x0;
	s18 =	simm.s32 $0xC180;
	s17 =	rddreg [dreg:$0x18]  }
0x461: {  	[hbm4b:s17+s16] =	stream.linear.scatter [tilespmem:s18], [sflag:$0x9], $0x4000, $0x38;
	[tilespmem:$0x1C180] =	vst v63  }
0x462: {  	_ =	swait.ge [sflag:s3], $0x4000  }
0x463: {  	[sflag:s3] =	ssyncset.done $0x0  }
0x464: {  	[sflag:s3] =	ssyncadd.s32 $0xFFFFC000  }
0x465: {  	v6 =	vld.msk [tilespmem:$0x60], $0xff;
	_ =	sdelay $0x4  }
0x466: {  	v7 =	vshll.u32 v6, $0x4  }
0x467: {  	v6 =	vand.u32 $0x7, v6;
	v7 =	vand.u32 $0xFFFFFF80, v7  }
0x468: {  	v6 =	vor.u32 v6, v7  }
0x469: {  	v6 =	vperm.xlane v6, v4;
	_ =	sdelay $0x1  }
0x46a: {  	v6 =	vadd.s32 v5, v6;
	_ =	sdelay $0x3  }
0x46b: {  	s30 =	simm.s32 $0x8180  }
0x46c: {  	[tilespmem:s30], [sflag:$0x3] =	stream.indirect_vreg.gather [hbm4b:s1+s16], $0x80, v6, vm0, $0xb8;
	[tilespmem:$0x1C180] =	vst v63  }
0x46d: {  	s18 =	simm.s32 $0x8980  }
0x46e: {  	[tilespmem:s18], [sflag:$0x3] =	stream.indirect_vreg.gather [hbm4b:s20+s16], $0x80, v6, vm0, $0xb8;
	[tilespmem:$0x1C180] =	vst v63  }
0x46f: {  	s21 =	simm.s32 $0x9180  }
0x470: {  	[tilespmem:s21], [sflag:$0x3] =	stream.indirect_vreg.gather [hbm4b:s22+s16], $0x80, v6, vm0, $0xb8;
	[tilespmem:$0x1C180] =	vst v63  }
0x471: {  	s30 =	simm.s32 $0x9980  }
0x472: {  	[tilespmem:s30], [sflag:$0x3] =	stream.indirect_vreg.gather [hbm4b:s23+s16], $0x80, v6, vm0, $0xb8;
	[tilespmem:$0x1C180] =	vst v63  }
0x473: {  	s18 =	simm.s32 $0xA180  }
0x474: {  	[tilespmem:s18], [sflag:$0x3] =	stream.indirect_vreg.gather [hbm4b:s24+s16], $0x80, v6, vm0, $0xb8;
	[tilespmem:$0x1C180] =	vst v63  }
0x475: {  	s21 =	simm.s32 $0xA980  }
0x476: {  	[tilespmem:s21], [sflag:$0x3] =	stream.indirect_vreg.gather [hbm4b:s25+s16], $0x80, v6, vm0, $0xb8;
	[tilespmem:$0x1C180] =	vst v63  }
0x477: {  	s30 =	simm.s32 $0xB180  }
0x478: {  	[tilespmem:s30], [sflag:$0x3] =	stream.indirect_vreg.gather [hbm4b:s26+s16], $0x80, v6, vm0, $0xb8;
	[tilespmem:$0x1C180] =	vst v63  }
0x479: {  	s18 =	simm.s32 $0xB980  }
0x47a: {  	[tilespmem:s18], [sflag:$0x3] =	stream.indirect_vreg.gather [hbm4b:s28+s16], $0x80, v6, vm0, $0xb8;
	[tilespmem:$0x1C180] =	vst v63  }
0x47b: {  	s17 =	simm.s32 $0x0;
	_ =	swait.ge [sflag:s2], $0x4000  }
0x47c: {  	s21 =	sand.u32 $0x380, s17;
	s30 =	sand.u32 $0x3C00, s16;
	[sflag:s2] =	ssyncset.done $0x0  }
0x47d: {  	s21 =	sor.u32 s21, s30;
	[sflag:s2] =	ssyncadd.s32 $0xFFFFC000  }
0x47e: {  	v6 =	vld [tilespmem:s21+$0x181F0]  }
0x47f: {  	v9 =	vld [tilespmem:s21+$0x18180]  }
0x480: {  	v10 =	vld [tilespmem:s21+$0x18190]  }
0x481: {  	v11 =	vld [tilespmem:s21+$0x181A0]  }
0x482: {  	v12 =	vld [tilespmem:s21+$0x181B0]  }
0x483: {  	v8 =	vld [tilespmem:s21+$0x181C0]  }
0x484: {  	v7 =	vld [tilespmem:s21+$0x181E0]  }
0x485: {  	[tilespmem:s21+$0x101F0] =	vst.add.f32.msk $0xffff, v6  }
0x486: {  	v6 =	vld [tilespmem:s21+$0x181D0]  }
0x487: {  	[tilespmem:s21+$0x10180] =	vst.add.f32.msk $0xffff, v9  }
0x488: {  	[tilespmem:s21+$0x10190] =	vst.add.f32.msk $0xffff, v10  }
0x489: {  	[tilespmem:s21+$0x101A0] =	vst.add.f32.msk $0xffff, v11  }
0x48a: {  	[tilespmem:s21+$0x101B0] =	vst.add.f32.msk $0xffff, v12  }
.LBB2_30:
0x48b: {  	s17 =	sadd.s32 $0x8, s17;
	[tilespmem:s21+$0x101C0] =	vst.add.f32.msk $0xffff, v8;
	s16 =	sadd.s32 $0x400, s16  }
0x48c: {  	s18 =	sand.u32 $0x380, s17;
	s30 =	sand.u32 $0x3C00, s16;
	p0 =	slt.u32 s17, $0x3F8;
	[tilespmem:s21+$0x101D0] =	vst.add.f32.msk $0xffff, v6  }
0x48d: {  	[tilespmem:s21+$0x101E0] =	vst.add.f32.msk $0xffff, v7;
	s21 =	sor.u32 s18, s30  }
0x48e: {  	v6 =	vld [tilespmem:s21+$0x181F0]  }
0x48f: {  	v9 =	vld [tilespmem:s21+$0x18180]  }
0x490: {  	v10 =	vld [tilespmem:s21+$0x18190]  }
0x491: {  	v11 =	vld [tilespmem:s21+$0x181A0]  }
0x492: {  	v12 =	vld [tilespmem:s21+$0x181B0]  }
0x493: {  	[tilespmem:s21+$0x101F0] =	vst.add.f32.msk $0xffff, v6  }
0x494: {  	v8 =	vld [tilespmem:s21+$0x181C0]  }
0x495: {  	v6 =	vld [tilespmem:s21+$0x181D0]  }
.Ltmp14:
0x496: {  	v7 =	vld [tilespmem:s21+$0x181E0];
	(pc) =	sbr.rel @p0 .LBB2_30-.Ltmp14, $4  }
0x497: {  	[tilespmem:s21+$0x10180] =	vst.add.f32.msk $0xffff, v9  }
0x498: {  	[tilespmem:s21+$0x10190] =	vst.add.f32.msk $0xffff, v10  }
0x499: {  	[tilespmem:s21+$0x101A0] =	vst.add.f32.msk $0xffff, v11  }
0x49a: {  	[tilespmem:s21+$0x101B0] =	vst.add.f32.msk $0xffff, v12  }
0x49b: {  	[tilespmem:s21+$0x101C0] =	vst.add.f32.msk $0xffff, v8  }
0x49c: {  	[tilespmem:s21+$0x101D0] =	vst.add.f32.msk $0xffff, v6  }
0x49d: {  	[tilespmem:s21+$0x101E0] =	vst.add.f32.msk $0xffff, v7  }
0x49e: {  	s16 =	simm.s32 $0x0;
	s18 =	simm.s32 $0x10180;
	s17 =	rddreg [dreg:$0x17]  }
0x49f: {  	[hbm4b:s17+s16] =	stream.linear.scatter [tilespmem:s18], [sflag:$0xA], $0x4000, $0x38;
	[tilespmem:$0x1C180] =	vst v63  }
0x4a0: {  	_ =	swait.ge [sflag:s5], $0x4000  }
0x4a1: {  	[sflag:s5] =	ssyncset.done $0x0  }
0x4a2: {  	[sflag:s5] =	ssyncadd.s32 $0xFFFFC000  }
0x4a3: {  	v6 =	vld.msk [tilespmem:$0xA0], $0xff;
	_ =	sdelay $0x4  }
0x4a4: {  	v7 =	vshll.u32 v6, $0x4  }
0x4a5: {  	v6 =	vand.u32 $0x7, v6;
	v7 =	vand.u32 $0xFFFFFF80, v7  }
0x4a6: {  	v6 =	vor.u32 v6, v7  }
0x4a7: {  	v6 =	vperm.xlane v6, v4;
	_ =	sdelay $0x1  }
0x4a8: {  	v6 =	vadd.s32 v5, v6;
	_ =	sdelay $0x3  }
0x4a9: {  	s30 =	simm.s32 $0xC180  }
0x4aa: {  	[tilespmem:s30], [sflag:$0x4] =	stream.indirect_vreg.gather [hbm4b:s1+s16], $0x80, v6, vm0, $0xb8;
	[tilespmem:$0x1C180] =	vst v63  }
0x4ab: {  	s18 =	simm.s32 $0xC980  }
0x4ac: {  	[tilespmem:s18], [sflag:$0x4] =	stream.indirect_vreg.gather [hbm4b:s20+s16], $0x80, v6, vm0, $0xb8;
	[tilespmem:$0x1C180] =	vst v63  }
0x4ad: {  	s21 =	simm.s32 $0xD180  }
0x4ae: {  	[tilespmem:s21], [sflag:$0x4] =	stream.indirect_vreg.gather [hbm4b:s22+s16], $0x80, v6, vm0, $0xb8;
	[tilespmem:$0x1C180] =	vst v63  }
0x4af: {  	s30 =	simm.s32 $0xD980  }
0x4b0: {  	[tilespmem:s30], [sflag:$0x4] =	stream.indirect_vreg.gather [hbm4b:s23+s16], $0x80, v6, vm0, $0xb8;
	[tilespmem:$0x1C180] =	vst v63  }
0x4b1: {  	s18 =	simm.s32 $0xE180  }
0x4b2: {  	[tilespmem:s18], [sflag:$0x4] =	stream.indirect_vreg.gather [hbm4b:s24+s16], $0x80, v6, vm0, $0xb8;
	[tilespmem:$0x1C180] =	vst v63  }
0x4b3: {  	s21 =	simm.s32 $0xE980  }
0x4b4: {  	[tilespmem:s21], [sflag:$0x4] =	stream.indirect_vreg.gather [hbm4b:s25+s16], $0x80, v6, vm0, $0xb8;
	[tilespmem:$0x1C180] =	vst v63  }
0x4b5: {  	s30 =	simm.s32 $0xF180  }
0x4b6: {  	[tilespmem:s30], [sflag:$0x4] =	stream.indirect_vreg.gather [hbm4b:s26+s16], $0x80, v6, vm0, $0xb8;
	[tilespmem:$0x1C180] =	vst v63  }
0x4b7: {  	s18 =	simm.s32 $0xF980  }
0x4b8: {  	[tilespmem:s18], [sflag:$0x4] =	stream.indirect_vreg.gather [hbm4b:s28+s16], $0x80, v6, vm0, $0xb8;
	[tilespmem:$0x1C180] =	vst v63  }
0x4b9: {  	s17 =	simm.s32 $0x0;
	_ =	swait.ge [sflag:s29], $0x4000  }
0x4ba: {  	s21 =	sand.u32 $0x380, s17;
	s30 =	sand.u32 $0x3C00, s16;
	[sflag:s29] =	ssyncset.done $0x0  }
0x4bb: {  	s21 =	sor.u32 s21, s30;
	[sflag:s29] =	ssyncadd.s32 $0xFFFFC000  }
0x4bc: {  	v6 =	vld [tilespmem:s21+$0x181F0]  }
0x4bd: {  	v9 =	vld [tilespmem:s21+$0x18180]  }
0x4be: {  	v10 =	vld [tilespmem:s21+$0x18190]  }
0x4bf: {  	v11 =	vld [tilespmem:s21+$0x181A0]  }
0x4c0: {  	v12 =	vld [tilespmem:s21+$0x181B0]  }
0x4c1: {  	v8 =	vld [tilespmem:s21+$0x181C0]  }
0x4c2: {  	v7 =	vld [tilespmem:s21+$0x181E0]  }
0x4c3: {  	[tilespmem:s21+$0x1F0] =	vst.add.f32.msk $0xffff, v6  }
0x4c4: {  	v6 =	vld [tilespmem:s21+$0x181D0]  }
0x4c5: {  	[tilespmem:s21+$0x180] =	vst.add.f32.msk $0xffff, v9  }
0x4c6: {  	[tilespmem:s21+$0x190] =	vst.add.f32.msk $0xffff, v10  }
0x4c7: {  	[tilespmem:s21+$0x1A0] =	vst.add.f32.msk $0xffff, v11  }
0x4c8: {  	[tilespmem:s21+$0x1B0] =	vst.add.f32.msk $0xffff, v12  }
.LBB2_32:
0x4c9: {  	s17 =	sadd.s32 $0x8, s17;
	[tilespmem:s21+$0x1C0] =	vst.add.f32.msk $0xffff, v8;
	s16 =	sadd.s32 $0x400, s16  }
0x4ca: {  	s18 =	sand.u32 $0x380, s17;
	s30 =	sand.u32 $0x3C00, s16;
	p0 =	slt.u32 s17, $0x3F8;
	[tilespmem:s21+$0x1D0] =	vst.add.f32.msk $0xffff, v6  }
0x4cb: {  	[tilespmem:s21+$0x1E0] =	vst.add.f32.msk $0xffff, v7;
	s21 =	sor.u32 s18, s30  }
0x4cc: {  	v6 =	vld [tilespmem:s21+$0x181F0]  }
0x4cd: {  	v9 =	vld [tilespmem:s21+$0x18180]  }
0x4ce: {  	v10 =	vld [tilespmem:s21+$0x18190]  }
0x4cf: {  	v11 =	vld [tilespmem:s21+$0x181A0]  }
0x4d0: {  	v12 =	vld [tilespmem:s21+$0x181B0]  }
0x4d1: {  	[tilespmem:s21+$0x1F0] =	vst.add.f32.msk $0xffff, v6  }
0x4d2: {  	v8 =	vld [tilespmem:s21+$0x181C0]  }
0x4d3: {  	v6 =	vld [tilespmem:s21+$0x181D0]  }
.Ltmp15:
0x4d4: {  	v7 =	vld [tilespmem:s21+$0x181E0];
	(pc) =	sbr.rel @p0 .LBB2_32-.Ltmp15, $4  }
0x4d5: {  	[tilespmem:s21+$0x180] =	vst.add.f32.msk $0xffff, v9  }
0x4d6: {  	[tilespmem:s21+$0x190] =	vst.add.f32.msk $0xffff, v10  }
0x4d7: {  	[tilespmem:s21+$0x1A0] =	vst.add.f32.msk $0xffff, v11  }
0x4d8: {  	[tilespmem:s21+$0x1B0] =	vst.add.f32.msk $0xffff, v12  }
0x4d9: {  	[tilespmem:s21+$0x1C0] =	vst.add.f32.msk $0xffff, v8  }
0x4da: {  	[tilespmem:s21+$0x1D0] =	vst.add.f32.msk $0xffff, v6  }
0x4db: {  	[tilespmem:s21+$0x1E0] =	vst.add.f32.msk $0xffff, v7  }
0x4dc: {  	s16 =	simm.s32 $0x0;
	s18 =	simm.s32 $0x180;
	s17 =	rddreg [dreg:$0x19]  }
0x4dd: {  	[hbm4b:s17+s16] =	stream.linear.scatter [tilespmem:s18], [sflag:$0x6], $0x4000, $0x38;
	[tilespmem:$0x1C180] =	vst v63  }
0x4de: {  	v6 =	vld.msk [tilespmem:$0x128], $0xff;
	_ =	sdelay $0x4  }
0x4df: {  	v7 =	vshll.u32 v6, $0x4  }
0x4e0: {  	v6 =	vand.u32 $0x7, v6;
	v7 =	vand.u32 $0xFFFFFF80, v7  }
0x4e1: {  	v6 =	vor.u32 v6, v7  }
0x4e2: {  	v6 =	vperm.xlane v6, v4;
	_ =	sdelay $0x1  }
0x4e3: {  	v6 =	vadd.s32 v5, v6;
	_ =	sdelay $0x3  }
0x4e4: {  	s21 =	rddreg [dreg:$0x2];
	s30 =	simm.s32 $0x18180  }
0x4e5: {  	[tilespmem:s30], [sflag:$0xC] =	stream.indirect_vreg.gather [hbm4b:s21+s16], $0x80, v6, vm0, $0xb8;
	[tilespmem:$0x1C180] =	vst v63  }
0x4e6: {  	s18 =	simm.s32 $0x18980  }
0x4e7: {  	[tilespmem:s18], [sflag:$0xC] =	stream.indirect_vreg.gather [hbm4b:s9+s16], $0x80, v6, vm0, $0xb8;
	[tilespmem:$0x1C180] =	vst v63  }
0x4e8: {  	s21 =	simm.s32 $0x19180  }
0x4e9: {  	[tilespmem:s21], [sflag:$0xC] =	stream.indirect_vreg.gather [hbm4b:s10+s16], $0x80, v6, vm0, $0xb8;
	[tilespmem:$0x1C180] =	vst v63  }
0x4ea: {  	s30 =	simm.s32 $0x19980  }
0x4eb: {  	[tilespmem:s30], [sflag:$0xC] =	stream.indirect_vreg.gather [hbm4b:s11+s16], $0x80, v6, vm0, $0xb8;
	[tilespmem:$0x1C180] =	vst v63  }
0x4ec: {  	s18 =	simm.s32 $0x1A180  }
0x4ed: {  	[tilespmem:s18], [sflag:$0xC] =	stream.indirect_vreg.gather [hbm4b:s12+s16], $0x80, v6, vm0, $0xb8;
	[tilespmem:$0x1C180] =	vst v63  }
0x4ee: {  	s21 =	simm.s32 $0x1A980  }
0x4ef: {  	[tilespmem:s21], [sflag:$0xC] =	stream.indirect_vreg.gather [hbm4b:s13+s16], $0x80, v6, vm0, $0xb8;
	[tilespmem:$0x1C180] =	vst v63  }
0x4f0: {  	s30 =	simm.s32 $0x1B180  }
0x4f1: {  	[tilespmem:s30], [sflag:$0xC] =	stream.indirect_vreg.gather [hbm4b:s14+s16], $0x80, v6, vm0, $0xb8;
	[tilespmem:$0x1C180] =	vst v63  }
0x4f2: {  	s18 =	simm.s32 $0x1B980  }
0x4f3: {  	[tilespmem:s18], [sflag:$0xC] =	stream.indirect_vreg.gather [hbm4b:s15+s16], $0x80, v6, vm0, $0xb8;
	[tilespmem:$0x1C180] =	vst v63  }
0x4f4: {  	_ =	swait.ge [sflag:s19], $0x4000  }
0x4f5: {  	[sflag:s19] =	ssyncset.done $0x0  }
0x4f6: {  	[sflag:s19] =	ssyncadd.s32 $0xFFFFC000  }
0x4f7: {  	v6 =	vld.msk [tilespmem:$0xE0], $0xff;
	_ =	sdelay $0x4  }
0x4f8: {  	v7 =	vshll.u32 v6, $0x4  }
0x4f9: {  	v6 =	vand.u32 $0x7, v6;
	v7 =	vand.u32 $0xFFFFFF80, v7  }
0x4fa: {  	v6 =	vor.u32 v6, v7  }
0x4fb: {  	v6 =	vperm.xlane v6, v4;
	_ =	sdelay $0x1  }
0x4fc: {  	v6 =	vadd.s32 v5, v6;
	_ =	sdelay $0x3  }
0x4fd: {  	s21 =	simm.s32 $0x10180  }
0x4fe: {  	[tilespmem:s21], [sflag:$0x5] =	stream.indirect_vreg.gather [hbm4b:s1+s16], $0x80, v6, vm0, $0xb8;
	[tilespmem:$0x1C180] =	vst v63  }
0x4ff: {  	s30 =	simm.s32 $0x10980  }
0x500: {  	[tilespmem:s30], [sflag:$0x5] =	stream.indirect_vreg.gather [hbm4b:s20+s16], $0x80, v6, vm0, $0xb8;
	[tilespmem:$0x1C180] =	vst v63  }
0x501: {  	s18 =	simm.s32 $0x11180  }
0x502: {  	[tilespmem:s18], [sflag:$0x5] =	stream.indirect_vreg.gather [hbm4b:s22+s16], $0x80, v6, vm0, $0xb8;
	[tilespmem:$0x1C180] =	vst v63  }
0x503: {  	s21 =	simm.s32 $0x11980  }
0x504: {  	[tilespmem:s21], [sflag:$0x5] =	stream.indirect_vreg.gather [hbm4b:s23+s16], $0x80, v6, vm0, $0xb8;
	[tilespmem:$0x1C180] =	vst v63  }
0x505: {  	s30 =	simm.s32 $0x12180  }
0x506: {  	[tilespmem:s30], [sflag:$0x5] =	stream.indirect_vreg.gather [hbm4b:s24+s16], $0x80, v6, vm0, $0xb8;
	[tilespmem:$0x1C180] =	vst v63  }
0x507: {  	s18 =	simm.s32 $0x12980  }
0x508: {  	[tilespmem:s18], [sflag:$0x5] =	stream.indirect_vreg.gather [hbm4b:s25+s16], $0x80, v6, vm0, $0xb8;
	[tilespmem:$0x1C180] =	vst v63  }
0x509: {  	s21 =	simm.s32 $0x13180  }
0x50a: {  	[tilespmem:s21], [sflag:$0x5] =	stream.indirect_vreg.gather [hbm4b:s26+s16], $0x80, v6, vm0, $0xb8;
	[tilespmem:$0x1C180] =	vst v63  }
0x50b: {  	s30 =	simm.s32 $0x13980  }
0x50c: {  	[tilespmem:s30], [sflag:$0x5] =	stream.indirect_vreg.gather [hbm4b:s28+s16], $0x80, v6, vm0, $0xb8;
	[tilespmem:$0x1C180] =	vst v63  }
0x50d: {  	_ =	swait.ge [sflag:s6], $0x4000  }
0x50e: {  	[sflag:s6] =	ssyncset.done $0x0  }
0x50f: {  	s30 =	simm.s32 $0xB;
	[sflag:s6] =	ssyncadd.s32 $0xFFFFC000  }
0x510: {  	s17 =	simm.s32 $0x0;
	_ =	swait.ge [sflag:s30], $0x4000  }
0x511: {  	s18 =	sand.u32 $0x380, s17;
	s21 =	sand.u32 $0x3C00, s16;
	[sflag:s30] =	ssyncset.done $0x0  }
0x512: {  	s21 =	sor.u32 s18, s21;
	[sflag:s30] =	ssyncadd.s32 $0xFFFFC000  }
0x513: {  	v6 =	vld [tilespmem:s21+$0x141F0]  }
0x514: {  	v9 =	vld [tilespmem:s21+$0x14180]  }
0x515: {  	v10 =	vld [tilespmem:s21+$0x14190]  }
0x516: {  	v11 =	vld [tilespmem:s21+$0x141A0]  }
0x517: {  	v12 =	vld [tilespmem:s21+$0x141B0]  }
0x518: {  	v8 =	vld [tilespmem:s21+$0x141C0]  }
0x519: {  	v7 =	vld [tilespmem:s21+$0x141E0]  }
0x51a: {  	[tilespmem:s21+$0x41F0] =	vst.add.f32.msk $0xffff, v6  }
0x51b: {  	v6 =	vld [tilespmem:s21+$0x141D0]  }
0x51c: {  	[tilespmem:s21+$0x4180] =	vst.add.f32.msk $0xffff, v9  }
0x51d: {  	[tilespmem:s21+$0x4190] =	vst.add.f32.msk $0xffff, v10  }
0x51e: {  	[tilespmem:s21+$0x41A0] =	vst.add.f32.msk $0xffff, v11  }
0x51f: {  	[tilespmem:s21+$0x41B0] =	vst.add.f32.msk $0xffff, v12  }
.LBB2_34:
0x520: {  	s17 =	sadd.s32 $0x8, s17;
	[tilespmem:s21+$0x41C0] =	vst.add.f32.msk $0xffff, v8;
	s16 =	sadd.s32 $0x400, s16  }
0x521: {  	s18 =	sand.u32 $0x380, s17;
	s30 =	sand.u32 $0x3C00, s16;
	p0 =	slt.u32 s17, $0x3F8;
	[tilespmem:s21+$0x41D0] =	vst.add.f32.msk $0xffff, v6  }
0x522: {  	[tilespmem:s21+$0x41E0] =	vst.add.f32.msk $0xffff, v7;
	s21 =	sor.u32 s18, s30  }
0x523: {  	v6 =	vld [tilespmem:s21+$0x141F0]  }
0x524: {  	v9 =	vld [tilespmem:s21+$0x14180]  }
0x525: {  	v10 =	vld [tilespmem:s21+$0x14190]  }
0x526: {  	v11 =	vld [tilespmem:s21+$0x141A0]  }
0x527: {  	v12 =	vld [tilespmem:s21+$0x141B0]  }
0x528: {  	[tilespmem:s21+$0x41F0] =	vst.add.f32.msk $0xffff, v6  }
0x529: {  	v8 =	vld [tilespmem:s21+$0x141C0]  }
0x52a: {  	v6 =	vld [tilespmem:s21+$0x141D0]  }
.Ltmp16:
0x52b: {  	v7 =	vld [tilespmem:s21+$0x141E0];
	(pc) =	sbr.rel @p0 .LBB2_34-.Ltmp16, $4  }
0x52c: {  	[tilespmem:s21+$0x4180] =	vst.add.f32.msk $0xffff, v9  }
0x52d: {  	[tilespmem:s21+$0x4190] =	vst.add.f32.msk $0xffff, v10  }
0x52e: {  	[tilespmem:s21+$0x41A0] =	vst.add.f32.msk $0xffff, v11  }
0x52f: {  	[tilespmem:s21+$0x41B0] =	vst.add.f32.msk $0xffff, v12  }
0x530: {  	[tilespmem:s21+$0x41C0] =	vst.add.f32.msk $0xffff, v8  }
0x531: {  	[tilespmem:s21+$0x41D0] =	vst.add.f32.msk $0xffff, v6  }
0x532: {  	[tilespmem:s21+$0x41E0] =	vst.add.f32.msk $0xffff, v7  }
0x533: {  	s16 =	simm.s32 $0x0;
	s18 =	simm.s32 $0x4180;
	s17 =	rddreg [dreg:$0x1a]  }
0x534: {  	[hbm4b:s17+s16] =	stream.linear.scatter [tilespmem:s18], [sflag:$0x7], $0x4000, $0x38;
	[tilespmem:$0x1C180] =	vst v63  }
0x535: {  	_ =	swait.ge [sflag:s31], $0x4000  }
0x536: {  	[sflag:s31] =	ssyncset.done $0x0  }
0x537: {  	[sflag:s31] =	ssyncadd.s32 $0xFFFFC000  }
0x538: {  	v6 =	vld.msk [tilespmem:$0x28], $0xff;
	_ =	sdelay $0x4  }
0x539: {  	v7 =	vshll.u32 v6, $0x4  }
0x53a: {  	v6 =	vand.u32 $0x7, v6;
	v7 =	vand.u32 $0xFFFFFF80, v7  }
0x53b: {  	v6 =	vor.u32 v6, v7  }
0x53c: {  	v6 =	vperm.xlane v6, v4;
	_ =	sdelay $0x1  }
0x53d: {  	v6 =	vadd.s32 v5, v6;
	_ =	sdelay $0x3  }
0x53e: {  	s30 =	simm.s32 $0x180  }
0x53f: {  	[tilespmem:s30], [sflag:$0x1] =	stream.indirect_vreg.gather [hbm4b:s1+s16], $0x80, v6, vm0, $0xb8;
	[tilespmem:$0x1C180] =	vst v63  }
0x540: {  	s18 =	simm.s32 $0x980  }
0x541: {  	[tilespmem:s18], [sflag:$0x1] =	stream.indirect_vreg.gather [hbm4b:s20+s16], $0x80, v6, vm0, $0xb8;
	[tilespmem:$0x1C180] =	vst v63  }
0x542: {  	s21 =	simm.s32 $0x1180  }
0x543: {  	[tilespmem:s21], [sflag:$0x1] =	stream.indirect_vreg.gather [hbm4b:s22+s16], $0x80, v6, vm0, $0xb8;
	[tilespmem:$0x1C180] =	vst v63  }
0x544: {  	s30 =	simm.s32 $0x1980  }
0x545: {  	[tilespmem:s30], [sflag:$0x1] =	stream.indirect_vreg.gather [hbm4b:s23+s16], $0x80, v6, vm0, $0xb8;
	[tilespmem:$0x1C180] =	vst v63  }
0x546: {  	s18 =	simm.s32 $0x2180  }
0x547: {  	[tilespmem:s18], [sflag:$0x1] =	stream.indirect_vreg.gather [hbm4b:s24+s16], $0x80, v6, vm0, $0xb8;
	[tilespmem:$0x1C180] =	vst v63  }
0x548: {  	s21 =	simm.s32 $0x2980  }
0x549: {  	[tilespmem:s21], [sflag:$0x1] =	stream.indirect_vreg.gather [hbm4b:s25+s16], $0x80, v6, vm0, $0xb8;
	[tilespmem:$0x1C180] =	vst v63  }
0x54a: {  	s30 =	simm.s32 $0x3180  }
0x54b: {  	[tilespmem:s30], [sflag:$0x1] =	stream.indirect_vreg.gather [hbm4b:s26+s16], $0x80, v6, vm0, $0xb8;
	[tilespmem:$0x1C180] =	vst v63  }
0x54c: {  	s18 =	simm.s32 $0x3980  }
0x54d: {  	[tilespmem:s18], [sflag:$0x1] =	stream.indirect_vreg.gather [hbm4b:s28+s16], $0x80, v6, vm0, $0xb8;
	[tilespmem:$0x1C180] =	vst v63  }
0x54e: {  	s17 =	simm.s32 $0x0;
	_ =	swait.ge [sflag:s7], $0x4000  }
0x54f: {  	s21 =	sand.u32 $0x380, s17;
	s30 =	sand.u32 $0x3C00, s16;
	[sflag:s7] =	ssyncset.done $0x0  }
0x550: {  	s21 =	sor.u32 s21, s30;
	[sflag:s7] =	ssyncadd.s32 $0xFFFFC000  }
0x551: {  	v6 =	vld [tilespmem:s21+$0x141F0]  }
0x552: {  	v9 =	vld [tilespmem:s21+$0x14180]  }
0x553: {  	v10 =	vld [tilespmem:s21+$0x14190]  }
0x554: {  	v11 =	vld [tilespmem:s21+$0x141A0]  }
0x555: {  	v12 =	vld [tilespmem:s21+$0x141B0]  }
0x556: {  	v8 =	vld [tilespmem:s21+$0x141C0]  }
0x557: {  	v7 =	vld [tilespmem:s21+$0x141E0]  }
0x558: {  	[tilespmem:s21+$0x81F0] =	vst.add.f32.msk $0xffff, v6  }
0x559: {  	v6 =	vld [tilespmem:s21+$0x141D0]  }
0x55a: {  	[tilespmem:s21+$0x8180] =	vst.add.f32.msk $0xffff, v9  }
0x55b: {  	[tilespmem:s21+$0x8190] =	vst.add.f32.msk $0xffff, v10  }
0x55c: {  	[tilespmem:s21+$0x81A0] =	vst.add.f32.msk $0xffff, v11  }
0x55d: {  	[tilespmem:s21+$0x81B0] =	vst.add.f32.msk $0xffff, v12  }
.LBB2_36:
0x55e: {  	s17 =	sadd.s32 $0x8, s17;
	[tilespmem:s21+$0x81C0] =	vst.add.f32.msk $0xffff, v8;
	s16 =	sadd.s32 $0x400, s16  }
0x55f: {  	s18 =	sand.u32 $0x380, s17;
	s30 =	sand.u32 $0x3C00, s16;
	p0 =	slt.u32 s17, $0x3F8;
	[tilespmem:s21+$0x81D0] =	vst.add.f32.msk $0xffff, v6  }
0x560: {  	[tilespmem:s21+$0x81E0] =	vst.add.f32.msk $0xffff, v7;
	s21 =	sor.u32 s18, s30  }
0x561: {  	v6 =	vld [tilespmem:s21+$0x141F0]  }
0x562: {  	v9 =	vld [tilespmem:s21+$0x14180]  }
0x563: {  	v10 =	vld [tilespmem:s21+$0x14190]  }
0x564: {  	v11 =	vld [tilespmem:s21+$0x141A0]  }
0x565: {  	v12 =	vld [tilespmem:s21+$0x141B0]  }
0x566: {  	[tilespmem:s21+$0x81F0] =	vst.add.f32.msk $0xffff, v6  }
0x567: {  	v8 =	vld [tilespmem:s21+$0x141C0]  }
0x568: {  	v6 =	vld [tilespmem:s21+$0x141D0]  }
.Ltmp17:
0x569: {  	v7 =	vld [tilespmem:s21+$0x141E0];
	(pc) =	sbr.rel @p0 .LBB2_36-.Ltmp17, $4  }
0x56a: {  	[tilespmem:s21+$0x8180] =	vst.add.f32.msk $0xffff, v9  }
0x56b: {  	[tilespmem:s21+$0x8190] =	vst.add.f32.msk $0xffff, v10  }
0x56c: {  	[tilespmem:s21+$0x81A0] =	vst.add.f32.msk $0xffff, v11  }
0x56d: {  	[tilespmem:s21+$0x81B0] =	vst.add.f32.msk $0xffff, v12  }
0x56e: {  	[tilespmem:s21+$0x81C0] =	vst.add.f32.msk $0xffff, v8  }
0x56f: {  	[tilespmem:s21+$0x81D0] =	vst.add.f32.msk $0xffff, v6  }
0x570: {  	[tilespmem:s21+$0x81E0] =	vst.add.f32.msk $0xffff, v7  }
0x571: {  	s16 =	simm.s32 $0x0;
	s18 =	simm.s32 $0x8180;
	s17 =	rddreg [dreg:$0x1b]  }
0x572: {  	[hbm4b:s17+s16] =	stream.linear.scatter [tilespmem:s18], [sflag:$0x8], $0x4000, $0x38;
	[tilespmem:$0x1C180] =	vst v63  }
0x573: {  	_ =	swait.ge [sflag:s0], $0x4000  }
0x574: {  	[sflag:s0] =	ssyncset.done $0x0  }
0x575: {  	[sflag:s0] =	ssyncadd.s32 $0xFFFFC000  }
0x576: {  	v6 =	vld.msk [tilespmem:$0x68], $0xff;
	_ =	sdelay $0x4  }
0x577: {  	v7 =	vshll.u32 v6, $0x4  }
0x578: {  	v6 =	vand.u32 $0x7, v6;
	v7 =	vand.u32 $0xFFFFFF80, v7  }
0x579: {  	v6 =	vor.u32 v6, v7  }
0x57a: {  	v6 =	vperm.xlane v6, v4;
	_ =	sdelay $0x1  }
0x57b: {  	v6 =	vadd.s32 v5, v6;
	_ =	sdelay $0x3  }
0x57c: {  	s30 =	simm.s32 $0x4180  }
0x57d: {  	[tilespmem:s30], [sflag:$0x2] =	stream.indirect_vreg.gather [hbm4b:s1+s16], $0x80, v6, vm0, $0xb8;
	[tilespmem:$0x1C180] =	vst v63  }
0x57e: {  	s18 =	simm.s32 $0x4980  }
0x57f: {  	[tilespmem:s18], [sflag:$0x2] =	stream.indirect_vreg.gather [hbm4b:s20+s16], $0x80, v6, vm0, $0xb8;
	[tilespmem:$0x1C180] =	vst v63  }
0x580: {  	s21 =	simm.s32 $0x5180  }
0x581: {  	[tilespmem:s21], [sflag:$0x2] =	stream.indirect_vreg.gather [hbm4b:s22+s16], $0x80, v6, vm0, $0xb8;
	[tilespmem:$0x1C180] =	vst v63  }
0x582: {  	s30 =	simm.s32 $0x5980  }
0x583: {  	[tilespmem:s30], [sflag:$0x2] =	stream.indirect_vreg.gather [hbm4b:s23+s16], $0x80, v6, vm0, $0xb8;
	[tilespmem:$0x1C180] =	vst v63  }
0x584: {  	s18 =	simm.s32 $0x6180  }
0x585: {  	[tilespmem:s18], [sflag:$0x2] =	stream.indirect_vreg.gather [hbm4b:s24+s16], $0x80, v6, vm0, $0xb8;
	[tilespmem:$0x1C180] =	vst v63  }
0x586: {  	s21 =	simm.s32 $0x6980  }
0x587: {  	[tilespmem:s21], [sflag:$0x2] =	stream.indirect_vreg.gather [hbm4b:s25+s16], $0x80, v6, vm0, $0xb8;
	[tilespmem:$0x1C180] =	vst v63  }
0x588: {  	s30 =	simm.s32 $0x7180  }
0x589: {  	[tilespmem:s30], [sflag:$0x2] =	stream.indirect_vreg.gather [hbm4b:s26+s16], $0x80, v6, vm0, $0xb8;
	[tilespmem:$0x1C180] =	vst v63  }
0x58a: {  	s18 =	simm.s32 $0x7980  }
0x58b: {  	[tilespmem:s18], [sflag:$0x2] =	stream.indirect_vreg.gather [hbm4b:s28+s16], $0x80, v6, vm0, $0xb8;
	[tilespmem:$0x1C180] =	vst v63  }
0x58c: {  	s17 =	simm.s32 $0x0;
	_ =	swait.ge [sflag:s8], $0x4000  }
0x58d: {  	s21 =	sand.u32 $0x380, s17;
	s30 =	sand.u32 $0x3C00, s16;
	[sflag:s8] =	ssyncset.done $0x0  }
0x58e: {  	s21 =	sor.u32 s21, s30;
	[sflag:s8] =	ssyncadd.s32 $0xFFFFC000  }
0x58f: {  	v6 =	vld [tilespmem:s21+$0x141F0]  }
0x590: {  	v9 =	vld [tilespmem:s21+$0x14180]  }
0x591: {  	v10 =	vld [tilespmem:s21+$0x14190]  }
0x592: {  	v11 =	vld [tilespmem:s21+$0x141A0]  }
0x593: {  	v12 =	vld [tilespmem:s21+$0x141B0]  }
0x594: {  	v8 =	vld [tilespmem:s21+$0x141C0]  }
0x595: {  	v7 =	vld [tilespmem:s21+$0x141E0]  }
0x596: {  	[tilespmem:s21+$0xC1F0] =	vst.add.f32.msk $0xffff, v6  }
0x597: {  	v6 =	vld [tilespmem:s21+$0x141D0]  }
0x598: {  	[tilespmem:s21+$0xC180] =	vst.add.f32.msk $0xffff, v9  }
0x599: {  	[tilespmem:s21+$0xC190] =	vst.add.f32.msk $0xffff, v10  }
0x59a: {  	[tilespmem:s21+$0xC1A0] =	vst.add.f32.msk $0xffff, v11  }
0x59b: {  	[tilespmem:s21+$0xC1B0] =	vst.add.f32.msk $0xffff, v12  }
.LBB2_38:
0x59c: {  	s17 =	sadd.s32 $0x8, s17;
	[tilespmem:s21+$0xC1C0] =	vst.add.f32.msk $0xffff, v8;
	s16 =	sadd.s32 $0x400, s16  }
0x59d: {  	s18 =	sand.u32 $0x380, s17;
	s30 =	sand.u32 $0x3C00, s16;
	p0 =	slt.u32 s17, $0x3F8;
	[tilespmem:s21+$0xC1D0] =	vst.add.f32.msk $0xffff, v6  }
0x59e: {  	[tilespmem:s21+$0xC1E0] =	vst.add.f32.msk $0xffff, v7;
	s21 =	sor.u32 s18, s30  }
0x59f: {  	v6 =	vld [tilespmem:s21+$0x141F0]  }
0x5a0: {  	v9 =	vld [tilespmem:s21+$0x14180]  }
0x5a1: {  	v10 =	vld [tilespmem:s21+$0x14190]  }
0x5a2: {  	v11 =	vld [tilespmem:s21+$0x141A0]  }
0x5a3: {  	v12 =	vld [tilespmem:s21+$0x141B0]  }
0x5a4: {  	[tilespmem:s21+$0xC1F0] =	vst.add.f32.msk $0xffff, v6  }
0x5a5: {  	v8 =	vld [tilespmem:s21+$0x141C0]  }
0x5a6: {  	v6 =	vld [tilespmem:s21+$0x141D0]  }
.Ltmp18:
0x5a7: {  	v7 =	vld [tilespmem:s21+$0x141E0];
	(pc) =	sbr.rel @p0 .LBB2_38-.Ltmp18, $4  }
0x5a8: {  	[tilespmem:s21+$0xC180] =	vst.add.f32.msk $0xffff, v9  }
0x5a9: {  	[tilespmem:s21+$0xC190] =	vst.add.f32.msk $0xffff, v10  }
0x5aa: {  	[tilespmem:s21+$0xC1A0] =	vst.add.f32.msk $0xffff, v11  }
0x5ab: {  	[tilespmem:s21+$0xC1B0] =	vst.add.f32.msk $0xffff, v12  }
0x5ac: {  	[tilespmem:s21+$0xC1C0] =	vst.add.f32.msk $0xffff, v8  }
0x5ad: {  	[tilespmem:s21+$0xC1D0] =	vst.add.f32.msk $0xffff, v6  }
0x5ae: {  	[tilespmem:s21+$0xC1E0] =	vst.add.f32.msk $0xffff, v7  }
0x5af: {  	s16 =	simm.s32 $0x0;
	s18 =	simm.s32 $0xC180;
	s17 =	rddreg [dreg:$0x1c]  }
0x5b0: {  	[hbm4b:s17+s16] =	stream.linear.scatter [tilespmem:s18], [sflag:$0x9], $0x4000, $0x38;
	[tilespmem:$0x1C180] =	vst v63  }
0x5b1: {  	_ =	swait.ge [sflag:s3], $0x4000  }
0x5b2: {  	[sflag:s3] =	ssyncset.done $0x0  }
0x5b3: {  	[sflag:s3] =	ssyncadd.s32 $0xFFFFC000  }
0x5b4: {  	v6 =	vld.msk [tilespmem:$0xA8], $0xff;
	_ =	sdelay $0x4  }
0x5b5: {  	v7 =	vshll.u32 v6, $0x4  }
0x5b6: {  	v6 =	vand.u32 $0x7, v6;
	v7 =	vand.u32 $0xFFFFFF80, v7  }
0x5b7: {  	v6 =	vor.u32 v6, v7  }
0x5b8: {  	v6 =	vperm.xlane v6, v4;
	_ =	sdelay $0x1  }
0x5b9: {  	v6 =	vadd.s32 v5, v6;
	_ =	sdelay $0x3  }
0x5ba: {  	s30 =	simm.s32 $0x8180  }
0x5bb: {  	[tilespmem:s30], [sflag:$0x3] =	stream.indirect_vreg.gather [hbm4b:s1+s16], $0x80, v6, vm0, $0xb8;
	[tilespmem:$0x1C180] =	vst v63  }
0x5bc: {  	s18 =	simm.s32 $0x8980  }
0x5bd: {  	[tilespmem:s18], [sflag:$0x3] =	stream.indirect_vreg.gather [hbm4b:s20+s16], $0x80, v6, vm0, $0xb8;
	[tilespmem:$0x1C180] =	vst v63  }
0x5be: {  	s21 =	simm.s32 $0x9180  }
0x5bf: {  	[tilespmem:s21], [sflag:$0x3] =	stream.indirect_vreg.gather [hbm4b:s22+s16], $0x80, v6, vm0, $0xb8;
	[tilespmem:$0x1C180] =	vst v63  }
0x5c0: {  	s30 =	simm.s32 $0x9980  }
0x5c1: {  	[tilespmem:s30], [sflag:$0x3] =	stream.indirect_vreg.gather [hbm4b:s23+s16], $0x80, v6, vm0, $0xb8;
	[tilespmem:$0x1C180] =	vst v63  }
0x5c2: {  	s18 =	simm.s32 $0xA180  }
0x5c3: {  	[tilespmem:s18], [sflag:$0x3] =	stream.indirect_vreg.gather [hbm4b:s24+s16], $0x80, v6, vm0, $0xb8;
	[tilespmem:$0x1C180] =	vst v63  }
0x5c4: {  	s21 =	simm.s32 $0xA980  }
0x5c5: {  	[tilespmem:s21], [sflag:$0x3] =	stream.indirect_vreg.gather [hbm4b:s25+s16], $0x80, v6, vm0, $0xb8;
	[tilespmem:$0x1C180] =	vst v63  }
0x5c6: {  	s30 =	simm.s32 $0xB180  }
0x5c7: {  	[tilespmem:s30], [sflag:$0x3] =	stream.indirect_vreg.gather [hbm4b:s26+s16], $0x80, v6, vm0, $0xb8;
	[tilespmem:$0x1C180] =	vst v63  }
0x5c8: {  	s18 =	simm.s32 $0xB980  }
0x5c9: {  	[tilespmem:s18], [sflag:$0x3] =	stream.indirect_vreg.gather [hbm4b:s28+s16], $0x80, v6, vm0, $0xb8;
	[tilespmem:$0x1C180] =	vst v63  }
0x5ca: {  	s17 =	simm.s32 $0x0;
	_ =	swait.ge [sflag:s2], $0x4000  }
0x5cb: {  	s21 =	sand.u32 $0x380, s17;
	s30 =	sand.u32 $0x3C00, s16;
	[sflag:s2] =	ssyncset.done $0x0  }
0x5cc: {  	s21 =	sor.u32 s21, s30;
	[sflag:s2] =	ssyncadd.s32 $0xFFFFC000  }
0x5cd: {  	v6 =	vld [tilespmem:s21+$0x141F0]  }
0x5ce: {  	v9 =	vld [tilespmem:s21+$0x14180]  }
0x5cf: {  	v10 =	vld [tilespmem:s21+$0x14190]  }
0x5d0: {  	v11 =	vld [tilespmem:s21+$0x141A0]  }
0x5d1: {  	v12 =	vld [tilespmem:s21+$0x141B0]  }
0x5d2: {  	v8 =	vld [tilespmem:s21+$0x141C0]  }
0x5d3: {  	v7 =	vld [tilespmem:s21+$0x141E0]  }
0x5d4: {  	[tilespmem:s21+$0x101F0] =	vst.add.f32.msk $0xffff, v6  }
0x5d5: {  	v6 =	vld [tilespmem:s21+$0x141D0]  }
0x5d6: {  	[tilespmem:s21+$0x10180] =	vst.add.f32.msk $0xffff, v9  }
0x5d7: {  	[tilespmem:s21+$0x10190] =	vst.add.f32.msk $0xffff, v10  }
0x5d8: {  	[tilespmem:s21+$0x101A0] =	vst.add.f32.msk $0xffff, v11  }
0x5d9: {  	[tilespmem:s21+$0x101B0] =	vst.add.f32.msk $0xffff, v12  }
.LBB2_40:
0x5da: {  	s17 =	sadd.s32 $0x8, s17;
	[tilespmem:s21+$0x101C0] =	vst.add.f32.msk $0xffff, v8;
	s16 =	sadd.s32 $0x400, s16  }
0x5db: {  	s18 =	sand.u32 $0x380, s17;
	s30 =	sand.u32 $0x3C00, s16;
	p0 =	slt.u32 s17, $0x3F8;
	[tilespmem:s21+$0x101D0] =	vst.add.f32.msk $0xffff, v6  }
0x5dc: {  	[tilespmem:s21+$0x101E0] =	vst.add.f32.msk $0xffff, v7;
	s21 =	sor.u32 s18, s30  }
0x5dd: {  	v6 =	vld [tilespmem:s21+$0x141F0]  }
0x5de: {  	v9 =	vld [tilespmem:s21+$0x14180]  }
0x5df: {  	v10 =	vld [tilespmem:s21+$0x14190]  }
0x5e0: {  	v11 =	vld [tilespmem:s21+$0x141A0]  }
0x5e1: {  	v12 =	vld [tilespmem:s21+$0x141B0]  }
0x5e2: {  	[tilespmem:s21+$0x101F0] =	vst.add.f32.msk $0xffff, v6  }
0x5e3: {  	v8 =	vld [tilespmem:s21+$0x141C0]  }
0x5e4: {  	v6 =	vld [tilespmem:s21+$0x141D0]  }
.Ltmp19:
0x5e5: {  	v7 =	vld [tilespmem:s21+$0x141E0];
	(pc) =	sbr.rel @p0 .LBB2_40-.Ltmp19, $4  }
0x5e6: {  	[tilespmem:s21+$0x10180] =	vst.add.f32.msk $0xffff, v9  }
0x5e7: {  	[tilespmem:s21+$0x10190] =	vst.add.f32.msk $0xffff, v10  }
0x5e8: {  	[tilespmem:s21+$0x101A0] =	vst.add.f32.msk $0xffff, v11  }
0x5e9: {  	[tilespmem:s21+$0x101B0] =	vst.add.f32.msk $0xffff, v12  }
0x5ea: {  	[tilespmem:s21+$0x101C0] =	vst.add.f32.msk $0xffff, v8  }
0x5eb: {  	[tilespmem:s21+$0x101D0] =	vst.add.f32.msk $0xffff, v6  }
0x5ec: {  	[tilespmem:s21+$0x101E0] =	vst.add.f32.msk $0xffff, v7  }
0x5ed: {  	s16 =	simm.s32 $0x0;
	s18 =	simm.s32 $0x10180;
	s17 =	rddreg [dreg:$0x1d]  }
0x5ee: {  	[hbm4b:s17+s16] =	stream.linear.scatter [tilespmem:s18], [sflag:$0xA], $0x4000, $0x38;
	[tilespmem:$0x1C180] =	vst v63  }
0x5ef: {  	v6 =	vld.msk [tilespmem:$0x130], $0xff;
	_ =	sdelay $0x4  }
0x5f0: {  	v7 =	vshll.u32 v6, $0x4  }
0x5f1: {  	v6 =	vand.u32 $0x7, v6;
	v7 =	vand.u32 $0xFFFFFF80, v7  }
0x5f2: {  	v6 =	vor.u32 v6, v7  }
0x5f3: {  	v6 =	vperm.xlane v6, v4;
	_ =	sdelay $0x1  }
0x5f4: {  	v6 =	vadd.s32 v5, v6;
	_ =	sdelay $0x3  }
0x5f5: {  	s21 =	rddreg [dreg:$0x2];
	s30 =	simm.s32 $0x14180  }
0x5f6: {  	[tilespmem:s30], [sflag:$0xB] =	stream.indirect_vreg.gather [hbm4b:s21+s16], $0x80, v6, vm0, $0xb8;
	[tilespmem:$0x1C180] =	vst v63  }
0x5f7: {  	s18 =	simm.s32 $0x14980  }
0x5f8: {  	[tilespmem:s18], [sflag:$0xB] =	stream.indirect_vreg.gather [hbm4b:s9+s16], $0x80, v6, vm0, $0xb8;
	[tilespmem:$0x1C180] =	vst v63  }
0x5f9: {  	s21 =	simm.s32 $0x15180  }
0x5fa: {  	[tilespmem:s21], [sflag:$0xB] =	stream.indirect_vreg.gather [hbm4b:s10+s16], $0x80, v6, vm0, $0xb8;
	[tilespmem:$0x1C180] =	vst v63  }
0x5fb: {  	s30 =	simm.s32 $0x15980  }
0x5fc: {  	[tilespmem:s30], [sflag:$0xB] =	stream.indirect_vreg.gather [hbm4b:s11+s16], $0x80, v6, vm0, $0xb8;
	[tilespmem:$0x1C180] =	vst v63  }
0x5fd: {  	s18 =	simm.s32 $0x16180  }
0x5fe: {  	[tilespmem:s18], [sflag:$0xB] =	stream.indirect_vreg.gather [hbm4b:s12+s16], $0x80, v6, vm0, $0xb8;
	[tilespmem:$0x1C180] =	vst v63  }
0x5ff: {  	s21 =	simm.s32 $0x16980  }
0x600: {  	[tilespmem:s21], [sflag:$0xB] =	stream.indirect_vreg.gather [hbm4b:s13+s16], $0x80, v6, vm0, $0xb8;
	[tilespmem:$0x1C180] =	vst v63  }
0x601: {  	s30 =	simm.s32 $0x17180  }
0x602: {  	[tilespmem:s30], [sflag:$0xB] =	stream.indirect_vreg.gather [hbm4b:s14+s16], $0x80, v6, vm0, $0xb8;
	[tilespmem:$0x1C180] =	vst v63  }
0x603: {  	s18 =	simm.s32 $0x17980  }
0x604: {  	[tilespmem:s18], [sflag:$0xB] =	stream.indirect_vreg.gather [hbm4b:s15+s16], $0x80, v6, vm0, $0xb8;
	[tilespmem:$0x1C180] =	vst v63  }
0x605: {  	_ =	swait.ge [sflag:s5], $0x4000  }
0x606: {  	[sflag:s5] =	ssyncset.done $0x0  }
0x607: {  	[sflag:s5] =	ssyncadd.s32 $0xFFFFC000  }
0x608: {  	v6 =	vld.msk [tilespmem:$0xE8], $0xff;
	_ =	sdelay $0x4  }
0x609: {  	v7 =	vshll.u32 v6, $0x4  }
0x60a: {  	v6 =	vand.u32 $0x7, v6;
	v7 =	vand.u32 $0xFFFFFF80, v7  }
0x60b: {  	v6 =	vor.u32 v6, v7  }
0x60c: {  	v6 =	vperm.xlane v6, v4;
	_ =	sdelay $0x1  }
0x60d: {  	v6 =	vadd.s32 v5, v6;
	_ =	sdelay $0x3  }
0x60e: {  	s21 =	simm.s32 $0xC180  }
0x60f: {  	[tilespmem:s21], [sflag:$0x4] =	stream.indirect_vreg.gather [hbm4b:s1+s16], $0x80, v6, vm0, $0xb8;
	[tilespmem:$0x1C180] =	vst v63  }
0x610: {  	s30 =	simm.s32 $0xC980  }
0x611: {  	[tilespmem:s30], [sflag:$0x4] =	stream.indirect_vreg.gather [hbm4b:s20+s16], $0x80, v6, vm0, $0xb8;
	[tilespmem:$0x1C180] =	vst v63  }
0x612: {  	s18 =	simm.s32 $0xD180  }
0x613: {  	[tilespmem:s18], [sflag:$0x4] =	stream.indirect_vreg.gather [hbm4b:s22+s16], $0x80, v6, vm0, $0xb8;
	[tilespmem:$0x1C180] =	vst v63  }
0x614: {  	s21 =	simm.s32 $0xD980  }
0x615: {  	[tilespmem:s21], [sflag:$0x4] =	stream.indirect_vreg.gather [hbm4b:s23+s16], $0x80, v6, vm0, $0xb8;
	[tilespmem:$0x1C180] =	vst v63  }
0x616: {  	s30 =	simm.s32 $0xE180  }
0x617: {  	[tilespmem:s30], [sflag:$0x4] =	stream.indirect_vreg.gather [hbm4b:s24+s16], $0x80, v6, vm0, $0xb8;
	[tilespmem:$0x1C180] =	vst v63  }
0x618: {  	s18 =	simm.s32 $0xE980  }
0x619: {  	[tilespmem:s18], [sflag:$0x4] =	stream.indirect_vreg.gather [hbm4b:s25+s16], $0x80, v6, vm0, $0xb8;
	[tilespmem:$0x1C180] =	vst v63  }
0x61a: {  	s21 =	simm.s32 $0xF180  }
0x61b: {  	[tilespmem:s21], [sflag:$0x4] =	stream.indirect_vreg.gather [hbm4b:s26+s16], $0x80, v6, vm0, $0xb8;
	[tilespmem:$0x1C180] =	vst v63  }
0x61c: {  	s30 =	simm.s32 $0xF980  }
0x61d: {  	[tilespmem:s30], [sflag:$0x4] =	stream.indirect_vreg.gather [hbm4b:s28+s16], $0x80, v6, vm0, $0xb8;
	[tilespmem:$0x1C180] =	vst v63  }
0x61e: {  	_ =	swait.ge [sflag:s29], $0x4000  }
0x61f: {  	[sflag:s29] =	ssyncset.done $0x0  }
0x620: {  	s30 =	simm.s32 $0xC;
	[sflag:s29] =	ssyncadd.s32 $0xFFFFC000  }
0x621: {  	s17 =	simm.s32 $0x0;
	_ =	swait.ge [sflag:s30], $0x4000  }
0x622: {  	s18 =	sand.u32 $0x380, s17;
	s21 =	sand.u32 $0x3C00, s16;
	[sflag:s30] =	ssyncset.done $0x0  }
0x623: {  	s21 =	sor.u32 s18, s21;
	[sflag:s30] =	ssyncadd.s32 $0xFFFFC000  }
0x624: {  	v6 =	vld [tilespmem:s21+$0x181F0]  }
0x625: {  	v9 =	vld [tilespmem:s21+$0x18180]  }
0x626: {  	v10 =	vld [tilespmem:s21+$0x18190]  }
0x627: {  	v11 =	vld [tilespmem:s21+$0x181A0]  }
0x628: {  	v12 =	vld [tilespmem:s21+$0x181B0]  }
0x629: {  	v8 =	vld [tilespmem:s21+$0x181C0]  }
0x62a: {  	v7 =	vld [tilespmem:s21+$0x181E0]  }
0x62b: {  	[tilespmem:s21+$0x1F0] =	vst.add.f32.msk $0xffff, v6  }
0x62c: {  	v6 =	vld [tilespmem:s21+$0x181D0]  }
0x62d: {  	[tilespmem:s21+$0x180] =	vst.add.f32.msk $0xffff, v9  }
0x62e: {  	[tilespmem:s21+$0x190] =	vst.add.f32.msk $0xffff, v10  }
0x62f: {  	[tilespmem:s21+$0x1A0] =	vst.add.f32.msk $0xffff, v11  }
0x630: {  	[tilespmem:s21+$0x1B0] =	vst.add.f32.msk $0xffff, v12  }
.LBB2_42:
0x631: {  	s17 =	sadd.s32 $0x8, s17;
	[tilespmem:s21+$0x1C0] =	vst.add.f32.msk $0xffff, v8;
	s16 =	sadd.s32 $0x400, s16  }
0x632: {  	s18 =	sand.u32 $0x380, s17;
	s30 =	sand.u32 $0x3C00, s16;
	p0 =	slt.u32 s17, $0x3F8;
	[tilespmem:s21+$0x1D0] =	vst.add.f32.msk $0xffff, v6  }
0x633: {  	[tilespmem:s21+$0x1E0] =	vst.add.f32.msk $0xffff, v7;
	s21 =	sor.u32 s18, s30  }
0x634: {  	v6 =	vld [tilespmem:s21+$0x181F0]  }
0x635: {  	v9 =	vld [tilespmem:s21+$0x18180]  }
0x636: {  	v10 =	vld [tilespmem:s21+$0x18190]  }
0x637: {  	v11 =	vld [tilespmem:s21+$0x181A0]  }
0x638: {  	v12 =	vld [tilespmem:s21+$0x181B0]  }
0x639: {  	[tilespmem:s21+$0x1F0] =	vst.add.f32.msk $0xffff, v6  }
0x63a: {  	v8 =	vld [tilespmem:s21+$0x181C0]  }
0x63b: {  	v6 =	vld [tilespmem:s21+$0x181D0]  }
.Ltmp20:
0x63c: {  	v7 =	vld [tilespmem:s21+$0x181E0];
	(pc) =	sbr.rel @p0 .LBB2_42-.Ltmp20, $4  }
0x63d: {  	[tilespmem:s21+$0x180] =	vst.add.f32.msk $0xffff, v9  }
0x63e: {  	[tilespmem:s21+$0x190] =	vst.add.f32.msk $0xffff, v10  }
0x63f: {  	[tilespmem:s21+$0x1A0] =	vst.add.f32.msk $0xffff, v11  }
0x640: {  	[tilespmem:s21+$0x1B0] =	vst.add.f32.msk $0xffff, v12  }
0x641: {  	[tilespmem:s21+$0x1C0] =	vst.add.f32.msk $0xffff, v8  }
0x642: {  	[tilespmem:s21+$0x1D0] =	vst.add.f32.msk $0xffff, v6  }
0x643: {  	[tilespmem:s21+$0x1E0] =	vst.add.f32.msk $0xffff, v7  }
0x644: {  	s16 =	simm.s32 $0x0;
	s18 =	simm.s32 $0x180;
	s17 =	rddreg [dreg:$0x1e]  }
0x645: {  	[hbm4b:s17+s16] =	stream.linear.scatter [tilespmem:s18], [sflag:$0x6], $0x4000, $0x38;
	[tilespmem:$0x1C180] =	vst v63  }
0x646: {  	_ =	swait.ge [sflag:s19], $0x4000  }
0x647: {  	[sflag:s19] =	ssyncset.done $0x0  }
0x648: {  	[sflag:s19] =	ssyncadd.s32 $0xFFFFC000  }
0x649: {  	v6 =	vld.msk [tilespmem:$0x30], $0xff;
	_ =	sdelay $0x4  }
0x64a: {  	v7 =	vshll.u32 v6, $0x4  }
0x64b: {  	v6 =	vand.u32 $0x7, v6;
	v7 =	vand.u32 $0xFFFFFF80, v7  }
0x64c: {  	v6 =	vor.u32 v6, v7  }
0x64d: {  	v6 =	vperm.xlane v6, v4;
	_ =	sdelay $0x1  }
0x64e: {  	v6 =	vadd.s32 v5, v6;
	_ =	sdelay $0x3  }
0x64f: {  	s30 =	simm.s32 $0x10180  }
0x650: {  	[tilespmem:s30], [sflag:$0x5] =	stream.indirect_vreg.gather [hbm4b:s1+s16], $0x80, v6, vm0, $0xb8;
	[tilespmem:$0x1C180] =	vst v63  }
0x651: {  	s18 =	simm.s32 $0x10980  }
0x652: {  	[tilespmem:s18], [sflag:$0x5] =	stream.indirect_vreg.gather [hbm4b:s20+s16], $0x80, v6, vm0, $0xb8;
	[tilespmem:$0x1C180] =	vst v63  }
0x653: {  	s21 =	simm.s32 $0x11180  }
0x654: {  	[tilespmem:s21], [sflag:$0x5] =	stream.indirect_vreg.gather [hbm4b:s22+s16], $0x80, v6, vm0, $0xb8;
	[tilespmem:$0x1C180] =	vst v63  }
0x655: {  	s30 =	simm.s32 $0x11980  }
0x656: {  	[tilespmem:s30], [sflag:$0x5] =	stream.indirect_vreg.gather [hbm4b:s23+s16], $0x80, v6, vm0, $0xb8;
	[tilespmem:$0x1C180] =	vst v63  }
0x657: {  	s18 =	simm.s32 $0x12180  }
0x658: {  	[tilespmem:s18], [sflag:$0x5] =	stream.indirect_vreg.gather [hbm4b:s24+s16], $0x80, v6, vm0, $0xb8;
	[tilespmem:$0x1C180] =	vst v63  }
0x659: {  	s21 =	simm.s32 $0x12980  }
0x65a: {  	[tilespmem:s21], [sflag:$0x5] =	stream.indirect_vreg.gather [hbm4b:s25+s16], $0x80, v6, vm0, $0xb8;
	[tilespmem:$0x1C180] =	vst v63  }
0x65b: {  	s30 =	simm.s32 $0x13180  }
0x65c: {  	[tilespmem:s30], [sflag:$0x5] =	stream.indirect_vreg.gather [hbm4b:s26+s16], $0x80, v6, vm0, $0xb8;
	[tilespmem:$0x1C180] =	vst v63  }
0x65d: {  	s18 =	simm.s32 $0x13980  }
0x65e: {  	[tilespmem:s18], [sflag:$0x5] =	stream.indirect_vreg.gather [hbm4b:s28+s16], $0x80, v6, vm0, $0xb8;
	[tilespmem:$0x1C180] =	vst v63  }
0x65f: {  	s17 =	simm.s32 $0x0;
	_ =	swait.ge [sflag:s6], $0x4000  }
0x660: {  	s21 =	sand.u32 $0x380, s17;
	s30 =	sand.u32 $0x3C00, s16;
	[sflag:s6] =	ssyncset.done $0x0  }
0x661: {  	s21 =	sor.u32 s21, s30;
	[sflag:s6] =	ssyncadd.s32 $0xFFFFC000  }
0x662: {  	v6 =	vld [tilespmem:s21+$0x181F0]  }
0x663: {  	v9 =	vld [tilespmem:s21+$0x18180]  }
0x664: {  	v10 =	vld [tilespmem:s21+$0x18190]  }
0x665: {  	v11 =	vld [tilespmem:s21+$0x181A0]  }
0x666: {  	v12 =	vld [tilespmem:s21+$0x181B0]  }
0x667: {  	v8 =	vld [tilespmem:s21+$0x181C0]  }
0x668: {  	v7 =	vld [tilespmem:s21+$0x181E0]  }
0x669: {  	[tilespmem:s21+$0x41F0] =	vst.add.f32.msk $0xffff, v6  }
0x66a: {  	v6 =	vld [tilespmem:s21+$0x181D0]  }
0x66b: {  	[tilespmem:s21+$0x4180] =	vst.add.f32.msk $0xffff, v9  }
0x66c: {  	[tilespmem:s21+$0x4190] =	vst.add.f32.msk $0xffff, v10  }
0x66d: {  	[tilespmem:s21+$0x41A0] =	vst.add.f32.msk $0xffff, v11  }
0x66e: {  	[tilespmem:s21+$0x41B0] =	vst.add.f32.msk $0xffff, v12  }
.LBB2_44:
0x66f: {  	s17 =	sadd.s32 $0x8, s17;
	[tilespmem:s21+$0x41C0] =	vst.add.f32.msk $0xffff, v8;
	s16 =	sadd.s32 $0x400, s16  }
0x670: {  	s18 =	sand.u32 $0x380, s17;
	s30 =	sand.u32 $0x3C00, s16;
	p0 =	slt.u32 s17, $0x3F8;
	[tilespmem:s21+$0x41D0] =	vst.add.f32.msk $0xffff, v6  }
0x671: {  	[tilespmem:s21+$0x41E0] =	vst.add.f32.msk $0xffff, v7;
	s21 =	sor.u32 s18, s30  }
0x672: {  	v6 =	vld [tilespmem:s21+$0x181F0]  }
0x673: {  	v9 =	vld [tilespmem:s21+$0x18180]  }
0x674: {  	v10 =	vld [tilespmem:s21+$0x18190]  }
0x675: {  	v11 =	vld [tilespmem:s21+$0x181A0]  }
0x676: {  	v12 =	vld [tilespmem:s21+$0x181B0]  }
0x677: {  	[tilespmem:s21+$0x41F0] =	vst.add.f32.msk $0xffff, v6  }
0x678: {  	v8 =	vld [tilespmem:s21+$0x181C0]  }
0x679: {  	v6 =	vld [tilespmem:s21+$0x181D0]  }
.Ltmp21:
0x67a: {  	v7 =	vld [tilespmem:s21+$0x181E0];
	(pc) =	sbr.rel @p0 .LBB2_44-.Ltmp21, $4  }
0x67b: {  	[tilespmem:s21+$0x4180] =	vst.add.f32.msk $0xffff, v9  }
0x67c: {  	[tilespmem:s21+$0x4190] =	vst.add.f32.msk $0xffff, v10  }
0x67d: {  	[tilespmem:s21+$0x41A0] =	vst.add.f32.msk $0xffff, v11  }
0x67e: {  	[tilespmem:s21+$0x41B0] =	vst.add.f32.msk $0xffff, v12  }
0x67f: {  	[tilespmem:s21+$0x41C0] =	vst.add.f32.msk $0xffff, v8  }
0x680: {  	[tilespmem:s21+$0x41D0] =	vst.add.f32.msk $0xffff, v6  }
0x681: {  	[tilespmem:s21+$0x41E0] =	vst.add.f32.msk $0xffff, v7  }
0x682: {  	s16 =	simm.s32 $0x0;
	s18 =	simm.s32 $0x4180;
	s17 =	rddreg [dreg:$0x1f]  }
0x683: {  	[hbm4b:s17+s16] =	stream.linear.scatter [tilespmem:s18], [sflag:$0x7], $0x4000, $0x38;
	[tilespmem:$0x1C180] =	vst v63  }
0x684: {  	_ =	swait.ge [sflag:s31], $0x4000  }
0x685: {  	[sflag:s31] =	ssyncset.done $0x0  }
0x686: {  	[sflag:s31] =	ssyncadd.s32 $0xFFFFC000  }
0x687: {  	v6 =	vld.msk [tilespmem:$0x70], $0xff;
	_ =	sdelay $0x4  }
0x688: {  	v7 =	vshll.u32 v6, $0x4  }
0x689: {  	v6 =	vand.u32 $0x7, v6;
	v7 =	vand.u32 $0xFFFFFF80, v7  }
0x68a: {  	v6 =	vor.u32 v6, v7  }
0x68b: {  	v6 =	vperm.xlane v6, v4;
	_ =	sdelay $0x1  }
0x68c: {  	v6 =	vadd.s32 v5, v6;
	_ =	sdelay $0x3  }
0x68d: {  	s30 =	simm.s32 $0x180  }
0x68e: {  	[tilespmem:s30], [sflag:$0x1] =	stream.indirect_vreg.gather [hbm4b:s1+s16], $0x80, v6, vm0, $0xb8;
	[tilespmem:$0x1C180] =	vst v63  }
0x68f: {  	s18 =	simm.s32 $0x980  }
0x690: {  	[tilespmem:s18], [sflag:$0x1] =	stream.indirect_vreg.gather [hbm4b:s20+s16], $0x80, v6, vm0, $0xb8;
	[tilespmem:$0x1C180] =	vst v63  }
0x691: {  	s21 =	simm.s32 $0x1180  }
0x692: {  	[tilespmem:s21], [sflag:$0x1] =	stream.indirect_vreg.gather [hbm4b:s22+s16], $0x80, v6, vm0, $0xb8;
	[tilespmem:$0x1C180] =	vst v63  }
0x693: {  	s30 =	simm.s32 $0x1980  }
0x694: {  	[tilespmem:s30], [sflag:$0x1] =	stream.indirect_vreg.gather [hbm4b:s23+s16], $0x80, v6, vm0, $0xb8;
	[tilespmem:$0x1C180] =	vst v63  }
0x695: {  	s18 =	simm.s32 $0x2180  }
0x696: {  	[tilespmem:s18], [sflag:$0x1] =	stream.indirect_vreg.gather [hbm4b:s24+s16], $0x80, v6, vm0, $0xb8;
	[tilespmem:$0x1C180] =	vst v63  }
0x697: {  	s21 =	simm.s32 $0x2980  }
0x698: {  	[tilespmem:s21], [sflag:$0x1] =	stream.indirect_vreg.gather [hbm4b:s25+s16], $0x80, v6, vm0, $0xb8;
	[tilespmem:$0x1C180] =	vst v63  }
0x699: {  	s30 =	simm.s32 $0x3180  }
0x69a: {  	[tilespmem:s30], [sflag:$0x1] =	stream.indirect_vreg.gather [hbm4b:s26+s16], $0x80, v6, vm0, $0xb8;
	[tilespmem:$0x1C180] =	vst v63  }
0x69b: {  	s18 =	simm.s32 $0x3980  }
0x69c: {  	[tilespmem:s18], [sflag:$0x1] =	stream.indirect_vreg.gather [hbm4b:s28+s16], $0x80, v6, vm0, $0xb8;
	[tilespmem:$0x1C180] =	vst v63  }
0x69d: {  	s17 =	simm.s32 $0x0;
	_ =	swait.ge [sflag:s7], $0x4000  }
0x69e: {  	s21 =	sand.u32 $0x380, s17;
	s30 =	sand.u32 $0x3C00, s16;
	[sflag:s7] =	ssyncset.done $0x0  }
0x69f: {  	s21 =	sor.u32 s21, s30;
	[sflag:s7] =	ssyncadd.s32 $0xFFFFC000  }
0x6a0: {  	v6 =	vld [tilespmem:s21+$0x181F0]  }
0x6a1: {  	v9 =	vld [tilespmem:s21+$0x18180]  }
0x6a2: {  	v10 =	vld [tilespmem:s21+$0x18190]  }
0x6a3: {  	v11 =	vld [tilespmem:s21+$0x181A0]  }
0x6a4: {  	v12 =	vld [tilespmem:s21+$0x181B0]  }
0x6a5: {  	v8 =	vld [tilespmem:s21+$0x181C0]  }
0x6a6: {  	v7 =	vld [tilespmem:s21+$0x181E0]  }
0x6a7: {  	[tilespmem:s21+$0x81F0] =	vst.add.f32.msk $0xffff, v6  }
0x6a8: {  	v6 =	vld [tilespmem:s21+$0x181D0]  }
0x6a9: {  	[tilespmem:s21+$0x8180] =	vst.add.f32.msk $0xffff, v9  }
0x6aa: {  	[tilespmem:s21+$0x8190] =	vst.add.f32.msk $0xffff, v10  }
0x6ab: {  	[tilespmem:s21+$0x81A0] =	vst.add.f32.msk $0xffff, v11  }
0x6ac: {  	[tilespmem:s21+$0x81B0] =	vst.add.f32.msk $0xffff, v12  }
.LBB2_46:
0x6ad: {  	s17 =	sadd.s32 $0x8, s17;
	[tilespmem:s21+$0x81C0] =	vst.add.f32.msk $0xffff, v8;
	s16 =	sadd.s32 $0x400, s16  }
0x6ae: {  	s18 =	sand.u32 $0x380, s17;
	s30 =	sand.u32 $0x3C00, s16;
	p0 =	slt.u32 s17, $0x3F8;
	[tilespmem:s21+$0x81D0] =	vst.add.f32.msk $0xffff, v6  }
0x6af: {  	[tilespmem:s21+$0x81E0] =	vst.add.f32.msk $0xffff, v7;
	s21 =	sor.u32 s18, s30  }
0x6b0: {  	v6 =	vld [tilespmem:s21+$0x181F0]  }
0x6b1: {  	v9 =	vld [tilespmem:s21+$0x18180]  }
0x6b2: {  	v10 =	vld [tilespmem:s21+$0x18190]  }
0x6b3: {  	v11 =	vld [tilespmem:s21+$0x181A0]  }
0x6b4: {  	v12 =	vld [tilespmem:s21+$0x181B0]  }
0x6b5: {  	[tilespmem:s21+$0x81F0] =	vst.add.f32.msk $0xffff, v6  }
0x6b6: {  	v8 =	vld [tilespmem:s21+$0x181C0]  }
0x6b7: {  	v6 =	vld [tilespmem:s21+$0x181D0]  }
.Ltmp22:
0x6b8: {  	v7 =	vld [tilespmem:s21+$0x181E0];
	(pc) =	sbr.rel @p0 .LBB2_46-.Ltmp22, $4  }
0x6b9: {  	[tilespmem:s21+$0x8180] =	vst.add.f32.msk $0xffff, v9  }
0x6ba: {  	[tilespmem:s21+$0x8190] =	vst.add.f32.msk $0xffff, v10  }
0x6bb: {  	[tilespmem:s21+$0x81A0] =	vst.add.f32.msk $0xffff, v11  }
0x6bc: {  	[tilespmem:s21+$0x81B0] =	vst.add.f32.msk $0xffff, v12  }
0x6bd: {  	[tilespmem:s21+$0x81C0] =	vst.add.f32.msk $0xffff, v8  }
0x6be: {  	[tilespmem:s21+$0x81D0] =	vst.add.f32.msk $0xffff, v6  }
0x6bf: {  	[tilespmem:s21+$0x81E0] =	vst.add.f32.msk $0xffff, v7  }
0x6c0: {  	s17 =	sld [smem:$0x7F4];
	_ =	sdelay $0x1  }
0x6c1: {  	s16 =	simm.s32 $0x0;
	s18 =	simm.s32 $0x8180  }
0x6c2: {  	[hbm4b:s17+s16] =	stream.linear.scatter [tilespmem:s18], [sflag:$0x8], $0x4000, $0x38;
	[tilespmem:$0x1C180] =	vst v63  }
0x6c3: {  	_ =	swait.ge [sflag:s0], $0x4000  }
0x6c4: {  	[sflag:s0] =	ssyncset.done $0x0  }
0x6c5: {  	[sflag:s0] =	ssyncadd.s32 $0xFFFFC000  }
0x6c6: {  	v6 =	vld.msk [tilespmem:$0xB0], $0xff;
	_ =	sdelay $0x4  }
0x6c7: {  	v7 =	vshll.u32 v6, $0x4  }
0x6c8: {  	v6 =	vand.u32 $0x7, v6;
	v7 =	vand.u32 $0xFFFFFF80, v7  }
0x6c9: {  	v6 =	vor.u32 v6, v7  }
0x6ca: {  	v6 =	vperm.xlane v6, v4;
	_ =	sdelay $0x1  }
0x6cb: {  	v6 =	vadd.s32 v5, v6;
	_ =	sdelay $0x3  }
0x6cc: {  	s30 =	simm.s32 $0x4180  }
0x6cd: {  	[tilespmem:s30], [sflag:$0x2] =	stream.indirect_vreg.gather [hbm4b:s1+s16], $0x80, v6, vm0, $0xb8;
	[tilespmem:$0x1C180] =	vst v63  }
0x6ce: {  	s18 =	simm.s32 $0x4980  }
0x6cf: {  	[tilespmem:s18], [sflag:$0x2] =	stream.indirect_vreg.gather [hbm4b:s20+s16], $0x80, v6, vm0, $0xb8;
	[tilespmem:$0x1C180] =	vst v63  }
0x6d0: {  	s21 =	simm.s32 $0x5180  }
0x6d1: {  	[tilespmem:s21], [sflag:$0x2] =	stream.indirect_vreg.gather [hbm4b:s22+s16], $0x80, v6, vm0, $0xb8;
	[tilespmem:$0x1C180] =	vst v63  }
0x6d2: {  	s30 =	simm.s32 $0x5980  }
0x6d3: {  	[tilespmem:s30], [sflag:$0x2] =	stream.indirect_vreg.gather [hbm4b:s23+s16], $0x80, v6, vm0, $0xb8;
	[tilespmem:$0x1C180] =	vst v63  }
0x6d4: {  	s18 =	simm.s32 $0x6180  }
0x6d5: {  	[tilespmem:s18], [sflag:$0x2] =	stream.indirect_vreg.gather [hbm4b:s24+s16], $0x80, v6, vm0, $0xb8;
	[tilespmem:$0x1C180] =	vst v63  }
0x6d6: {  	s21 =	simm.s32 $0x6980  }
0x6d7: {  	[tilespmem:s21], [sflag:$0x2] =	stream.indirect_vreg.gather [hbm4b:s25+s16], $0x80, v6, vm0, $0xb8;
	[tilespmem:$0x1C180] =	vst v63  }
0x6d8: {  	s30 =	simm.s32 $0x7180  }
0x6d9: {  	[tilespmem:s30], [sflag:$0x2] =	stream.indirect_vreg.gather [hbm4b:s26+s16], $0x80, v6, vm0, $0xb8;
	[tilespmem:$0x1C180] =	vst v63  }
0x6da: {  	s18 =	simm.s32 $0x7980  }
0x6db: {  	[tilespmem:s18], [sflag:$0x2] =	stream.indirect_vreg.gather [hbm4b:s28+s16], $0x80, v6, vm0, $0xb8;
	[tilespmem:$0x1C180] =	vst v63  }
0x6dc: {  	s17 =	simm.s32 $0x0;
	_ =	swait.ge [sflag:s8], $0x4000  }
0x6dd: {  	s21 =	sand.u32 $0x380, s17;
	s30 =	sand.u32 $0x3C00, s16;
	[sflag:s8] =	ssyncset.done $0x0  }
0x6de: {  	s21 =	sor.u32 s21, s30;
	[sflag:s8] =	ssyncadd.s32 $0xFFFFC000  }
0x6df: {  	v6 =	vld [tilespmem:s21+$0x181F0]  }
0x6e0: {  	v9 =	vld [tilespmem:s21+$0x18180]  }
0x6e1: {  	v10 =	vld [tilespmem:s21+$0x18190]  }
0x6e2: {  	v11 =	vld [tilespmem:s21+$0x181A0]  }
0x6e3: {  	v12 =	vld [tilespmem:s21+$0x181B0]  }
0x6e4: {  	v8 =	vld [tilespmem:s21+$0x181C0]  }
0x6e5: {  	v7 =	vld [tilespmem:s21+$0x181E0]  }
0x6e6: {  	[tilespmem:s21+$0xC1F0] =	vst.add.f32.msk $0xffff, v6  }
0x6e7: {  	v6 =	vld [tilespmem:s21+$0x181D0]  }
0x6e8: {  	[tilespmem:s21+$0xC180] =	vst.add.f32.msk $0xffff, v9  }
0x6e9: {  	[tilespmem:s21+$0xC190] =	vst.add.f32.msk $0xffff, v10  }
0x6ea: {  	[tilespmem:s21+$0xC1A0] =	vst.add.f32.msk $0xffff, v11  }
0x6eb: {  	[tilespmem:s21+$0xC1B0] =	vst.add.f32.msk $0xffff, v12  }
.LBB2_48:
0x6ec: {  	s17 =	sadd.s32 $0x8, s17;
	[tilespmem:s21+$0xC1C0] =	vst.add.f32.msk $0xffff, v8;
	s16 =	sadd.s32 $0x400, s16  }
0x6ed: {  	s18 =	sand.u32 $0x380, s17;
	s30 =	sand.u32 $0x3C00, s16;
	p0 =	slt.u32 s17, $0x3F8;
	[tilespmem:s21+$0xC1D0] =	vst.add.f32.msk $0xffff, v6  }
0x6ee: {  	[tilespmem:s21+$0xC1E0] =	vst.add.f32.msk $0xffff, v7;
	s21 =	sor.u32 s18, s30  }
0x6ef: {  	v6 =	vld [tilespmem:s21+$0x181F0]  }
0x6f0: {  	v9 =	vld [tilespmem:s21+$0x18180]  }
0x6f1: {  	v10 =	vld [tilespmem:s21+$0x18190]  }
0x6f2: {  	v11 =	vld [tilespmem:s21+$0x181A0]  }
0x6f3: {  	v12 =	vld [tilespmem:s21+$0x181B0]  }
0x6f4: {  	[tilespmem:s21+$0xC1F0] =	vst.add.f32.msk $0xffff, v6  }
0x6f5: {  	v8 =	vld [tilespmem:s21+$0x181C0]  }
0x6f6: {  	v6 =	vld [tilespmem:s21+$0x181D0]  }
.Ltmp23:
0x6f7: {  	v7 =	vld [tilespmem:s21+$0x181E0];
	(pc) =	sbr.rel @p0 .LBB2_48-.Ltmp23, $4  }
0x6f8: {  	[tilespmem:s21+$0xC180] =	vst.add.f32.msk $0xffff, v9  }
0x6f9: {  	[tilespmem:s21+$0xC190] =	vst.add.f32.msk $0xffff, v10  }
0x6fa: {  	[tilespmem:s21+$0xC1A0] =	vst.add.f32.msk $0xffff, v11  }
0x6fb: {  	[tilespmem:s21+$0xC1B0] =	vst.add.f32.msk $0xffff, v12  }
0x6fc: {  	[tilespmem:s21+$0xC1C0] =	vst.add.f32.msk $0xffff, v8  }
0x6fd: {  	[tilespmem:s21+$0xC1D0] =	vst.add.f32.msk $0xffff, v6  }
0x6fe: {  	[tilespmem:s21+$0xC1E0] =	vst.add.f32.msk $0xffff, v7  }
0x6ff: {  	s17 =	sld [smem:$0x7F5];
	_ =	sdelay $0x1  }
0x700: {  	s16 =	simm.s32 $0x0;
	s18 =	simm.s32 $0xC180  }
0x701: {  	[hbm4b:s17+s16] =	stream.linear.scatter [tilespmem:s18], [sflag:$0x9], $0x4000, $0x38;
	[tilespmem:$0x1C180] =	vst v63  }
0x702: {  	v6 =	vld.msk [tilespmem:$0x138], $0xff;
	_ =	sdelay $0x4  }
0x703: {  	v7 =	vshll.u32 v6, $0x4  }
0x704: {  	v6 =	vand.u32 $0x7, v6;
	v7 =	vand.u32 $0xFFFFFF80, v7  }
0x705: {  	v6 =	vor.u32 v6, v7  }
0x706: {  	v6 =	vperm.xlane v6, v4;
	_ =	sdelay $0x1  }
0x707: {  	v6 =	vadd.s32 v5, v6;
	_ =	sdelay $0x3  }
0x708: {  	s21 =	rddreg [dreg:$0x2];
	s30 =	simm.s32 $0x18180  }
0x709: {  	[tilespmem:s30], [sflag:$0xC] =	stream.indirect_vreg.gather [hbm4b:s21+s16], $0x80, v6, vm0, $0xb8;
	[tilespmem:$0x1C180] =	vst v63  }
0x70a: {  	s18 =	simm.s32 $0x18980  }
0x70b: {  	[tilespmem:s18], [sflag:$0xC] =	stream.indirect_vreg.gather [hbm4b:s9+s16], $0x80, v6, vm0, $0xb8;
	[tilespmem:$0x1C180] =	vst v63  }
0x70c: {  	s21 =	simm.s32 $0x19180  }
0x70d: {  	[tilespmem:s21], [sflag:$0xC] =	stream.indirect_vreg.gather [hbm4b:s10+s16], $0x80, v6, vm0, $0xb8;
	[tilespmem:$0x1C180] =	vst v63  }
0x70e: {  	s30 =	simm.s32 $0x19980  }
0x70f: {  	[tilespmem:s30], [sflag:$0xC] =	stream.indirect_vreg.gather [hbm4b:s11+s16], $0x80, v6, vm0, $0xb8;
	[tilespmem:$0x1C180] =	vst v63  }
0x710: {  	s18 =	simm.s32 $0x1A180  }
0x711: {  	[tilespmem:s18], [sflag:$0xC] =	stream.indirect_vreg.gather [hbm4b:s12+s16], $0x80, v6, vm0, $0xb8;
	[tilespmem:$0x1C180] =	vst v63  }
0x712: {  	s21 =	simm.s32 $0x1A980  }
0x713: {  	[tilespmem:s21], [sflag:$0xC] =	stream.indirect_vreg.gather [hbm4b:s13+s16], $0x80, v6, vm0, $0xb8;
	[tilespmem:$0x1C180] =	vst v63  }
0x714: {  	s30 =	simm.s32 $0x1B180  }
0x715: {  	[tilespmem:s30], [sflag:$0xC] =	stream.indirect_vreg.gather [hbm4b:s14+s16], $0x80, v6, vm0, $0xb8;
	[tilespmem:$0x1C180] =	vst v63  }
0x716: {  	s18 =	simm.s32 $0x1B980  }
0x717: {  	[tilespmem:s18], [sflag:$0xC] =	stream.indirect_vreg.gather [hbm4b:s15+s16], $0x80, v6, vm0, $0xb8;
	[tilespmem:$0x1C180] =	vst v63  }
0x718: {  	_ =	swait.ge [sflag:s3], $0x4000  }
0x719: {  	[sflag:s3] =	ssyncset.done $0x0  }
0x71a: {  	[sflag:s3] =	ssyncadd.s32 $0xFFFFC000  }
0x71b: {  	v6 =	vld.msk [tilespmem:$0xF0], $0xff;
	_ =	sdelay $0x4  }
0x71c: {  	v7 =	vshll.u32 v6, $0x4  }
0x71d: {  	v6 =	vand.u32 $0x7, v6;
	v7 =	vand.u32 $0xFFFFFF80, v7  }
0x71e: {  	v6 =	vor.u32 v6, v7  }
0x71f: {  	v6 =	vperm.xlane v6, v4;
	_ =	sdelay $0x1  }
0x720: {  	v6 =	vadd.s32 v5, v6;
	_ =	sdelay $0x3  }
0x721: {  	s21 =	simm.s32 $0x8180  }
0x722: {  	[tilespmem:s21], [sflag:$0x3] =	stream.indirect_vreg.gather [hbm4b:s1+s16], $0x80, v6, vm0, $0xb8;
	[tilespmem:$0x1C180] =	vst v63  }
0x723: {  	s30 =	simm.s32 $0x8980  }
0x724: {  	[tilespmem:s30], [sflag:$0x3] =	stream.indirect_vreg.gather [hbm4b:s20+s16], $0x80, v6, vm0, $0xb8;
	[tilespmem:$0x1C180] =	vst v63  }
0x725: {  	s18 =	simm.s32 $0x9180  }
0x726: {  	[tilespmem:s18], [sflag:$0x3] =	stream.indirect_vreg.gather [hbm4b:s22+s16], $0x80, v6, vm0, $0xb8;
	[tilespmem:$0x1C180] =	vst v63  }
0x727: {  	s21 =	simm.s32 $0x9980  }
0x728: {  	[tilespmem:s21], [sflag:$0x3] =	stream.indirect_vreg.gather [hbm4b:s23+s16], $0x80, v6, vm0, $0xb8;
	[tilespmem:$0x1C180] =	vst v63  }
0x729: {  	s30 =	simm.s32 $0xA180  }
0x72a: {  	[tilespmem:s30], [sflag:$0x3] =	stream.indirect_vreg.gather [hbm4b:s24+s16], $0x80, v6, vm0, $0xb8;
	[tilespmem:$0x1C180] =	vst v63  }
0x72b: {  	s18 =	simm.s32 $0xA980  }
0x72c: {  	[tilespmem:s18], [sflag:$0x3] =	stream.indirect_vreg.gather [hbm4b:s25+s16], $0x80, v6, vm0, $0xb8;
	[tilespmem:$0x1C180] =	vst v63  }
0x72d: {  	s21 =	simm.s32 $0xB180  }
0x72e: {  	[tilespmem:s21], [sflag:$0x3] =	stream.indirect_vreg.gather [hbm4b:s26+s16], $0x80, v6, vm0, $0xb8;
	[tilespmem:$0x1C180] =	vst v63  }
0x72f: {  	s30 =	simm.s32 $0xB980  }
0x730: {  	[tilespmem:s30], [sflag:$0x3] =	stream.indirect_vreg.gather [hbm4b:s28+s16], $0x80, v6, vm0, $0xb8;
	[tilespmem:$0x1C180] =	vst v63  }
0x731: {  	_ =	swait.ge [sflag:s2], $0x4000  }
0x732: {  	[sflag:s2] =	ssyncset.done $0x0  }
0x733: {  	s30 =	simm.s32 $0xB;
	[sflag:s2] =	ssyncadd.s32 $0xFFFFC000  }
0x734: {  	s17 =	simm.s32 $0x0;
	_ =	swait.ge [sflag:s30], $0x4000  }
0x735: {  	s18 =	sand.u32 $0x380, s17;
	s21 =	sand.u32 $0x3C00, s16;
	[sflag:s30] =	ssyncset.done $0x0  }
0x736: {  	s21 =	sor.u32 s18, s21;
	[sflag:s30] =	ssyncadd.s32 $0xFFFFC000  }
0x737: {  	v6 =	vld [tilespmem:s21+$0x141F0]  }
0x738: {  	v9 =	vld [tilespmem:s21+$0x14180]  }
0x739: {  	v10 =	vld [tilespmem:s21+$0x14190]  }
0x73a: {  	v11 =	vld [tilespmem:s21+$0x141A0]  }
0x73b: {  	v12 =	vld [tilespmem:s21+$0x141B0]  }
0x73c: {  	v8 =	vld [tilespmem:s21+$0x141C0]  }
0x73d: {  	v7 =	vld [tilespmem:s21+$0x141E0]  }
0x73e: {  	[tilespmem:s21+$0x101F0] =	vst.add.f32.msk $0xffff, v6  }
0x73f: {  	v6 =	vld [tilespmem:s21+$0x141D0]  }
0x740: {  	[tilespmem:s21+$0x10180] =	vst.add.f32.msk $0xffff, v9  }
0x741: {  	[tilespmem:s21+$0x10190] =	vst.add.f32.msk $0xffff, v10  }
0x742: {  	[tilespmem:s21+$0x101A0] =	vst.add.f32.msk $0xffff, v11  }
0x743: {  	[tilespmem:s21+$0x101B0] =	vst.add.f32.msk $0xffff, v12  }
.LBB2_50:
0x744: {  	s17 =	sadd.s32 $0x8, s17;
	[tilespmem:s21+$0x101C0] =	vst.add.f32.msk $0xffff, v8;
	s16 =	sadd.s32 $0x400, s16  }
0x745: {  	s18 =	sand.u32 $0x380, s17;
	s30 =	sand.u32 $0x3C00, s16;
	p0 =	slt.u32 s17, $0x3F8;
	[tilespmem:s21+$0x101D0] =	vst.add.f32.msk $0xffff, v6  }
0x746: {  	[tilespmem:s21+$0x101E0] =	vst.add.f32.msk $0xffff, v7;
	s21 =	sor.u32 s18, s30  }
0x747: {  	v6 =	vld [tilespmem:s21+$0x141F0]  }
0x748: {  	v9 =	vld [tilespmem:s21+$0x14180]  }
0x749: {  	v10 =	vld [tilespmem:s21+$0x14190]  }
0x74a: {  	v11 =	vld [tilespmem:s21+$0x141A0]  }
0x74b: {  	v12 =	vld [tilespmem:s21+$0x141B0]  }
0x74c: {  	[tilespmem:s21+$0x101F0] =	vst.add.f32.msk $0xffff, v6  }
0x74d: {  	v8 =	vld [tilespmem:s21+$0x141C0]  }
0x74e: {  	v6 =	vld [tilespmem:s21+$0x141D0]  }
.Ltmp24:
0x74f: {  	v7 =	vld [tilespmem:s21+$0x141E0];
	(pc) =	sbr.rel @p0 .LBB2_50-.Ltmp24, $4  }
0x750: {  	[tilespmem:s21+$0x10180] =	vst.add.f32.msk $0xffff, v9  }
0x751: {  	[tilespmem:s21+$0x10190] =	vst.add.f32.msk $0xffff, v10  }
0x752: {  	[tilespmem:s21+$0x101A0] =	vst.add.f32.msk $0xffff, v11  }
0x753: {  	[tilespmem:s21+$0x101B0] =	vst.add.f32.msk $0xffff, v12  }
0x754: {  	[tilespmem:s21+$0x101C0] =	vst.add.f32.msk $0xffff, v8  }
0x755: {  	[tilespmem:s21+$0x101D0] =	vst.add.f32.msk $0xffff, v6  }
0x756: {  	[tilespmem:s21+$0x101E0] =	vst.add.f32.msk $0xffff, v7  }
0x757: {  	s17 =	sld [smem:$0x7F6];
	_ =	sdelay $0x1  }
0x758: {  	s16 =	simm.s32 $0x0;
	s18 =	simm.s32 $0x10180  }
0x759: {  	[hbm4b:s17+s16] =	stream.linear.scatter [tilespmem:s18], [sflag:$0xA], $0x4000, $0x38;
	[tilespmem:$0x1C180] =	vst v63  }
0x75a: {  	_ =	swait.ge [sflag:s5], $0x4000  }
0x75b: {  	[sflag:s5] =	ssyncset.done $0x0  }
0x75c: {  	[sflag:s5] =	ssyncadd.s32 $0xFFFFC000  }
0x75d: {  	v6 =	vld.msk [tilespmem:$0x38], $0xff;
	_ =	sdelay $0x4  }
0x75e: {  	v7 =	vshll.u32 v6, $0x4  }
0x75f: {  	v6 =	vand.u32 $0x7, v6;
	v7 =	vand.u32 $0xFFFFFF80, v7  }
0x760: {  	v6 =	vor.u32 v6, v7  }
0x761: {  	v6 =	vperm.xlane v6, v4;
	_ =	sdelay $0x1  }
0x762: {  	v6 =	vadd.s32 v5, v6;
	_ =	sdelay $0x3  }
0x763: {  	s30 =	simm.s32 $0xC180  }
0x764: {  	[tilespmem:s30], [sflag:$0x4] =	stream.indirect_vreg.gather [hbm4b:s1+s16], $0x80, v6, vm0, $0xb8;
	[tilespmem:$0x1C180] =	vst v63  }
0x765: {  	s18 =	simm.s32 $0xC980  }
0x766: {  	[tilespmem:s18], [sflag:$0x4] =	stream.indirect_vreg.gather [hbm4b:s20+s16], $0x80, v6, vm0, $0xb8;
	[tilespmem:$0x1C180] =	vst v63  }
0x767: {  	s21 =	simm.s32 $0xD180  }
0x768: {  	[tilespmem:s21], [sflag:$0x4] =	stream.indirect_vreg.gather [hbm4b:s22+s16], $0x80, v6, vm0, $0xb8;
	[tilespmem:$0x1C180] =	vst v63  }
0x769: {  	s30 =	simm.s32 $0xD980  }
0x76a: {  	[tilespmem:s30], [sflag:$0x4] =	stream.indirect_vreg.gather [hbm4b:s23+s16], $0x80, v6, vm0, $0xb8;
	[tilespmem:$0x1C180] =	vst v63  }
0x76b: {  	s18 =	simm.s32 $0xE180  }
0x76c: {  	[tilespmem:s18], [sflag:$0x4] =	stream.indirect_vreg.gather [hbm4b:s24+s16], $0x80, v6, vm0, $0xb8;
	[tilespmem:$0x1C180] =	vst v63  }
0x76d: {  	s21 =	simm.s32 $0xE980  }
0x76e: {  	[tilespmem:s21], [sflag:$0x4] =	stream.indirect_vreg.gather [hbm4b:s25+s16], $0x80, v6, vm0, $0xb8;
	[tilespmem:$0x1C180] =	vst v63  }
0x76f: {  	s30 =	simm.s32 $0xF180  }
0x770: {  	[tilespmem:s30], [sflag:$0x4] =	stream.indirect_vreg.gather [hbm4b:s26+s16], $0x80, v6, vm0, $0xb8;
	[tilespmem:$0x1C180] =	vst v63  }
0x771: {  	s18 =	simm.s32 $0xF980  }
0x772: {  	[tilespmem:s18], [sflag:$0x4] =	stream.indirect_vreg.gather [hbm4b:s28+s16], $0x80, v6, vm0, $0xb8;
	[tilespmem:$0x1C180] =	vst v63  }
0x773: {  	s17 =	simm.s32 $0x0;
	_ =	swait.ge [sflag:s29], $0x4000  }
0x774: {  	s21 =	sand.u32 $0x380, s17;
	s30 =	sand.u32 $0x3C00, s16;
	[sflag:s29] =	ssyncset.done $0x0  }
0x775: {  	s21 =	sor.u32 s21, s30;
	[sflag:s29] =	ssyncadd.s32 $0xFFFFC000  }
0x776: {  	v6 =	vld [tilespmem:s21+$0x141F0]  }
0x777: {  	v9 =	vld [tilespmem:s21+$0x14180]  }
0x778: {  	v10 =	vld [tilespmem:s21+$0x14190]  }
0x779: {  	v11 =	vld [tilespmem:s21+$0x141A0]  }
0x77a: {  	v12 =	vld [tilespmem:s21+$0x141B0]  }
0x77b: {  	v8 =	vld [tilespmem:s21+$0x141C0]  }
0x77c: {  	v7 =	vld [tilespmem:s21+$0x141E0]  }
0x77d: {  	[tilespmem:s21+$0x1F0] =	vst.add.f32.msk $0xffff, v6  }
0x77e: {  	v6 =	vld [tilespmem:s21+$0x141D0]  }
0x77f: {  	[tilespmem:s21+$0x180] =	vst.add.f32.msk $0xffff, v9  }
0x780: {  	[tilespmem:s21+$0x190] =	vst.add.f32.msk $0xffff, v10  }
0x781: {  	[tilespmem:s21+$0x1A0] =	vst.add.f32.msk $0xffff, v11  }
0x782: {  	[tilespmem:s21+$0x1B0] =	vst.add.f32.msk $0xffff, v12  }
.LBB2_52:
0x783: {  	s17 =	sadd.s32 $0x8, s17;
	[tilespmem:s21+$0x1C0] =	vst.add.f32.msk $0xffff, v8;
	s16 =	sadd.s32 $0x400, s16  }
0x784: {  	s18 =	sand.u32 $0x380, s17;
	s30 =	sand.u32 $0x3C00, s16;
	p0 =	slt.u32 s17, $0x3F8;
	[tilespmem:s21+$0x1D0] =	vst.add.f32.msk $0xffff, v6  }
0x785: {  	[tilespmem:s21+$0x1E0] =	vst.add.f32.msk $0xffff, v7;
	s21 =	sor.u32 s18, s30  }
0x786: {  	v6 =	vld [tilespmem:s21+$0x141F0]  }
0x787: {  	v9 =	vld [tilespmem:s21+$0x14180]  }
0x788: {  	v10 =	vld [tilespmem:s21+$0x14190]  }
0x789: {  	v11 =	vld [tilespmem:s21+$0x141A0]  }
0x78a: {  	v12 =	vld [tilespmem:s21+$0x141B0]  }
0x78b: {  	[tilespmem:s21+$0x1F0] =	vst.add.f32.msk $0xffff, v6  }
0x78c: {  	v8 =	vld [tilespmem:s21+$0x141C0]  }
0x78d: {  	v6 =	vld [tilespmem:s21+$0x141D0]  }
.Ltmp25:
0x78e: {  	v7 =	vld [tilespmem:s21+$0x141E0];
	(pc) =	sbr.rel @p0 .LBB2_52-.Ltmp25, $4  }
0x78f: {  	[tilespmem:s21+$0x180] =	vst.add.f32.msk $0xffff, v9  }
0x790: {  	[tilespmem:s21+$0x190] =	vst.add.f32.msk $0xffff, v10  }
0x791: {  	[tilespmem:s21+$0x1A0] =	vst.add.f32.msk $0xffff, v11  }
0x792: {  	[tilespmem:s21+$0x1B0] =	vst.add.f32.msk $0xffff, v12  }
0x793: {  	[tilespmem:s21+$0x1C0] =	vst.add.f32.msk $0xffff, v8  }
0x794: {  	[tilespmem:s21+$0x1D0] =	vst.add.f32.msk $0xffff, v6  }
0x795: {  	[tilespmem:s21+$0x1E0] =	vst.add.f32.msk $0xffff, v7  }
0x796: {  	s17 =	sld [smem:$0x7F7];
	_ =	sdelay $0x1  }
0x797: {  	s16 =	simm.s32 $0x0;
	s18 =	simm.s32 $0x180  }
0x798: {  	[hbm4b:s17+s16] =	stream.linear.scatter [tilespmem:s18], [sflag:$0x6], $0x4000, $0x38;
	[tilespmem:$0x1C180] =	vst v63  }
0x799: {  	_ =	swait.ge [sflag:s19], $0x4000  }
0x79a: {  	[sflag:s19] =	ssyncset.done $0x0  }
0x79b: {  	[sflag:s19] =	ssyncadd.s32 $0xFFFFC000  }
0x79c: {  	v6 =	vld.msk [tilespmem:$0x78], $0xff;
	_ =	sdelay $0x4  }
0x79d: {  	v7 =	vshll.u32 v6, $0x4  }
0x79e: {  	v6 =	vand.u32 $0x7, v6;
	v7 =	vand.u32 $0xFFFFFF80, v7  }
0x79f: {  	v6 =	vor.u32 v6, v7  }
0x7a0: {  	v6 =	vperm.xlane v6, v4;
	_ =	sdelay $0x1  }
0x7a1: {  	v6 =	vadd.s32 v5, v6;
	_ =	sdelay $0x3  }
0x7a2: {  	s30 =	simm.s32 $0x10180  }
0x7a3: {  	[tilespmem:s30], [sflag:$0x5] =	stream.indirect_vreg.gather [hbm4b:s1+s16], $0x80, v6, vm0, $0xb8;
	[tilespmem:$0x1C180] =	vst v63  }
0x7a4: {  	s18 =	simm.s32 $0x10980  }
0x7a5: {  	[tilespmem:s18], [sflag:$0x5] =	stream.indirect_vreg.gather [hbm4b:s20+s16], $0x80, v6, vm0, $0xb8;
	[tilespmem:$0x1C180] =	vst v63  }
0x7a6: {  	s21 =	simm.s32 $0x11180  }
0x7a7: {  	[tilespmem:s21], [sflag:$0x5] =	stream.indirect_vreg.gather [hbm4b:s22+s16], $0x80, v6, vm0, $0xb8;
	[tilespmem:$0x1C180] =	vst v63  }
0x7a8: {  	s30 =	simm.s32 $0x11980  }
0x7a9: {  	[tilespmem:s30], [sflag:$0x5] =	stream.indirect_vreg.gather [hbm4b:s23+s16], $0x80, v6, vm0, $0xb8;
	[tilespmem:$0x1C180] =	vst v63  }
0x7aa: {  	s18 =	simm.s32 $0x12180  }
0x7ab: {  	[tilespmem:s18], [sflag:$0x5] =	stream.indirect_vreg.gather [hbm4b:s24+s16], $0x80, v6, vm0, $0xb8;
	[tilespmem:$0x1C180] =	vst v63  }
0x7ac: {  	s21 =	simm.s32 $0x12980  }
0x7ad: {  	[tilespmem:s21], [sflag:$0x5] =	stream.indirect_vreg.gather [hbm4b:s25+s16], $0x80, v6, vm0, $0xb8;
	[tilespmem:$0x1C180] =	vst v63  }
0x7ae: {  	s30 =	simm.s32 $0x13180  }
0x7af: {  	[tilespmem:s30], [sflag:$0x5] =	stream.indirect_vreg.gather [hbm4b:s26+s16], $0x80, v6, vm0, $0xb8;
	[tilespmem:$0x1C180] =	vst v63  }
0x7b0: {  	s18 =	simm.s32 $0x13980  }
0x7b1: {  	[tilespmem:s18], [sflag:$0x5] =	stream.indirect_vreg.gather [hbm4b:s28+s16], $0x80, v6, vm0, $0xb8;
	[tilespmem:$0x1C180] =	vst v63  }
0x7b2: {  	s17 =	simm.s32 $0x0;
	_ =	swait.ge [sflag:s6], $0x4000  }
0x7b3: {  	s21 =	sand.u32 $0x380, s17;
	s30 =	sand.u32 $0x3C00, s16;
	[sflag:s6] =	ssyncset.done $0x0  }
0x7b4: {  	s21 =	sor.u32 s21, s30;
	[sflag:s6] =	ssyncadd.s32 $0xFFFFC000  }
0x7b5: {  	v6 =	vld [tilespmem:s21+$0x141F0]  }
0x7b6: {  	v9 =	vld [tilespmem:s21+$0x14180]  }
0x7b7: {  	v10 =	vld [tilespmem:s21+$0x14190]  }
0x7b8: {  	v11 =	vld [tilespmem:s21+$0x141A0]  }
0x7b9: {  	v12 =	vld [tilespmem:s21+$0x141B0]  }
0x7ba: {  	v8 =	vld [tilespmem:s21+$0x141C0]  }
0x7bb: {  	v7 =	vld [tilespmem:s21+$0x141E0]  }
0x7bc: {  	[tilespmem:s21+$0x41F0] =	vst.add.f32.msk $0xffff, v6  }
0x7bd: {  	v6 =	vld [tilespmem:s21+$0x141D0]  }
0x7be: {  	[tilespmem:s21+$0x4180] =	vst.add.f32.msk $0xffff, v9  }
0x7bf: {  	[tilespmem:s21+$0x4190] =	vst.add.f32.msk $0xffff, v10  }
0x7c0: {  	[tilespmem:s21+$0x41A0] =	vst.add.f32.msk $0xffff, v11  }
0x7c1: {  	[tilespmem:s21+$0x41B0] =	vst.add.f32.msk $0xffff, v12  }
.LBB2_54:
0x7c2: {  	s17 =	sadd.s32 $0x8, s17;
	[tilespmem:s21+$0x41C0] =	vst.add.f32.msk $0xffff, v8;
	s16 =	sadd.s32 $0x400, s16  }
0x7c3: {  	s18 =	sand.u32 $0x380, s17;
	s30 =	sand.u32 $0x3C00, s16;
	p0 =	slt.u32 s17, $0x3F8;
	[tilespmem:s21+$0x41D0] =	vst.add.f32.msk $0xffff, v6  }
0x7c4: {  	[tilespmem:s21+$0x41E0] =	vst.add.f32.msk $0xffff, v7;
	s21 =	sor.u32 s18, s30  }
0x7c5: {  	v6 =	vld [tilespmem:s21+$0x141F0]  }
0x7c6: {  	v9 =	vld [tilespmem:s21+$0x14180]  }
0x7c7: {  	v10 =	vld [tilespmem:s21+$0x14190]  }
0x7c8: {  	v11 =	vld [tilespmem:s21+$0x141A0]  }
0x7c9: {  	v12 =	vld [tilespmem:s21+$0x141B0]  }
0x7ca: {  	[tilespmem:s21+$0x41F0] =	vst.add.f32.msk $0xffff, v6  }
0x7cb: {  	v8 =	vld [tilespmem:s21+$0x141C0]  }
0x7cc: {  	v6 =	vld [tilespmem:s21+$0x141D0]  }
.Ltmp26:
0x7cd: {  	v7 =	vld [tilespmem:s21+$0x141E0];
	(pc) =	sbr.rel @p0 .LBB2_54-.Ltmp26, $4  }
0x7ce: {  	[tilespmem:s21+$0x4180] =	vst.add.f32.msk $0xffff, v9  }
0x7cf: {  	[tilespmem:s21+$0x4190] =	vst.add.f32.msk $0xffff, v10  }
0x7d0: {  	[tilespmem:s21+$0x41A0] =	vst.add.f32.msk $0xffff, v11  }
0x7d1: {  	[tilespmem:s21+$0x41B0] =	vst.add.f32.msk $0xffff, v12  }
0x7d2: {  	[tilespmem:s21+$0x41C0] =	vst.add.f32.msk $0xffff, v8  }
0x7d3: {  	[tilespmem:s21+$0x41D0] =	vst.add.f32.msk $0xffff, v6  }
0x7d4: {  	[tilespmem:s21+$0x41E0] =	vst.add.f32.msk $0xffff, v7  }
0x7d5: {  	s17 =	sld [smem:$0x7F8];
	_ =	sdelay $0x1  }
0x7d6: {  	s16 =	simm.s32 $0x0;
	s18 =	simm.s32 $0x4180  }
0x7d7: {  	[hbm4b:s17+s16] =	stream.linear.scatter [tilespmem:s18], [sflag:$0x7], $0x4000, $0x38;
	[tilespmem:$0x1C180] =	vst v63  }
0x7d8: {  	_ =	swait.ge [sflag:s31], $0x4000  }
0x7d9: {  	[sflag:s31] =	ssyncset.done $0x0  }
0x7da: {  	[sflag:s31] =	ssyncadd.s32 $0xFFFFC000  }
0x7db: {  	v6 =	vld.msk [tilespmem:$0xB8], $0xff;
	_ =	sdelay $0x4  }
0x7dc: {  	v7 =	vshll.u32 v6, $0x4  }
0x7dd: {  	v6 =	vand.u32 $0x7, v6;
	v7 =	vand.u32 $0xFFFFFF80, v7  }
0x7de: {  	v6 =	vor.u32 v6, v7  }
0x7df: {  	v6 =	vperm.xlane v6, v4;
	_ =	sdelay $0x1  }
0x7e0: {  	v6 =	vadd.s32 v5, v6;
	_ =	sdelay $0x3  }
0x7e1: {  	s30 =	simm.s32 $0x180  }
0x7e2: {  	[tilespmem:s30], [sflag:$0x1] =	stream.indirect_vreg.gather [hbm4b:s1+s16], $0x80, v6, vm0, $0xb8;
	[tilespmem:$0x1C180] =	vst v63  }
0x7e3: {  	s18 =	simm.s32 $0x980  }
0x7e4: {  	[tilespmem:s18], [sflag:$0x1] =	stream.indirect_vreg.gather [hbm4b:s20+s16], $0x80, v6, vm0, $0xb8;
	[tilespmem:$0x1C180] =	vst v63  }
0x7e5: {  	s21 =	simm.s32 $0x1180  }
0x7e6: {  	[tilespmem:s21], [sflag:$0x1] =	stream.indirect_vreg.gather [hbm4b:s22+s16], $0x80, v6, vm0, $0xb8;
	[tilespmem:$0x1C180] =	vst v63  }
0x7e7: {  	s30 =	simm.s32 $0x1980  }
0x7e8: {  	[tilespmem:s30], [sflag:$0x1] =	stream.indirect_vreg.gather [hbm4b:s23+s16], $0x80, v6, vm0, $0xb8;
	[tilespmem:$0x1C180] =	vst v63  }
0x7e9: {  	s18 =	simm.s32 $0x2180  }
0x7ea: {  	[tilespmem:s18], [sflag:$0x1] =	stream.indirect_vreg.gather [hbm4b:s24+s16], $0x80, v6, vm0, $0xb8;
	[tilespmem:$0x1C180] =	vst v63  }
0x7eb: {  	s21 =	simm.s32 $0x2980  }
0x7ec: {  	[tilespmem:s21], [sflag:$0x1] =	stream.indirect_vreg.gather [hbm4b:s25+s16], $0x80, v6, vm0, $0xb8;
	[tilespmem:$0x1C180] =	vst v63  }
0x7ed: {  	s30 =	simm.s32 $0x3180  }
0x7ee: {  	[tilespmem:s30], [sflag:$0x1] =	stream.indirect_vreg.gather [hbm4b:s26+s16], $0x80, v6, vm0, $0xb8;
	[tilespmem:$0x1C180] =	vst v63  }
0x7ef: {  	s18 =	simm.s32 $0x3980  }
0x7f0: {  	[tilespmem:s18], [sflag:$0x1] =	stream.indirect_vreg.gather [hbm4b:s28+s16], $0x80, v6, vm0, $0xb8;
	[tilespmem:$0x1C180] =	vst v63  }
0x7f1: {  	s17 =	simm.s32 $0x0;
	_ =	swait.ge [sflag:s7], $0x4000  }
0x7f2: {  	s21 =	sand.u32 $0x380, s17;
	s30 =	sand.u32 $0x3C00, s16;
	[sflag:s7] =	ssyncset.done $0x0  }
0x7f3: {  	s21 =	sor.u32 s21, s30;
	[sflag:s7] =	ssyncadd.s32 $0xFFFFC000  }
0x7f4: {  	v6 =	vld [tilespmem:s21+$0x141F0]  }
0x7f5: {  	v9 =	vld [tilespmem:s21+$0x14180]  }
0x7f6: {  	v10 =	vld [tilespmem:s21+$0x14190]  }
0x7f7: {  	v11 =	vld [tilespmem:s21+$0x141A0]  }
0x7f8: {  	v12 =	vld [tilespmem:s21+$0x141B0]  }
0x7f9: {  	v8 =	vld [tilespmem:s21+$0x141C0]  }
0x7fa: {  	v7 =	vld [tilespmem:s21+$0x141E0]  }
0x7fb: {  	[tilespmem:s21+$0x81F0] =	vst.add.f32.msk $0xffff, v6  }
0x7fc: {  	v6 =	vld [tilespmem:s21+$0x141D0]  }
0x7fd: {  	[tilespmem:s21+$0x8180] =	vst.add.f32.msk $0xffff, v9  }
0x7fe: {  	[tilespmem:s21+$0x8190] =	vst.add.f32.msk $0xffff, v10  }
0x7ff: {  	[tilespmem:s21+$0x81A0] =	vst.add.f32.msk $0xffff, v11  }
0x800: {  	[tilespmem:s21+$0x81B0] =	vst.add.f32.msk $0xffff, v12  }
.LBB2_56:
0x801: {  	s17 =	sadd.s32 $0x8, s17;
	[tilespmem:s21+$0x81C0] =	vst.add.f32.msk $0xffff, v8;
	s16 =	sadd.s32 $0x400, s16  }
0x802: {  	s18 =	sand.u32 $0x380, s17;
	s30 =	sand.u32 $0x3C00, s16;
	p0 =	slt.u32 s17, $0x3F8;
	[tilespmem:s21+$0x81D0] =	vst.add.f32.msk $0xffff, v6  }
0x803: {  	[tilespmem:s21+$0x81E0] =	vst.add.f32.msk $0xffff, v7;
	s21 =	sor.u32 s18, s30  }
0x804: {  	v6 =	vld [tilespmem:s21+$0x141F0]  }
0x805: {  	v9 =	vld [tilespmem:s21+$0x14180]  }
0x806: {  	v10 =	vld [tilespmem:s21+$0x14190]  }
0x807: {  	v11 =	vld [tilespmem:s21+$0x141A0]  }
0x808: {  	v12 =	vld [tilespmem:s21+$0x141B0]  }
0x809: {  	[tilespmem:s21+$0x81F0] =	vst.add.f32.msk $0xffff, v6  }
0x80a: {  	v8 =	vld [tilespmem:s21+$0x141C0]  }
0x80b: {  	v6 =	vld [tilespmem:s21+$0x141D0]  }
.Ltmp27:
0x80c: {  	v7 =	vld [tilespmem:s21+$0x141E0];
	(pc) =	sbr.rel @p0 .LBB2_56-.Ltmp27, $4  }
0x80d: {  	[tilespmem:s21+$0x8180] =	vst.add.f32.msk $0xffff, v9  }
0x80e: {  	[tilespmem:s21+$0x8190] =	vst.add.f32.msk $0xffff, v10  }
0x80f: {  	[tilespmem:s21+$0x81A0] =	vst.add.f32.msk $0xffff, v11  }
0x810: {  	[tilespmem:s21+$0x81B0] =	vst.add.f32.msk $0xffff, v12  }
0x811: {  	[tilespmem:s21+$0x81C0] =	vst.add.f32.msk $0xffff, v8  }
0x812: {  	[tilespmem:s21+$0x81D0] =	vst.add.f32.msk $0xffff, v6  }
0x813: {  	[tilespmem:s21+$0x81E0] =	vst.add.f32.msk $0xffff, v7  }
0x814: {  	s17 =	sld [smem:$0x7F9];
	_ =	sdelay $0x1  }
0x815: {  	s16 =	simm.s32 $0x0;
	s18 =	simm.s32 $0x8180  }
0x816: {  	[hbm4b:s17+s16] =	stream.linear.scatter [tilespmem:s18], [sflag:$0x8], $0x4000, $0x38;
	[tilespmem:$0x1C180] =	vst v63  }
0x817: {  	_ =	swait.ge [sflag:s0], $0x4000  }
0x818: {  	[sflag:s0] =	ssyncset.done $0x0  }
0x819: {  	[sflag:s0] =	ssyncadd.s32 $0xFFFFC000  }
0x81a: {  	v6 =	vld.msk [tilespmem:$0xF8], $0xff;
	_ =	sdelay $0x4  }
0x81b: {  	v7 =	vshll.u32 v6, $0x4  }
0x81c: {  	v6 =	vand.u32 $0x7, v6;
	v7 =	vand.u32 $0xFFFFFF80, v7  }
0x81d: {  	v6 =	vor.u32 v6, v7  }
0x81e: {  	v6 =	vperm.xlane v6, v4;
	_ =	sdelay $0x1  }
0x81f: {  	v6 =	vadd.s32 v5, v6;
	_ =	sdelay $0x3  }
0x820: {  	s21 =	simm.s32 $0x4180  }
0x821: {  	[tilespmem:s21], [sflag:$0x2] =	stream.indirect_vreg.gather [hbm4b:s1+s16], $0x80, v6, vm0, $0xb8;
	[tilespmem:$0x1C180] =	vst v63  }
0x822: {  	s30 =	simm.s32 $0x4980  }
0x823: {  	[tilespmem:s30], [sflag:$0x2] =	stream.indirect_vreg.gather [hbm4b:s20+s16], $0x80, v6, vm0, $0xb8;
	[tilespmem:$0x1C180] =	vst v63  }
0x824: {  	s18 =	simm.s32 $0x5180  }
0x825: {  	[tilespmem:s18], [sflag:$0x2] =	stream.indirect_vreg.gather [hbm4b:s22+s16], $0x80, v6, vm0, $0xb8;
	[tilespmem:$0x1C180] =	vst v63  }
0x826: {  	s21 =	simm.s32 $0x5980  }
0x827: {  	[tilespmem:s21], [sflag:$0x2] =	stream.indirect_vreg.gather [hbm4b:s23+s16], $0x80, v6, vm0, $0xb8;
	[tilespmem:$0x1C180] =	vst v63  }
0x828: {  	s30 =	simm.s32 $0x6180  }
0x829: {  	[tilespmem:s30], [sflag:$0x2] =	stream.indirect_vreg.gather [hbm4b:s24+s16], $0x80, v6, vm0, $0xb8;
	[tilespmem:$0x1C180] =	vst v63  }
0x82a: {  	s18 =	simm.s32 $0x6980  }
0x82b: {  	[tilespmem:s18], [sflag:$0x2] =	stream.indirect_vreg.gather [hbm4b:s25+s16], $0x80, v6, vm0, $0xb8;
	[tilespmem:$0x1C180] =	vst v63  }
0x82c: {  	s21 =	simm.s32 $0x7180  }
0x82d: {  	[tilespmem:s21], [sflag:$0x2] =	stream.indirect_vreg.gather [hbm4b:s26+s16], $0x80, v6, vm0, $0xb8;
	[tilespmem:$0x1C180] =	vst v63  }
0x82e: {  	s30 =	simm.s32 $0x7980  }
0x82f: {  	[tilespmem:s30], [sflag:$0x2] =	stream.indirect_vreg.gather [hbm4b:s28+s16], $0x80, v6, vm0, $0xb8;
	[tilespmem:$0x1C180] =	vst v63  }
0x830: {  	_ =	swait.ge [sflag:s8], $0x4000  }
0x831: {  	[sflag:s8] =	ssyncset.done $0x0  }
0x832: {  	s30 =	simm.s32 $0xC;
	[sflag:s8] =	ssyncadd.s32 $0xFFFFC000  }
0x833: {  	s17 =	simm.s32 $0x0;
	_ =	swait.ge [sflag:s30], $0x4000  }
0x834: {  	s18 =	sand.u32 $0x380, s17;
	s21 =	sand.u32 $0x3C00, s16;
	[sflag:s30] =	ssyncset.done $0x0  }
0x835: {  	s21 =	sor.u32 s18, s21;
	[sflag:s30] =	ssyncadd.s32 $0xFFFFC000  }
0x836: {  	v6 =	vld [tilespmem:s21+$0x181F0]  }
0x837: {  	v9 =	vld [tilespmem:s21+$0x18180]  }
0x838: {  	v10 =	vld [tilespmem:s21+$0x18190]  }
0x839: {  	v11 =	vld [tilespmem:s21+$0x181A0]  }
0x83a: {  	v12 =	vld [tilespmem:s21+$0x181B0]  }
0x83b: {  	v8 =	vld [tilespmem:s21+$0x181C0]  }
0x83c: {  	v7 =	vld [tilespmem:s21+$0x181E0]  }
0x83d: {  	[tilespmem:s21+$0xC1F0] =	vst.add.f32.msk $0xffff, v6  }
0x83e: {  	v6 =	vld [tilespmem:s21+$0x181D0]  }
0x83f: {  	[tilespmem:s21+$0xC180] =	vst.add.f32.msk $0xffff, v9  }
0x840: {  	[tilespmem:s21+$0xC190] =	vst.add.f32.msk $0xffff, v10  }
0x841: {  	[tilespmem:s21+$0xC1A0] =	vst.add.f32.msk $0xffff, v11  }
0x842: {  	[tilespmem:s21+$0xC1B0] =	vst.add.f32.msk $0xffff, v12  }
.LBB2_58:
0x843: {  	s17 =	sadd.s32 $0x8, s17;
	[tilespmem:s21+$0xC1C0] =	vst.add.f32.msk $0xffff, v8;
	s16 =	sadd.s32 $0x400, s16  }
0x844: {  	s18 =	sand.u32 $0x380, s17;
	s30 =	sand.u32 $0x3C00, s16;
	p0 =	slt.u32 s17, $0x3F8;
	[tilespmem:s21+$0xC1D0] =	vst.add.f32.msk $0xffff, v6  }
0x845: {  	[tilespmem:s21+$0xC1E0] =	vst.add.f32.msk $0xffff, v7;
	s21 =	sor.u32 s18, s30  }
0x846: {  	v6 =	vld [tilespmem:s21+$0x181F0]  }
0x847: {  	v9 =	vld [tilespmem:s21+$0x18180]  }
0x848: {  	v10 =	vld [tilespmem:s21+$0x18190]  }
0x849: {  	v11 =	vld [tilespmem:s21+$0x181A0]  }
0x84a: {  	v12 =	vld [tilespmem:s21+$0x181B0]  }
0x84b: {  	[tilespmem:s21+$0xC1F0] =	vst.add.f32.msk $0xffff, v6  }
0x84c: {  	v8 =	vld [tilespmem:s21+$0x181C0]  }
0x84d: {  	v6 =	vld [tilespmem:s21+$0x181D0]  }
.Ltmp28:
0x84e: {  	v7 =	vld [tilespmem:s21+$0x181E0];
	(pc) =	sbr.rel @p0 .LBB2_58-.Ltmp28, $4  }
0x84f: {  	[tilespmem:s21+$0xC180] =	vst.add.f32.msk $0xffff, v9  }
0x850: {  	[tilespmem:s21+$0xC190] =	vst.add.f32.msk $0xffff, v10  }
0x851: {  	[tilespmem:s21+$0xC1A0] =	vst.add.f32.msk $0xffff, v11  }
0x852: {  	[tilespmem:s21+$0xC1B0] =	vst.add.f32.msk $0xffff, v12  }
0x853: {  	[tilespmem:s21+$0xC1C0] =	vst.add.f32.msk $0xffff, v8  }
0x854: {  	[tilespmem:s21+$0xC1D0] =	vst.add.f32.msk $0xffff, v6  }
0x855: {  	[tilespmem:s21+$0xC1E0] =	vst.add.f32.msk $0xffff, v7  }
0x856: {  	s17 =	sld [smem:$0x7FB];
	_ =	sdelay $0x1  }
0x857: {  	s16 =	simm.s32 $0x0;
	s18 =	simm.s32 $0xC180  }
0x858: {  	[hbm4b:s17+s16] =	stream.linear.scatter [tilespmem:s18], [sflag:$0x9], $0x4000, $0x38;
	[tilespmem:$0x1C180] =	vst v63  }
0x859: {  	s17 =	simm.s32 $0x0;
	_ =	swait.ge [sflag:s2], $0x4000  }
0x85a: {  	s30 =	sand.u32 $0x3C00, s16;
	s21 =	sand.u32 $0x380, s17;
	[sflag:s2] =	ssyncset.done $0x0  }
0x85b: {  	s21 =	sor.u32 s21, s30;
	[sflag:s2] =	ssyncadd.s32 $0xFFFFC000  }
0x85c: {  	v6 =	vld [tilespmem:s21+$0x181F0]  }
0x85d: {  	v9 =	vld [tilespmem:s21+$0x18180]  }
0x85e: {  	v10 =	vld [tilespmem:s21+$0x18190]  }
0x85f: {  	v11 =	vld [tilespmem:s21+$0x181A0]  }
0x860: {  	v12 =	vld [tilespmem:s21+$0x181B0]  }
0x861: {  	v8 =	vld [tilespmem:s21+$0x181C0]  }
0x862: {  	v7 =	vld [tilespmem:s21+$0x181E0]  }
0x863: {  	[tilespmem:s21+$0x101F0] =	vst.add.f32.msk $0xffff, v6  }
0x864: {  	v6 =	vld [tilespmem:s21+$0x181D0]  }
0x865: {  	[tilespmem:s21+$0x10180] =	vst.add.f32.msk $0xffff, v9  }
0x866: {  	[tilespmem:s21+$0x10190] =	vst.add.f32.msk $0xffff, v10  }
0x867: {  	[tilespmem:s21+$0x101A0] =	vst.add.f32.msk $0xffff, v11  }
0x868: {  	[tilespmem:s21+$0x101B0] =	vst.add.f32.msk $0xffff, v12  }
.LBB2_60:
0x869: {  	s17 =	sadd.s32 $0x8, s17;
	[tilespmem:s21+$0x101C0] =	vst.add.f32.msk $0xffff, v8;
	s16 =	sadd.s32 $0x400, s16  }
0x86a: {  	s18 =	sand.u32 $0x380, s17;
	s30 =	sand.u32 $0x3C00, s16;
	p0 =	slt.u32 s17, $0x3F8;
	[tilespmem:s21+$0x101D0] =	vst.add.f32.msk $0xffff, v6  }
0x86b: {  	[tilespmem:s21+$0x101E0] =	vst.add.f32.msk $0xffff, v7;
	s21 =	sor.u32 s18, s30  }
0x86c: {  	v6 =	vld [tilespmem:s21+$0x181F0]  }
0x86d: {  	v9 =	vld [tilespmem:s21+$0x18180]  }
0x86e: {  	v10 =	vld [tilespmem:s21+$0x18190]  }
0x86f: {  	v11 =	vld [tilespmem:s21+$0x181A0]  }
0x870: {  	v12 =	vld [tilespmem:s21+$0x181B0]  }
0x871: {  	[tilespmem:s21+$0x101F0] =	vst.add.f32.msk $0xffff, v6  }
0x872: {  	v8 =	vld [tilespmem:s21+$0x181C0]  }
0x873: {  	v6 =	vld [tilespmem:s21+$0x181D0]  }
.Ltmp29:
0x874: {  	v7 =	vld [tilespmem:s21+$0x181E0];
	(pc) =	sbr.rel @p0 .LBB2_60-.Ltmp29, $4  }
0x875: {  	[tilespmem:s21+$0x10180] =	vst.add.f32.msk $0xffff, v9  }
0x876: {  	[tilespmem:s21+$0x10190] =	vst.add.f32.msk $0xffff, v10  }
0x877: {  	[tilespmem:s21+$0x101A0] =	vst.add.f32.msk $0xffff, v11  }
0x878: {  	[tilespmem:s21+$0x101B0] =	vst.add.f32.msk $0xffff, v12  }
0x879: {  	[tilespmem:s21+$0x101C0] =	vst.add.f32.msk $0xffff, v8  }
0x87a: {  	[tilespmem:s21+$0x101D0] =	vst.add.f32.msk $0xffff, v6  }
0x87b: {  	[tilespmem:s21+$0x101E0] =	vst.add.f32.msk $0xffff, v7  }
0x87c: {  	s17 =	sld [smem:$0x7FA];
	_ =	sdelay $0x1  }
0x87d: {  	s16 =	simm.s32 $0x0;
	s18 =	simm.s32 $0x10180  }
0x87e: {  	[hbm4b:s17+s16] =	stream.linear.scatter [tilespmem:s18], [sflag:$0xA], $0x4000, $0x38;
	[tilespmem:$0x1C180] =	vst v63  }
0x87f: {  	s17 =	simm.s32 $0x0;
	_ =	swait.ge [sflag:s29], $0x4000  }
0x880: {  	s30 =	sand.u32 $0x3C00, s16;
	s21 =	sand.u32 $0x380, s17;
	[sflag:s29] =	ssyncset.done $0x0  }
0x881: {  	s21 =	sor.u32 s21, s30;
	[sflag:s29] =	ssyncadd.s32 $0xFFFFC000  }
0x882: {  	v6 =	vld [tilespmem:s21+$0x181F0]  }
0x883: {  	v9 =	vld [tilespmem:s21+$0x18180]  }
0x884: {  	v10 =	vld [tilespmem:s21+$0x18190]  }
0x885: {  	v11 =	vld [tilespmem:s21+$0x181A0]  }
0x886: {  	v12 =	vld [tilespmem:s21+$0x181B0]  }
0x887: {  	v8 =	vld [tilespmem:s21+$0x181C0]  }
0x888: {  	v7 =	vld [tilespmem:s21+$0x181E0]  }
0x889: {  	[tilespmem:s21+$0x1F0] =	vst.add.f32.msk $0xffff, v6  }
0x88a: {  	v6 =	vld [tilespmem:s21+$0x181D0]  }
0x88b: {  	[tilespmem:s21+$0x180] =	vst.add.f32.msk $0xffff, v9  }
0x88c: {  	[tilespmem:s21+$0x190] =	vst.add.f32.msk $0xffff, v10  }
0x88d: {  	[tilespmem:s21+$0x1A0] =	vst.add.f32.msk $0xffff, v11  }
0x88e: {  	[tilespmem:s21+$0x1B0] =	vst.add.f32.msk $0xffff, v12  }
.LBB2_62:
0x88f: {  	s17 =	sadd.s32 $0x8, s17;
	[tilespmem:s21+$0x1C0] =	vst.add.f32.msk $0xffff, v8;
	s16 =	sadd.s32 $0x400, s16  }
0x890: {  	s18 =	sand.u32 $0x380, s17;
	s30 =	sand.u32 $0x3C00, s16;
	p0 =	slt.u32 s17, $0x3F8;
	[tilespmem:s21+$0x1D0] =	vst.add.f32.msk $0xffff, v6  }
0x891: {  	[tilespmem:s21+$0x1E0] =	vst.add.f32.msk $0xffff, v7;
	s21 =	sor.u32 s18, s30  }
0x892: {  	v6 =	vld [tilespmem:s21+$0x181F0]  }
0x893: {  	v9 =	vld [tilespmem:s21+$0x18180]  }
0x894: {  	v10 =	vld [tilespmem:s21+$0x18190]  }
0x895: {  	v11 =	vld [tilespmem:s21+$0x181A0]  }
0x896: {  	v12 =	vld [tilespmem:s21+$0x181B0]  }
0x897: {  	[tilespmem:s21+$0x1F0] =	vst.add.f32.msk $0xffff, v6  }
0x898: {  	v8 =	vld [tilespmem:s21+$0x181C0]  }
0x899: {  	v6 =	vld [tilespmem:s21+$0x181D0]  }
.Ltmp30:
0x89a: {  	v7 =	vld [tilespmem:s21+$0x181E0];
	(pc) =	sbr.rel @p0 .LBB2_62-.Ltmp30, $4  }
0x89b: {  	[tilespmem:s21+$0x180] =	vst.add.f32.msk $0xffff, v9  }
0x89c: {  	[tilespmem:s21+$0x190] =	vst.add.f32.msk $0xffff, v10  }
0x89d: {  	[tilespmem:s21+$0x1A0] =	vst.add.f32.msk $0xffff, v11  }
0x89e: {  	[tilespmem:s21+$0x1B0] =	vst.add.f32.msk $0xffff, v12  }
0x89f: {  	[tilespmem:s21+$0x1C0] =	vst.add.f32.msk $0xffff, v8  }
0x8a0: {  	[tilespmem:s21+$0x1D0] =	vst.add.f32.msk $0xffff, v6  }
0x8a1: {  	[tilespmem:s21+$0x1E0] =	vst.add.f32.msk $0xffff, v7  }
0x8a2: {  	s17 =	sld [smem:$0x7FC];
	_ =	sdelay $0x1  }
0x8a3: {  	s16 =	simm.s32 $0x0;
	s18 =	simm.s32 $0x180  }
0x8a4: {  	[hbm4b:s17+s16] =	stream.linear.scatter [tilespmem:s18], [sflag:$0x6], $0x4000, $0x38;
	[tilespmem:$0x1C180] =	vst v63  }
0x8a5: {  	s17 =	simm.s32 $0x0;
	_ =	swait.ge [sflag:s6], $0x4000  }
0x8a6: {  	s30 =	sand.u32 $0x3C00, s16;
	s21 =	sand.u32 $0x380, s17;
	[sflag:s6] =	ssyncset.done $0x0  }
0x8a7: {  	s21 =	sor.u32 s21, s30;
	[sflag:s6] =	ssyncadd.s32 $0xFFFFC000  }
0x8a8: {  	v6 =	vld [tilespmem:s21+$0x181F0]  }
0x8a9: {  	v9 =	vld [tilespmem:s21+$0x18180]  }
0x8aa: {  	v10 =	vld [tilespmem:s21+$0x18190]  }
0x8ab: {  	v11 =	vld [tilespmem:s21+$0x181A0]  }
0x8ac: {  	v12 =	vld [tilespmem:s21+$0x181B0]  }
0x8ad: {  	v8 =	vld [tilespmem:s21+$0x181C0]  }
0x8ae: {  	v7 =	vld [tilespmem:s21+$0x181E0]  }
0x8af: {  	[tilespmem:s21+$0x41F0] =	vst.add.f32.msk $0xffff, v6  }
0x8b0: {  	v6 =	vld [tilespmem:s21+$0x181D0]  }
0x8b1: {  	[tilespmem:s21+$0x4180] =	vst.add.f32.msk $0xffff, v9  }
0x8b2: {  	[tilespmem:s21+$0x4190] =	vst.add.f32.msk $0xffff, v10  }
0x8b3: {  	[tilespmem:s21+$0x41A0] =	vst.add.f32.msk $0xffff, v11  }
0x8b4: {  	[tilespmem:s21+$0x41B0] =	vst.add.f32.msk $0xffff, v12  }
.LBB2_64:
0x8b5: {  	s17 =	sadd.s32 $0x8, s17;
	[tilespmem:s21+$0x41C0] =	vst.add.f32.msk $0xffff, v8;
	s16 =	sadd.s32 $0x400, s16  }
0x8b6: {  	s18 =	sand.u32 $0x380, s17;
	s30 =	sand.u32 $0x3C00, s16;
	p0 =	slt.u32 s17, $0x3F8;
	[tilespmem:s21+$0x41D0] =	vst.add.f32.msk $0xffff, v6  }
0x8b7: {  	[tilespmem:s21+$0x41E0] =	vst.add.f32.msk $0xffff, v7;
	s21 =	sor.u32 s18, s30  }
0x8b8: {  	v6 =	vld [tilespmem:s21+$0x181F0]  }
0x8b9: {  	v9 =	vld [tilespmem:s21+$0x18180]  }
0x8ba: {  	v10 =	vld [tilespmem:s21+$0x18190]  }
0x8bb: {  	v11 =	vld [tilespmem:s21+$0x181A0]  }
0x8bc: {  	v12 =	vld [tilespmem:s21+$0x181B0]  }
0x8bd: {  	[tilespmem:s21+$0x41F0] =	vst.add.f32.msk $0xffff, v6  }
0x8be: {  	v8 =	vld [tilespmem:s21+$0x181C0]  }
0x8bf: {  	v6 =	vld [tilespmem:s21+$0x181D0]  }
.Ltmp31:
0x8c0: {  	v7 =	vld [tilespmem:s21+$0x181E0];
	(pc) =	sbr.rel @p0 .LBB2_64-.Ltmp31, $4  }
0x8c1: {  	[tilespmem:s21+$0x4180] =	vst.add.f32.msk $0xffff, v9  }
0x8c2: {  	[tilespmem:s21+$0x4190] =	vst.add.f32.msk $0xffff, v10  }
0x8c3: {  	[tilespmem:s21+$0x41A0] =	vst.add.f32.msk $0xffff, v11  }
0x8c4: {  	[tilespmem:s21+$0x41B0] =	vst.add.f32.msk $0xffff, v12  }
0x8c5: {  	[tilespmem:s21+$0x41C0] =	vst.add.f32.msk $0xffff, v8  }
0x8c6: {  	[tilespmem:s21+$0x41D0] =	vst.add.f32.msk $0xffff, v6  }
0x8c7: {  	[tilespmem:s21+$0x41E0] =	vst.add.f32.msk $0xffff, v7  }
0x8c8: {  	s16 =	sld [smem:$0x7FD];
	_ =	sdelay $0x1  }
0x8c9: {  	s18 =	simm.s32 $0x4180  }
0x8ca: {  	[hbm4b:s16+s4] =	stream.linear.scatter [tilespmem:s18], [sflag:$0x7], $0x4000, $0x38;
	[tilespmem:$0x1C180] =	vst v63  }
0x8cb: {  	_ =	swait.ge [sflag:s31], $0x4000  }
0x8cc: {  	[sflag:s31] =	ssyncset.done $0x0  }
0x8cd: {  	[sflag:s31] =	ssyncadd.s32 $0xFFFFC000  }
0x8ce: {  	_ =	swait.ge [sflag:s0], $0x4000  }
0x8cf: {  	[sflag:s0] =	ssyncset.done $0x0  }
0x8d0: {  	[sflag:s0] =	ssyncadd.s32 $0xFFFFC000  }
0x8d1: {  	_ =	swait.ge [sflag:s3], $0x4000  }
0x8d2: {  	[sflag:s3] =	ssyncset.done $0x0  }
0x8d3: {  	[sflag:s3] =	ssyncadd.s32 $0xFFFFC000  }
0x8d4: {  	_ =	swait.ge [sflag:s5], $0x4000  }
0x8d5: {  	[sflag:s5] =	ssyncset.done $0x0  }
0x8d6: {  	[sflag:s5] =	ssyncadd.s32 $0xFFFFC000  }
0x8d7: {  	_ =	swait.ge [sflag:s19], $0x4000  }
0x8d8: {  	s17 =	sld [smem:$0x7F3];
	_ =	sdelay $0x2  }
0x8d9: {  	s30 =	rddreg [dreg:$0xd];
	s17 =	sadd.s32 $0x1, s17  }
0x8da: {  	p0 =	sne.s32 s17, s30  }
.Ltmp32:
0x8db: {  	_ = 	snop;
	(pc) =	sbr.rel @p0 .LBB2_1-.Ltmp32, $3  }
0x8dc: {  	_ =	sdelay $0x1  }
0x8dd: {  	[sflag:s19] =	ssyncset.done $0x0  }
0x8de: {  	[sflag:s19] =	ssyncadd.s32 $0xFFFFC000  }
0x8df: {  	_ =	sfence.sel $0x180000  }
0x8e0: {  	[bflag:$0x0] =	sbarrier.arrive $0xFFFF  }
0x8e1: {  	_ =	strace $0x90000047  }
0x8e2: {  	s0 =	stileid.u32;
	[bflag:$0x2] =	sbarrier.arrive $0xFFFF  }
0x8e3: {  	p0 =	sne.s32 s0, $0x0;
	s0 =	rddreg [dreg:$0x4]  }
0x8e4: {  	s0 =	sadd.s32 @!p0 $0x100000, s0  }
0x8e5: {  	[sflag:s0] =	ssyncadd.tile.s32 @!p0 $0x1;
	_ =	shalt  }
.Lfunc_end2:
_tile_overlayer_lowered:
.L_overlay_start_2:
0x8e6: {  	(tag) =	ssettag $0x2  }
0x8e7: {  	s0 =	rddreg [dreg:$0x0];
	s2 =	stileid.u32  }
0x8e8: {  	s1 =	rddreg [dreg:$0x1];
	p0 =	sne.s32 s2, $0x0  }
0x8e9: {  	s3 =	rddreg [dreg:$0x2];
	[bflag:$0x3] =	sbarrier.arrive $0xFFFF;
	s2 =	simm.s32 @!p0 $0x1C0D  }
0x8ea: {  	[timem:s3], [sflag:s2] =	dma.local @!p0 [hbm:s0], s1  }
0x8eb: {  	s0 =	simm.s32 @!p0 $0xD  }
0x8ec: {  	_ =	swait.ge @!p0 [sflag:s0], s1  }
0x8ed: {  	s1 =	ssub.s32 @!p0 $0x0, s1;
	[sflag:s0] =	ssyncset.done @!p0 $0x0  }
0x8ee: {  	[sflag:s0] =	ssyncadd.s32 @!p0 s1  }
0x8ef: {  	[bflag:$0x3] =	sbarrier.arrive $0xFFFF  }
0x8f0: {  	_ =	shalt  }

</sc_bundles>
